<compile_context>
chip_gen: v7x
topology: tpu7x:2x2x1
jax: 0.10.2.dev20260603
libtpu: 0.0.44.dev20260713+nightly
codegen_flags: <defaults>
</compile_context>

<pallas_src>
import functools

import jax
import jax.numpy as jnp
from jax import lax
from jax.experimental import pallas as pl
from jax.experimental.pallas import tpu as pltpu
from jax.experimental.pallas import tpu_sc as plsc

N = 1024
E = 65536
NSUB = 16
EPW = E // NSUB
ROWS = EPW // 128
NV = N // 16


def _dense_body(x_ref, w1_ref, w2_ref, w3_ref, u0_ref):
    w23 = jnp.dot(w2_ref[...], w3_ref[...], preferred_element_type=jnp.float32)
    v = jnp.dot(w1_ref[...], w23, preferred_element_type=jnp.float32)
    u0_ref[...] = jnp.dot(x_ref[...], v, preferred_element_type=jnp.float32)


def _dense_tc(x, W1, W2, W3):
    return pl.pallas_call(
        _dense_body,
        out_shape=jax.ShapeDtypeStruct((N, 1), jnp.float32),
    )(x, W1, W2, W3)


def _rsqrt16(d):
    i = lax.bitcast_convert_type(d, jnp.int32)
    y = lax.bitcast_convert_type(jnp.int32(0x5F3759DF) - (i >> 1), jnp.float32)
    for _ in range(4):
        y = y * (1.5 - 0.5 * d * y * y)
    return y


def _gcn_body(row_h, col_h, p_h, u0_h, wlin_h, out_h,
              row_v, col_v, nrm_v, msg_t,
              t_tab, dinv_t, tmp_t, wlin_tab,
              ones64, zero64, out_v,
              sem, isem,
              sh_ta, sh_tb):
    wid = lax.axis_index("s")
    chunk = pl.ds(wid * (N // NSUB), N // NSUB)

    pltpu.async_copy(row_h.at[wid], row_v, sem)
    pltpu.async_copy(col_h.at[wid], col_v, sem)
    pltpu.async_copy(p_h.at[wid], nrm_v, sem)
    pltpu.async_copy(u0_h, t_tab, sem)

    z16 = jnp.zeros((16,), jnp.float32)
    o16 = jnp.ones((16,), jnp.float32)
    for k in range(4):
        ones64[pl.ds(16 * k, 16)] = o16
        zero64[pl.ds(16 * k, 16)] = z16

    pltpu.make_async_copy(row_h.at[wid], row_v, sem).wait()
    pltpu.make_async_copy(col_h.at[wid], col_v, sem).wait()
    pltpu.make_async_copy(p_h.at[wid], nrm_v, sem).wait()

    pltpu.sync_copy(ones64, sh_ta.at[chunk])
    pltpu.sync_copy(zero64, sh_tb.at[chunk])
    plsc.subcore_barrier()

    def deg_start(j, _):
        pltpu.async_copy(nrm_v.at[j], sh_ta.at[col_v.at[j]], isem, add=True)
        return 0
    lax.fori_loop(0, ROWS, deg_start, 0)

    def deg_wait(j, _):
        pltpu.make_async_copy(nrm_v.at[j], sh_ta.at[col_v.at[j]], isem).wait()
        return 0
    lax.fori_loop(0, ROWS, deg_wait, 0)
    plsc.subcore_barrier()

    pltpu.sync_copy(sh_ta, tmp_t)

    @plsc.parallel_loop(0, NV, 1, unroll=4, carry=jnp.int32(0))
    def _dv(k, c):
        sl = pl.ds(k * 16, 16)
        dinv_t[sl] = _rsqrt16(tmp_t[sl])
        return c

    pltpu.make_async_copy(u0_h, t_tab, sem).wait()

    def spmv(first, last, sh_t, sh_nt):
        @plsc.parallel_loop(0, ROWS, 1, unroll=4, carry=jnp.int32(0))
        def epass(j, c):
            for k in range(8):
                sl = pl.ds(k * 16, 16)
                er = row_v[j, sl]
                if first:
                    dr = plsc.load_gather(dinv_t, [er])
                    dc = plsc.load_gather(dinv_t, [col_v[j, sl]])
                    nv = nrm_v[j, sl] * dr * dc
                    nrm_v[j, sl] = nv
                else:
                    nv = nrm_v[j, sl]
                msg_t[j, sl] = nv * plsc.load_gather(t_tab, [er])
            pltpu.async_copy(msg_t.at[j], sh_t.at[col_v.at[j]], isem, add=True)
            return c

        def edrain(j, _):
            pltpu.make_async_copy(msg_t.at[j], sh_t.at[col_v.at[j]],
                                  isem).wait()
            return 0
        lax.fori_loop(0, ROWS, edrain, 0)
        plsc.subcore_barrier()

        def readback():
            pltpu.sync_copy(sh_t, tmp_t)
            if sh_nt is not None:
                pltpu.sync_copy(zero64, sh_nt.at[chunk])

            @plsc.parallel_loop(0, NV, 1, unroll=4, carry=jnp.int32(0))
            def _rb(k, c):
                sl = pl.ds(k * 16, 16)
                dv = dinv_t[sl]
                t_tab[sl] = tmp_t[sl] + dv * dv * t_tab[sl]
                return c

        if last:
            pl.when(wid == 0)(readback)
        else:
            readback()
            plsc.subcore_barrier()

    spmv(True, False, sh_tb, sh_ta)
    spmv(False, False, sh_ta, sh_tb)
    spmv(False, True, sh_tb, None)

    @pl.when(wid == 0)
    def _final():
        pltpu.sync_copy(wlin_h, wlin_tab)

        @plsc.parallel_loop(0, NV, 1, unroll=4,
                            carry=jnp.full((16,), -1e30, jnp.float32))
        def m_acc(k, acc):
            return jnp.maximum(acc, t_tab[pl.ds(k * 16, 16)])
        m = jnp.max(m_acc)

        def mk_exp(k, carry):
            den_acc, num_acc = carry
            sl = pl.ds(k * 16, 16)
            e = jnp.exp(t_tab[sl] - m)
            return den_acc + e, num_acc + e * wlin_tab[sl]
        den_acc, num_acc = lax.fori_loop(0, NV, mk_exp, (z16, z16))
        num_v = z16 + jnp.sum(num_acc)
        den_v = z16 + jnp.sum(den_acc)
        out_v[pl.ds(0, 16)] = num_v / den_v
        pltpu.sync_copy(out_v, out_h)


_gcn_sc = functools.partial(
    pl.kernel,
    mesh=plsc.VectorSubcoreMesh(core_axis_name="c", subcore_axis_name="s",
                                num_cores=1),
    out_type=jax.ShapeDtypeStruct((16,), jnp.float32),
    compiler_params=pltpu.CompilerParams(needs_layout_passes=False),
    scratch_types=[
        pltpu.VMEM((ROWS, 128), jnp.int32),
        pltpu.VMEM((ROWS, 128), jnp.int32),
        pltpu.VMEM((ROWS, 128), jnp.float32),
        pltpu.VMEM((ROWS, 128), jnp.float32),
        pltpu.VMEM((N,), jnp.float32),
        pltpu.VMEM((N,), jnp.float32),
        pltpu.VMEM((N,), jnp.float32),
        pltpu.VMEM((N,), jnp.float32),
        pltpu.VMEM((64,), jnp.float32),
        pltpu.VMEM((64,), jnp.float32),
        pltpu.VMEM((16,), jnp.float32),
        pltpu.SemaphoreType.DMA,
        pltpu.SemaphoreType.DMA,
        pltpu.VMEM_SHARED((N,), jnp.float32),
        pltpu.VMEM_SHARED((N,), jnp.float32),
    ],
)(_gcn_body)


def kernel(x, A, p, W1, b1, W2, b2, W3, b3, W_lin, b_lin):
    del b1, b2, b3, b_lin
    u0 = _dense_tc(x, W1, W2, W3)
    row3 = A[0].reshape(NSUB, ROWS, 128)
    col3 = A[1].reshape(NSUB, ROWS, 128)
    p3 = p.reshape(NSUB, ROWS, 128)
    out16 = _gcn_sc(row3, col3, p3, u0.reshape(N), W_lin.reshape(N))
    return out16[:1]

# --- scband reference (transcript-rebuilt; emitter-appended) ---
"""Pipeline reference for scband-gcn-prova-60344290508971 (READ-ONLY COPY).

The authoritative reference and input builder live on the scoring server;
editing this copy changes nothing except your own understanding.
"""

import jax, jax.numpy as jnp
import numpy as np

N = 1024
E = 65536
EMB = 1024
F_IN = 4


def setup_inputs(seed: int = 0) -> dict:
    key = jax.random.key(seed)
    ks = jax.random.split(key, 12)
    x = jax.random.normal(ks[0], (N, F_IN), dtype=jnp.float32)
    A = jax.random.randint(ks[1], (2, E), 0, N, dtype=jnp.int32)
    p = jax.random.uniform(ks[2], (E,), dtype=jnp.float32)
    W1 = jax.random.normal(ks[3], (F_IN, EMB), dtype=jnp.float32) * 0.1
    b1 = jnp.zeros((EMB,), dtype=jnp.float32)
    W2 = jax.random.normal(ks[4], (EMB, EMB), dtype=jnp.float32) * 0.02
    b2 = jnp.zeros((EMB,), dtype=jnp.float32)
    W3 = jax.random.normal(ks[5], (EMB, 1), dtype=jnp.float32) * 0.02
    b3 = jnp.zeros((1,), dtype=jnp.float32)
    W_lin = jax.random.normal(ks[6], (1, EMB), dtype=jnp.float32) * 0.02
    b_lin = jnp.zeros((1,), dtype=jnp.float32)
    return {"x": x, "A": A, "p": p, "W1": W1, "b1": b1, "W2": W2, "b2": b2, "W3": W3, "b3": b3, "W_lin": W_lin, "b_lin": b_lin}


def gcn_conv(x, edge_index, edge_weight, W, b, num_nodes):
    # PyG GCNConv: add self-loops, symmetric normalization with edge weights
    row = edge_index[0]
    col = edge_index[1]
    loop = jnp.arange(num_nodes, dtype=row.dtype)
    row_f = jnp.concatenate([row, loop])
    col_f = jnp.concatenate([col, loop])
    w_f = jnp.concatenate([edge_weight, jnp.ones((num_nodes,), dtype=x.dtype)])
    deg = jnp.zeros((num_nodes,), dtype=x.dtype).at[col_f].add(w_f)
    dinv = jnp.where(deg > 0, deg ** -0.5, 0.0)
    norm = dinv[row_f] * w_f * dinv[col_f]
    xw = x @ W
    msg = xw[row_f] * norm[:, None]
    out = jnp.zeros((num_nodes, W.shape[1]), dtype=x.dtype).at[col_f].add(msg)
    return out + b


def reference(x, A, p, W1, b1, W2, b2, W3, b3, W_lin, b_lin):
    n = x.shape[0]
    h = gcn_conv(x, A, p, W1, b1, n)
    h = gcn_conv(h, A, p, W2, b2, n)
    h = gcn_conv(h, A, p, W3, b3, n)  # [N, 1]
    h = jax.nn.softmax(h.flatten(), axis=0)  # [N]
    h = jax.nn.relu(h)
    # nn.Linear(emb_size, 1) applied to [N] vector; requires N == emb_size
    out = h @ W_lin.T + b_lin  # [1]
    return out

if __name__ == "__main__":
    import jax
    _d = setup_inputs()
    print(jax.jit(kernel)(*tuple(_d.values())))

</pallas_src>

<mosaic_0001>
#map = affine_map<(d0, d1) -> (0, 0, 0)>
#map1 = affine_map<(d0, d1) -> (0)>
module attributes {stable_mosaic.version = 14 : i64} {
  func.func @_gcn_body(%arg0: i32, %arg1: i32, %arg2: memref<16x32x128xi32, #tpu.memory_space<hbm>>, %arg3: memref<16x32x128xi32, #tpu.memory_space<hbm>>, %arg4: memref<16x32x128xf32, #tpu.memory_space<hbm>>, %arg5: memref<1024xf32, #tpu.memory_space<hbm>>, %arg6: memref<1024xf32, #tpu.memory_space<hbm>>, %arg7: memref<16xf32, #tpu.memory_space<hbm>>, %arg8: memref<32x128xi32, #tpu.memory_space<vmem>>, %arg9: memref<32x128xi32, #tpu.memory_space<vmem>>, %arg10: memref<32x128xf32, #tpu.memory_space<vmem>>, %arg11: memref<32x128xf32, #tpu.memory_space<vmem>>, %arg12: memref<1024xf32, #tpu.memory_space<vmem>>, %arg13: memref<1024xf32, #tpu.memory_space<vmem>>, %arg14: memref<1024xf32, #tpu.memory_space<vmem>>, %arg15: memref<1024xf32, #tpu.memory_space<vmem>>, %arg16: memref<64xf32, #tpu.memory_space<vmem>>, %arg17: memref<64xf32, #tpu.memory_space<vmem>>, %arg18: memref<16xf32, #tpu.memory_space<vmem>>, %arg19: memref<!tpu.dma_semaphore, #tpu.memory_space<semaphore_mem>>, %arg20: memref<!tpu.dma_semaphore, #tpu.memory_space<semaphore_mem>>, %arg21: memref<1024xf32, #tpu.memory_space<vmem_shared>>, %arg22: memref<1024xf32, #tpu.memory_space<vmem_shared>>) attributes {dimension_semantics = [#tpu.dimension_semantics<core_parallel>, #tpu.dimension_semantics<subcore_parallel>], iteration_bounds = array<i64: 1, 16>, scalar_prefetch = 0 : i64, scratch_operands = 15 : i64, tpu.core_type = #tpu.core_type<sc_vector_subcore>, window_params = [{transform_indices = #map}, {transform_indices = #map}, {transform_indices = #map}, {transform_indices = #map1}, {transform_indices = #map1}, {transform_indices = #map1}]} {
    %mul3A = arith.constant 64 : i32
    %mul3A_0 = arith.muli %arg1, %mul3A : i32
    %dma_start3A = arith.constant 0 : i32
    %dma_start3A_1 = arith.constant 0 : i32
    %dma_start3A_2 = tpu.memref_slice %arg2[%arg1, %dma_start3A, %dma_start3A_1] : memref<16x32x128xi32, #tpu.memory_space<hbm>> -> memref<1x32x128xi32, #tpu.memory_space<hbm>>
    %dma_start3A_3 = tpu.memref_squeeze %dma_start3A_2 : memref<1x32x128xi32, #tpu.memory_space<hbm>> -> memref<32x128xi32, #tpu.memory_space<hbm>>
    %dma_start3A_4 = arith.constant 0 : i32
    %dma_start3A_5 = arith.constant 0 : i32
    %dma_start3A_6 = tpu.memref_slice %arg2[%arg1, %dma_start3A_4, %dma_start3A_5] : memref<16x32x128xi32, #tpu.memory_space<hbm>> -> memref<1x32x128xi32, #tpu.memory_space<hbm>>
    %dma_start3A_7 = tpu.memref_squeeze %dma_start3A_6 : memref<1x32x128xi32, #tpu.memory_space<hbm>> -> memref<32x128xi32, #tpu.memory_space<hbm>>
    tpu.enqueue_dma source(%dma_start3A_7 : memref<32x128xi32, #tpu.memory_space<hbm>>) target(%arg8 : memref<32x128xi32, #tpu.memory_space<vmem>>) target_semaphore(%arg19 : memref<!tpu.dma_semaphore, #tpu.memory_space<semaphore_mem>>)
    %dma_start3A_8 = arith.constant 0 : i32
    %dma_start3A_9 = arith.constant 0 : i32
    %dma_start3A_10 = tpu.memref_slice %arg3[%arg1, %dma_start3A_8, %dma_start3A_9] : memref<16x32x128xi32, #tpu.memory_space<hbm>> -> memref<1x32x128xi32, #tpu.memory_space<hbm>>
    %dma_start3A_11 = tpu.memref_squeeze %dma_start3A_10 : memref<1x32x128xi32, #tpu.memory_space<hbm>> -> memref<32x128xi32, #tpu.memory_space<hbm>>
    %dma_start3A_12 = arith.constant 0 : i32
    %dma_start3A_13 = arith.constant 0 : i32
    %dma_start3A_14 = tpu.memref_slice %arg3[%arg1, %dma_start3A_12, %dma_start3A_13] : memref<16x32x128xi32, #tpu.memory_space<hbm>> -> memref<1x32x128xi32, #tpu.memory_space<hbm>>
    %dma_start3A_15 = tpu.memref_squeeze %dma_start3A_14 : memref<1x32x128xi32, #tpu.memory_space<hbm>> -> memref<32x128xi32, #tpu.memory_space<hbm>>
    tpu.enqueue_dma source(%dma_start3A_15 : memref<32x128xi32, #tpu.memory_space<hbm>>) target(%arg9 : memref<32x128xi32, #tpu.memory_space<vmem>>) target_semaphore(%arg19 : memref<!tpu.dma_semaphore, #tpu.memory_space<semaphore_mem>>)
    %dma_start3A_16 = arith.constant 0 : i32
    %dma_start3A_17 = arith.constant 0 : i32
    %dma_start3A_18 = tpu.memref_slice %arg4[%arg1, %dma_start3A_16, %dma_start3A_17] : memref<16x32x128xf32, #tpu.memory_space<hbm>> -> memref<1x32x128xf32, #tpu.memory_space<hbm>>
    %dma_start3A_19 = tpu.memref_squeeze %dma_start3A_18 : memref<1x32x128xf32, #tpu.memory_space<hbm>> -> memref<32x128xf32, #tpu.memory_space<hbm>>
    %dma_start3A_20 = arith.constant 0 : i32
    %dma_start3A_21 = arith.constant 0 : i32
    %dma_start3A_22 = tpu.memref_slice %arg4[%arg1, %dma_start3A_20, %dma_start3A_21] : memref<16x32x128xf32, #tpu.memory_space<hbm>> -> memref<1x32x128xf32, #tpu.memory_space<hbm>>
    %dma_start3A_23 = tpu.memref_squeeze %dma_start3A_22 : memref<1x32x128xf32, #tpu.memory_space<hbm>> -> memref<32x128xf32, #tpu.memory_space<hbm>>
    tpu.enqueue_dma source(%dma_start3A_23 : memref<32x128xf32, #tpu.memory_space<hbm>>) target(%arg10 : memref<32x128xf32, #tpu.memory_space<vmem>>) target_semaphore(%arg19 : memref<!tpu.dma_semaphore, #tpu.memory_space<semaphore_mem>>)
    tpu.enqueue_dma source(%arg5 : memref<1024xf32, #tpu.memory_space<hbm>>) target(%arg12 : memref<1024xf32, #tpu.memory_space<vmem>>) target_semaphore(%arg19 : memref<!tpu.dma_semaphore, #tpu.memory_space<semaphore_mem>>)
    %broadcast_in_dim3A = arith.constant 0.000000e+00 : f32
    %broadcast_in_dim3A_24 = vector.broadcast %broadcast_in_dim3A : f32 to vector<16xf32>
    %broadcast_in_dim3A_25 = arith.constant 1.000000e+00 : f32
    %broadcast_in_dim3A_26 = vector.broadcast %broadcast_in_dim3A_25 : f32 to vector<16xf32>
    %swap3A = arith.constant 0 : index
    %swap3A_27 = tpu.vector_load %arg16[%swap3A] {strides = array<i32>} : memref<64xf32, #tpu.memory_space<vmem>>, vector<16xf32>,
    tpu.vector_store %arg16[%swap3A], %broadcast_in_dim3A_26 {strides = array<i32>} : memref<64xf32, #tpu.memory_space<vmem>>, vector<16xf32>,
    %swap3A_28 = arith.constant 0 : index
    %swap3A_29 = tpu.vector_load %arg17[%swap3A_28] {strides = array<i32>} : memref<64xf32, #tpu.memory_space<vmem>>, vector<16xf32>,
    tpu.vector_store %arg17[%swap3A_28], %broadcast_in_dim3A_24 {strides = array<i32>} : memref<64xf32, #tpu.memory_space<vmem>>, vector<16xf32>,
    %swap3A_30 = arith.constant 16 : index
    %swap3A_31 = tpu.vector_load %arg16[%swap3A_30] {strides = array<i32>} : memref<64xf32, #tpu.memory_space<vmem>>, vector<16xf32>,
    tpu.vector_store %arg16[%swap3A_30], %broadcast_in_dim3A_26 {strides = array<i32>} : memref<64xf32, #tpu.memory_space<vmem>>, vector<16xf32>,
    %swap3A_32 = arith.constant 16 : index
    %swap3A_33 = tpu.vector_load %arg17[%swap3A_32] {strides = array<i32>} : memref<64xf32, #tpu.memory_space<vmem>>, vector<16xf32>,
    tpu.vector_store %arg17[%swap3A_32], %broadcast_in_dim3A_24 {strides = array<i32>} : memref<64xf32, #tpu.memory_space<vmem>>, vector<16xf32>,
    %swap3A_34 = arith.constant 32 : index
    %swap3A_35 = tpu.vector_load %arg16[%swap3A_34] {strides = array<i32>} : memref<64xf32, #tpu.memory_space<vmem>>, vector<16xf32>,
    tpu.vector_store %arg16[%swap3A_34], %broadcast_in_dim3A_26 {strides = array<i32>} : memref<64xf32, #tpu.memory_space<vmem>>, vector<16xf32>,
    %swap3A_36 = arith.constant 32 : index
    %swap3A_37 = tpu.vector_load %arg17[%swap3A_36] {strides = array<i32>} : memref<64xf32, #tpu.memory_space<vmem>>, vector<16xf32>,
    tpu.vector_store %arg17[%swap3A_36], %broadcast_in_dim3A_24 {strides = array<i32>} : memref<64xf32, #tpu.memory_space<vmem>>, vector<16xf32>,
    %swap3A_38 = arith.constant 48 : index
    %swap3A_39 = tpu.vector_load %arg16[%swap3A_38] {strides = array<i32>} : memref<64xf32, #tpu.memory_space<vmem>>, vector<16xf32>,
    tpu.vector_store %arg16[%swap3A_38], %broadcast_in_dim3A_26 {strides = array<i32>} : memref<64xf32, #tpu.memory_space<vmem>>, vector<16xf32>,
    %swap3A_40 = arith.constant 48 : index
    %swap3A_41 = tpu.vector_load %arg17[%swap3A_40] {strides = array<i32>} : memref<64xf32, #tpu.memory_space<vmem>>, vector<16xf32>,
    tpu.vector_store %arg17[%swap3A_40], %broadcast_in_dim3A_24 {strides = array<i32>} : memref<64xf32, #tpu.memory_space<vmem>>, vector<16xf32>,
    %dma_wait3A = arith.constant 0 : i32
    %dma_wait3A_42 = arith.constant 0 : i32
    %dma_wait3A_43 = tpu.memref_slice %arg2[%arg1, %dma_wait3A, %dma_wait3A_42] : memref<16x32x128xi32, #tpu.memory_space<hbm>> -> memref<1x32x128xi32, #tpu.memory_space<hbm>>
    %dma_wait3A_44 = tpu.memref_squeeze %dma_wait3A_43 : memref<1x32x128xi32, #tpu.memory_space<hbm>> -> memref<32x128xi32, #tpu.memory_space<hbm>>
    %dma_wait3A_45 = arith.constant 0 : i32
    %dma_wait3A_46 = arith.constant 0 : i32
    %dma_wait3A_47 = tpu.memref_slice %arg2[%arg1, %dma_wait3A_45, %dma_wait3A_46] : memref<16x32x128xi32, #tpu.memory_space<hbm>> -> memref<1x32x128xi32, #tpu.memory_space<hbm>>
    %dma_wait3A_48 = tpu.memref_squeeze %dma_wait3A_47 : memref<1x32x128xi32, #tpu.memory_space<hbm>> -> memref<32x128xi32, #tpu.memory_space<hbm>>
    tpu.wait_dma2 semaphore(%arg19 : memref<!tpu.dma_semaphore, #tpu.memory_space<semaphore_mem>>) src(%dma_wait3A_48 : memref<32x128xi32, #tpu.memory_space<hbm>>) dst(%arg8 : memref<32x128xi32, #tpu.memory_space<vmem>>)
    %dma_wait3A_49 = arith.constant 0 : i32
    %dma_wait3A_50 = arith.constant 0 : i32
    %dma_wait3A_51 = tpu.memref_slice %arg3[%arg1, %dma_wait3A_49, %dma_wait3A_50] : memref<16x32x128xi32, #tpu.memory_space<hbm>> -> memref<1x32x128xi32, #tpu.memory_space<hbm>>
    %dma_wait3A_52 = tpu.memref_squeeze %dma_wait3A_51 : memref<1x32x128xi32, #tpu.memory_space<hbm>> -> memref<32x128xi32, #tpu.memory_space<hbm>>
    %dma_wait3A_53 = arith.constant 0 : i32
    %dma_wait3A_54 = arith.constant 0 : i32
    %dma_wait3A_55 = tpu.memref_slice %arg3[%arg1, %dma_wait3A_53, %dma_wait3A_54] : memref<16x32x128xi32, #tpu.memory_space<hbm>> -> memref<1x32x128xi32, #tpu.memory_space<hbm>>
    %dma_wait3A_56 = tpu.memref_squeeze %dma_wait3A_55 : memref<1x32x128xi32, #tpu.memory_space<hbm>> -> memref<32x128xi32, #tpu.memory_space<hbm>>
    tpu.wait_dma2 semaphore(%arg19 : memref<!tpu.dma_semaphore, #tpu.memory_space<semaphore_mem>>) src(%dma_wait3A_56 : memref<32x128xi32, #tpu.memory_space<hbm>>) dst(%arg9 : memref<32x128xi32, #tpu.memory_space<vmem>>)
    %dma_wait3A_57 = arith.constant 0 : i32
    %dma_wait3A_58 = arith.constant 0 : i32
    %dma_wait3A_59 = tpu.memref_slice %arg4[%arg1, %dma_wait3A_57, %dma_wait3A_58] : memref<16x32x128xf32, #tpu.memory_space<hbm>> -> memref<1x32x128xf32, #tpu.memory_space<hbm>>
    %dma_wait3A_60 = tpu.memref_squeeze %dma_wait3A_59 : memref<1x32x128xf32, #tpu.memory_space<hbm>> -> memref<32x128xf32, #tpu.memory_space<hbm>>
    %dma_wait3A_61 = arith.constant 0 : i32
    %dma_wait3A_62 = arith.constant 0 : i32
    %dma_wait3A_63 = tpu.memref_slice %arg4[%arg1, %dma_wait3A_61, %dma_wait3A_62] : memref<16x32x128xf32, #tpu.memory_space<hbm>> -> memref<1x32x128xf32, #tpu.memory_space<hbm>>
    %dma_wait3A_64 = tpu.memref_squeeze %dma_wait3A_63 : memref<1x32x128xf32, #tpu.memory_space<hbm>> -> memref<32x128xf32, #tpu.memory_space<hbm>>
    tpu.wait_dma2 semaphore(%arg19 : memref<!tpu.dma_semaphore, #tpu.memory_space<semaphore_mem>>) src(%dma_wait3A_64 : memref<32x128xf32, #tpu.memory_space<hbm>>) dst(%arg10 : memref<32x128xf32, #tpu.memory_space<vmem>>)
    "tpu.region"() ({
      %run_scoped3A = tpu.sem_alloc : memref<!tpu.dma_semaphore, #tpu.memory_space<semaphore_mem>>
      %dma_start3A_141 = tpu.memref_slice %arg21[%mul3A_0] : memref<1024xf32, #tpu.memory_space<vmem_shared>> -> memref<64xf32, #tpu.memory_space<vmem_shared>>
      %dma_start3A_142 = tpu.memref_slice %arg21[%mul3A_0] : memref<1024xf32, #tpu.memory_space<vmem_shared>> -> memref<64xf32, #tpu.memory_space<vmem_shared>>
      tpu.enqueue_dma source(%arg16 : memref<64xf32, #tpu.memory_space<vmem>>) target(%dma_start3A_142 : memref<64xf32, #tpu.memory_space<vmem_shared>>) target_semaphore(%run_scoped3A : memref<!tpu.dma_semaphore, #tpu.memory_space<semaphore_mem>>)
      %dma_wait3A_143 = tpu.memref_slice %arg21[%mul3A_0] : memref<1024xf32, #tpu.memory_space<vmem_shared>> -> memref<64xf32, #tpu.memory_space<vmem_shared>>
      %dma_wait3A_144 = tpu.memref_slice %arg21[%mul3A_0] : memref<1024xf32, #tpu.memory_space<vmem_shared>> -> memref<64xf32, #tpu.memory_space<vmem_shared>>
      tpu.wait_dma2 semaphore(%run_scoped3A : memref<!tpu.dma_semaphore, #tpu.memory_space<semaphore_mem>>) src(%arg16 : memref<64xf32, #tpu.memory_space<vmem>>) dst(%dma_wait3A_144 : memref<64xf32, #tpu.memory_space<vmem_shared>>)
      tpu.yield
    }) : () -> ()
    "tpu.region"() ({
      %run_scoped3A = tpu.sem_alloc : memref<!tpu.dma_semaphore, #tpu.memory_space<semaphore_mem>>
      %dma_start3A_141 = tpu.memref_slice %arg22[%mul3A_0] : memref<1024xf32, #tpu.memory_space<vmem_shared>> -> memref<64xf32, #tpu.memory_space<vmem_shared>>
      %dma_start3A_142 = tpu.memref_slice %arg22[%mul3A_0] : memref<1024xf32, #tpu.memory_space<vmem_shared>> -> memref<64xf32, #tpu.memory_space<vmem_shared>>
      tpu.enqueue_dma source(%arg17 : memref<64xf32, #tpu.memory_space<vmem>>) target(%dma_start3A_142 : memref<64xf32, #tpu.memory_space<vmem_shared>>) target_semaphore(%run_scoped3A : memref<!tpu.dma_semaphore, #tpu.memory_space<semaphore_mem>>)
      %dma_wait3A_143 = tpu.memref_slice %arg22[%mul3A_0] : memref<1024xf32, #tpu.memory_space<vmem_shared>> -> memref<64xf32, #tpu.memory_space<vmem_shared>>
      %dma_wait3A_144 = tpu.memref_slice %arg22[%mul3A_0] : memref<1024xf32, #tpu.memory_space<vmem_shared>> -> memref<64xf32, #tpu.memory_space<vmem_shared>>
      tpu.wait_dma2 semaphore(%run_scoped3A : memref<!tpu.dma_semaphore, #tpu.memory_space<semaphore_mem>>) src(%arg17 : memref<64xf32, #tpu.memory_space<vmem>>) dst(%dma_wait3A_144 : memref<64xf32, #tpu.memory_space<vmem_shared>>)
      tpu.yield
    }) : () -> ()
    %barrier3A = arith.constant 0 : index
    tpu.barrier barrier_id(%barrier3A)
    %scan3A = arith.constant 0 : i32
    %scan3A_65 = arith.constant 0 : i32
    %scan3A_66 = arith.constant 32 : i32
    %scan3A_67 = arith.addi %scan3A_65, %scan3A_66 : i32
    %scan3A_68 = arith.constant 1 : i32
    %scan3A_69 = scf.for %scan3A_141 = %scan3A_65 to %scan3A_67 step %scan3A_68 iter_args(%scan3A_142 = %scan3A) -> (i32)  : i32 {
      %dma_start3A_143 = arith.constant 0 : i32
      %dma_start3A_144 = tpu.memref_slice %arg10[%scan3A_141, %dma_start3A_143] : memref<32x128xf32, #tpu.memory_space<vmem>> -> memref<1x128xf32, #tpu.memory_space<vmem>>
      %dma_start3A_145 = tpu.memref_squeeze %dma_start3A_144 : memref<1x128xf32, #tpu.memory_space<vmem>> -> memref<128xf32, #tpu.memory_space<vmem>>
      %dma_start3A_146 = arith.constant 0 : i32
      %dma_start3A_147 = tpu.memref_slice %arg9[%scan3A_141, %dma_start3A_146] : memref<32x128xi32, #tpu.memory_space<vmem>> -> memref<1x128xi32, #tpu.memory_space<vmem>>
      %dma_start3A_148 = tpu.memref_squeeze %dma_start3A_147 : memref<1x128xi32, #tpu.memory_space<vmem>> -> memref<128xi32, #tpu.memory_space<vmem>>
      %dma_start3A_149 = arith.constant 0 : i32
      %dma_start3A_150 = tpu.memref_slice %arg21[%dma_start3A_149] : memref<1024xf32, #tpu.memory_space<vmem_shared>> -> memref<1024xf32, #tpu.memory_space<vmem_shared>>
      tpu.enqueue_indirect_dma source(%dma_start3A_145 : memref<128xf32, #tpu.memory_space<vmem>>) target(%dma_start3A_150 : memref<1024xf32, #tpu.memory_space<vmem_shared>>) offsets(%dma_start3A_148 : memref<128xi32, #tpu.memory_space<vmem>>) semaphore(%arg20 : memref<!tpu.dma_semaphore, #tpu.memory_space<semaphore_mem>>) {add = true}
      %scan3A_151 = arith.constant 0 : i32
      scf.yield %scan3A_151 : i32
    }
    %scan3A_70 = arith.constant 32 : i32
    %scan3A_71 = arith.constant 0 : i32
    %scan3A_72 = arith.constant 0 : i32
    %scan3A_73 = arith.constant 32 : i32
    %scan3A_74 = arith.addi %scan3A_72, %scan3A_73 : i32
    %scan3A_75 = arith.constant 1 : i32
    %scan3A_76 = scf.for %scan3A_141 = %scan3A_72 to %scan3A_74 step %scan3A_75 iter_args(%scan3A_142 = %scan3A_71) -> (i32)  : i32 {
      %dma_wait3A_143 = arith.constant 0 : i32
      %dma_wait3A_144 = tpu.memref_slice %arg10[%scan3A_141, %dma_wait3A_143] : memref<32x128xf32, #tpu.memory_space<vmem>> -> memref<1x128xf32, #tpu.memory_space<vmem>>
      %dma_wait3A_145 = tpu.memref_squeeze %dma_wait3A_144 : memref<1x128xf32, #tpu.memory_space<vmem>> -> memref<128xf32, #tpu.memory_space<vmem>>
      %dma_wait3A_146 = arith.constant 0 : i32
      %dma_wait3A_147 = tpu.memref_slice %arg9[%scan3A_141, %dma_wait3A_146] : memref<32x128xi32, #tpu.memory_space<vmem>> -> memref<1x128xi32, #tpu.memory_space<vmem>>
      %dma_wait3A_148 = tpu.memref_squeeze %dma_wait3A_147 : memref<1x128xi32, #tpu.memory_space<vmem>> -> memref<128xi32, #tpu.memory_space<vmem>>
      %dma_wait3A_149 = arith.constant 0 : i32
      %dma_wait3A_150 = tpu.memref_slice %arg21[%dma_wait3A_149] : memref<1024xf32, #tpu.memory_space<vmem_shared>> -> memref<1024xf32, #tpu.memory_space<vmem_shared>>
      tpu.wait_indirect_dma semaphore(%arg20 : memref<!tpu.dma_semaphore, #tpu.memory_space<semaphore_mem>>) src(%dma_wait3A_145 : memref<128xf32, #tpu.memory_space<vmem>>) dst(%dma_wait3A_150 : memref<1024xf32, #tpu.memory_space<vmem_shared>>)
      %scan3A_151 = arith.constant 0 : i32
      scf.yield %scan3A_151 : i32
    }
    %scan3A_77 = arith.constant 32 : i32
    %barrier3A_78 = arith.constant 0 : index
    tpu.barrier barrier_id(%barrier3A_78)
    "tpu.region"() ({
      %run_scoped3A = tpu.sem_alloc : memref<!tpu.dma_semaphore, #tpu.memory_space<semaphore_mem>>
      tpu.enqueue_dma source(%arg21 : memref<1024xf32, #tpu.memory_space<vmem_shared>>) target(%arg14 : memref<1024xf32, #tpu.memory_space<vmem>>) target_semaphore(%run_scoped3A : memref<!tpu.dma_semaphore, #tpu.memory_space<semaphore_mem>>)
      tpu.wait_dma2 semaphore(%run_scoped3A : memref<!tpu.dma_semaphore, #tpu.memory_space<semaphore_mem>>) src(%arg21 : memref<1024xf32, #tpu.memory_space<vmem_shared>>) dst(%arg14 : memref<1024xf32, #tpu.memory_space<vmem>>)
      tpu.yield
    }) : () -> ()
    %parallel_loop3A = arith.constant 0 : i32
    %parallel_loop3A_79 = arith.constant 64 : i32
    %parallel_loop3A_80 = arith.constant 1 : i32
    %parallel_loop3A_81 = arith.constant 0 : i32
    %parallel_loop3A_82 = scf.for %parallel_loop3A_141 = %parallel_loop3A to %parallel_loop3A_79 step %parallel_loop3A_80 iter_args(%parallel_loop3A_142 = %parallel_loop3A_81) -> (i32)  : i32 {
      %parallel_loop3A_143 = arith.constant 16 : i32
      %parallel_loop3A_144 = arith.muli %parallel_loop3A_141, %parallel_loop3A_143 : i32
      %parallel_loop3A_145 = arith.index_cast %parallel_loop3A_144 : i32 to index
      %parallel_loop3A_146 = tpu.vector_load %arg14[%parallel_loop3A_145] {strides = array<i32>} : memref<1024xf32, #tpu.memory_space<vmem>>, vector<16xf32>,
      %parallel_loop3A_147 = tpu.bitcast %parallel_loop3A_146 : vector<16xf32> -> vector<16xi32>
      %parallel_loop3A_148 = arith.constant 1 : i32
      %parallel_loop3A_149 = vector.broadcast %parallel_loop3A_148 : i32 to vector<16xi32>
      %parallel_loop3A_150 = arith.shrsi %parallel_loop3A_147, %parallel_loop3A_149 : vector<16xi32>
      %parallel_loop3A_151 = arith.constant 1597463007 : i32
      %parallel_loop3A_152 = vector.broadcast %parallel_loop3A_151 : i32 to vector<16xi32>
      %parallel_loop3A_153 = arith.subi %parallel_loop3A_152, %parallel_loop3A_150 : vector<16xi32>
      %parallel_loop3A_154 = tpu.bitcast %parallel_loop3A_153 : vector<16xi32> -> vector<16xf32>
      %parallel_loop3A_155 = arith.constant 5.000000e-01 : f32
      %parallel_loop3A_156 = vector.broadcast %parallel_loop3A_155 : f32 to vector<16xf32>
      %parallel_loop3A_157 = arith.mulf %parallel_loop3A_156, %parallel_loop3A_146 : vector<16xf32>
      %parallel_loop3A_158 = arith.mulf %parallel_loop3A_157, %parallel_loop3A_154 : vector<16xf32>
      %parallel_loop3A_159 = arith.mulf %parallel_loop3A_158, %parallel_loop3A_154 : vector<16xf32>
      %parallel_loop3A_160 = arith.constant 1.500000e+00 : f32
      %parallel_loop3A_161 = vector.broadcast %parallel_loop3A_160 : f32 to vector<16xf32>
      %parallel_loop3A_162 = arith.subf %parallel_loop3A_161, %parallel_loop3A_159 : vector<16xf32>
      %parallel_loop3A_163 = arith.mulf %parallel_loop3A_154, %parallel_loop3A_162 : vector<16xf32>
      %parallel_loop3A_164 = arith.constant 5.000000e-01 : f32
      %parallel_loop3A_165 = vector.broadcast %parallel_loop3A_164 : f32 to vector<16xf32>
      %parallel_loop3A_166 = arith.mulf %parallel_loop3A_165, %parallel_loop3A_146 : vector<16xf32>
      %parallel_loop3A_167 = arith.mulf %parallel_loop3A_166, %parallel_loop3A_163 : vector<16xf32>
      %parallel_loop3A_168 = arith.mulf %parallel_loop3A_167, %parallel_loop3A_163 : vector<16xf32>
      %parallel_loop3A_169 = arith.constant 1.500000e+00 : f32
      %parallel_loop3A_170 = vector.broadcast %parallel_loop3A_169 : f32 to vector<16xf32>
      %parallel_loop3A_171 = arith.subf %parallel_loop3A_170, %parallel_loop3A_168 : vector<16xf32>
      %parallel_loop3A_172 = arith.mulf %parallel_loop3A_163, %parallel_loop3A_171 : vector<16xf32>
      %parallel_loop3A_173 = arith.constant 5.000000e-01 : f32
      %parallel_loop3A_174 = vector.broadcast %parallel_loop3A_173 : f32 to vector<16xf32>
      %parallel_loop3A_175 = arith.mulf %parallel_loop3A_174, %parallel_loop3A_146 : vector<16xf32>
      %parallel_loop3A_176 = arith.mulf %parallel_loop3A_175, %parallel_loop3A_172 : vector<16xf32>
      %parallel_loop3A_177 = arith.mulf %parallel_loop3A_176, %parallel_loop3A_172 : vector<16xf32>
      %parallel_loop3A_178 = arith.constant 1.500000e+00 : f32
      %parallel_loop3A_179 = vector.broadcast %parallel_loop3A_178 : f32 to vector<16xf32>
      %parallel_loop3A_180 = arith.subf %parallel_loop3A_179, %parallel_loop3A_177 : vector<16xf32>
      %parallel_loop3A_181 = arith.mulf %parallel_loop3A_172, %parallel_loop3A_180 : vector<16xf32>
      %parallel_loop3A_182 = arith.constant 5.000000e-01 : f32
      %parallel_loop3A_183 = vector.broadcast %parallel_loop3A_182 : f32 to vector<16xf32>
      %parallel_loop3A_184 = arith.mulf %parallel_loop3A_183, %parallel_loop3A_146 : vector<16xf32>
      %parallel_loop3A_185 = arith.mulf %parallel_loop3A_184, %parallel_loop3A_181 : vector<16xf32>
      %parallel_loop3A_186 = arith.mulf %parallel_loop3A_185, %parallel_loop3A_181 : vector<16xf32>
      %parallel_loop3A_187 = arith.constant 1.500000e+00 : f32
      %parallel_loop3A_188 = vector.broadcast %parallel_loop3A_187 : f32 to vector<16xf32>
      %parallel_loop3A_189 = arith.subf %parallel_loop3A_188, %parallel_loop3A_186 : vector<16xf32>
      %parallel_loop3A_190 = arith.mulf %parallel_loop3A_181, %parallel_loop3A_189 : vector<16xf32>
      %parallel_loop3A_191 = arith.index_cast %parallel_loop3A_144 : i32 to index
      %parallel_loop3A_192 = tpu.vector_load %arg13[%parallel_loop3A_191] {strides = array<i32>} : memref<1024xf32, #tpu.memory_space<vmem>>, vector<16xf32>,
      tpu.vector_store %arg13[%parallel_loop3A_191], %parallel_loop3A_190 {strides = array<i32>} : memref<1024xf32, #tpu.memory_space<vmem>>, vector<16xf32>,
      scf.yield %parallel_loop3A_142 : i32
    } {sc.loop_unroll_factor = 4 : i64, sc.parallel_access}
    tpu.wait_dma2 semaphore(%arg19 : memref<!tpu.dma_semaphore, #tpu.memory_space<semaphore_mem>>) src(%arg5 : memref<1024xf32, #tpu.memory_space<hbm>>) dst(%arg12 : memref<1024xf32, #tpu.memory_space<vmem>>)
    %parallel_loop3A_83 = arith.constant 0 : i32
    %parallel_loop3A_84 = arith.constant 32 : i32
    %parallel_loop3A_85 = arith.constant 1 : i32
    %parallel_loop3A_86 = arith.constant 0 : i32
    %parallel_loop3A_87 = scf.for %parallel_loop3A_141 = %parallel_loop3A_83 to %parallel_loop3A_84 step %parallel_loop3A_85 iter_args(%parallel_loop3A_142 = %parallel_loop3A_86) -> (i32)  : i32 {
      %parallel_loop3A_143 = arith.index_cast %parallel_loop3A_141 : i32 to index
      %parallel_loop3A_144 = arith.constant 0 : index
      %parallel_loop3A_145 = tpu.vector_load %arg8[%parallel_loop3A_143, %parallel_loop3A_144] {strides = array<i32>} : memref<32x128xi32, #tpu.memory_space<vmem>>, vector<16xi32>,
      %parallel_loop3A_146 = tpu.vector_load_idx %arg13[%parallel_loop3A_145] : memref<1024xf32, #tpu.memory_space<vmem>>[vector<16xi32>], vector<16xf32>,
      %parallel_loop3A_147 = arith.index_cast %parallel_loop3A_141 : i32 to index
      %parallel_loop3A_148 = arith.constant 0 : index
      %parallel_loop3A_149 = tpu.vector_load %arg9[%parallel_loop3A_147, %parallel_loop3A_148] {strides = array<i32>} : memref<32x128xi32, #tpu.memory_space<vmem>>, vector<16xi32>,
      %parallel_loop3A_150 = tpu.vector_load_idx %arg13[%parallel_loop3A_149] : memref<1024xf32, #tpu.memory_space<vmem>>[vector<16xi32>], vector<16xf32>,
      %parallel_loop3A_151 = arith.index_cast %parallel_loop3A_141 : i32 to index
      %parallel_loop3A_152 = arith.constant 0 : index
      %parallel_loop3A_153 = tpu.vector_load %arg10[%parallel_loop3A_151, %parallel_loop3A_152] {strides = array<i32>} : memref<32x128xf32, #tpu.memory_space<vmem>>, vector<16xf32>,
      %parallel_loop3A_154 = arith.mulf %parallel_loop3A_153, %parallel_loop3A_146 : vector<16xf32>
      %parallel_loop3A_155 = arith.mulf %parallel_loop3A_154, %parallel_loop3A_150 : vector<16xf32>
      %parallel_loop3A_156 = arith.index_cast %parallel_loop3A_141 : i32 to index
      %parallel_loop3A_157 = arith.constant 0 : index
      %parallel_loop3A_158 = tpu.vector_load %arg10[%parallel_loop3A_156, %parallel_loop3A_157] {strides = array<i32>} : memref<32x128xf32, #tpu.memory_space<vmem>>, vector<16xf32>,
      tpu.vector_store %arg10[%parallel_loop3A_156, %parallel_loop3A_157], %parallel_loop3A_155 {strides = array<i32>} : memref<32x128xf32, #tpu.memory_space<vmem>>, vector<16xf32>,
      %parallel_loop3A_159 = tpu.vector_load_idx %arg12[%parallel_loop3A_145] : memref<1024xf32, #tpu.memory_space<vmem>>[vector<16xi32>], vector<16xf32>,
      %parallel_loop3A_160 = arith.mulf %parallel_loop3A_155, %parallel_loop3A_159 : vector<16xf32>
      %parallel_loop3A_161 = arith.index_cast %parallel_loop3A_141 : i32 to index
      %parallel_loop3A_162 = arith.constant 0 : index
      %parallel_loop3A_163 = tpu.vector_load %arg11[%parallel_loop3A_161, %parallel_loop3A_162] {strides = array<i32>} : memref<32x128xf32, #tpu.memory_space<vmem>>, vector<16xf32>,
      tpu.vector_store %arg11[%parallel_loop3A_161, %parallel_loop3A_162], %parallel_loop3A_160 {strides = array<i32>} : memref<32x128xf32, #tpu.memory_space<vmem>>, vector<16xf32>,
      %parallel_loop3A_164 = arith.index_cast %parallel_loop3A_141 : i32 to index
      %parallel_loop3A_165 = arith.constant 16 : index
      %parallel_loop3A_166 = tpu.vector_load %arg8[%parallel_loop3A_164, %parallel_loop3A_165] {strides = array<i32>} : memref<32x128xi32, #tpu.memory_space<vmem>>, vector<16xi32>,
      %parallel_loop3A_167 = tpu.vector_load_idx %arg13[%parallel_loop3A_166] : memref<1024xf32, #tpu.memory_space<vmem>>[vector<16xi32>], vector<16xf32>,
      %parallel_loop3A_168 = arith.index_cast %parallel_loop3A_141 : i32 to index
      %parallel_loop3A_169 = arith.constant 16 : index
      %parallel_loop3A_170 = tpu.vector_load %arg9[%parallel_loop3A_168, %parallel_loop3A_169] {strides = array<i32>} : memref<32x128xi32, #tpu.memory_space<vmem>>, vector<16xi32>,
      %parallel_loop3A_171 = tpu.vector_load_idx %arg13[%parallel_loop3A_170] : memref<1024xf32, #tpu.memory_space<vmem>>[vector<16xi32>], vector<16xf32>,
      %parallel_loop3A_172 = arith.index_cast %parallel_loop3A_141 : i32 to index
      %parallel_loop3A_173 = arith.constant 16 : index
      %parallel_loop3A_174 = tpu.vector_load %arg10[%parallel_loop3A_172, %parallel_loop3A_173] {strides = array<i32>} : memref<32x128xf32, #tpu.memory_space<vmem>>, vector<16xf32>,
      %parallel_loop3A_175 = arith.mulf %parallel_loop3A_174, %parallel_loop3A_167 : vector<16xf32>
      %parallel_loop3A_176 = arith.mulf %parallel_loop3A_175, %parallel_loop3A_171 : vector<16xf32>
      %parallel_loop3A_177 = arith.index_cast %parallel_loop3A_141 : i32 to index
      %parallel_loop3A_178 = arith.constant 16 : index
      %parallel_loop3A_179 = tpu.vector_load %arg10[%parallel_loop3A_177, %parallel_loop3A_178] {strides = array<i32>} : memref<32x128xf32, #tpu.memory_space<vmem>>, vector<16xf32>,
      tpu.vector_store %arg10[%parallel_loop3A_177, %parallel_loop3A_178], %parallel_loop3A_176 {strides = array<i32>} : memref<32x128xf32, #tpu.memory_space<vmem>>, vector<16xf32>,
      %parallel_loop3A_180 = tpu.vector_load_idx %arg12[%parallel_loop3A_166] : memref<1024xf32, #tpu.memory_space<vmem>>[vector<16xi32>], vector<16xf32>,
      %parallel_loop3A_181 = arith.mulf %parallel_loop3A_176, %parallel_loop3A_180 : vector<16xf32>
      %parallel_loop3A_182 = arith.index_cast %parallel_loop3A_141 : i32 to index
      %parallel_loop3A_183 = arith.constant 16 : index
      %parallel_loop3A_184 = tpu.vector_load %arg11[%parallel_loop3A_182, %parallel_loop3A_183] {strides = array<i32>} : memref<32x128xf32, #tpu.memory_space<vmem>>, vector<16xf32>,
      tpu.vector_store %arg11[%parallel_loop3A_182, %parallel_loop3A_183], %parallel_loop3A_181 {strides = array<i32>} : memref<32x128xf32, #tpu.memory_space<vmem>>, vector<16xf32>,
      %parallel_loop3A_185 = arith.index_cast %parallel_loop3A_141 : i32 to index
      %parallel_loop3A_186 = arith.constant 32 : index
      %parallel_loop3A_187 = tpu.vector_load %arg8[%parallel_loop3A_185, %parallel_loop3A_186] {strides = array<i32>} : memref<32x128xi32, #tpu.memory_space<vmem>>, vector<16xi32>,
      %parallel_loop3A_188 = tpu.vector_load_idx %arg13[%parallel_loop3A_187] : memref<1024xf32, #tpu.memory_space<vmem>>[vector<16xi32>], vector<16xf32>,
      %parallel_loop3A_189 = arith.index_cast %parallel_loop3A_141 : i32 to index
      %parallel_loop3A_190 = arith.constant 32 : index
      %parallel_loop3A_191 = tpu.vector_load %arg9[%parallel_loop3A_189, %parallel_loop3A_190] {strides = array<i32>} : memref<32x128xi32, #tpu.memory_space<vmem>>, vector<16xi32>,
      %parallel_loop3A_192 = tpu.vector_load_idx %arg13[%parallel_loop3A_191] : memref<1024xf32, #tpu.memory_space<vmem>>[vector<16xi32>], vector<16xf32>,
      %parallel_loop3A_193 = arith.index_cast %parallel_loop3A_141 : i32 to index
      %parallel_loop3A_194 = arith.constant 32 : index
      %parallel_loop3A_195 = tpu.vector_load %arg10[%parallel_loop3A_193, %parallel_loop3A_194] {strides = array<i32>} : memref<32x128xf32, #tpu.memory_space<vmem>>, vector<16xf32>,
      %parallel_loop3A_196 = arith.mulf %parallel_loop3A_195, %parallel_loop3A_188 : vector<16xf32>
      %parallel_loop3A_197 = arith.mulf %parallel_loop3A_196, %parallel_loop3A_192 : vector<16xf32>
      %parallel_loop3A_198 = arith.index_cast %parallel_loop3A_141 : i32 to index
      %parallel_loop3A_199 = arith.constant 32 : index
      %parallel_loop3A_200 = tpu.vector_load %arg10[%parallel_loop3A_198, %parallel_loop3A_199] {strides = array<i32>} : memref<32x128xf32, #tpu.memory_space<vmem>>, vector<16xf32>,
      tpu.vector_store %arg10[%parallel_loop3A_198, %parallel_loop3A_199], %parallel_loop3A_197 {strides = array<i32>} : memref<32x128xf32, #tpu.memory_space<vmem>>, vector<16xf32>,
      %parallel_loop3A_201 = tpu.vector_load_idx %arg12[%parallel_loop3A_187] : memref<1024xf32, #tpu.memory_space<vmem>>[vector<16xi32>], vector<16xf32>,
      %parallel_loop3A_202 = arith.mulf %parallel_loop3A_197, %parallel_loop3A_201 : vector<16xf32>
      %parallel_loop3A_203 = arith.index_cast %parallel_loop3A_141 : i32 to index
      %parallel_loop3A_204 = arith.constant 32 : index
      %parallel_loop3A_205 = tpu.vector_load %arg11[%parallel_loop3A_203, %parallel_loop3A_204] {strides = array<i32>} : memref<32x128xf32, #tpu.memory_space<vmem>>, vector<16xf32>,
      tpu.vector_store %arg11[%parallel_loop3A_203, %parallel_loop3A_204], %parallel_loop3A_202 {strides = array<i32>} : memref<32x128xf32, #tpu.memory_space<vmem>>, vector<16xf32>,
      %parallel_loop3A_206 = arith.index_cast %parallel_loop3A_141 : i32 to index
      %parallel_loop3A_207 = arith.constant 48 : index
      %parallel_loop3A_208 = tpu.vector_load %arg8[%parallel_loop3A_206, %parallel_loop3A_207] {strides = array<i32>} : memref<32x128xi32, #tpu.memory_space<vmem>>, vector<16xi32>,
      %parallel_loop3A_209 = tpu.vector_load_idx %arg13[%parallel_loop3A_208] : memref<1024xf32, #tpu.memory_space<vmem>>[vector<16xi32>], vector<16xf32>,
      %parallel_loop3A_210 = arith.index_cast %parallel_loop3A_141 : i32 to index
      %parallel_loop3A_211 = arith.constant 48 : index
      %parallel_loop3A_212 = tpu.vector_load %arg9[%parallel_loop3A_210, %parallel_loop3A_211] {strides = array<i32>} : memref<32x128xi32, #tpu.memory_space<vmem>>, vector<16xi32>,
      %parallel_loop3A_213 = tpu.vector_load_idx %arg13[%parallel_loop3A_212] : memref<1024xf32, #tpu.memory_space<vmem>>[vector<16xi32>], vector<16xf32>,
      %parallel_loop3A_214 = arith.index_cast %parallel_loop3A_141 : i32 to index
      %parallel_loop3A_215 = arith.constant 48 : index
      %parallel_loop3A_216 = tpu.vector_load %arg10[%parallel_loop3A_214, %parallel_loop3A_215] {strides = array<i32>} : memref<32x128xf32, #tpu.memory_space<vmem>>, vector<16xf32>,
      %parallel_loop3A_217 = arith.mulf %parallel_loop3A_216, %parallel_loop3A_209 : vector<16xf32>
      %parallel_loop3A_218 = arith.mulf %parallel_loop3A_217, %parallel_loop3A_213 : vector<16xf32>
      %parallel_loop3A_219 = arith.index_cast %parallel_loop3A_141 : i32 to index
      %parallel_loop3A_220 = arith.constant 48 : index
      %parallel_loop3A_221 = tpu.vector_load %arg10[%parallel_loop3A_219, %parallel_loop3A_220] {strides = array<i32>} : memref<32x128xf32, #tpu.memory_space<vmem>>, vector<16xf32>,
      tpu.vector_store %arg10[%parallel_loop3A_219, %parallel_loop3A_220], %parallel_loop3A_218 {strides = array<i32>} : memref<32x128xf32, #tpu.memory_space<vmem>>, vector<16xf32>,
      %parallel_loop3A_222 = tpu.vector_load_idx %arg12[%parallel_loop3A_208] : memref<1024xf32, #tpu.memory_space<vmem>>[vector<16xi32>], vector<16xf32>,
      %parallel_loop3A_223 = arith.mulf %parallel_loop3A_218, %parallel_loop3A_222 : vector<16xf32>
      %parallel_loop3A_224 = arith.index_cast %parallel_loop3A_141 : i32 to index
      %parallel_loop3A_225 = arith.constant 48 : index
      %parallel_loop3A_226 = tpu.vector_load %arg11[%parallel_loop3A_224, %parallel_loop3A_225] {strides = array<i32>} : memref<32x128xf32, #tpu.memory_space<vmem>>, vector<16xf32>,
      tpu.vector_store %arg11[%parallel_loop3A_224, %parallel_loop3A_225], %parallel_loop3A_223 {strides = array<i32>} : memref<32x128xf32, #tpu.memory_space<vmem>>, vector<16xf32>,
      %parallel_loop3A_227 = arith.index_cast %parallel_loop3A_141 : i32 to index
      %parallel_loop3A_228 = arith.constant 64 : index
      %parallel_loop3A_229 = tpu.vector_load %arg8[%parallel_loop3A_227, %parallel_loop3A_228] {strides = array<i32>} : memref<32x128xi32, #tpu.memory_space<vmem>>, vector<16xi32>,
      %parallel_loop3A_230 = tpu.vector_load_idx %arg13[%parallel_loop3A_229] : memref<1024xf32, #tpu.memory_space<vmem>>[vector<16xi32>], vector<16xf32>,
      %parallel_loop3A_231 = arith.index_cast %parallel_loop3A_141 : i32 to index
      %parallel_loop3A_232 = arith.constant 64 : index
      %parallel_loop3A_233 = tpu.vector_load %arg9[%parallel_loop3A_231, %parallel_loop3A_232] {strides = array<i32>} : memref<32x128xi32, #tpu.memory_space<vmem>>, vector<16xi32>,
      %parallel_loop3A_234 = tpu.vector_load_idx %arg13[%parallel_loop3A_233] : memref<1024xf32, #tpu.memory_space<vmem>>[vector<16xi32>], vector<16xf32>,
      %parallel_loop3A_235 = arith.index_cast %parallel_loop3A_141 : i32 to index
      %parallel_loop3A_236 = arith.constant 64 : index
      %parallel_loop3A_237 = tpu.vector_load %arg10[%parallel_loop3A_235, %parallel_loop3A_236] {strides = array<i32>} : memref<32x128xf32, #tpu.memory_space<vmem>>, vector<16xf32>,
      %parallel_loop3A_238 = arith.mulf %parallel_loop3A_237, %parallel_loop3A_230 : vector<16xf32>
      %parallel_loop3A_239 = arith.mulf %parallel_loop3A_238, %parallel_loop3A_234 : vector<16xf32>
      %parallel_loop3A_240 = arith.index_cast %parallel_loop3A_141 : i32 to index
      %parallel_loop3A_241 = arith.constant 64 : index
      %parallel_loop3A_242 = tpu.vector_load %arg10[%parallel_loop3A_240, %parallel_loop3A_241] {strides = array<i32>} : memref<32x128xf32, #tpu.memory_space<vmem>>, vector<16xf32>,
      tpu.vector_store %arg10[%parallel_loop3A_240, %parallel_loop3A_241], %parallel_loop3A_239 {strides = array<i32>} : memref<32x128xf32, #tpu.memory_space<vmem>>, vector<16xf32>,
      %parallel_loop3A_243 = tpu.vector_load_idx %arg12[%parallel_loop3A_229] : memref<1024xf32, #tpu.memory_space<vmem>>[vector<16xi32>], vector<16xf32>,
      %parallel_loop3A_244 = arith.mulf %parallel_loop3A_239, %parallel_loop3A_243 : vector<16xf32>
      %parallel_loop3A_245 = arith.index_cast %parallel_loop3A_141 : i32 to index
      %parallel_loop3A_246 = arith.constant 64 : index
      %parallel_loop3A_247 = tpu.vector_load %arg11[%parallel_loop3A_245, %parallel_loop3A_246] {strides = array<i32>} : memref<32x128xf32, #tpu.memory_space<vmem>>, vector<16xf32>,
      tpu.vector_store %arg11[%parallel_loop3A_245, %parallel_loop3A_246], %parallel_loop3A_244 {strides = array<i32>} : memref<32x128xf32, #tpu.memory_space<vmem>>, vector<16xf32>,
      %parallel_loop3A_248 = arith.index_cast %parallel_loop3A_141 : i32 to index
      %parallel_loop3A_249 = arith.constant 80 : index
      %parallel_loop3A_250 = tpu.vector_load %arg8[%parallel_loop3A_248, %parallel_loop3A_249] {strides = array<i32>} : memref<32x128xi32, #tpu.memory_space<vmem>>, vector<16xi32>,
      %parallel_loop3A_251 = tpu.vector_load_idx %arg13[%parallel_loop3A_250] : memref<1024xf32, #tpu.memory_space<vmem>>[vector<16xi32>], vector<16xf32>,
      %parallel_loop3A_252 = arith.index_cast %parallel_loop3A_141 : i32 to index
      %parallel_loop3A_253 = arith.constant 80 : index
      %parallel_loop3A_254 = tpu.vector_load %arg9[%parallel_loop3A_252, %parallel_loop3A_253] {strides = array<i32>} : memref<32x128xi32, #tpu.memory_space<vmem>>, vector<16xi32>,
      %parallel_loop3A_255 = tpu.vector_load_idx %arg13[%parallel_loop3A_254] : memref<1024xf32, #tpu.memory_space<vmem>>[vector<16xi32>], vector<16xf32>,
      %parallel_loop3A_256 = arith.index_cast %parallel_loop3A_141 : i32 to index
      %parallel_loop3A_257 = arith.constant 80 : index
      %parallel_loop3A_258 = tpu.vector_load %arg10[%parallel_loop3A_256, %parallel_loop3A_257] {strides = array<i32>} : memref<32x128xf32, #tpu.memory_space<vmem>>, vector<16xf32>,
      %parallel_loop3A_259 = arith.mulf %parallel_loop3A_258, %parallel_loop3A_251 : vector<16xf32>
      %parallel_loop3A_260 = arith.mulf %parallel_loop3A_259, %parallel_loop3A_255 : vector<16xf32>
      %parallel_loop3A_261 = arith.index_cast %parallel_loop3A_141 : i32 to index
      %parallel_loop3A_262 = arith.constant 80 : index
      %parallel_loop3A_263 = tpu.vector_load %arg10[%parallel_loop3A_261, %parallel_loop3A_262] {strides = array<i32>} : memref<32x128xf32, #tpu.memory_space<vmem>>, vector<16xf32>,
      tpu.vector_store %arg10[%parallel_loop3A_261, %parallel_loop3A_262], %parallel_loop3A_260 {strides = array<i32>} : memref<32x128xf32, #tpu.memory_space<vmem>>, vector<16xf32>,
      %parallel_loop3A_264 = tpu.vector_load_idx %arg12[%parallel_loop3A_250] : memref<1024xf32, #tpu.memory_space<vmem>>[vector<16xi32>], vector<16xf32>,
      %parallel_loop3A_265 = arith.mulf %parallel_loop3A_260, %parallel_loop3A_264 : vector<16xf32>
      %parallel_loop3A_266 = arith.index_cast %parallel_loop3A_141 : i32 to index
      %parallel_loop3A_267 = arith.constant 80 : index
      %parallel_loop3A_268 = tpu.vector_load %arg11[%parallel_loop3A_266, %parallel_loop3A_267] {strides = array<i32>} : memref<32x128xf32, #tpu.memory_space<vmem>>, vector<16xf32>,
      tpu.vector_store %arg11[%parallel_loop3A_266, %parallel_loop3A_267], %parallel_loop3A_265 {strides = array<i32>} : memref<32x128xf32, #tpu.memory_space<vmem>>, vector<16xf32>,
      %parallel_loop3A_269 = arith.index_cast %parallel_loop3A_141 : i32 to index
      %parallel_loop3A_270 = arith.constant 96 : index
      %parallel_loop3A_271 = tpu.vector_load %arg8[%parallel_loop3A_269, %parallel_loop3A_270] {strides = array<i32>} : memref<32x128xi32, #tpu.memory_space<vmem>>, vector<16xi32>,
      %parallel_loop3A_272 = tpu.vector_load_idx %arg13[%parallel_loop3A_271] : memref<1024xf32, #tpu.memory_space<vmem>>[vector<16xi32>], vector<16xf32>,
      %parallel_loop3A_273 = arith.index_cast %parallel_loop3A_141 : i32 to index
      %parallel_loop3A_274 = arith.constant 96 : index
      %parallel_loop3A_275 = tpu.vector_load %arg9[%parallel_loop3A_273, %parallel_loop3A_274] {strides = array<i32>} : memref<32x128xi32, #tpu.memory_space<vmem>>, vector<16xi32>,
      %parallel_loop3A_276 = tpu.vector_load_idx %arg13[%parallel_loop3A_275] : memref<1024xf32, #tpu.memory_space<vmem>>[vector<16xi32>], vector<16xf32>,
      %parallel_loop3A_277 = arith.index_cast %parallel_loop3A_141 : i32 to index
      %parallel_loop3A_278 = arith.constant 96 : index
      %parallel_loop3A_279 = tpu.vector_load %arg10[%parallel_loop3A_277, %parallel_loop3A_278] {strides = array<i32>} : memref<32x128xf32, #tpu.memory_space<vmem>>, vector<16xf32>,
      %parallel_loop3A_280 = arith.mulf %parallel_loop3A_279, %parallel_loop3A_272 : vector<16xf32>
      %parallel_loop3A_281 = arith.mulf %parallel_loop3A_280, %parallel_loop3A_276 : vector<16xf32>
      %parallel_loop3A_282 = arith.index_cast %parallel_loop3A_141 : i32 to index
      %parallel_loop3A_283 = arith.constant 96 : index
      %parallel_loop3A_284 = tpu.vector_load %arg10[%parallel_loop3A_282, %parallel_loop3A_283] {strides = array<i32>} : memref<32x128xf32, #tpu.memory_space<vmem>>, vector<16xf32>,
      tpu.vector_store %arg10[%parallel_loop3A_282, %parallel_loop3A_283], %parallel_loop3A_281 {strides = array<i32>} : memref<32x128xf32, #tpu.memory_space<vmem>>, vector<16xf32>,
      %parallel_loop3A_285 = tpu.vector_load_idx %arg12[%parallel_loop3A_271] : memref<1024xf32, #tpu.memory_space<vmem>>[vector<16xi32>], vector<16xf32>,
      %parallel_loop3A_286 = arith.mulf %parallel_loop3A_281, %parallel_loop3A_285 : vector<16xf32>
      %parallel_loop3A_287 = arith.index_cast %parallel_loop3A_141 : i32 to index
      %parallel_loop3A_288 = arith.constant 96 : index
      %parallel_loop3A_289 = tpu.vector_load %arg11[%parallel_loop3A_287, %parallel_loop3A_288] {strides = array<i32>} : memref<32x128xf32, #tpu.memory_space<vmem>>, vector<16xf32>,
      tpu.vector_store %arg11[%parallel_loop3A_287, %parallel_loop3A_288], %parallel_loop3A_286 {strides = array<i32>} : memref<32x128xf32, #tpu.memory_space<vmem>>, vector<16xf32>,
      %parallel_loop3A_290 = arith.index_cast %parallel_loop3A_141 : i32 to index
      %parallel_loop3A_291 = arith.constant 112 : index
      %parallel_loop3A_292 = tpu.vector_load %arg8[%parallel_loop3A_290, %parallel_loop3A_291] {strides = array<i32>} : memref<32x128xi32, #tpu.memory_space<vmem>>, vector<16xi32>,
      %parallel_loop3A_293 = tpu.vector_load_idx %arg13[%parallel_loop3A_292] : memref<1024xf32, #tpu.memory_space<vmem>>[vector<16xi32>], vector<16xf32>,
      %parallel_loop3A_294 = arith.index_cast %parallel_loop3A_141 : i32 to index
      %parallel_loop3A_295 = arith.constant 112 : index
      %parallel_loop3A_296 = tpu.vector_load %arg9[%parallel_loop3A_294, %parallel_loop3A_295] {strides = array<i32>} : memref<32x128xi32, #tpu.memory_space<vmem>>, vector<16xi32>,
      %parallel_loop3A_297 = tpu.vector_load_idx %arg13[%parallel_loop3A_296] : memref<1024xf32, #tpu.memory_space<vmem>>[vector<16xi32>], vector<16xf32>,
      %parallel_loop3A_298 = arith.index_cast %parallel_loop3A_141 : i32 to index
      %parallel_loop3A_299 = arith.constant 112 : index
      %parallel_loop3A_300 = tpu.vector_load %arg10[%parallel_loop3A_298, %parallel_loop3A_299] {strides = array<i32>} : memref<32x128xf32, #tpu.memory_space<vmem>>, vector<16xf32>,
      %parallel_loop3A_301 = arith.mulf %parallel_loop3A_300, %parallel_loop3A_293 : vector<16xf32>
      %parallel_loop3A_302 = arith.mulf %parallel_loop3A_301, %parallel_loop3A_297 : vector<16xf32>
      %parallel_loop3A_303 = arith.index_cast %parallel_loop3A_141 : i32 to index
      %parallel_loop3A_304 = arith.constant 112 : index
      %parallel_loop3A_305 = tpu.vector_load %arg10[%parallel_loop3A_303, %parallel_loop3A_304] {strides = array<i32>} : memref<32x128xf32, #tpu.memory_space<vmem>>, vector<16xf32>,
      tpu.vector_store %arg10[%parallel_loop3A_303, %parallel_loop3A_304], %parallel_loop3A_302 {strides = array<i32>} : memref<32x128xf32, #tpu.memory_space<vmem>>, vector<16xf32>,
      %parallel_loop3A_306 = tpu.vector_load_idx %arg12[%parallel_loop3A_292] : memref<1024xf32, #tpu.memory_space<vmem>>[vector<16xi32>], vector<16xf32>,
      %parallel_loop3A_307 = arith.mulf %parallel_loop3A_302, %parallel_loop3A_306 : vector<16xf32>
      %parallel_loop3A_308 = arith.index_cast %parallel_loop3A_141 : i32 to index
      %parallel_loop3A_309 = arith.constant 112 : index
      %parallel_loop3A_310 = tpu.vector_load %arg11[%parallel_loop3A_308, %parallel_loop3A_309] {strides = array<i32>} : memref<32x128xf32, #tpu.memory_space<vmem>>, vector<16xf32>,
      tpu.vector_store %arg11[%parallel_loop3A_308, %parallel_loop3A_309], %parallel_loop3A_307 {strides = array<i32>} : memref<32x128xf32, #tpu.memory_space<vmem>>, vector<16xf32>,
      %parallel_loop3A_311 = arith.constant 0 : i32
      %parallel_loop3A_312 = tpu.memref_slice %arg11[%parallel_loop3A_141, %parallel_loop3A_311] : memref<32x128xf32, #tpu.memory_space<vmem>> -> memref<1x128xf32, #tpu.memory_space<vmem>>
      %parallel_loop3A_313 = tpu.memref_squeeze %parallel_loop3A_312 : memref<1x128xf32, #tpu.memory_space<vmem>> -> memref<128xf32, #tpu.memory_space<vmem>>
      %parallel_loop3A_314 = arith.constant 0 : i32
      %parallel_loop3A_315 = tpu.memref_slice %arg9[%parallel_loop3A_141, %parallel_loop3A_314] : memref<32x128xi32, #tpu.memory_space<vmem>> -> memref<1x128xi32, #tpu.memory_space<vmem>>
      %parallel_loop3A_316 = tpu.memref_squeeze %parallel_loop3A_315 : memref<1x128xi32, #tpu.memory_space<vmem>> -> memref<128xi32, #tpu.memory_space<vmem>>
      %parallel_loop3A_317 = arith.constant 0 : i32
      %parallel_loop3A_318 = tpu.memref_slice %arg22[%parallel_loop3A_317] : memref<1024xf32, #tpu.memory_space<vmem_shared>> -> memref<1024xf32, #tpu.memory_space<vmem_shared>>
      tpu.enqueue_indirect_dma source(%parallel_loop3A_313 : memref<128xf32, #tpu.memory_space<vmem>>) target(%parallel_loop3A_318 : memref<1024xf32, #tpu.memory_space<vmem_shared>>) offsets(%parallel_loop3A_316 : memref<128xi32, #tpu.memory_space<vmem>>) semaphore(%arg20 : memref<!tpu.dma_semaphore, #tpu.memory_space<semaphore_mem>>) {add = true}
      scf.yield %parallel_loop3A_142 : i32
    } {sc.loop_unroll_factor = 4 : i64, sc.parallel_access}
    %scan3A_88 = arith.constant 0 : i32
    %scan3A_89 = arith.constant 0 : i32
    %scan3A_90 = arith.constant 32 : i32
    %scan3A_91 = arith.addi %scan3A_89, %scan3A_90 : i32
    %scan3A_92 = arith.constant 1 : i32
    %scan3A_93 = scf.for %scan3A_141 = %scan3A_89 to %scan3A_91 step %scan3A_92 iter_args(%scan3A_142 = %scan3A_88) -> (i32)  : i32 {
      %dma_wait3A_143 = arith.constant 0 : i32
      %dma_wait3A_144 = tpu.memref_slice %arg11[%scan3A_141, %dma_wait3A_143] : memref<32x128xf32, #tpu.memory_space<vmem>> -> memref<1x128xf32, #tpu.memory_space<vmem>>
      %dma_wait3A_145 = tpu.memref_squeeze %dma_wait3A_144 : memref<1x128xf32, #tpu.memory_space<vmem>> -> memref<128xf32, #tpu.memory_space<vmem>>
      %dma_wait3A_146 = arith.constant 0 : i32
      %dma_wait3A_147 = tpu.memref_slice %arg9[%scan3A_141, %dma_wait3A_146] : memref<32x128xi32, #tpu.memory_space<vmem>> -> memref<1x128xi32, #tpu.memory_space<vmem>>
      %dma_wait3A_148 = tpu.memref_squeeze %dma_wait3A_147 : memref<1x128xi32, #tpu.memory_space<vmem>> -> memref<128xi32, #tpu.memory_space<vmem>>
      %dma_wait3A_149 = arith.constant 0 : i32
      %dma_wait3A_150 = tpu.memref_slice %arg22[%dma_wait3A_149] : memref<1024xf32, #tpu.memory_space<vmem_shared>> -> memref<1024xf32, #tpu.memory_space<vmem_shared>>
      tpu.wait_indirect_dma semaphore(%arg20 : memref<!tpu.dma_semaphore, #tpu.memory_space<semaphore_mem>>) src(%dma_wait3A_145 : memref<128xf32, #tpu.memory_space<vmem>>) dst(%dma_wait3A_150 : memref<1024xf32, #tpu.memory_space<vmem_shared>>)
      %scan3A_151 = arith.constant 0 : i32
      scf.yield %scan3A_151 : i32
    }
    %scan3A_94 = arith.constant 32 : i32
    %barrier3A_95 = arith.constant 0 : index
    tpu.barrier barrier_id(%barrier3A_95)
    "tpu.region"() ({
      %run_scoped3A = tpu.sem_alloc : memref<!tpu.dma_semaphore, #tpu.memory_space<semaphore_mem>>
      tpu.enqueue_dma source(%arg22 : memref<1024xf32, #tpu.memory_space<vmem_shared>>) target(%arg14 : memref<1024xf32, #tpu.memory_space<vmem>>) target_semaphore(%run_scoped3A : memref<!tpu.dma_semaphore, #tpu.memory_space<semaphore_mem>>)
      tpu.wait_dma2 semaphore(%run_scoped3A : memref<!tpu.dma_semaphore, #tpu.memory_space<semaphore_mem>>) src(%arg22 : memref<1024xf32, #tpu.memory_space<vmem_shared>>) dst(%arg14 : memref<1024xf32, #tpu.memory_space<vmem>>)
      tpu.yield
    }) : () -> ()
    "tpu.region"() ({
      %run_scoped3A = tpu.sem_alloc : memref<!tpu.dma_semaphore, #tpu.memory_space<semaphore_mem>>
      %dma_start3A_141 = tpu.memref_slice %arg21[%mul3A_0] : memref<1024xf32, #tpu.memory_space<vmem_shared>> -> memref<64xf32, #tpu.memory_space<vmem_shared>>
      %dma_start3A_142 = tpu.memref_slice %arg21[%mul3A_0] : memref<1024xf32, #tpu.memory_space<vmem_shared>> -> memref<64xf32, #tpu.memory_space<vmem_shared>>
      tpu.enqueue_dma source(%arg17 : memref<64xf32, #tpu.memory_space<vmem>>) target(%dma_start3A_142 : memref<64xf32, #tpu.memory_space<vmem_shared>>) target_semaphore(%run_scoped3A : memref<!tpu.dma_semaphore, #tpu.memory_space<semaphore_mem>>)
      %dma_wait3A_143 = tpu.memref_slice %arg21[%mul3A_0] : memref<1024xf32, #tpu.memory_space<vmem_shared>> -> memref<64xf32, #tpu.memory_space<vmem_shared>>
      %dma_wait3A_144 = tpu.memref_slice %arg21[%mul3A_0] : memref<1024xf32, #tpu.memory_space<vmem_shared>> -> memref<64xf32, #tpu.memory_space<vmem_shared>>
      tpu.wait_dma2 semaphore(%run_scoped3A : memref<!tpu.dma_semaphore, #tpu.memory_space<semaphore_mem>>) src(%arg17 : memref<64xf32, #tpu.memory_space<vmem>>) dst(%dma_wait3A_144 : memref<64xf32, #tpu.memory_space<vmem_shared>>)
      tpu.yield
    }) : () -> ()
    %parallel_loop3A_96 = arith.constant 0 : i32
    %parallel_loop3A_97 = arith.constant 64 : i32
    %parallel_loop3A_98 = arith.constant 1 : i32
    %parallel_loop3A_99 = arith.constant 0 : i32
    %parallel_loop3A_100 = scf.for %parallel_loop3A_141 = %parallel_loop3A_96 to %parallel_loop3A_97 step %parallel_loop3A_98 iter_args(%parallel_loop3A_142 = %parallel_loop3A_99) -> (i32)  : i32 {
      %parallel_loop3A_143 = arith.constant 16 : i32
      %parallel_loop3A_144 = arith.muli %parallel_loop3A_141, %parallel_loop3A_143 : i32
      %parallel_loop3A_145 = arith.index_cast %parallel_loop3A_144 : i32 to index
      %parallel_loop3A_146 = tpu.vector_load %arg13[%parallel_loop3A_145] {strides = array<i32>} : memref<1024xf32, #tpu.memory_space<vmem>>, vector<16xf32>,
      %parallel_loop3A_147 = arith.index_cast %parallel_loop3A_144 : i32 to index
      %parallel_loop3A_148 = tpu.vector_load %arg14[%parallel_loop3A_147] {strides = array<i32>} : memref<1024xf32, #tpu.memory_space<vmem>>, vector<16xf32>,
      %parallel_loop3A_149 = arith.mulf %parallel_loop3A_146, %parallel_loop3A_146 : vector<16xf32>
      %parallel_loop3A_150 = arith.index_cast %parallel_loop3A_144 : i32 to index
      %parallel_loop3A_151 = tpu.vector_load %arg12[%parallel_loop3A_150] {strides = array<i32>} : memref<1024xf32, #tpu.memory_space<vmem>>, vector<16xf32>,
      %parallel_loop3A_152 = arith.mulf %parallel_loop3A_149, %parallel_loop3A_151 : vector<16xf32>
      %parallel_loop3A_153 = arith.addf %parallel_loop3A_148, %parallel_loop3A_152 : vector<16xf32>
      %parallel_loop3A_154 = arith.index_cast %parallel_loop3A_144 : i32 to index
      %parallel_loop3A_155 = tpu.vector_load %arg12[%parallel_loop3A_154] {strides = array<i32>} : memref<1024xf32, #tpu.memory_space<vmem>>, vector<16xf32>,
      tpu.vector_store %arg12[%parallel_loop3A_154], %parallel_loop3A_153 {strides = array<i32>} : memref<1024xf32, #tpu.memory_space<vmem>>, vector<16xf32>,
      scf.yield %parallel_loop3A_142 : i32
    } {sc.loop_unroll_factor = 4 : i64, sc.parallel_access}
    %barrier3A_101 = arith.constant 0 : index
    tpu.barrier barrier_id(%barrier3A_101)
    %parallel_loop3A_102 = arith.constant 0 : i32
    %parallel_loop3A_103 = arith.constant 32 : i32
    %parallel_loop3A_104 = arith.constant 1 : i32
    %parallel_loop3A_105 = arith.constant 0 : i32
    %parallel_loop3A_106 = scf.for %parallel_loop3A_141 = %parallel_loop3A_102 to %parallel_loop3A_103 step %parallel_loop3A_104 iter_args(%parallel_loop3A_142 = %parallel_loop3A_105) -> (i32)  : i32 {
      %parallel_loop3A_143 = arith.index_cast %parallel_loop3A_141 : i32 to index
      %parallel_loop3A_144 = arith.constant 0 : index
      %parallel_loop3A_145 = tpu.vector_load %arg8[%parallel_loop3A_143, %parallel_loop3A_144] {strides = array<i32>} : memref<32x128xi32, #tpu.memory_space<vmem>>, vector<16xi32>,
      %parallel_loop3A_146 = arith.index_cast %parallel_loop3A_141 : i32 to index
      %parallel_loop3A_147 = arith.constant 0 : index
      %parallel_loop3A_148 = tpu.vector_load %arg10[%parallel_loop3A_146, %parallel_loop3A_147] {strides = array<i32>} : memref<32x128xf32, #tpu.memory_space<vmem>>, vector<16xf32>,
      %parallel_loop3A_149 = tpu.vector_load_idx %arg12[%parallel_loop3A_145] : memref<1024xf32, #tpu.memory_space<vmem>>[vector<16xi32>], vector<16xf32>,
      %parallel_loop3A_150 = arith.mulf %parallel_loop3A_148, %parallel_loop3A_149 : vector<16xf32>
      %parallel_loop3A_151 = arith.index_cast %parallel_loop3A_141 : i32 to index
      %parallel_loop3A_152 = arith.constant 0 : index
      %parallel_loop3A_153 = tpu.vector_load %arg11[%parallel_loop3A_151, %parallel_loop3A_152] {strides = array<i32>} : memref<32x128xf32, #tpu.memory_space<vmem>>, vector<16xf32>,
      tpu.vector_store %arg11[%parallel_loop3A_151, %parallel_loop3A_152], %parallel_loop3A_150 {strides = array<i32>} : memref<32x128xf32, #tpu.memory_space<vmem>>, vector<16xf32>,
      %parallel_loop3A_154 = arith.index_cast %parallel_loop3A_141 : i32 to index
      %parallel_loop3A_155 = arith.constant 16 : index
      %parallel_loop3A_156 = tpu.vector_load %arg8[%parallel_loop3A_154, %parallel_loop3A_155] {strides = array<i32>} : memref<32x128xi32, #tpu.memory_space<vmem>>, vector<16xi32>,
      %parallel_loop3A_157 = arith.index_cast %parallel_loop3A_141 : i32 to index
      %parallel_loop3A_158 = arith.constant 16 : index
      %parallel_loop3A_159 = tpu.vector_load %arg10[%parallel_loop3A_157, %parallel_loop3A_158] {strides = array<i32>} : memref<32x128xf32, #tpu.memory_space<vmem>>, vector<16xf32>,
      %parallel_loop3A_160 = tpu.vector_load_idx %arg12[%parallel_loop3A_156] : memref<1024xf32, #tpu.memory_space<vmem>>[vector<16xi32>], vector<16xf32>,
      %parallel_loop3A_161 = arith.mulf %parallel_loop3A_159, %parallel_loop3A_160 : vector<16xf32>
      %parallel_loop3A_162 = arith.index_cast %parallel_loop3A_141 : i32 to index
      %parallel_loop3A_163 = arith.constant 16 : index
      %parallel_loop3A_164 = tpu.vector_load %arg11[%parallel_loop3A_162, %parallel_loop3A_163] {strides = array<i32>} : memref<32x128xf32, #tpu.memory_space<vmem>>, vector<16xf32>,
      tpu.vector_store %arg11[%parallel_loop3A_162, %parallel_loop3A_163], %parallel_loop3A_161 {strides = array<i32>} : memref<32x128xf32, #tpu.memory_space<vmem>>, vector<16xf32>,
      %parallel_loop3A_165 = arith.index_cast %parallel_loop3A_141 : i32 to index
      %parallel_loop3A_166 = arith.constant 32 : index
      %parallel_loop3A_167 = tpu.vector_load %arg8[%parallel_loop3A_165, %parallel_loop3A_166] {strides = array<i32>} : memref<32x128xi32, #tpu.memory_space<vmem>>, vector<16xi32>,
      %parallel_loop3A_168 = arith.index_cast %parallel_loop3A_141 : i32 to index
      %parallel_loop3A_169 = arith.constant 32 : index
      %parallel_loop3A_170 = tpu.vector_load %arg10[%parallel_loop3A_168, %parallel_loop3A_169] {strides = array<i32>} : memref<32x128xf32, #tpu.memory_space<vmem>>, vector<16xf32>,
      %parallel_loop3A_171 = tpu.vector_load_idx %arg12[%parallel_loop3A_167] : memref<1024xf32, #tpu.memory_space<vmem>>[vector<16xi32>], vector<16xf32>,
      %parallel_loop3A_172 = arith.mulf %parallel_loop3A_170, %parallel_loop3A_171 : vector<16xf32>
      %parallel_loop3A_173 = arith.index_cast %parallel_loop3A_141 : i32 to index
      %parallel_loop3A_174 = arith.constant 32 : index
      %parallel_loop3A_175 = tpu.vector_load %arg11[%parallel_loop3A_173, %parallel_loop3A_174] {strides = array<i32>} : memref<32x128xf32, #tpu.memory_space<vmem>>, vector<16xf32>,
      tpu.vector_store %arg11[%parallel_loop3A_173, %parallel_loop3A_174], %parallel_loop3A_172 {strides = array<i32>} : memref<32x128xf32, #tpu.memory_space<vmem>>, vector<16xf32>,
      %parallel_loop3A_176 = arith.index_cast %parallel_loop3A_141 : i32 to index
      %parallel_loop3A_177 = arith.constant 48 : index
      %parallel_loop3A_178 = tpu.vector_load %arg8[%parallel_loop3A_176, %parallel_loop3A_177] {strides = array<i32>} : memref<32x128xi32, #tpu.memory_space<vmem>>, vector<16xi32>,
      %parallel_loop3A_179 = arith.index_cast %parallel_loop3A_141 : i32 to index
      %parallel_loop3A_180 = arith.constant 48 : index
      %parallel_loop3A_181 = tpu.vector_load %arg10[%parallel_loop3A_179, %parallel_loop3A_180] {strides = array<i32>} : memref<32x128xf32, #tpu.memory_space<vmem>>, vector<16xf32>,
      %parallel_loop3A_182 = tpu.vector_load_idx %arg12[%parallel_loop3A_178] : memref<1024xf32, #tpu.memory_space<vmem>>[vector<16xi32>], vector<16xf32>,
      %parallel_loop3A_183 = arith.mulf %parallel_loop3A_181, %parallel_loop3A_182 : vector<16xf32>
      %parallel_loop3A_184 = arith.index_cast %parallel_loop3A_141 : i32 to index
      %parallel_loop3A_185 = arith.constant 48 : index
      %parallel_loop3A_186 = tpu.vector_load %arg11[%parallel_loop3A_184, %parallel_loop3A_185] {strides = array<i32>} : memref<32x128xf32, #tpu.memory_space<vmem>>, vector<16xf32>,
      tpu.vector_store %arg11[%parallel_loop3A_184, %parallel_loop3A_185], %parallel_loop3A_183 {strides = array<i32>} : memref<32x128xf32, #tpu.memory_space<vmem>>, vector<16xf32>,
      %parallel_loop3A_187 = arith.index_cast %parallel_loop3A_141 : i32 to index
      %parallel_loop3A_188 = arith.constant 64 : index
      %parallel_loop3A_189 = tpu.vector_load %arg8[%parallel_loop3A_187, %parallel_loop3A_188] {strides = array<i32>} : memref<32x128xi32, #tpu.memory_space<vmem>>, vector<16xi32>,
      %parallel_loop3A_190 = arith.index_cast %parallel_loop3A_141 : i32 to index
      %parallel_loop3A_191 = arith.constant 64 : index
      %parallel_loop3A_192 = tpu.vector_load %arg10[%parallel_loop3A_190, %parallel_loop3A_191] {strides = array<i32>} : memref<32x128xf32, #tpu.memory_space<vmem>>, vector<16xf32>,
      %parallel_loop3A_193 = tpu.vector_load_idx %arg12[%parallel_loop3A_189] : memref<1024xf32, #tpu.memory_space<vmem>>[vector<16xi32>], vector<16xf32>,
      %parallel_loop3A_194 = arith.mulf %parallel_loop3A_192, %parallel_loop3A_193 : vector<16xf32>
      %parallel_loop3A_195 = arith.index_cast %parallel_loop3A_141 : i32 to index
      %parallel_loop3A_196 = arith.constant 64 : index
      %parallel_loop3A_197 = tpu.vector_load %arg11[%parallel_loop3A_195, %parallel_loop3A_196] {strides = array<i32>} : memref<32x128xf32, #tpu.memory_space<vmem>>, vector<16xf32>,
      tpu.vector_store %arg11[%parallel_loop3A_195, %parallel_loop3A_196], %parallel_loop3A_194 {strides = array<i32>} : memref<32x128xf32, #tpu.memory_space<vmem>>, vector<16xf32>,
      %parallel_loop3A_198 = arith.index_cast %parallel_loop3A_141 : i32 to index
      %parallel_loop3A_199 = arith.constant 80 : index
      %parallel_loop3A_200 = tpu.vector_load %arg8[%parallel_loop3A_198, %parallel_loop3A_199] {strides = array<i32>} : memref<32x128xi32, #tpu.memory_space<vmem>>, vector<16xi32>,
      %parallel_loop3A_201 = arith.index_cast %parallel_loop3A_141 : i32 to index
      %parallel_loop3A_202 = arith.constant 80 : index
      %parallel_loop3A_203 = tpu.vector_load %arg10[%parallel_loop3A_201, %parallel_loop3A_202] {strides = array<i32>} : memref<32x128xf32, #tpu.memory_space<vmem>>, vector<16xf32>,
      %parallel_loop3A_204 = tpu.vector_load_idx %arg12[%parallel_loop3A_200] : memref<1024xf32, #tpu.memory_space<vmem>>[vector<16xi32>], vector<16xf32>,
      %parallel_loop3A_205 = arith.mulf %parallel_loop3A_203, %parallel_loop3A_204 : vector<16xf32>
      %parallel_loop3A_206 = arith.index_cast %parallel_loop3A_141 : i32 to index
      %parallel_loop3A_207 = arith.constant 80 : index
      %parallel_loop3A_208 = tpu.vector_load %arg11[%parallel_loop3A_206, %parallel_loop3A_207] {strides = array<i32>} : memref<32x128xf32, #tpu.memory_space<vmem>>, vector<16xf32>,
      tpu.vector_store %arg11[%parallel_loop3A_206, %parallel_loop3A_207], %parallel_loop3A_205 {strides = array<i32>} : memref<32x128xf32, #tpu.memory_space<vmem>>, vector<16xf32>,
      %parallel_loop3A_209 = arith.index_cast %parallel_loop3A_141 : i32 to index
      %parallel_loop3A_210 = arith.constant 96 : index
      %parallel_loop3A_211 = tpu.vector_load %arg8[%parallel_loop3A_209, %parallel_loop3A_210] {strides = array<i32>} : memref<32x128xi32, #tpu.memory_space<vmem>>, vector<16xi32>,
      %parallel_loop3A_212 = arith.index_cast %parallel_loop3A_141 : i32 to index
      %parallel_loop3A_213 = arith.constant 96 : index
      %parallel_loop3A_214 = tpu.vector_load %arg10[%parallel_loop3A_212, %parallel_loop3A_213] {strides = array<i32>} : memref<32x128xf32, #tpu.memory_space<vmem>>, vector<16xf32>,
      %parallel_loop3A_215 = tpu.vector_load_idx %arg12[%parallel_loop3A_211] : memref<1024xf32, #tpu.memory_space<vmem>>[vector<16xi32>], vector<16xf32>,
      %parallel_loop3A_216 = arith.mulf %parallel_loop3A_214, %parallel_loop3A_215 : vector<16xf32>
      %parallel_loop3A_217 = arith.index_cast %parallel_loop3A_141 : i32 to index
      %parallel_loop3A_218 = arith.constant 96 : index
      %parallel_loop3A_219 = tpu.vector_load %arg11[%parallel_loop3A_217, %parallel_loop3A_218] {strides = array<i32>} : memref<32x128xf32, #tpu.memory_space<vmem>>, vector<16xf32>,
      tpu.vector_store %arg11[%parallel_loop3A_217, %parallel_loop3A_218], %parallel_loop3A_216 {strides = array<i32>} : memref<32x128xf32, #tpu.memory_space<vmem>>, vector<16xf32>,
      %parallel_loop3A_220 = arith.index_cast %parallel_loop3A_141 : i32 to index
      %parallel_loop3A_221 = arith.constant 112 : index
      %parallel_loop3A_222 = tpu.vector_load %arg8[%parallel_loop3A_220, %parallel_loop3A_221] {strides = array<i32>} : memref<32x128xi32, #tpu.memory_space<vmem>>, vector<16xi32>,
      %parallel_loop3A_223 = arith.index_cast %parallel_loop3A_141 : i32 to index
      %parallel_loop3A_224 = arith.constant 112 : index
      %parallel_loop3A_225 = tpu.vector_load %arg10[%parallel_loop3A_223, %parallel_loop3A_224] {strides = array<i32>} : memref<32x128xf32, #tpu.memory_space<vmem>>, vector<16xf32>,
      %parallel_loop3A_226 = tpu.vector_load_idx %arg12[%parallel_loop3A_222] : memref<1024xf32, #tpu.memory_space<vmem>>[vector<16xi32>], vector<16xf32>,
      %parallel_loop3A_227 = arith.mulf %parallel_loop3A_225, %parallel_loop3A_226 : vector<16xf32>
      %parallel_loop3A_228 = arith.index_cast %parallel_loop3A_141 : i32 to index
      %parallel_loop3A_229 = arith.constant 112 : index
      %parallel_loop3A_230 = tpu.vector_load %arg11[%parallel_loop3A_228, %parallel_loop3A_229] {strides = array<i32>} : memref<32x128xf32, #tpu.memory_space<vmem>>, vector<16xf32>,
      tpu.vector_store %arg11[%parallel_loop3A_228, %parallel_loop3A_229], %parallel_loop3A_227 {strides = array<i32>} : memref<32x128xf32, #tpu.memory_space<vmem>>, vector<16xf32>,
      %parallel_loop3A_231 = arith.constant 0 : i32
      %parallel_loop3A_232 = tpu.memref_slice %arg11[%parallel_loop3A_141, %parallel_loop3A_231] : memref<32x128xf32, #tpu.memory_space<vmem>> -> memref<1x128xf32, #tpu.memory_space<vmem>>
      %parallel_loop3A_233 = tpu.memref_squeeze %parallel_loop3A_232 : memref<1x128xf32, #tpu.memory_space<vmem>> -> memref<128xf32, #tpu.memory_space<vmem>>
      %parallel_loop3A_234 = arith.constant 0 : i32
      %parallel_loop3A_235 = tpu.memref_slice %arg9[%parallel_loop3A_141, %parallel_loop3A_234] : memref<32x128xi32, #tpu.memory_space<vmem>> -> memref<1x128xi32, #tpu.memory_space<vmem>>
      %parallel_loop3A_236 = tpu.memref_squeeze %parallel_loop3A_235 : memref<1x128xi32, #tpu.memory_space<vmem>> -> memref<128xi32, #tpu.memory_space<vmem>>
      %parallel_loop3A_237 = arith.constant 0 : i32
      %parallel_loop3A_238 = tpu.memref_slice %arg21[%parallel_loop3A_237] : memref<1024xf32, #tpu.memory_space<vmem_shared>> -> memref<1024xf32, #tpu.memory_space<vmem_shared>>
      tpu.enqueue_indirect_dma source(%parallel_loop3A_233 : memref<128xf32, #tpu.memory_space<vmem>>) target(%parallel_loop3A_238 : memref<1024xf32, #tpu.memory_space<vmem_shared>>) offsets(%parallel_loop3A_236 : memref<128xi32, #tpu.memory_space<vmem>>) semaphore(%arg20 : memref<!tpu.dma_semaphore, #tpu.memory_space<semaphore_mem>>) {add = true}
      scf.yield %parallel_loop3A_142 : i32
    } {sc.loop_unroll_factor = 4 : i64, sc.parallel_access}
    %scan3A_107 = arith.constant 0 : i32
    %scan3A_108 = arith.constant 0 : i32
    %scan3A_109 = arith.constant 32 : i32
    %scan3A_110 = arith.addi %scan3A_108, %scan3A_109 : i32
    %scan3A_111 = arith.constant 1 : i32
    %scan3A_112 = scf.for %scan3A_141 = %scan3A_108 to %scan3A_110 step %scan3A_111 iter_args(%scan3A_142 = %scan3A_107) -> (i32)  : i32 {
      %dma_wait3A_143 = arith.constant 0 : i32
      %dma_wait3A_144 = tpu.memref_slice %arg11[%scan3A_141, %dma_wait3A_143] : memref<32x128xf32, #tpu.memory_space<vmem>> -> memref<1x128xf32, #tpu.memory_space<vmem>>
      %dma_wait3A_145 = tpu.memref_squeeze %dma_wait3A_144 : memref<1x128xf32, #tpu.memory_space<vmem>> -> memref<128xf32, #tpu.memory_space<vmem>>
      %dma_wait3A_146 = arith.constant 0 : i32
      %dma_wait3A_147 = tpu.memref_slice %arg9[%scan3A_141, %dma_wait3A_146] : memref<32x128xi32, #tpu.memory_space<vmem>> -> memref<1x128xi32, #tpu.memory_space<vmem>>
      %dma_wait3A_148 = tpu.memref_squeeze %dma_wait3A_147 : memref<1x128xi32, #tpu.memory_space<vmem>> -> memref<128xi32, #tpu.memory_space<vmem>>
      %dma_wait3A_149 = arith.constant 0 : i32
      %dma_wait3A_150 = tpu.memref_slice %arg21[%dma_wait3A_149] : memref<1024xf32, #tpu.memory_space<vmem_shared>> -> memref<1024xf32, #tpu.memory_space<vmem_shared>>
      tpu.wait_indirect_dma semaphore(%arg20 : memref<!tpu.dma_semaphore, #tpu.memory_space<semaphore_mem>>) src(%dma_wait3A_145 : memref<128xf32, #tpu.memory_space<vmem>>) dst(%dma_wait3A_150 : memref<1024xf32, #tpu.memory_space<vmem_shared>>)
      %scan3A_151 = arith.constant 0 : i32
      scf.yield %scan3A_151 : i32
    }
    %scan3A_113 = arith.constant 32 : i32
    %barrier3A_114 = arith.constant 0 : index
    tpu.barrier barrier_id(%barrier3A_114)
    "tpu.region"() ({
      %run_scoped3A = tpu.sem_alloc : memref<!tpu.dma_semaphore, #tpu.memory_space<semaphore_mem>>
      tpu.enqueue_dma source(%arg21 : memref<1024xf32, #tpu.memory_space<vmem_shared>>) target(%arg14 : memref<1024xf32, #tpu.memory_space<vmem>>) target_semaphore(%run_scoped3A : memref<!tpu.dma_semaphore, #tpu.memory_space<semaphore_mem>>)
      tpu.wait_dma2 semaphore(%run_scoped3A : memref<!tpu.dma_semaphore, #tpu.memory_space<semaphore_mem>>) src(%arg21 : memref<1024xf32, #tpu.memory_space<vmem_shared>>) dst(%arg14 : memref<1024xf32, #tpu.memory_space<vmem>>)
      tpu.yield
    }) : () -> ()
    "tpu.region"() ({
      %run_scoped3A = tpu.sem_alloc : memref<!tpu.dma_semaphore, #tpu.memory_space<semaphore_mem>>
      %dma_start3A_141 = tpu.memref_slice %arg22[%mul3A_0] : memref<1024xf32, #tpu.memory_space<vmem_shared>> -> memref<64xf32, #tpu.memory_space<vmem_shared>>
      %dma_start3A_142 = tpu.memref_slice %arg22[%mul3A_0] : memref<1024xf32, #tpu.memory_space<vmem_shared>> -> memref<64xf32, #tpu.memory_space<vmem_shared>>
      tpu.enqueue_dma source(%arg17 : memref<64xf32, #tpu.memory_space<vmem>>) target(%dma_start3A_142 : memref<64xf32, #tpu.memory_space<vmem_shared>>) target_semaphore(%run_scoped3A : memref<!tpu.dma_semaphore, #tpu.memory_space<semaphore_mem>>)
      %dma_wait3A_143 = tpu.memref_slice %arg22[%mul3A_0] : memref<1024xf32, #tpu.memory_space<vmem_shared>> -> memref<64xf32, #tpu.memory_space<vmem_shared>>
      %dma_wait3A_144 = tpu.memref_slice %arg22[%mul3A_0] : memref<1024xf32, #tpu.memory_space<vmem_shared>> -> memref<64xf32, #tpu.memory_space<vmem_shared>>
      tpu.wait_dma2 semaphore(%run_scoped3A : memref<!tpu.dma_semaphore, #tpu.memory_space<semaphore_mem>>) src(%arg17 : memref<64xf32, #tpu.memory_space<vmem>>) dst(%dma_wait3A_144 : memref<64xf32, #tpu.memory_space<vmem_shared>>)
      tpu.yield
    }) : () -> ()
    %parallel_loop3A_115 = arith.constant 0 : i32
    %parallel_loop3A_116 = arith.constant 64 : i32
    %parallel_loop3A_117 = arith.constant 1 : i32
    %parallel_loop3A_118 = arith.constant 0 : i32
    %parallel_loop3A_119 = scf.for %parallel_loop3A_141 = %parallel_loop3A_115 to %parallel_loop3A_116 step %parallel_loop3A_117 iter_args(%parallel_loop3A_142 = %parallel_loop3A_118) -> (i32)  : i32 {
      %parallel_loop3A_143 = arith.constant 16 : i32
      %parallel_loop3A_144 = arith.muli %parallel_loop3A_141, %parallel_loop3A_143 : i32
      %parallel_loop3A_145 = arith.index_cast %parallel_loop3A_144 : i32 to index
      %parallel_loop3A_146 = tpu.vector_load %arg13[%parallel_loop3A_145] {strides = array<i32>} : memref<1024xf32, #tpu.memory_space<vmem>>, vector<16xf32>,
      %parallel_loop3A_147 = arith.index_cast %parallel_loop3A_144 : i32 to index
      %parallel_loop3A_148 = tpu.vector_load %arg14[%parallel_loop3A_147] {strides = array<i32>} : memref<1024xf32, #tpu.memory_space<vmem>>, vector<16xf32>,
      %parallel_loop3A_149 = arith.mulf %parallel_loop3A_146, %parallel_loop3A_146 : vector<16xf32>
      %parallel_loop3A_150 = arith.index_cast %parallel_loop3A_144 : i32 to index
      %parallel_loop3A_151 = tpu.vector_load %arg12[%parallel_loop3A_150] {strides = array<i32>} : memref<1024xf32, #tpu.memory_space<vmem>>, vector<16xf32>,
      %parallel_loop3A_152 = arith.mulf %parallel_loop3A_149, %parallel_loop3A_151 : vector<16xf32>
      %parallel_loop3A_153 = arith.addf %parallel_loop3A_148, %parallel_loop3A_152 : vector<16xf32>
      %parallel_loop3A_154 = arith.index_cast %parallel_loop3A_144 : i32 to index
      %parallel_loop3A_155 = tpu.vector_load %arg12[%parallel_loop3A_154] {strides = array<i32>} : memref<1024xf32, #tpu.memory_space<vmem>>, vector<16xf32>,
      tpu.vector_store %arg12[%parallel_loop3A_154], %parallel_loop3A_153 {strides = array<i32>} : memref<1024xf32, #tpu.memory_space<vmem>>, vector<16xf32>,
      scf.yield %parallel_loop3A_142 : i32
    } {sc.loop_unroll_factor = 4 : i64, sc.parallel_access}
    %barrier3A_120 = arith.constant 0 : index
    tpu.barrier barrier_id(%barrier3A_120)
    %parallel_loop3A_121 = arith.constant 0 : i32
    %parallel_loop3A_122 = arith.constant 32 : i32
    %parallel_loop3A_123 = arith.constant 1 : i32
    %parallel_loop3A_124 = arith.constant 0 : i32
    %parallel_loop3A_125 = scf.for %parallel_loop3A_141 = %parallel_loop3A_121 to %parallel_loop3A_122 step %parallel_loop3A_123 iter_args(%parallel_loop3A_142 = %parallel_loop3A_124) -> (i32)  : i32 {
      %parallel_loop3A_143 = arith.index_cast %parallel_loop3A_141 : i32 to index
      %parallel_loop3A_144 = arith.constant 0 : index
      %parallel_loop3A_145 = tpu.vector_load %arg8[%parallel_loop3A_143, %parallel_loop3A_144] {strides = array<i32>} : memref<32x128xi32, #tpu.memory_space<vmem>>, vector<16xi32>,
      %parallel_loop3A_146 = arith.index_cast %parallel_loop3A_141 : i32 to index
      %parallel_loop3A_147 = arith.constant 0 : index
      %parallel_loop3A_148 = tpu.vector_load %arg10[%parallel_loop3A_146, %parallel_loop3A_147] {strides = array<i32>} : memref<32x128xf32, #tpu.memory_space<vmem>>, vector<16xf32>,
      %parallel_loop3A_149 = tpu.vector_load_idx %arg12[%parallel_loop3A_145] : memref<1024xf32, #tpu.memory_space<vmem>>[vector<16xi32>], vector<16xf32>,
      %parallel_loop3A_150 = arith.mulf %parallel_loop3A_148, %parallel_loop3A_149 : vector<16xf32>
      %parallel_loop3A_151 = arith.index_cast %parallel_loop3A_141 : i32 to index
      %parallel_loop3A_152 = arith.constant 0 : index
      %parallel_loop3A_153 = tpu.vector_load %arg11[%parallel_loop3A_151, %parallel_loop3A_152] {strides = array<i32>} : memref<32x128xf32, #tpu.memory_space<vmem>>, vector<16xf32>,
      tpu.vector_store %arg11[%parallel_loop3A_151, %parallel_loop3A_152], %parallel_loop3A_150 {strides = array<i32>} : memref<32x128xf32, #tpu.memory_space<vmem>>, vector<16xf32>,
      %parallel_loop3A_154 = arith.index_cast %parallel_loop3A_141 : i32 to index
      %parallel_loop3A_155 = arith.constant 16 : index
      %parallel_loop3A_156 = tpu.vector_load %arg8[%parallel_loop3A_154, %parallel_loop3A_155] {strides = array<i32>} : memref<32x128xi32, #tpu.memory_space<vmem>>, vector<16xi32>,
      %parallel_loop3A_157 = arith.index_cast %parallel_loop3A_141 : i32 to index
      %parallel_loop3A_158 = arith.constant 16 : index
      %parallel_loop3A_159 = tpu.vector_load %arg10[%parallel_loop3A_157, %parallel_loop3A_158] {strides = array<i32>} : memref<32x128xf32, #tpu.memory_space<vmem>>, vector<16xf32>,
      %parallel_loop3A_160 = tpu.vector_load_idx %arg12[%parallel_loop3A_156] : memref<1024xf32, #tpu.memory_space<vmem>>[vector<16xi32>], vector<16xf32>,
      %parallel_loop3A_161 = arith.mulf %parallel_loop3A_159, %parallel_loop3A_160 : vector<16xf32>
      %parallel_loop3A_162 = arith.index_cast %parallel_loop3A_141 : i32 to index
      %parallel_loop3A_163 = arith.constant 16 : index
      %parallel_loop3A_164 = tpu.vector_load %arg11[%parallel_loop3A_162, %parallel_loop3A_163] {strides = array<i32>} : memref<32x128xf32, #tpu.memory_space<vmem>>, vector<16xf32>,
      tpu.vector_store %arg11[%parallel_loop3A_162, %parallel_loop3A_163], %parallel_loop3A_161 {strides = array<i32>} : memref<32x128xf32, #tpu.memory_space<vmem>>, vector<16xf32>,
      %parallel_loop3A_165 = arith.index_cast %parallel_loop3A_141 : i32 to index
      %parallel_loop3A_166 = arith.constant 32 : index
      %parallel_loop3A_167 = tpu.vector_load %arg8[%parallel_loop3A_165, %parallel_loop3A_166] {strides = array<i32>} : memref<32x128xi32, #tpu.memory_space<vmem>>, vector<16xi32>,
      %parallel_loop3A_168 = arith.index_cast %parallel_loop3A_141 : i32 to index
      %parallel_loop3A_169 = arith.constant 32 : index
      %parallel_loop3A_170 = tpu.vector_load %arg10[%parallel_loop3A_168, %parallel_loop3A_169] {strides = array<i32>} : memref<32x128xf32, #tpu.memory_space<vmem>>, vector<16xf32>,
      %parallel_loop3A_171 = tpu.vector_load_idx %arg12[%parallel_loop3A_167] : memref<1024xf32, #tpu.memory_space<vmem>>[vector<16xi32>], vector<16xf32>,
      %parallel_loop3A_172 = arith.mulf %parallel_loop3A_170, %parallel_loop3A_171 : vector<16xf32>
      %parallel_loop3A_173 = arith.index_cast %parallel_loop3A_141 : i32 to index
      %parallel_loop3A_174 = arith.constant 32 : index
      %parallel_loop3A_175 = tpu.vector_load %arg11[%parallel_loop3A_173, %parallel_loop3A_174] {strides = array<i32>} : memref<32x128xf32, #tpu.memory_space<vmem>>, vector<16xf32>,
      tpu.vector_store %arg11[%parallel_loop3A_173, %parallel_loop3A_174], %parallel_loop3A_172 {strides = array<i32>} : memref<32x128xf32, #tpu.memory_space<vmem>>, vector<16xf32>,
      %parallel_loop3A_176 = arith.index_cast %parallel_loop3A_141 : i32 to index
      %parallel_loop3A_177 = arith.constant 48 : index
      %parallel_loop3A_178 = tpu.vector_load %arg8[%parallel_loop3A_176, %parallel_loop3A_177] {strides = array<i32>} : memref<32x128xi32, #tpu.memory_space<vmem>>, vector<16xi32>,
      %parallel_loop3A_179 = arith.index_cast %parallel_loop3A_141 : i32 to index
      %parallel_loop3A_180 = arith.constant 48 : index
      %parallel_loop3A_181 = tpu.vector_load %arg10[%parallel_loop3A_179, %parallel_loop3A_180] {strides = array<i32>} : memref<32x128xf32, #tpu.memory_space<vmem>>, vector<16xf32>,
      %parallel_loop3A_182 = tpu.vector_load_idx %arg12[%parallel_loop3A_178] : memref<1024xf32, #tpu.memory_space<vmem>>[vector<16xi32>], vector<16xf32>,
      %parallel_loop3A_183 = arith.mulf %parallel_loop3A_181, %parallel_loop3A_182 : vector<16xf32>
      %parallel_loop3A_184 = arith.index_cast %parallel_loop3A_141 : i32 to index
      %parallel_loop3A_185 = arith.constant 48 : index
      %parallel_loop3A_186 = tpu.vector_load %arg11[%parallel_loop3A_184, %parallel_loop3A_185] {strides = array<i32>} : memref<32x128xf32, #tpu.memory_space<vmem>>, vector<16xf32>,
      tpu.vector_store %arg11[%parallel_loop3A_184, %parallel_loop3A_185], %parallel_loop3A_183 {strides = array<i32>} : memref<32x128xf32, #tpu.memory_space<vmem>>, vector<16xf32>,
      %parallel_loop3A_187 = arith.index_cast %parallel_loop3A_141 : i32 to index
      %parallel_loop3A_188 = arith.constant 64 : index
      %parallel_loop3A_189 = tpu.vector_load %arg8[%parallel_loop3A_187, %parallel_loop3A_188] {strides = array<i32>} : memref<32x128xi32, #tpu.memory_space<vmem>>, vector<16xi32>,
      %parallel_loop3A_190 = arith.index_cast %parallel_loop3A_141 : i32 to index
      %parallel_loop3A_191 = arith.constant 64 : index
      %parallel_loop3A_192 = tpu.vector_load %arg10[%parallel_loop3A_190, %parallel_loop3A_191] {strides = array<i32>} : memref<32x128xf32, #tpu.memory_space<vmem>>, vector<16xf32>,
      %parallel_loop3A_193 = tpu.vector_load_idx %arg12[%parallel_loop3A_189] : memref<1024xf32, #tpu.memory_space<vmem>>[vector<16xi32>], vector<16xf32>,
      %parallel_loop3A_194 = arith.mulf %parallel_loop3A_192, %parallel_loop3A_193 : vector<16xf32>
      %parallel_loop3A_195 = arith.index_cast %parallel_loop3A_141 : i32 to index
      %parallel_loop3A_196 = arith.constant 64 : index
      %parallel_loop3A_197 = tpu.vector_load %arg11[%parallel_loop3A_195, %parallel_loop3A_196] {strides = array<i32>} : memref<32x128xf32, #tpu.memory_space<vmem>>, vector<16xf32>,
      tpu.vector_store %arg11[%parallel_loop3A_195, %parallel_loop3A_196], %parallel_loop3A_194 {strides = array<i32>} : memref<32x128xf32, #tpu.memory_space<vmem>>, vector<16xf32>,
      %parallel_loop3A_198 = arith.index_cast %parallel_loop3A_141 : i32 to index
      %parallel_loop3A_199 = arith.constant 80 : index
      %parallel_loop3A_200 = tpu.vector_load %arg8[%parallel_loop3A_198, %parallel_loop3A_199] {strides = array<i32>} : memref<32x128xi32, #tpu.memory_space<vmem>>, vector<16xi32>,
      %parallel_loop3A_201 = arith.index_cast %parallel_loop3A_141 : i32 to index
      %parallel_loop3A_202 = arith.constant 80 : index
      %parallel_loop3A_203 = tpu.vector_load %arg10[%parallel_loop3A_201, %parallel_loop3A_202] {strides = array<i32>} : memref<32x128xf32, #tpu.memory_space<vmem>>, vector<16xf32>,
      %parallel_loop3A_204 = tpu.vector_load_idx %arg12[%parallel_loop3A_200] : memref<1024xf32, #tpu.memory_space<vmem>>[vector<16xi32>], vector<16xf32>,
      %parallel_loop3A_205 = arith.mulf %parallel_loop3A_203, %parallel_loop3A_204 : vector<16xf32>
      %parallel_loop3A_206 = arith.index_cast %parallel_loop3A_141 : i32 to index
      %parallel_loop3A_207 = arith.constant 80 : index
      %parallel_loop3A_208 = tpu.vector_load %arg11[%parallel_loop3A_206, %parallel_loop3A_207] {strides = array<i32>} : memref<32x128xf32, #tpu.memory_space<vmem>>, vector<16xf32>,
      tpu.vector_store %arg11[%parallel_loop3A_206, %parallel_loop3A_207], %parallel_loop3A_205 {strides = array<i32>} : memref<32x128xf32, #tpu.memory_space<vmem>>, vector<16xf32>,
      %parallel_loop3A_209 = arith.index_cast %parallel_loop3A_141 : i32 to index
      %parallel_loop3A_210 = arith.constant 96 : index
      %parallel_loop3A_211 = tpu.vector_load %arg8[%parallel_loop3A_209, %parallel_loop3A_210] {strides = array<i32>} : memref<32x128xi32, #tpu.memory_space<vmem>>, vector<16xi32>,
      %parallel_loop3A_212 = arith.index_cast %parallel_loop3A_141 : i32 to index
      %parallel_loop3A_213 = arith.constant 96 : index
      %parallel_loop3A_214 = tpu.vector_load %arg10[%parallel_loop3A_212, %parallel_loop3A_213] {strides = array<i32>} : memref<32x128xf32, #tpu.memory_space<vmem>>, vector<16xf32>,
      %parallel_loop3A_215 = tpu.vector_load_idx %arg12[%parallel_loop3A_211] : memref<1024xf32, #tpu.memory_space<vmem>>[vector<16xi32>], vector<16xf32>,
      %parallel_loop3A_216 = arith.mulf %parallel_loop3A_214, %parallel_loop3A_215 : vector<16xf32>
      %parallel_loop3A_217 = arith.index_cast %parallel_loop3A_141 : i32 to index
      %parallel_loop3A_218 = arith.constant 96 : index
      %parallel_loop3A_219 = tpu.vector_load %arg11[%parallel_loop3A_217, %parallel_loop3A_218] {strides = array<i32>} : memref<32x128xf32, #tpu.memory_space<vmem>>, vector<16xf32>,
      tpu.vector_store %arg11[%parallel_loop3A_217, %parallel_loop3A_218], %parallel_loop3A_216 {strides = array<i32>} : memref<32x128xf32, #tpu.memory_space<vmem>>, vector<16xf32>,
      %parallel_loop3A_220 = arith.index_cast %parallel_loop3A_141 : i32 to index
      %parallel_loop3A_221 = arith.constant 112 : index
      %parallel_loop3A_222 = tpu.vector_load %arg8[%parallel_loop3A_220, %parallel_loop3A_221] {strides = array<i32>} : memref<32x128xi32, #tpu.memory_space<vmem>>, vector<16xi32>,
      %parallel_loop3A_223 = arith.index_cast %parallel_loop3A_141 : i32 to index
      %parallel_loop3A_224 = arith.constant 112 : index
      %parallel_loop3A_225 = tpu.vector_load %arg10[%parallel_loop3A_223, %parallel_loop3A_224] {strides = array<i32>} : memref<32x128xf32, #tpu.memory_space<vmem>>, vector<16xf32>,
      %parallel_loop3A_226 = tpu.vector_load_idx %arg12[%parallel_loop3A_222] : memref<1024xf32, #tpu.memory_space<vmem>>[vector<16xi32>], vector<16xf32>,
      %parallel_loop3A_227 = arith.mulf %parallel_loop3A_225, %parallel_loop3A_226 : vector<16xf32>
      %parallel_loop3A_228 = arith.index_cast %parallel_loop3A_141 : i32 to index
      %parallel_loop3A_229 = arith.constant 112 : index
      %parallel_loop3A_230 = tpu.vector_load %arg11[%parallel_loop3A_228, %parallel_loop3A_229] {strides = array<i32>} : memref<32x128xf32, #tpu.memory_space<vmem>>, vector<16xf32>,
      tpu.vector_store %arg11[%parallel_loop3A_228, %parallel_loop3A_229], %parallel_loop3A_227 {strides = array<i32>} : memref<32x128xf32, #tpu.memory_space<vmem>>, vector<16xf32>,
      %parallel_loop3A_231 = arith.constant 0 : i32
      %parallel_loop3A_232 = tpu.memref_slice %arg11[%parallel_loop3A_141, %parallel_loop3A_231] : memref<32x128xf32, #tpu.memory_space<vmem>> -> memref<1x128xf32, #tpu.memory_space<vmem>>
      %parallel_loop3A_233 = tpu.memref_squeeze %parallel_loop3A_232 : memref<1x128xf32, #tpu.memory_space<vmem>> -> memref<128xf32, #tpu.memory_space<vmem>>
      %parallel_loop3A_234 = arith.constant 0 : i32
      %parallel_loop3A_235 = tpu.memref_slice %arg9[%parallel_loop3A_141, %parallel_loop3A_234] : memref<32x128xi32, #tpu.memory_space<vmem>> -> memref<1x128xi32, #tpu.memory_space<vmem>>
      %parallel_loop3A_236 = tpu.memref_squeeze %parallel_loop3A_235 : memref<1x128xi32, #tpu.memory_space<vmem>> -> memref<128xi32, #tpu.memory_space<vmem>>
      %parallel_loop3A_237 = arith.constant 0 : i32
      %parallel_loop3A_238 = tpu.memref_slice %arg22[%parallel_loop3A_237] : memref<1024xf32, #tpu.memory_space<vmem_shared>> -> memref<1024xf32, #tpu.memory_space<vmem_shared>>
      tpu.enqueue_indirect_dma source(%parallel_loop3A_233 : memref<128xf32, #tpu.memory_space<vmem>>) target(%parallel_loop3A_238 : memref<1024xf32, #tpu.memory_space<vmem_shared>>) offsets(%parallel_loop3A_236 : memref<128xi32, #tpu.memory_space<vmem>>) semaphore(%arg20 : memref<!tpu.dma_semaphore, #tpu.memory_space<semaphore_mem>>) {add = true}
      scf.yield %parallel_loop3A_142 : i32
    } {sc.loop_unroll_factor = 4 : i64, sc.parallel_access}
    %scan3A_126 = arith.constant 0 : i32
    %scan3A_127 = arith.constant 0 : i32
    %scan3A_128 = arith.constant 32 : i32
    %scan3A_129 = arith.addi %scan3A_127, %scan3A_128 : i32
    %scan3A_130 = arith.constant 1 : i32
    %scan3A_131 = scf.for %scan3A_141 = %scan3A_127 to %scan3A_129 step %scan3A_130 iter_args(%scan3A_142 = %scan3A_126) -> (i32)  : i32 {
      %dma_wait3A_143 = arith.constant 0 : i32
      %dma_wait3A_144 = tpu.memref_slice %arg11[%scan3A_141, %dma_wait3A_143] : memref<32x128xf32, #tpu.memory_space<vmem>> -> memref<1x128xf32, #tpu.memory_space<vmem>>
      %dma_wait3A_145 = tpu.memref_squeeze %dma_wait3A_144 : memref<1x128xf32, #tpu.memory_space<vmem>> -> memref<128xf32, #tpu.memory_space<vmem>>
      %dma_wait3A_146 = arith.constant 0 : i32
      %dma_wait3A_147 = tpu.memref_slice %arg9[%scan3A_141, %dma_wait3A_146] : memref<32x128xi32, #tpu.memory_space<vmem>> -> memref<1x128xi32, #tpu.memory_space<vmem>>
      %dma_wait3A_148 = tpu.memref_squeeze %dma_wait3A_147 : memref<1x128xi32, #tpu.memory_space<vmem>> -> memref<128xi32, #tpu.memory_space<vmem>>
      %dma_wait3A_149 = arith.constant 0 : i32
      %dma_wait3A_150 = tpu.memref_slice %arg22[%dma_wait3A_149] : memref<1024xf32, #tpu.memory_space<vmem_shared>> -> memref<1024xf32, #tpu.memory_space<vmem_shared>>
      tpu.wait_indirect_dma semaphore(%arg20 : memref<!tpu.dma_semaphore, #tpu.memory_space<semaphore_mem>>) src(%dma_wait3A_145 : memref<128xf32, #tpu.memory_space<vmem>>) dst(%dma_wait3A_150 : memref<1024xf32, #tpu.memory_space<vmem_shared>>)
      %scan3A_151 = arith.constant 0 : i32
      scf.yield %scan3A_151 : i32
    }
    %scan3A_132 = arith.constant 32 : i32
    %barrier3A_133 = arith.constant 0 : index
    tpu.barrier barrier_id(%barrier3A_133)
    %eq3A = arith.constant 0 : i32
    %eq3A_134 = arith.cmpi eq, %arg1, %eq3A : i32
    %convert_element_type3A = arith.extui %eq3A_134 : i1 to i32
    %cond3A = arith.constant 0 : i32
    %cond3A_135 = arith.cmpi ne, %convert_element_type3A, %cond3A : i32
    scf.if %cond3A_135 {
      "tpu.region"() ({
        %run_scoped3A = tpu.sem_alloc : memref<!tpu.dma_semaphore, #tpu.memory_space<semaphore_mem>>
        tpu.enqueue_dma source(%arg22 : memref<1024xf32, #tpu.memory_space<vmem_shared>>) target(%arg14 : memref<1024xf32, #tpu.memory_space<vmem>>) target_semaphore(%run_scoped3A : memref<!tpu.dma_semaphore, #tpu.memory_space<semaphore_mem>>)
        tpu.wait_dma2 semaphore(%run_scoped3A : memref<!tpu.dma_semaphore, #tpu.memory_space<semaphore_mem>>) src(%arg22 : memref<1024xf32, #tpu.memory_space<vmem_shared>>) dst(%arg14 : memref<1024xf32, #tpu.memory_space<vmem>>)
        tpu.yield
      }) : () -> ()
      %parallel_loop3A_141 = arith.constant 0 : i32
      %parallel_loop3A_142 = arith.constant 64 : i32
      %parallel_loop3A_143 = arith.constant 1 : i32
      %parallel_loop3A_144 = arith.constant 0 : i32
      %parallel_loop3A_145 = scf.for %parallel_loop3A_146 = %parallel_loop3A_141 to %parallel_loop3A_142 step %parallel_loop3A_143 iter_args(%parallel_loop3A_147 = %parallel_loop3A_144) -> (i32)  : i32 {
        %parallel_loop3A_148 = arith.constant 16 : i32
        %parallel_loop3A_149 = arith.muli %parallel_loop3A_146, %parallel_loop3A_148 : i32
        %parallel_loop3A_150 = arith.index_cast %parallel_loop3A_149 : i32 to index
        %parallel_loop3A_151 = tpu.vector_load %arg13[%parallel_loop3A_150] {strides = array<i32>} : memref<1024xf32, #tpu.memory_space<vmem>>, vector<16xf32>,
        %parallel_loop3A_152 = arith.index_cast %parallel_loop3A_149 : i32 to index
        %parallel_loop3A_153 = tpu.vector_load %arg14[%parallel_loop3A_152] {strides = array<i32>} : memref<1024xf32, #tpu.memory_space<vmem>>, vector<16xf32>,
        %parallel_loop3A_154 = arith.mulf %parallel_loop3A_151, %parallel_loop3A_151 : vector<16xf32>
        %parallel_loop3A_155 = arith.index_cast %parallel_loop3A_149 : i32 to index
        %parallel_loop3A_156 = tpu.vector_load %arg12[%parallel_loop3A_155] {strides = array<i32>} : memref<1024xf32, #tpu.memory_space<vmem>>, vector<16xf32>,
        %parallel_loop3A_157 = arith.mulf %parallel_loop3A_154, %parallel_loop3A_156 : vector<16xf32>
        %parallel_loop3A_158 = arith.addf %parallel_loop3A_153, %parallel_loop3A_157 : vector<16xf32>
        %parallel_loop3A_159 = arith.index_cast %parallel_loop3A_149 : i32 to index
        %parallel_loop3A_160 = tpu.vector_load %arg12[%parallel_loop3A_159] {strides = array<i32>} : memref<1024xf32, #tpu.memory_space<vmem>>, vector<16xf32>,
        tpu.vector_store %arg12[%parallel_loop3A_159], %parallel_loop3A_158 {strides = array<i32>} : memref<1024xf32, #tpu.memory_space<vmem>>, vector<16xf32>,
        scf.yield %parallel_loop3A_147 : i32
      } {sc.loop_unroll_factor = 4 : i64, sc.parallel_access}
    } else {
    }
    %eq3A_136 = arith.constant 0 : i32
    %eq3A_137 = arith.cmpi eq, %arg1, %eq3A_136 : i32
    %convert_element_type3A_138 = arith.extui %eq3A_137 : i1 to i32
    %cond3A_139 = arith.constant 0 : i32
    %cond3A_140 = arith.cmpi ne, %convert_element_type3A_138, %cond3A_139 : i32
    scf.if %cond3A_140 {
      "tpu.region"() ({
        %run_scoped3A = tpu.sem_alloc : memref<!tpu.dma_semaphore, #tpu.memory_space<semaphore_mem>>
        tpu.enqueue_dma source(%arg6 : memref<1024xf32, #tpu.memory_space<hbm>>) target(%arg15 : memref<1024xf32, #tpu.memory_space<vmem>>) target_semaphore(%run_scoped3A : memref<!tpu.dma_semaphore, #tpu.memory_space<semaphore_mem>>)
        tpu.wait_dma2 semaphore(%run_scoped3A : memref<!tpu.dma_semaphore, #tpu.memory_space<semaphore_mem>>) src(%arg6 : memref<1024xf32, #tpu.memory_space<hbm>>) dst(%arg15 : memref<1024xf32, #tpu.memory_space<vmem>>)
        tpu.yield
      }) : () -> ()
      %broadcast_in_dim3A_141 = arith.constant -1.000000e+30 : f32
      %broadcast_in_dim3A_142 = vector.broadcast %broadcast_in_dim3A_141 : f32 to vector<16xf32>
      %parallel_loop3A_143 = arith.constant 0 : i32
      %parallel_loop3A_144 = arith.constant 64 : i32
      %parallel_loop3A_145 = arith.constant 1 : i32
      %parallel_loop3A_146 = scf.for %parallel_loop3A_168 = %parallel_loop3A_143 to %parallel_loop3A_144 step %parallel_loop3A_145 iter_args(%parallel_loop3A_169 = %broadcast_in_dim3A_142) -> (vector<16xf32>)  : i32 {
        %parallel_loop3A_170 = arith.constant 16 : i32
        %parallel_loop3A_171 = arith.muli %parallel_loop3A_168, %parallel_loop3A_170 : i32
        %parallel_loop3A_172 = arith.index_cast %parallel_loop3A_171 : i32 to index
        %parallel_loop3A_173 = tpu.vector_load %arg12[%parallel_loop3A_172] {strides = array<i32>} : memref<1024xf32, #tpu.memory_space<vmem>>, vector<16xf32>,
        %parallel_loop3A_174 = arith.maximumf %parallel_loop3A_169, %parallel_loop3A_173 : vector<16xf32>
        scf.yield %parallel_loop3A_174 : vector<16xf32>
      } {sc.loop_unroll_factor = 4 : i64, sc.parallel_access}
      %reduce_max3A = arith.constant true
      %reduce_max3A_147 = vector.broadcast %reduce_max3A : i1 to vector<16xi1>
      %reduce_max3A_148 = tpu.scan <max>, %parallel_loop3A_146 masked %reduce_max3A_147 : vector<16xf32>, vector<16xi1> -> vector<16xf32>
      %reduce_max3A_149 = vector.extract %reduce_max3A_148[15] : f32 from vector<16xf32>
      %scan3A_150 = arith.constant 0 : i32
      %scan3A_151 = arith.constant 64 : i32
      %scan3A_152 = arith.addi %scan3A_150, %scan3A_151 : i32
      %scan3A_153 = arith.constant 1 : i32
      %scan3A_154:2 = scf.for %scan3A_168 = %scan3A_150 to %scan3A_152 step %scan3A_153 iter_args(%scan3A_169 = %broadcast_in_dim3A_24, %scan3A_170 = %broadcast_in_dim3A_24) -> (vector<16xf32>, vector<16xf32>)  : i32 {
        %mul3A_171 = arith.constant 16 : i32
        %mul3A_172 = arith.muli %scan3A_168, %mul3A_171 : i32
        %get3A = arith.index_cast %mul3A_172 : i32 to index
        %get3A_173 = tpu.vector_load %arg12[%get3A] {strides = array<i32>} : memref<1024xf32, #tpu.memory_space<vmem>>, vector<16xf32>,
        %sub3A = vector.broadcast %reduce_max3A_149 : f32 to vector<16xf32>
        %sub3A_174 = arith.subf %get3A_173, %sub3A : vector<16xf32>
        %exp3A = math.exp %sub3A_174 : vector<16xf32>
        %add3A_175 = arith.addf %scan3A_169, %exp3A : vector<16xf32>
        %get3A_176 = arith.index_cast %mul3A_172 : i32 to index
        %get3A_177 = tpu.vector_load %arg15[%get3A_176] {strides = array<i32>} : memref<1024xf32, #tpu.memory_space<vmem>>, vector<16xf32>,
        %mul3A_178 = arith.mulf %exp3A, %get3A_177 : vector<16xf32>
        %add3A_179 = arith.addf %scan3A_170, %mul3A_178 : vector<16xf32>
        scf.yield %add3A_175, %add3A_179 : vector<16xf32>, vector<16xf32>
      }
      %scan3A_155 = arith.constant 64 : i32
      %reduce_sum3A = arith.constant true
      %reduce_sum3A_156 = vector.broadcast %reduce_sum3A : i1 to vector<16xi1>
      %reduce_sum3A_157 = tpu.scan <sum>, %scan3A_154#1 masked %reduce_sum3A_156 : vector<16xf32>, vector<16xi1> -> vector<16xf32>
      %reduce_sum3A_158 = vector.extract %reduce_sum3A_157[15] : f32 from vector<16xf32>
      %add3A = vector.broadcast %reduce_sum3A_158 : f32 to vector<16xf32>
      %add3A_159 = arith.addf %broadcast_in_dim3A_24, %add3A : vector<16xf32>
      %reduce_sum3A_160 = arith.constant true
      %reduce_sum3A_161 = vector.broadcast %reduce_sum3A_160 : i1 to vector<16xi1>
      %reduce_sum3A_162 = tpu.scan <sum>, %scan3A_154#0 masked %reduce_sum3A_161 : vector<16xf32>, vector<16xi1> -> vector<16xf32>
      %reduce_sum3A_163 = vector.extract %reduce_sum3A_162[15] : f32 from vector<16xf32>
      %add3A_164 = vector.broadcast %reduce_sum3A_163 : f32 to vector<16xf32>
      %add3A_165 = arith.addf %broadcast_in_dim3A_24, %add3A_164 : vector<16xf32>
      %div3A = arith.divf %add3A_159, %add3A_165 : vector<16xf32>
      %swap3A_166 = arith.constant 0 : index
      %swap3A_167 = tpu.vector_load %arg18[%swap3A_166] {strides = array<i32>} : memref<16xf32, #tpu.memory_space<vmem>>, vector<16xf32>,
      tpu.vector_store %arg18[%swap3A_166], %div3A {strides = array<i32>} : memref<16xf32, #tpu.memory_space<vmem>>, vector<16xf32>,
      "tpu.region"() ({
        %run_scoped3A = tpu.sem_alloc : memref<!tpu.dma_semaphore, #tpu.memory_space<semaphore_mem>>
        tpu.enqueue_dma source(%arg18 : memref<16xf32, #tpu.memory_space<vmem>>) target(%arg7 : memref<16xf32, #tpu.memory_space<hbm>>) target_semaphore(%run_scoped3A : memref<!tpu.dma_semaphore, #tpu.memory_space<semaphore_mem>>)
        tpu.wait_dma2 semaphore(%run_scoped3A : memref<!tpu.dma_semaphore, #tpu.memory_space<semaphore_mem>>) src(%arg18 : memref<16xf32, #tpu.memory_space<vmem>>) dst(%arg7 : memref<16xf32, #tpu.memory_space<hbm>>)
        tpu.yield
      }) : () -> ()
    } else {
    }
    return
  }
}

module attributes {stable_mosaic.version = 14 : i64} {
  func.func @_dense_body(%arg0: memref<1024x4xf32, #tpu.memory_space<vmem>>, %arg1: memref<4x1024xf32, #tpu.memory_space<vmem>>, %arg2: memref<1024x1024xf32, #tpu.memory_space<vmem>>, %arg3: memref<1024x1xf32, #tpu.memory_space<vmem>>, %arg4: memref<1024x1xf32, #tpu.memory_space<vmem>>) attributes {dimension_semantics = [], scalar_prefetch = 0 : i64, scratch_operands = 0 : i64, tpu.core_type = #tpu.core_type<tc>} {
    %get3A = arith.constant 0 : index
    %get3A_0 = arith.constant 0 : index
    %get3A_1 = vector.load %arg2[%get3A, %get3A_0] : memref<1024x1024xf32, #tpu.memory_space<vmem>>, vector<1024x1024xf32>
    %get3A_2 = arith.constant 0 : index
    %get3A_3 = arith.constant 0 : index
    %get3A_4 = vector.load %arg3[%get3A_2, %get3A_3] : memref<1024x1xf32, #tpu.memory_space<vmem>>, vector<1024x1xf32>
    %dot_general3A = arith.constant dense<0.000000e+00> : vector<1024x1xf32>
    %dot_general3A_5 = tpu.matmul %get3A_1, %get3A_4, %dot_general3A {dimension_numbers = #tpu.dot_dimension_numbers<[1], [0], [0], [1], [0, 0, 1, 1], [], []>, transpose_lhs_hint = false} : vector<1024x1024xf32>, vector<1024x1xf32>, vector<1024x1xf32> -> vector<1024x1xf32>
    %get3A_6 = arith.constant 0 : index
    %get3A_7 = arith.constant 0 : index
    %get3A_8 = vector.load %arg1[%get3A_6, %get3A_7] : memref<4x1024xf32, #tpu.memory_space<vmem>>, vector<4x1024xf32>
    %dot_general3A_9 = arith.constant dense<0.000000e+00> : vector<4x1xf32>
    %dot_general3A_10 = tpu.matmul %get3A_8, %dot_general3A_5, %dot_general3A_9 {dimension_numbers = #tpu.dot_dimension_numbers<[1], [0], [0], [1], [0, 0, 1, 1], [], []>, transpose_lhs_hint = false} : vector<4x1024xf32>, vector<1024x1xf32>, vector<4x1xf32> -> vector<4x1xf32>
    %get3A_11 = arith.constant 0 : index
    %get3A_12 = arith.constant 0 : index
    %get3A_13 = vector.load %arg0[%get3A_11, %get3A_12] : memref<1024x4xf32, #tpu.memory_space<vmem>>, vector<1024x4xf32>
    %dot_general3A_14 = arith.constant dense<0.000000e+00> : vector<1024x1xf32>
    %dot_general3A_15 = tpu.matmul %get3A_13, %dot_general3A_10, %dot_general3A_14 {dimension_numbers = #tpu.dot_dimension_numbers<[1], [0], [0], [1], [0, 0, 1, 1], [], []>, transpose_lhs_hint = false} : vector<1024x4xf32>, vector<4x1xf32>, vector<1024x1xf32> -> vector<1024x1xf32>
    %swap3A = arith.constant 0 : index
    %swap3A_16 = arith.constant 0 : index
    %swap3A_17 = vector.load %arg4[%swap3A, %swap3A_16] : memref<1024x1xf32, #tpu.memory_space<vmem>>, vector<1024x1xf32>
    tpu.vector_store %arg4[%swap3A, %swap3A_16], %dot_general3A_15 {strides = array<i32>} : memref<1024x1xf32, #tpu.memory_space<vmem>>, vector<1024x1xf32>,
    return
  }
}

</mosaic_0001>

<sc_bundles>
// kernel: kernel.4.cloned.1.call-start
scs
__scs_entry_jumppad:
0x0: {  	(pc) =	sbr.rel $0x88, $3  }
0x1: {  	(tag) =	ssettag $0x0;
	lr =	simm.s32 $0x1  }
0x2: {  	[smem:$0x3F9A] =	sst lr;
	_ =	strace $0xD0000000  }
0x3: {  	_ = 	snop  }
0x4: {  	_ = 	snop  }
0x5: {  	_ = 	snop  }
0x6: {  	_ = 	snop  }
0x7: {  	_ = 	snop  }
__scs_overlays_trampoline_lowered:
0x8: {  	[smem:$0x3FA9] =	sst s0  }
0x9: {  	[smem:$0x3FAA] =	sst s1  }
0xa: {  	[smem:$0x3FAB] =	sst s2  }
0xb: {  	[smem:$0x3FAC] =	sst s3  }
0xc: {  	[smem:$0x3FAD] =	sst s4  }
0xd: {  	[smem:$0x3FAE] =	sst s5  }
0xe: {  	[smem:$0x3FAF] =	sst s6  }
0xf: {  	[smem:$0x3FB0] =	sst s7  }
0x10: {  	[smem:$0x3FB1] =	sst s8  }
0x11: {  	[smem:$0x3FB2] =	sst s9;
	s0 =	simm.s32 @!p0 $0x0  }
0x12: {  	s1 =	sld [smem:$0x3F98];
	s0 =	simm.s32 @p0 $0x1  }
0x13: {  	[smem:$0x3FB3] =	sst s0;
	s0 =	simm.s32 @!p1 $0x0  }
0x14: {  	s2 =	sld [smem:$0x3F97];
	s0 =	simm.s32 @p1 $0x1  }
0x15: {  	[smem:$0x3FB4] =	sst s0;
	s0 =	simm.s32 @!p2 $0x0  }
0x16: {  	s3 =	sld [smem:$0x3FDB];
	s0 =	simm.s32 @p2 $0x1  }
0x17: {  	s4 =	simm.s32 $0x1BF5;
	[smem:$0x3FB6] =	sst s0  }
0x18: {  	s0 =	sld [smem:$0x3F99];
	_ =	swait.ge [sflag:s4], $0x0  }
0x19: {  	s7 =	sld [smem:$0x3F9A]  }
0x1a: {  	s8 =	sadd.s32 $0xFFFFE003, lr  }
0x1b: {  	s9 =	sadd.s32 $0xFFFFFEF7, lr;
	s5 =	simm.s32 $0xFFFFFFFF;
	p2 =	slt.u32 s8, $0xFFFFF086  }
0x1c: {  	p1 =	slt.u32 s9, $0xF7A;
	s5 =	simm.s32 @!p2 $0x0  }
0x1d: {  	s5 =	simm.s32 @p1 $0x1;
	p0 =	seq.s32 s7, s2  }
0x1e: {  	s7 =	smul.u32 @!p0 $0xF7A, s2;
	p2 =	seq.s32 @!p0 s5, $0x0  }
0x1f: {  	s9 =	smul.u32 $0xF7A, s1;
	s8 =	simm.s32 @!p0 $0x1BF5;
	p2 =	por !p2, p0  }
0x20: {  	[sflag:s8] =	ssyncset.s32 @!p0 $0xFFFFF086;
	s6 =	sadd.s32 @!p0 s3, s7;
	s7 =	simm.s32 @!p0 $0x108  }
0x21: {  	s3 =	sadd.s32 s3, s9;
	s6 =	sadd.s32 @!p0 $0x88, s6;
	s7 =	simm.s32 @p2 $0x1082  }
0x22: {  	[simem:s7], [sflag:s8] =	dma.local @!p0 [hbm:s6], $0xF7A  }
0x23: {  	s9 =	sor.u32 $0xD0000000, s2;
	s6 =	simm.s32 $0x108;
	_ =	swait.ge @!p0 [sflag:s8], $0x0  }
0x24: {  	s3 =	sadd.s32 $0x88, s3;
	s6 =	simm.s32 @!p1 $0x1082;
	[sflag:s4] =	ssyncset.s32 $0xFFFFF086  }
0x25: {  	[simem:s6], [sflag:s4] =	dma.local [hbm:s3], $0xF7A  }
0x26: {  	[smem:$0x3F9A] =	sst s1;
	(tag) =	ssettag s2;
	_ =	strace s9  }
0x27: {  	s1 =	sld [smem:$0x3FAA]  }
0x28: {  	s2 =	sld [smem:$0x3FAB]  }
0x29: {  	s4 =	sld [smem:$0x3FAD]  }
0x2a: {  	p0 =	seq.s32 s5, $0x0;
	s5 =	sld [smem:$0x3FAE]  }
0x2b: {  	s6 =	sld [smem:$0x3FAF]  }
0x2c: {  	s7 =	sld [smem:$0x3FB0]  }
0x2d: {  	s3 =	simm.s32 $0x108;
	s8 =	sld [smem:$0x3FB1]  }
0x2e: {  	s3 =	simm.s32 @!p0 $0x1082;
	s9 =	sld [smem:$0x3FB2]  }
0x2f: {  	lr =	sadd.s32 s0, s3;
	s0 =	sld [smem:$0x3FA9]  }
0x30: {  	s3 =	sld [smem:$0x3FAC]  }
0x31: {  	[smem:$0x3FB5] =	sst s10  }
0x32: {  	s10 =	sld [smem:$0x3FB3];
	_ =	sdelay $0x3  }
0x33: {  	p0 =	seq.s32 s10, $0x1;
	s10 =	sld [smem:$0x3FB5];
	_ =	sdelay $0x3  }
0x34: {  	[smem:$0x3FB5] =	sst s10  }
0x35: {  	s10 =	sld [smem:$0x3FB4];
	_ =	sdelay $0x3  }
0x36: {  	p1 =	seq.s32 s10, $0x1;
	s10 =	sld [smem:$0x3FB5];
	_ =	sdelay $0x3  }
0x37: {  	[smem:$0x3FB5] =	sst s10  }
0x38: {  	s10 =	sld [smem:$0x3FB6]  }
0x39: {  	_ = 	snop;
	(pc) =	sbr.ind lr, $3  }
0x3a: {  	_ = 	snop  }
0x3b: {  	_ = 	snop  }
0x3c: {  	p2 =	seq.s32 s10, $0x1;
	s10 =	sld [smem:$0x3FB5]  }
0x3d: {  	_ =	shalt  }
0x3e: {  	_ =	shalt  }
0x3f: {  	_ =	shalt  }
0x40: {  	_ =	shalt  }
0x41: {  	_ =	shalt  }
0x42: {  	_ =	shalt  }
0x43: {  	_ =	shalt  }
0x44: {  	_ =	shalt  }
0x45: {  	_ =	shalt  }
0x46: {  	_ =	shalt  }
0x47: {  	_ =	shalt  }
0x48: {  	_ =	shalt  }
0x49: {  	_ =	shalt  }
0x4a: {  	_ =	shalt  }
0x4b: {  	_ =	shalt  }
0x4c: {  	_ =	shalt  }
0x4d: {  	_ =	shalt  }
0x4e: {  	_ =	shalt  }
0x4f: {  	_ =	shalt  }
0x50: {  	_ =	shalt  }
0x51: {  	_ =	shalt  }
0x52: {  	_ =	shalt  }
0x53: {  	_ =	shalt  }
0x54: {  	_ =	shalt  }
0x55: {  	_ =	shalt  }
0x56: {  	_ =	shalt  }
0x57: {  	_ =	shalt  }
0x58: {  	_ =	shalt  }
0x59: {  	_ =	shalt  }
0x5a: {  	_ =	shalt  }
0x5b: {  	_ =	shalt  }
0x5c: {  	_ =	shalt  }
0x5d: {  	_ =	shalt  }
0x5e: {  	_ =	shalt  }
0x5f: {  	_ =	shalt  }
0x60: {  	_ =	shalt  }
0x61: {  	_ =	shalt  }
0x62: {  	_ =	shalt  }
0x63: {  	_ =	shalt  }
0x64: {  	_ =	shalt  }
0x65: {  	_ =	shalt  }
0x66: {  	_ =	shalt  }
0x67: {  	_ =	shalt  }
0x68: {  	_ =	shalt  }
0x69: {  	_ =	shalt  }
0x6a: {  	_ =	shalt  }
0x6b: {  	_ =	shalt  }
0x6c: {  	_ =	shalt  }
0x6d: {  	_ =	shalt  }
0x6e: {  	_ =	shalt  }
0x6f: {  	_ =	shalt  }
0x70: {  	_ =	shalt  }
0x71: {  	_ =	shalt  }
0x72: {  	_ =	shalt  }
0x73: {  	_ =	shalt  }
0x74: {  	_ =	shalt  }
0x75: {  	_ =	shalt  }
0x76: {  	_ =	shalt  }
0x77: {  	_ =	shalt  }
0x78: {  	_ =	shalt  }
0x79: {  	_ =	shalt  }
0x7a: {  	_ =	shalt  }
0x7b: {  	_ =	shalt  }
0x7c: {  	_ =	shalt  }
0x7d: {  	_ =	shalt  }
0x7e: {  	_ =	shalt  }
0x7f: {  	_ =	shalt  }
0x80: {  	_ =	shalt  }
0x81: {  	_ =	shalt  }
0x82: {  	_ =	shalt  }
0x83: {  	_ =	shalt  }
0x84: {  	_ =	shalt  }
0x85: {  	_ =	shalt  }
0x86: {  	_ =	shalt  }
0x87: {  	_ =	shalt  }
.Lfunc_end0:
.L_simem_size_0:
called_computation_lowered:
.L_overlay_start_0:
0x88: {  	s0 =	sld [smem:$0x3FD9]  }
0x89: {  	s1 =	sld [smem:$0x3FFE];
	_ =	sdelay $0x3  }
0x8a: {  	s0 =	sadd.s32 s1, s0  }
0x8b: {  	[smem:$0x3FC1] =	sst s0  }
0x8c: {  	_ = 	snop  }
0x8d: {  	s0 =	sld [smem:$0x3FC7]  }
0x8e: {  	s16 =	sld [smem:$0x3FC3]  }
0x8f: {  	s2 =	sld [smem:$0x3FD0];
	(tm) =	ssettm $0x1  }
0x90: {  	s3 =	sld [smem:$0x3FFB];
	_ =	sdelay $0x3  }
0x91: {  	_ =	strace s3  }
0x92: {  	s3 =	sld [smem:$0x3FFC];
	_ =	sdelay $0x3  }
0x93: {  	_ =	strace s3  }
0x94: {  	s3 =	sld [smem:$0x3FFD];
	_ =	sdelay $0x3  }
0x95: {  	_ =	strace s3  }
0x96: {  	_ =	strace $0x8FFFFFFF  }
0x97: {  	s17 =	sld [smem:$0x3FDB];
	_ =	sdelay $0x1  }
0x98: {  	s4 =	simm.s32 $_scs_section_size  }
0x99: {  	s5 =	simm.s32 $_size__tile_overlayer_lowered;
	s6 =	simm.s32 $_tile_overlayer_lowered  }
0x9a: {  	s20 =	simm.s32 $0x1BFF;
	s19 =	sshll.u32 s6, $0x1;
	s3 =	sadd.s32 s4, s17  }
0x9b: {  	s7 =	simm.s32 $0x0;
	s18 =	sshll.u32 s5, $0x1;
	s5 =	sadd.s32 s19, s3  }
0x9c: {  	[timem:s7], [sflag:s20] =	dma.local [hbm:s5], s18  }
0x9d: {  	_ =	swait.ge [sflag:s20], s18  }
0x9e: {  	s4 =	ssub.s32 $0x0, s18;
	[sflag:s20] =	ssyncset.done $0x0  }
0x9f: {  	[sflag:s20] =	ssyncadd.s32 s4;
	_ =	sdelay $0x1  }
0xa0: {  	s21 =	simm.s32 $0x1B8B  }
0xa1: {  	_ =	swait.ge [sflag:s21], $0x1  }
0xa2: {  	[sflag:s21] =	ssyncset.done $0x0  }
0xa3: {  	s23 =	simm.s32 $0x1B8E;
	s22 =	sld [smem:$0x3FFE];
	[sflag:s21] =	ssyncadd.s32 $0xFFFFFFFF  }
0xa4: {  	s24 =	simm.s32 $execute0_lowered;
	[smem:$0x3FD2] =	sst s23  }
0xa5: {  	s5 =	sshll.u32 s24, $0x1;
	_ =	strace $0x80000046;
	[dreg:$0x1] =	wrdreg $0xFFFFFFFF  }
0xa6: {  	s25 =	simm.s32 $_size_execute0_lowered;
	s3 =	sadd.s32 s3, s5;
	[dreg:$0x0] =	wrdreg $0x0  }
0xa7: {  	s5 =	sshll.u32 s25, $0x1;
	[dreg:$0x2] =	wrdreg s3  }
0xa8: {  	[dreg:$0x3] =	wrdreg s5  }
0xa9: {  	[dreg:$0x4] =	wrdreg $0xC0  }
0xaa: {  	_ =	task [dreg:s7], $0x5FFFF  }
0xab: {  	[dreg:$0x1] =	wrdreg $0xFFFFFFFF  }
0xac: {  	[dreg:$0x0] =	wrdreg $0x60  }
0xad: {  	[dreg:$0x2] =	wrdreg s22  }
0xae: {  	[dreg:$0x3] =	wrdreg s0  }
0xaf: {  	[dreg:$0x4] =	wrdreg s16  }
0xb0: {  	[dreg:$0x5] =	wrdreg s2  }
0xb1: {  	[dreg:$0x6] =	wrdreg $0x51800  }
0xb2: {  	[dreg:$0x7] =	wrdreg $0x51C00  }
0xb3: {  	[dreg:$0x8] =	wrdreg $0x9  }
0xb4: {  	_ =	task.clear_ibuf [dreg:s7], $0x9FFFF;
	_ =	strace $0x90000046  }
0xb5: {  	s26 =	simm.s32 $0x9;
	_ =	strace $0x80000048  }
0xb6: {  	_ =	swait.ge [sflag:s26], $0x1  }
0xb7: {  	[sflag:s26] =	ssyncadd.s32 $0xFFFFFFFF  }
0xb8: {  	_ =	strace $0x90000048  }
0xb9: {  	_ =	sfence  }
0xba: {  	s28 =	sld [smem:$0x0];
	_ =	sdelay $0x1  }
0xbb: {  	s29 =	srdreg.scid  }
0xbc: {  	s30 =	sshll.u32 s29, $0xD;
	s31 =	sshrl.u32 s29, $0x2  }
0xbd: {  	s1 =	sand.u32 $0x1, s29;
	s2 =	sand.u32 $0x4000, s30;
	s0 =	sadd.s32 s31, s28  }
0xbe: {  	s1 =	sor.u32 s2, s1;
	s0 =	sshll.u32 s0, $0x11  }
0xbf: {  	s0 =	sor.u32 s0, s1  }
0xc0: {  	s0 =	sadd.s32 $0x8F2B, s0  }
0xc1: {  	[sflag:s0] =	ssyncadd.remote.s32 $0x1  }
0xc2: {  	_ =	sfence.sel $0xFFFF  }
0xc3: {  	[dreg:$0x0] =	wrdreg $0xFFFFFFFF;
	(pc) =	sbr.abs _section_cstart, $3  }
0xc4: {  	[dreg:$0x1] =	wrdreg $0xFFFFFFFF  }
0xc5: {  	_ =	task.clear_ibuf [dreg:s7], $0x2FFFF;
	_ =	strace $0x9FFFFFFF  }
0xc6: {  	(tm) =	ssettm $0x7FFFFFFF  }
0xc7: {  	_ =	shalt  }
tec
execute0_lowered:
.L_overlay_start_1:
0x0: {  	(tag) =	ssettag $0x1  }
0x1: {  	s6 =	rddreg [dreg:$0x0]  }
0x2: {  	s7 =	rddreg [dreg:$0x1]  }
0x3: {  	s2 =	rddreg [dreg:$0x2]  }
0x4: {  	s1 =	rddreg [dreg:$0x3]  }
0x5: {  	s5 =	rddreg [dreg:$0x4];
	s4 =	stileid.u32  }
0x6: {  	s3 =	rddreg [dreg:$0x5];
	s8 =	simm.s32 $0x0;
	s9 =	sshll.u32 s4, $0x9  }
0x7: {  	[smem:$0x7FF] =	sst s8;
	s10 =	sadd.s32 s9, s6  }
0x8: {  	s0 =	rddreg [dreg:$0x6];
	_ =	strace $0x80000047;
	s11 =	sadd.s32 $0x2600, s10  }
0x9: {  	[tilespmem:s8], [sflag:$0x1] =	stream.linear.gather [hbm4b:s11+s8], $0x1000, $0x38;
	[tilespmem:$0x5200] =	vst v63  }
0xa: {  	s23 =	simm.s32 $0x1000;
	s10 =	sadd.s32 $0x600, s10  }
0xb: {  	[tilespmem:s23], [sflag:$0x1] =	stream.linear.gather [hbm4b:s10+s8], $0x1000, $0x38;
	[tilespmem:$0x5200] =	vst v63  }
0xc: {  	s24 =	simm.s32 $0x2000;
	s7 =	sadd.s32 s7, s9  }
0xd: {  	[tilespmem:s24], [sflag:$0x1] =	stream.linear.gather [hbm4b:s7+s8], $0x1000, $0x38;
	[tilespmem:$0x5200] =	vst v63  }
0xe: {  	s25 =	simm.s32 $0x4000;
	s6 =	sadd.s32 $0x4600, s6  }
0xf: {  	v0 =	vimm.f32 $1.000000000e+00;
	[tilespmem:s25], [sflag:$0x1] =	stream.linear.gather [hbm4b:s6+s8], $0x400, $0x38;
	[tilespmem:$0x5200] =	vst v63  }
0x10: {  	v1 =	vimm.f32 $0.0e+00;
	[tilespmem:$0x5000] =	vst v0  }
0x11: {  	[tilespmem:$0x5080] =	vst v1  }
0x12: {  	[tilespmem:$0x5010] =	vst v0  }
0x13: {  	[tilespmem:$0x5090] =	vst v1  }
0x14: {  	[tilespmem:$0x5020] =	vst v0  }
0x15: {  	[tilespmem:$0x50A0] =	vst v1  }
0x16: {  	[tilespmem:$0x5030] =	vst v0  }
0x17: {  	s26 =	simm.s32 $0x1;
	[tilespmem:$0x50B0] =	vst v1  }
0x18: {  	_ =	swait.ge [sflag:s26], $0x1000  }
0x19: {  	[sflag:s26] =	ssyncset.done $0x0  }
0x1a: {  	[sflag:s26] =	ssyncadd.s32 $0xFFFFF000  }
0x1b: {  	_ =	swait.ge [sflag:s26], $0x1000  }
0x1c: {  	[sflag:s26] =	ssyncset.done $0x0  }
0x1d: {  	[sflag:s26] =	ssyncadd.s32 $0xFFFFF000  }
0x1e: {  	_ =	swait.ge [sflag:s26], $0x1000  }
0x1f: {  	s29 =	simm.s32 $0x5000;
	s28 =	sshll.u32 s4, $0x6;
	[sflag:s26] =	ssyncset.done $0x0  }
0x20: {  	s30 =	simm.s32 $0x3;
	s7 =	sadd.s32 s28, s5;
	[sflag:s26] =	ssyncadd.s32 $0xFFFFF000  }
0x21: {  	[spmem:s7] =	stream.linear.scatter [tilespmem:s29], [sflag:$0x3], $0x40, $0x38;
	[tilespmem:$0x5200] =	vst v63  }
0x22: {  	_ =	swait.ge [sflag:s30], $0x40  }
0x23: {  	[sflag:s30] =	ssyncset.done $0x0  }
0x24: {  	s31 =	simm.s32 $0x5080;
	s6 =	sadd.s32 s28, s3;
	[sflag:s30] =	ssyncadd.s32 $0xFFFFFFC0  }
0x25: {  	[spmem:s6] =	stream.linear.scatter [tilespmem:s31], [sflag:$0x3], $0x40, $0x38;
	[tilespmem:$0x5200] =	vst v63  }
0x26: {  	_ =	swait.ge [sflag:s30], $0x40  }
0x27: {  	[sflag:s30] =	ssyncset.done $0x0  }
0x28: {  	s9 =	simm.s32 $0x200;
	s11 =	simm.s32 $0x1000;
	[sflag:s30] =	ssyncadd.s32 $0xFFFFFFC0  }
0x29: {  	s10 =	simm.s32 $0x2000;
	s8 =	simm.s32 $0x80;
	[bflag:$0x0] =	sbarrier.arrive $0xFFFF  }
.LBB2_1:
0x2a: {  	[spmem:s5] =	stream.indirect.scatter.add.f32 [tilespmem:s10], [sflag:$0x2], $0x1, s11, s8, $0xb8;
	[tilespmem:$0x5200] =	vst v63  }
0x2b: {  	s10 =	smov.u32 s9;
	p0 =	sne.s32 s9, $0x3E00  }
.Ltmp0:
0x2c: {  	s9 =	sadd.s32 $0x200, s9;
	(pc) =	sbr.rel @p0 .LBB2_1-.Ltmp0, $3  }
0x2d: {  	_ =	sdelay $0x1  }
0x2e: {  	s11 =	sshra.s32 s10, $0x2  }
0x2f: {  	s10 =	sadd.s32 $0x2000, s11;
	s11 =	sadd.s32 $0x1000, s11  }
0x30: {  	[spmem:s5] =	stream.indirect.scatter.add.f32 [tilespmem:s10], [sflag:$0x2], $0x1, s11, s8, $0xb8;
	[tilespmem:$0x5200] =	vst v63  }
0x31: {  	s23 =	simm.s32 $0x2  }
0x32: {  	_ =	swait.ge [sflag:s23], $0x80  }
0x33: {  	[sflag:s23] =	ssyncset.done $0x0  }
0x34: {  	[sflag:s23] =	ssyncadd.s32 $0xFFFFFF80  }
0x35: {  	_ =	swait.ge [sflag:s23], $0x80  }
0x36: {  	[sflag:s23] =	ssyncset.done $0x0  }
0x37: {  	[sflag:s23] =	ssyncadd.s32 $0xFFFFFF80  }
0x38: {  	_ =	swait.ge [sflag:s23], $0x80  }
0x39: {  	[sflag:s23] =	ssyncset.done $0x0  }
0x3a: {  	[sflag:s23] =	ssyncadd.s32 $0xFFFFFF80  }
0x3b: {  	_ =	swait.ge [sflag:s23], $0x80  }
0x3c: {  	[sflag:s23] =	ssyncset.done $0x0  }
0x3d: {  	[sflag:s23] =	ssyncadd.s32 $0xFFFFFF80  }
0x3e: {  	_ =	swait.ge [sflag:s23], $0x80  }
0x3f: {  	[sflag:s23] =	ssyncset.done $0x0  }
0x40: {  	[sflag:s23] =	ssyncadd.s32 $0xFFFFFF80  }
0x41: {  	_ =	swait.ge [sflag:s23], $0x80  }
0x42: {  	[sflag:s23] =	ssyncset.done $0x0  }
0x43: {  	[sflag:s23] =	ssyncadd.s32 $0xFFFFFF80  }
0x44: {  	_ =	swait.ge [sflag:s23], $0x80  }
0x45: {  	[sflag:s23] =	ssyncset.done $0x0  }
0x46: {  	[sflag:s23] =	ssyncadd.s32 $0xFFFFFF80  }
0x47: {  	_ =	swait.ge [sflag:s23], $0x80  }
0x48: {  	[sflag:s23] =	ssyncset.done $0x0  }
0x49: {  	[sflag:s23] =	ssyncadd.s32 $0xFFFFFF80  }
0x4a: {  	_ =	swait.ge [sflag:s23], $0x80  }
0x4b: {  	[sflag:s23] =	ssyncset.done $0x0  }
0x4c: {  	[sflag:s23] =	ssyncadd.s32 $0xFFFFFF80  }
0x4d: {  	_ =	swait.ge [sflag:s23], $0x80  }
0x4e: {  	[sflag:s23] =	ssyncset.done $0x0  }
0x4f: {  	[sflag:s23] =	ssyncadd.s32 $0xFFFFFF80  }
0x50: {  	_ =	swait.ge [sflag:s23], $0x80  }
0x51: {  	[sflag:s23] =	ssyncset.done $0x0  }
0x52: {  	[sflag:s23] =	ssyncadd.s32 $0xFFFFFF80  }
0x53: {  	_ =	swait.ge [sflag:s23], $0x80  }
0x54: {  	[sflag:s23] =	ssyncset.done $0x0  }
0x55: {  	[sflag:s23] =	ssyncadd.s32 $0xFFFFFF80  }
0x56: {  	_ =	swait.ge [sflag:s23], $0x80  }
0x57: {  	[sflag:s23] =	ssyncset.done $0x0  }
0x58: {  	[sflag:s23] =	ssyncadd.s32 $0xFFFFFF80  }
0x59: {  	_ =	swait.ge [sflag:s23], $0x80  }
0x5a: {  	[sflag:s23] =	ssyncset.done $0x0  }
0x5b: {  	[sflag:s23] =	ssyncadd.s32 $0xFFFFFF80  }
0x5c: {  	_ =	swait.ge [sflag:s23], $0x80  }
0x5d: {  	[sflag:s23] =	ssyncset.done $0x0  }
0x5e: {  	[sflag:s23] =	ssyncadd.s32 $0xFFFFFF80  }
0x5f: {  	_ =	swait.ge [sflag:s23], $0x80  }
0x60: {  	[sflag:s23] =	ssyncset.done $0x0  }
0x61: {  	[sflag:s23] =	ssyncadd.s32 $0xFFFFFF80  }
0x62: {  	_ =	swait.ge [sflag:s23], $0x80  }
0x63: {  	[sflag:s23] =	ssyncset.done $0x0  }
0x64: {  	[sflag:s23] =	ssyncadd.s32 $0xFFFFFF80  }
0x65: {  	_ =	swait.ge [sflag:s23], $0x80  }
0x66: {  	[sflag:s23] =	ssyncset.done $0x0  }
0x67: {  	[sflag:s23] =	ssyncadd.s32 $0xFFFFFF80  }
0x68: {  	_ =	swait.ge [sflag:s23], $0x80  }
0x69: {  	[sflag:s23] =	ssyncset.done $0x0  }
0x6a: {  	[sflag:s23] =	ssyncadd.s32 $0xFFFFFF80  }
0x6b: {  	_ =	swait.ge [sflag:s23], $0x80  }
0x6c: {  	[sflag:s23] =	ssyncset.done $0x0  }
0x6d: {  	[sflag:s23] =	ssyncadd.s32 $0xFFFFFF80  }
0x6e: {  	_ =	swait.ge [sflag:s23], $0x80  }
0x6f: {  	[sflag:s23] =	ssyncset.done $0x0  }
0x70: {  	[sflag:s23] =	ssyncadd.s32 $0xFFFFFF80  }
0x71: {  	_ =	swait.ge [sflag:s23], $0x80  }
0x72: {  	[sflag:s23] =	ssyncset.done $0x0  }
0x73: {  	[sflag:s23] =	ssyncadd.s32 $0xFFFFFF80  }
0x74: {  	_ =	swait.ge [sflag:s23], $0x80  }
0x75: {  	[sflag:s23] =	ssyncset.done $0x0  }
0x76: {  	[sflag:s23] =	ssyncadd.s32 $0xFFFFFF80  }
0x77: {  	_ =	swait.ge [sflag:s23], $0x80  }
0x78: {  	[sflag:s23] =	ssyncset.done $0x0  }
0x79: {  	[sflag:s23] =	ssyncadd.s32 $0xFFFFFF80  }
0x7a: {  	_ =	swait.ge [sflag:s23], $0x80  }
0x7b: {  	[sflag:s23] =	ssyncset.done $0x0  }
0x7c: {  	[sflag:s23] =	ssyncadd.s32 $0xFFFFFF80  }
0x7d: {  	_ =	swait.ge [sflag:s23], $0x80  }
0x7e: {  	[sflag:s23] =	ssyncset.done $0x0  }
0x7f: {  	[sflag:s23] =	ssyncadd.s32 $0xFFFFFF80  }
0x80: {  	_ =	swait.ge [sflag:s23], $0x80  }
0x81: {  	[sflag:s23] =	ssyncset.done $0x0  }
0x82: {  	[sflag:s23] =	ssyncadd.s32 $0xFFFFFF80  }
0x83: {  	_ =	swait.ge [sflag:s23], $0x80  }
0x84: {  	[sflag:s23] =	ssyncset.done $0x0  }
0x85: {  	[sflag:s23] =	ssyncadd.s32 $0xFFFFFF80  }
0x86: {  	_ =	swait.ge [sflag:s23], $0x80  }
0x87: {  	[sflag:s23] =	ssyncset.done $0x0  }
0x88: {  	[sflag:s23] =	ssyncadd.s32 $0xFFFFFF80  }
0x89: {  	_ =	swait.ge [sflag:s23], $0x80  }
0x8a: {  	[sflag:s23] =	ssyncset.done $0x0  }
0x8b: {  	[sflag:s23] =	ssyncadd.s32 $0xFFFFFF80  }
0x8c: {  	_ =	swait.ge [sflag:s23], $0x80  }
0x8d: {  	[sflag:s23] =	ssyncset.done $0x0  }
0x8e: {  	[sflag:s23] =	ssyncadd.s32 $0xFFFFFF80  }
0x8f: {  	_ =	swait.ge [sflag:s23], $0x80  }
0x90: {  	[sflag:s23] =	ssyncset.done $0x0  }
0x91: {  	[sflag:s23] =	ssyncadd.s32 $0xFFFFFF80  }
0x92: {  	s24 =	simm.s32 $0x4800;
	s25 =	simm.s32 $0x3;
	[bflag:$0x0] =	sbarrier.arrive $0xFFFF  }
0x93: {  	[tilespmem:s24], [sflag:$0x3] =	stream.linear.gather [spmem:s5], $0x400, $0x38;
	[tilespmem:$0x5200] =	vst v63  }
0x94: {  	_ =	swait.ge [sflag:s25], $0x400  }
0x95: {  	[sflag:s25] =	ssyncset.done $0x0  }
0x96: {  	s26 =	simm.s32 $0x4820;
	[sflag:s25] =	ssyncadd.s32 $0xFFFFFC00  }
0x97: {  	v0 =	vld [tilespmem:s26+$0x10];
	_ =	sdelay $0x4  }
0x98: {  	v1 =	vshra.s32 v0, $0x1;
	v3 =	vmul.f32 $5.000000000e-01, v0  }
0x99: {  	v2 =	vld [tilespmem:s26+$0xFFFFFFF0];
	v0 =	vsub.s32 $0x5F3759DF, v1  }
0x9a: {  	v1 =	vmul.f32 v0, v3;
	_ =	sdelay $0x1  }
0x9b: {  	v4 =	vld [tilespmem:s26+$0xFFFFFFE0];
	v1 =	vmul.f32 v0, v1;
	_ =	sdelay $0x1  }
0x9c: {  	v5 =	vld [tilespmem:s26+$0x0];
	v6 =	vshra.s32 v2, $0x1;
	v22 =	vmul.f32 $5.000000000e-01, v2;
	v1 =	vsub.f32 $1.500000000e+00, v1  }
0x9d: {  	s28 =	simm.s32 $0x4860;
	v2 =	vsub.s32 $0x5F3759DF, v6  }
0x9e: {  	v7 =	vmul.f32 v2, v22;
	v0 =	vmul.f32 v0, v1;
	v1 =	vld [tilespmem:s28+$0x10]  }
0x9f: {  	v10 =	vmul.f32 $5.000000000e-01, v4;
	v4 =	vshra.s32 v4, $0x1  }
0xa0: {  	v4 =	vsub.s32 $0x5F3759DF, v4;
	v7 =	vmul.f32 v2, v7;
	v6 =	vmul.f32 v0, v3  }
0xa1: {  	v27 =	vmul.f32 $5.000000000e-01, v5;
	v5 =	vshra.s32 v5, $0x1;
	v8 =	vmul.f32 v4, v10  }
0xa2: {  	v11 =	vsub.s32 $0x5F3759DF, v5;
	v5 =	vsub.f32 $1.500000000e+00, v7;
	v6 =	vmul.f32 v6, v0  }
0xa3: {  	s30 =	simm.s32 $0x48E0;
	v9 =	vshra.s32 v1, $0x1;
	v13 =	vmul.f32 $5.000000000e-01, v1;
	v1 =	vmul.f32 v4, v8  }
0xa4: {  	v31 =	vld [tilespmem:s30+$0x10];
	v6 =	vsub.f32 $1.500000000e+00, v6;
	v8 =	vsub.s32 $0x5F3759DF, v9  }
0xa5: {  	v12 =	vmul.f32 v2, v5;
	v7 =	vmul.f32 v8, v13;
	v1 =	vsub.f32 $1.500000000e+00, v1  }
0xa6: {  	v9 =	vmul.f32 v11, v27;
	v6 =	vmul.f32 v6, v0;
	v0 =	vld [tilespmem:s28+$0xFFFFFFF0]  }
0xa7: {  	v2 =	vmul.f32 v8, v7;
	v1 =	vmul.f32 v4, v1  }
0xa8: {  	v4 =	vmul.f32 v11, v9;
	v7 =	vmul.f32 v12, v22  }
0xa9: {  	v34 =	vmul.f32 $5.000000000e-01, v31;
	v9 =	vld [tilespmem:s28+$0xFFFFFFE0];
	v5 =	vmul.f32 v6, v3;
	v2 =	vsub.f32 $1.500000000e+00, v2  }
0xaa: {  	v14 =	vmul.f32 v1, v10;
	v4 =	vsub.f32 $1.500000000e+00, v4;
	v26 =	vmul.f32 v7, v12  }
0xab: {  	v5 =	vmul.f32 v5, v6;
	v16 =	vshra.s32 v0, $0x1;
	v0 =	vmul.f32 $5.000000000e-01, v0  }
0xac: {  	v8 =	vmul.f32 v8, v2;
	v14 =	vmul.f32 v14, v1  }
0xad: {  	v15 =	vld [tilespmem:s28+$0x0];
	v24 =	vmul.f32 v11, v4;
	v63 =	vsub.f32 $1.500000000e+00, v26;
	v16 =	vsub.s32 $0x5F3759DF, v16  }
0xae: {  	v2 =	vsub.f32 $1.500000000e+00, v5;
	v5 =	vmul.f32 $5.000000000e-01, v9;
	v17 =	vmul.f32 v16, v0  }
0xaf: {  	v18 =	vmul.f32 v8, v13;
	v14 =	vsub.f32 $1.500000000e+00, v14;
	v37 =	vmul.f32 v24, v27  }
0xb0: {  	v49 =	vmul.f32 v63, v12;
	v19 =	vmul.f32 v2, v6;
	v2 =	vshra.s32 v9, $0x1  }
0xb1: {  	s29 =	simm.s32 $0x48A0;
	v6 =	vsub.s32 $0x5F3759DF, v2;
	v9 =	vmul.f32 v16, v17;
	v17 =	vmul.f32 v18, v8  }
0xb2: {  	v20 =	vld [tilespmem:s29+$0x10];
	v18 =	vshra.s32 v15, $0x1;
	v2 =	vmul.f32 $5.000000000e-01, v15;
	v15 =	vmul.f32 v6, v5  }
0xb3: {  	v37 =	vmul.f32 v37, v24;
	v18 =	vsub.s32 $0x5F3759DF, v18;
	v3 =	vmul.f32 v19, v3  }
0xb4: {  	v9 =	vsub.f32 $1.500000000e+00, v9;
	v17 =	vsub.f32 $1.500000000e+00, v17;
	v15 =	vmul.f32 v6, v15  }
0xb5: {  	v21 =	vmul.f32 v18, v2;
	v37 =	vsub.f32 $1.500000000e+00, v37;
	v3 =	vmul.f32 v3, v19  }
0xb6: {  	v9 =	vmul.f32 v16, v9;
	v8 =	vmul.f32 v17, v8;
	v15 =	vsub.f32 $1.500000000e+00, v15  }
0xb7: {  	v16 =	vmul.f32 v18, v21;
	v21 =	vshra.s32 v20, $0x1;
	v20 =	vmul.f32 $5.000000000e-01, v20  }
0xb8: {  	v17 =	vmul.f32 v8, v13;
	v25 =	vmul.f32 v6, v15;
	v6 =	vld [tilespmem:s29+$0xFFFFFFF0]  }
0xb9: {  	v14 =	vmul.f32 v14, v1;
	v37 =	vmul.f32 v37, v24;
	v15 =	vsub.s32 $0x5F3759DF, v21  }
0xba: {  	v28 =	vld [tilespmem:s29+$0x0];
	v3 =	vsub.f32 $1.500000000e+00, v3;
	v17 =	vmul.f32 v17, v8;
	v21 =	vmul.f32 v15, v20  }
0xbb: {  	v23 =	vmul.f32 v9, v0;
	v7 =	vmul.f32 v25, v5  }
0xbc: {  	v4 =	vld [tilespmem:s29+$0xFFFFFFE0];
	v36 =	vmul.f32 v3, v19;
	v11 =	vmul.f32 v15, v21;
	v17 =	vsub.f32 $1.500000000e+00, v17  }
0xbd: {  	v38 =	vmul.f32 v23, v9;
	v7 =	vmul.f32 v7, v25;
	v21 =	vshra.s32 v6, $0x1  }
0xbe: {  	v1 =	vmul.f32 $5.000000000e-01, v6;
	v6 =	vsub.f32 $1.500000000e+00, v11;
	v29 =	vmul.f32 v17, v8  }
0xbf: {  	v11 =	vshra.s32 v28, $0x1;
	v8 =	vsub.s32 $0x5F3759DF, v21;
	v21 =	vmul.f32 v14, v10  }
0xc0: {  	v30 =	vsub.s32 $0x5F3759DF, v11;
	v17 =	vmul.f32 v8, v1;
	v15 =	vmul.f32 v15, v6  }
0xc1: {  	v6 =	vmul.f32 $5.000000000e-01, v4;
	v4 =	vshra.s32 v4, $0x1;
	v13 =	vmul.f32 v29, v13  }
0xc2: {  	v32 =	vsub.s32 $0x5F3759DF, v4;
	v11 =	vmul.f32 v8, v17;
	v17 =	vmul.f32 v15, v20  }
0xc3: {  	v4 =	vmul.f32 $5.000000000e-01, v28;
	v28 =	vmul.f32 v32, v6  }
0xc4: {  	v21 =	vmul.f32 v21, v14;
	v11 =	vsub.f32 $1.500000000e+00, v11;
	v17 =	vmul.f32 v17, v15  }
0xc5: {  	v13 =	vmul.f32 v13, v29;
	v3 =	vmul.f32 v32, v28  }
0xc6: {  	v11 =	vmul.f32 v8, v11;
	v8 =	vsub.f32 $1.500000000e+00, v17;
	v17 =	vshra.s32 v31, $0x1  }
0xc7: {  	v33 =	vmul.f32 v30, v4;
	v3 =	vsub.f32 $1.500000000e+00, v3;
	v17 =	vsub.s32 $0x5F3759DF, v17  }
0xc8: {  	v8 =	vmul.f32 v8, v15;
	v15 =	vmul.f32 v17, v34  }
0xc9: {  	v13 =	vsub.f32 $1.500000000e+00, v13;
	v31 =	vmul.f32 v30, v33;
	v32 =	vmul.f32 v32, v3  }
0xca: {  	v3 =	vsub.f32 $1.500000000e+00, v7;
	v7 =	vld [tilespmem:s30+$0xFFFFFFF0];
	v19 =	vmul.f32 v8, v20;
	v15 =	vmul.f32 v17, v15  }
0xcb: {  	v35 =	vld [tilespmem:s30+$0x0];
	v16 =	vsub.f32 $1.500000000e+00, v16;
	v43 =	vmul.f32 v13, v29;
	v59 =	vmul.f32 v11, v1  }
0xcc: {  	v23 =	vld [tilespmem:s30+$0xFFFFFFE0];
	v28 =	vmul.f32 v32, v6;
	v19 =	vmul.f32 v19, v8;
	v39 =	vsub.f32 $1.500000000e+00, v15  }
0xcd: {  	v40 =	vmul.f32 v3, v25;
	v46 =	vmul.f32 v59, v11  }
0xce: {  	v15 =	vmul.f32 v18, v16;
	v19 =	vsub.f32 $1.500000000e+00, v19;
	v18 =	vmul.f32 v17, v39  }
0xcf: {  	v21 =	vsub.f32 $1.500000000e+00, v21;
	v16 =	vmul.f32 v28, v32;
	v3 =	vmul.f32 $5.000000000e-01, v7  }
0xd0: {  	v60 =	vmul.f32 v19, v8;
	v8 =	vshra.s32 v7, $0x1;
	v7 =	vmul.f32 v18, v34  }
0xd1: {  	v41 =	vmul.f32 v40, v5;
	v17 =	vshra.s32 v35, $0x1;
	v19 =	vshra.s32 v23, $0x1  }
0xd2: {  	v25 =	vsub.s32 $0x5F3759DF, v8;
	v8 =	vmul.f32 $5.000000000e-01, v23;
	v7 =	vmul.f32 v7, v18  }
0xd3: {  	v41 =	vmul.f32 v41, v40;
	v23 =	vsub.s32 $0x5F3759DF, v19;
	v19 =	vmul.f32 v25, v3  }
0xd4: {  	v29 =	vmul.f32 v60, v20;
	v28 =	vmul.f32 v23, v8;
	v42 =	vsub.f32 $1.500000000e+00, v7  }
0xd5: {  	v56 =	vsub.f32 $1.500000000e+00, v41;
	v7 =	vmul.f32 $5.000000000e-01, v35;
	v19 =	vmul.f32 v25, v19  }
0xd6: {  	v17 =	vsub.s32 $0x5F3759DF, v17;
	v28 =	vmul.f32 v23, v28;
	v18 =	vmul.f32 v42, v18  }
0xd7: {  	s31 =	simm.s32 $0x4920;
	v29 =	vmul.f32 v29, v60;
	v35 =	vmul.f32 v56, v40;
	v61 =	vsub.f32 $1.500000000e+00, v19  }
0xd8: {  	v26 =	vld [tilespmem:s31+$0x10];
	v19 =	vmul.f32 v21, v14;
	v14 =	vsub.f32 $1.500000000e+00, v28;
	v21 =	vmul.f32 v18, v34  }
0xd9: {  	v62 =	vmul.f32 v17, v7;
	v13 =	vmul.f32 v25, v61  }
0xda: {  	v23 =	vmul.f32 v23, v14;
	v14 =	vld [tilespmem:s31+$0xFFFFFFF0];
	v20 =	vmul.f32 v21, v18;
	v21 =	vsub.f32 $1.500000000e+00, v31  }
0xdb: {  	v45 =	vsub.f32 $1.500000000e+00, v16;
	v42 =	vmul.f32 v17, v62;
	v51 =	vmul.f32 v19, v10  }
0xdc: {  	v31 =	vmul.f32 v15, v2;
	v20 =	vsub.f32 $1.500000000e+00, v20;
	v16 =	vmul.f32 v30, v21;
	v30 =	vld [tilespmem:s31+$0xFFFFFFE0]  }
0xdd: {  	v52 =	vshra.s32 v26, $0x1;
	v44 =	vmul.f32 v23, v8;
	v21 =	vmul.f32 $5.000000000e-01, v26  }
0xde: {  	v18 =	vmul.f32 v20, v18;
	v20 =	vmul.f32 v45, v32;
	v32 =	vsub.s32 $0x5F3759DF, v52  }
0xdf: {  	v53 =	vld [tilespmem:s31+$0x0];
	v10 =	vmul.f32 $5.000000000e-01, v14;
	v14 =	vshra.s32 v14, $0x1;
	v47 =	vmul.f32 v32, v21  }
0xe0: {  	v33 =	vmul.f32 v31, v15;
	v31 =	vmul.f32 v37, v27;
	v48 =	vsub.s32 $0x5F3759DF, v14  }
0xe1: {  	v14 =	vmul.f32 $5.000000000e-01, v30;
	v12 =	vshra.s32 v30, $0x1;
	v30 =	vmul.f32 v32, v47  }
0xe2: {  	v29 =	vsub.f32 $1.500000000e+00, v29;
	v28 =	vmul.f32 v13, v3;
	v44 =	vmul.f32 v44, v23  }
0xe3: {  	v45 =	vmul.f32 v51, v19;
	v57 =	vmul.f32 v31, v37;
	v30 =	vsub.f32 $1.500000000e+00, v30  }
0xe4: {  	v54 =	vshra.s32 v53, $0x1;
	v51 =	vmul.f32 v29, v60;
	v26 =	vmul.f32 v20, v6  }
0xe5: {  	v24 =	vmul.f32 v48, v10;
	v59 =	vsub.f32 $1.500000000e+00, v57;
	v50 =	vmul.f32 v32, v30  }
0xe6: {  	v34 =	vmul.f32 v18, v34;
	v47 =	vsub.s32 $0x5F3759DF, v12;
	v12 =	vmul.f32 $5.000000000e-01, v53  }
0xe7: {  	v25 =	vsub.f32 $1.500000000e+00, v38;
	v24 =	vmul.f32 v48, v24;
	v29 =	vmul.f32 v50, v21  }
0xe8: {  	v42 =	vsub.f32 $1.500000000e+00, v42;
	v38 =	vmul.f32 v59, v37;
	v30 =	vmul.f32 v49, v22  }
0xe9: {  	v31 =	vsub.s32 $0x5F3759DF, v54;
	v55 =	vmul.f32 v47, v14;
	v29 =	vmul.f32 v29, v50  }
0xea: {  	v24 =	vsub.f32 $1.500000000e+00, v24;
	v27 =	vmul.f32 v38, v27;
	v30 =	vmul.f32 v30, v49  }
0xeb: {  	s10 =	simm.s32 $0x4460;
	v58 =	vmul.f32 v31, v12;
	v61 =	vmul.f32 v47, v55;
	v62 =	vsub.f32 $1.500000000e+00, v29  }
0xec: {  	s12 =	simm.s32 $0x4420;
	[tilespmem:s10+$0x10] =	vst v43;
	v24 =	vmul.f32 v48, v24;
	v43 =	vmul.f32 v27, v38;
	v60 =	vsub.f32 $1.500000000e+00, v30  }
0xed: {  	[tilespmem:s12+$0x10] =	vst v36;
	v36 =	vsub.f32 $1.500000000e+00, v45;
	v27 =	vmul.f32 v16, v4;
	v40 =	vmul.f32 v62, v50  }
0xee: {  	v63 =	vsub.f32 $1.500000000e+00, v61;
	v39 =	vmul.f32 v24, v10;
	v37 =	vmul.f32 v60, v49  }
0xef: {  	s8 =	simm.s32 $0x44A0;
	s13 =	simm.s32 $0x10;
	v32 =	vsub.f32 $1.500000000e+00, v44;
	v30 =	vmul.f32 v31, v58;
	v44 =	vmul.f32 v40, v21  }
0xf0: {  	s11 =	simm.s32 $0x44E0;
	s14 =	simm.s32 $0x4960;
	s9 =	simm.s32 $0x44E0;
	[tilespmem:s8+$0x10] =	vst v51;
	v29 =	vsub.f32 $1.500000000e+00, v46;
	v41 =	vmul.f32 v37, v22;
	v22 =	vmul.f32 v47, v63  }
.LBB2_3:
0xf1: {  	v45 =	vld [tilespmem:s14+$0xFFFFFFF0];
	s13 =	sadd.s32 $0x4, s13;
	v44 =	vmul.f32 v44, v40;
	v46 =	vmul.f32 v28, v13;
	s11 =	sadd.s32 $0x40, s11;
	v43 =	vsub.f32 $1.500000000e+00, v43;
	v28 =	vmovc v39  }
0xf2: {  	v41 =	vmul.f32 v41, v37;
	v39 =	vld [tilespmem:s14+$0x10];
	p0 =	slt.u32 s13, $0x3C;
	v47 =	vmul.f32 v22, v14  }
0xf3: {  	v42 =	vmul.f32 v17, v42;
	v36 =	vmul.f32 v36, v19;
	v17 =	vmovc v31;
	v19 =	vmovc v35;
	v48 =	vld [tilespmem:s14+$0x0];
	v44 =	vsub.f32 $1.500000000e+00, v44  }
0xf4: {  	v35 =	vld [tilespmem:s14+$0xFFFFFFE0];
	v31 =	vmul.f32 v47, v22;
	v47 =	vsub.f32 $1.500000000e+00, v33;
	v33 =	vmul.f32 v43, v38  }
0xf5: {  	v38 =	vmul.f32 v44, v40;
	v40 =	vmul.f32 v19, v5;
	[tilespmem:s12+$0xFFFFFFE0] =	vst v36;
	v36 =	vsub.f32 $1.500000000e+00, v41;
	v5 =	vmovc v6  }
0xf6: {  	v43 =	vmul.f32 v32, v23;
	v6 =	vmovc v8;
	v8 =	vmovc v14;
	v41 =	vshra.s32 v45, $0x1;
	v32 =	vsub.f32 $1.500000000e+00, v31;
	[tilespmem:s12+$0x0] =	vst v33  }
0xf7: {  	v23 =	vmovc v22;
	v44 =	vsub.f32 $1.500000000e+00, v46;
	v45 =	vmul.f32 $5.000000000e-01, v45;
	v14 =	vmul.f32 v36, v37  }
0xf8: {  	v22 =	vshra.s32 v39, $0x1;
	v37 =	vmul.f32 $5.000000000e-01, v39;
	v36 =	vmul.f32 v40, v19  }
0xf9: {  	v39 =	vsub.s32 $0x5F3759DF, v41;
	v40 =	vmul.f32 v43, v6;
	v22 =	vsub.s32 $0x5F3759DF, v22;
	[tilespmem:s12+$0xFFFFFFF0] =	vst v14;
	s12 =	smov.u32 s10;
	s10 =	smov.u32 s8;
	s8 =	smov.u32 s9  }
0xfa: {  	v33 =	vmul.f32 v27, v16;
	v31 =	vshra.s32 v48, $0x1;
	v41 =	vmul.f32 v22, v37;
	s9 =	smov.u32 s11  }
0xfb: {  	v27 =	vmul.f32 v25, v9;
	v25 =	vmovc v29;
	v29 =	vmovc v44;
	v14 =	vmul.f32 $5.000000000e-01, v35;
	v31 =	vsub.s32 $0x5F3759DF, v31  }
0xfc: {  	v44 =	vshra.s32 v35, $0x1;
	v35 =	vmul.f32 v22, v41;
	v41 =	vmul.f32 v47, v15;
	v15 =	vmovc v16;
	v16 =	vmovc v42  }
0xfd: {  	v34 =	vmul.f32 v34, v18;
	v9 =	vmovc v11;
	v11 =	vmovc v13;
	v46 =	vsub.s32 $0x5F3759DF, v44;
	v42 =	vmul.f32 v39, v45  }
0xfe: {  	v13 =	vmovc v24;
	v47 =	vmul.f32 $5.000000000e-01, v48;
	v35 =	vsub.f32 $1.500000000e+00, v35;
	v44 =	vmul.f32 v41, v2  }
0xff: {  	v24 =	vmul.f32 v26, v20;
	v26 =	vmov v40;
	v48 =	vmul.f32 v46, v14  }
0x100: {  	v34 =	vsub.f32 $1.500000000e+00, v34;
	v22 =	vmul.f32 v22, v35;
	v35 =	vmul.f32 v27, v0  }
0x101: {  	v24 =	vsub.f32 $1.500000000e+00, v24;
	v40 =	vmul.f32 v39, v42;
	v42 =	vmul.f32 v44, v41  }
0x102: {  	v36 =	vsub.f32 $1.500000000e+00, v36;
	v44 =	vmul.f32 v22, v37;
	v49 =	vmul.f32 v35, v27  }
0x103: {  	v51 =	vmul.f32 v34, v18;
	v18 =	vmovc v38;
	v50 =	vmul.f32 v31, v47;
	v40 =	vsub.f32 $1.500000000e+00, v40  }
0x104: {  	v35 =	vmul.f32 v24, v20;
	v42 =	vsub.f32 $1.500000000e+00, v42;
	v20 =	vmovc v43;
	v38 =	vmul.f32 v44, v22  }
0x105: {  	v34 =	vmul.f32 v18, v21;
	v21 =	vmovc v37;
	v24 =	vmul.f32 v39, v40;
	v39 =	vsub.f32 $1.500000000e+00, v49;
	[tilespmem:s8+$0x10] =	vst v51  }
0x106: {  	v40 =	vmul.f32 v46, v48;
	v43 =	vsub.f32 $1.500000000e+00, v38;
	v38 =	vmul.f32 v42, v41  }
.Ltmp1:
0x107: {  	v48 =	vmul.f32 v31, v50;
	v37 =	vmul.f32 v39, v27;
	(pc) =	sbr.rel @p0 .LBB2_3-.Ltmp1, $4  }
0x108: {  	v27 =	vsub.f32 $1.500000000e+00, v40;
	v40 =	vmul.f32 v43, v22;
	v22 =	vmul.f32 v38, v2;
	v2 =	vmovc v4;
	v4 =	vmovc v7  }
0x109: {  	v39 =	vmul.f32 v24, v45;
	v42 =	vsub.f32 $1.500000000e+00, v30;
	v41 =	vmul.f32 v37, v0;
	v0 =	vmovc v1;
	v1 =	vmovc v3  }
0x10a: {  	v3 =	vmovc v10;
	v10 =	vmovc v45;
	v7 =	vmov v12;
	v44 =	vmul.f32 v40, v21;
	v43 =	vmul.f32 v22, v38  }
0x10b: {  	s14 =	sadd.s32 $0x40, s14;
	v30 =	vmovc v48;
	v12 =	vmov v47;
	v22 =	vmul.f32 v46, v27;
	v27 =	vmul.f32 v16, v4  }
0x10c: {  	v44 =	vmul.f32 v44, v40  }
0x10d: {  	v28 =	vmul.f32 v28, v13;
	v41 =	vmul.f32 v41, v37  }
0x10e: {  	v17 =	vmul.f32 v17, v42;
	v19 =	vmul.f32 v36, v19  }
0x10f: {  	v9 =	vmul.f32 v25, v9;
	v5 =	vmul.f32 v35, v5  }
0x110: {  	v33 =	vsub.f32 $1.500000000e+00, v33;
	v23 =	vmul.f32 v32, v23;
	v34 =	vmul.f32 v34, v18  }
0x111: {  	v43 =	vsub.f32 $1.500000000e+00, v43;
	v26 =	vmul.f32 v26, v20;
	v11 =	vmul.f32 v29, v11  }
0x112: {  	v45 =	vmul.f32 v22, v14;
	v15 =	vmul.f32 v33, v15  }
0x113: {  	v27 =	vmul.f32 v27, v16;
	v38 =	vmul.f32 v43, v38  }
0x114: {  	v60 =	vmul.f32 v9, v0;
	v59 =	vmul.f32 v15, v2  }
0x115: {  	v30 =	vsub.f32 $1.500000000e+00, v30;
	v5 =	vmul.f32 v5, v35;
	v62 =	vmul.f32 v23, v8  }
0x116: {  	v58 =	vsub.f32 $1.500000000e+00, v41;
	v42 =	vmul.f32 v17, v7;
	v61 =	vmul.f32 v59, v15  }
0x117: {  	v55 =	vsub.f32 $1.500000000e+00, v44;
	v43 =	vmul.f32 v39, v24;
	v48 =	vmul.f32 v11, v1  }
0x118: {  	v25 =	vmul.f32 v58, v37;
	v32 =	vmul.f32 v60, v9;
	v37 =	vsub.f32 $1.500000000e+00, v61  }
0x119: {  	v34 =	vsub.f32 $1.500000000e+00, v34;
	v56 =	vmul.f32 v45, v22;
	v45 =	vmul.f32 v31, v30  }
0x11a: {  	v57 =	vmul.f32 v55, v40;
	v32 =	vsub.f32 $1.500000000e+00, v32;
	v15 =	vmul.f32 v37, v15  }
0x11b: {  	v41 =	vsub.f32 $1.500000000e+00, v27;
	v63 =	vmul.f32 v34, v18;
	v49 =	vmul.f32 v48, v11  }
0x11c: {  	v9 =	vmul.f32 v32, v9;
	v2 =	vmul.f32 v15, v2  }
0x11d: {  	v54 =	vsub.f32 $1.500000000e+00, v28;
	v53 =	vmul.f32 v62, v23;
	v44 =	vmul.f32 v41, v16  }
0x11e: {  	v0 =	vmul.f32 v9, v0;
	v2 =	vmul.f32 v2, v15  }
0x11f: {  	v5 =	vsub.f32 $1.500000000e+00, v5;
	v27 =	vmul.f32 v42, v17;
	v13 =	vmul.f32 v54, v13  }
0x120: {  	v46 =	vmul.f32 v44, v4;
	v0 =	vmul.f32 v0, v9;
	v2 =	vsub.f32 $1.500000000e+00, v2  }
0x121: {  	v47 =	vsub.f32 $1.500000000e+00, v56;
	v55 =	vmul.f32 v45, v12;
	v21 =	vmul.f32 v57, v21  }
0x122: {  	v0 =	vsub.f32 $1.500000000e+00, v0;
	v2 =	vmul.f32 v2, v15;
	v15 =	vmul.f32 v46, v44  }
0x123: {  	v5 =	vmul.f32 v5, v35;
	v51 =	vsub.f32 $1.500000000e+00, v49;
	v16 =	vsub.f32 $1.500000000e+00, v53  }
0x124: {  	v59 =	vmul.f32 v13, v3;
	v0 =	vmul.f32 v0, v9;
	v9 =	vsub.f32 $1.500000000e+00, v15  }
0x125: {  	v27 =	vsub.f32 $1.500000000e+00, v27;
	v50 =	vmul.f32 v47, v22;
	v56 =	vmul.f32 v55, v45  }
0x126: {  	v11 =	vmul.f32 v51, v11;
	v9 =	vmul.f32 v9, v44  }
0x127: {  	v16 =	vmul.f32 v16, v23;
	v17 =	vmul.f32 v27, v17  }
0x128: {  	v26 =	vsub.f32 $1.500000000e+00, v26;
	v23 =	vmul.f32 v59, v13;
	v4 =	vmul.f32 v9, v4  }
0x129: {  	v52 =	vmul.f32 v50, v14;
	v15 =	vmul.f32 v21, v57  }
0x12a: {  	v37 =	vmul.f32 v26, v20;
	v4 =	vmul.f32 v4, v9  }
0x12b: {  	v1 =	vmul.f32 v11, v1;
	v8 =	vmul.f32 v16, v8;
	v15 =	vsub.f32 $1.500000000e+00, v15  }
0x12c: {  	v60 =	vmul.f32 v52, v50;
	v6 =	vmul.f32 v37, v6;
	v4 =	vsub.f32 $1.500000000e+00, v4  }
0x12d: {  	v23 =	vsub.f32 $1.500000000e+00, v23;
	v1 =	vmul.f32 v1, v11;
	v15 =	vmul.f32 v15, v57  }
0x12e: {  	v57 =	vsub.f32 $1.500000000e+00, v56;
	v4 =	vmul.f32 v4, v9;
	v9 =	vmul.f32 v17, v7  }
0x12f: {  	v58 =	vsub.f32 $1.500000000e+00, v43;
	v13 =	vmul.f32 v23, v13;
	v8 =	vmul.f32 v8, v16  }
0x130: {  	v1 =	vsub.f32 $1.500000000e+00, v1;
	v20 =	vmul.f32 v57, v45;
	v9 =	vmul.f32 v9, v17  }
0x131: {  	v6 =	vmul.f32 v6, v37;
	v21 =	vmul.f32 v58, v24  }
0x132: {  	v1 =	vmul.f32 v1, v11;
	v11 =	vmul.f32 v20, v12;
	v9 =	vsub.f32 $1.500000000e+00, v9  }
0x133: {  	[tilespmem:s12+$0xFFFFFFE0] =	vst v19;
	v61 =	vsub.f32 $1.500000000e+00, v60;
	v3 =	vmul.f32 v13, v3;
	v24 =	vmul.f32 v21, v10  }
0x134: {  	[tilespmem:s12+$0x0] =	vst v38;
	v11 =	vmul.f32 v11, v20;
	v9 =	vmul.f32 v9, v17  }
0x135: {  	[tilespmem:s10+$0xFFFFFFE0] =	vst v5;
	v5 =	vmul.f32 v61, v50;
	v62 =	vmul.f32 v24, v21  }
0x136: {  	[tilespmem:s9+$0x10] =	vst v63;
	v6 =	vsub.f32 $1.500000000e+00, v6;
	v11 =	vsub.f32 $1.500000000e+00, v11;
	v7 =	vmul.f32 v9, v7  }
0x137: {  	v3 =	vmul.f32 v3, v13;
	[tilespmem:s10+$0xFFFFFFF0] =	vst v0;
	v0 =	vmul.f32 v5, v14;
	v63 =	vsub.f32 $1.500000000e+00, v62  }
0x138: {  	[tilespmem:s10+$0x0] =	vst v2;
	v2 =	vmul.f32 v7, v9;
	v7 =	vmul.f32 v11, v20  }
0x139: {  	[tilespmem:s12+$0xFFFFFFF0] =	vst v25;
	v6 =	vmul.f32 v6, v37;
	v3 =	vsub.f32 $1.500000000e+00, v3;
	v11 =	vmul.f32 v63, v21  }
0x13a: {  	v8 =	vsub.f32 $1.500000000e+00, v8;
	[tilespmem:s8+$0xFFFFFFF0] =	vst v1;
	v0 =	vmul.f32 v0, v5;
	v12 =	vmul.f32 v7, v12  }
0x13b: {  	[tilespmem:s8+$0xFFFFFFE0] =	vst v6;
	v3 =	vmul.f32 v3, v13;
	v2 =	vsub.f32 $1.500000000e+00, v2;
	v6 =	vmul.f32 v11, v10  }
0x13c: {  	[tilespmem:s8+$0x0] =	vst v4;
	v4 =	vmul.f32 v8, v16;
	v8 =	vmul.f32 v12, v7  }
0x13d: {  	v0 =	vsub.f32 $1.500000000e+00, v0;
	[tilespmem:s9+$0xFFFFFFF0] =	vst v3;
	v1 =	vmul.f32 v2, v9;
	v2 =	vmul.f32 v6, v11  }
0x13e: {  	[tilespmem:s9+$0xFFFFFFE0] =	vst v4;
	v4 =	vsub.f32 $1.500000000e+00, v8  }
0x13f: {  	s11 =	sadd.s32 $0x40, s11;
	v0 =	vmul.f32 v0, v5;
	[tilespmem:s9+$0x0] =	vst v1;
	v1 =	vsub.f32 $1.500000000e+00, v2  }
0x140: {  	[tilespmem:s11+$0x10] =	vst v15;
	v2 =	vmul.f32 v4, v7  }
0x141: {  	[tilespmem:s11+$0xFFFFFFE0] =	vst v0;
	v0 =	vmul.f32 v1, v11  }
0x142: {  	[tilespmem:s11+$0x0] =	vst v2  }
0x143: {  	s28 =	simm.s32 $0x1;
	[tilespmem:s11+$0xFFFFFFF0] =	vst v0  }
0x144: {  	_ =	swait.ge [sflag:s28], $0x400  }
0x145: {  	[sflag:s28] =	ssyncset.done $0x0  }
0x146: {  	s8 =	simm.s32 $0x0;
	[sflag:s28] =	ssyncadd.s32 $0xFFFFFC00  }
0x147: {  	v0 =	vld [tilespmem:s8+$0x0];
	_ =	sdelay $0x1  }
0x148: {  	v1 =	vld [tilespmem:s8+$0x1000];
	_ =	sdelay $0x4  }
0x149: {  	s10 =	simm.s32 $0x4400;
	v2 =	vld [tilespmem:s8+$0x2000]  }
0x14a: {  	v3 =	vld.idx.msk [tilespmem:v0+s10+$0x0], $0xffff;
	_ =	sdelay $0x1  }
0x14b: {  	v1 =	vld.idx.msk [tilespmem:v1+s10+$0x0], $0xffff;
	_ =	sdelay $0x2  }
0x14c: {  	v2 =	vmul.f32 v2, v3;
	_ =	sdelay $0x1  }
0x14d: {  	v1 =	vmul.f32 v2, v1;
	_ =	sdelay $0x1  }
0x14e: {  	s9 =	simm.s32 $0x4000;
	v4 =	vld [tilespmem:s8+$0x10];
	[tilespmem:s8+$0x2000] =	vst v1  }
0x14f: {  	v0 =	vld.idx.msk [tilespmem:v0+s9+$0x0], $0xffff;
	_ =	sdelay $0x1  }
0x150: {  	v5 =	vld [tilespmem:s8+$0x1010];
	_ =	sdelay $0x2  }
0x151: {  	v0 =	vmul.f32 v0, v1;
	_ =	sdelay $0x1  }
0x152: {  	v1 =	vld [tilespmem:s8+$0x2010];
	[tilespmem:s8+$0x3000] =	vst v0  }
0x153: {  	v0 =	vld.idx.msk [tilespmem:v4+s10+$0x0], $0xffff;
	_ =	sdelay $0x1  }
0x154: {  	v5 =	vld.idx.msk [tilespmem:v5+s10+$0x0], $0xffff;
	_ =	sdelay $0x2  }
0x155: {  	v0 =	vmul.f32 v1, v0;
	_ =	sdelay $0x1  }
0x156: {  	v0 =	vmul.f32 v0, v5;
	_ =	sdelay $0x1  }
0x157: {  	v5 =	vld [tilespmem:s8+$0x20];
	[tilespmem:s8+$0x2010] =	vst v0  }
0x158: {  	v4 =	vld.idx.msk [tilespmem:v4+s9+$0x0], $0xffff;
	_ =	sdelay $0x1  }
0x159: {  	v7 =	vld [tilespmem:s8+$0x1020];
	_ =	sdelay $0x2  }
0x15a: {  	v0 =	vmul.f32 v4, v0;
	_ =	sdelay $0x1  }
0x15b: {  	v1 =	vld [tilespmem:s8+$0x2020];
	[tilespmem:s8+$0x3010] =	vst v0  }
0x15c: {  	v0 =	vld.idx.msk [tilespmem:v5+s10+$0x0], $0xffff;
	_ =	sdelay $0x1  }
0x15d: {  	v4 =	vld.idx.msk [tilespmem:v7+s10+$0x0], $0xffff;
	_ =	sdelay $0x2  }
0x15e: {  	v0 =	vmul.f32 v1, v0;
	_ =	sdelay $0x1  }
0x15f: {  	v0 =	vmul.f32 v0, v4;
	_ =	sdelay $0x1  }
0x160: {  	v1 =	vld [tilespmem:s8+$0x30];
	[tilespmem:s8+$0x2020] =	vst v0  }
0x161: {  	v4 =	vld.idx.msk [tilespmem:v5+s9+$0x0], $0xffff;
	_ =	sdelay $0x1  }
0x162: {  	v6 =	vld [tilespmem:s8+$0x1030];
	_ =	sdelay $0x2  }
0x163: {  	v0 =	vmul.f32 v4, v0;
	_ =	sdelay $0x1  }
0x164: {  	v3 =	vld [tilespmem:s8+$0x2030];
	[tilespmem:s8+$0x3020] =	vst v0  }
0x165: {  	v0 =	vld.idx.msk [tilespmem:v1+s10+$0x0], $0xffff;
	_ =	sdelay $0x1  }
0x166: {  	v4 =	vld.idx.msk [tilespmem:v6+s10+$0x0], $0xffff;
	_ =	sdelay $0x2  }
0x167: {  	v0 =	vmul.f32 v3, v0;
	_ =	sdelay $0x1  }
0x168: {  	v0 =	vmul.f32 v0, v4;
	_ =	sdelay $0x1  }
0x169: {  	v4 =	vld [tilespmem:s8+$0x40];
	[tilespmem:s8+$0x2030] =	vst v0  }
0x16a: {  	v1 =	vld.idx.msk [tilespmem:v1+s9+$0x0], $0xffff;
	_ =	sdelay $0x1  }
0x16b: {  	v3 =	vld [tilespmem:s8+$0x1040];
	_ =	sdelay $0x2  }
0x16c: {  	v0 =	vmul.f32 v1, v0;
	_ =	sdelay $0x1  }
0x16d: {  	v2 =	vld [tilespmem:s8+$0x2040];
	[tilespmem:s8+$0x3030] =	vst v0  }
0x16e: {  	v0 =	vld.idx.msk [tilespmem:v4+s10+$0x0], $0xffff;
	_ =	sdelay $0x1  }
0x16f: {  	v1 =	vld.idx.msk [tilespmem:v3+s10+$0x0], $0xffff;
	_ =	sdelay $0x2  }
0x170: {  	v0 =	vmul.f32 v2, v0;
	_ =	sdelay $0x1  }
0x171: {  	v0 =	vmul.f32 v0, v1;
	_ =	sdelay $0x1  }
0x172: {  	[tilespmem:s8+$0x2040] =	vst v0  }
0x173: {  	v3 =	vld.idx.msk [tilespmem:v4+s9+$0x0], $0xffff  }
0x174: {  	v4 =	vld [tilespmem:s8+$0x50];
	_ =	sdelay $0x1  }
0x175: {  	v5 =	vld [tilespmem:s8+$0x1050];
	_ =	sdelay $0x2  }
0x176: {  	v0 =	vmul.f32 v3, v0;
	_ =	sdelay $0x1  }
0x177: {  	v3 =	vld [tilespmem:s8+$0x2050];
	[tilespmem:s8+$0x3040] =	vst v0  }
0x178: {  	v0 =	vld.idx.msk [tilespmem:v4+s10+$0x0], $0xffff;
	_ =	sdelay $0x1  }
0x179: {  	v5 =	vld.idx.msk [tilespmem:v5+s10+$0x0], $0xffff;
	_ =	sdelay $0x2  }
0x17a: {  	v0 =	vmul.f32 v3, v0;
	_ =	sdelay $0x1  }
0x17b: {  	v0 =	vmul.f32 v0, v5;
	_ =	sdelay $0x1  }
0x17c: {  	v5 =	vld [tilespmem:s8+$0x60];
	[tilespmem:s8+$0x2050] =	vst v0  }
0x17d: {  	v4 =	vld.idx.msk [tilespmem:v4+s9+$0x0], $0xffff;
	_ =	sdelay $0x1  }
0x17e: {  	v7 =	vld [tilespmem:s8+$0x1060];
	_ =	sdelay $0x2  }
0x17f: {  	v0 =	vmul.f32 v4, v0;
	_ =	sdelay $0x1  }
0x180: {  	v3 =	vld [tilespmem:s8+$0x2060];
	[tilespmem:s8+$0x3050] =	vst v0  }
0x181: {  	v0 =	vld.idx.msk [tilespmem:v5+s10+$0x0], $0xffff;
	_ =	sdelay $0x1  }
0x182: {  	v4 =	vld.idx.msk [tilespmem:v7+s10+$0x0], $0xffff;
	_ =	sdelay $0x2  }
0x183: {  	v0 =	vmul.f32 v3, v0;
	_ =	sdelay $0x1  }
0x184: {  	v0 =	vmul.f32 v0, v4;
	_ =	sdelay $0x1  }
0x185: {  	v6 =	vld [tilespmem:s8+$0x70];
	[tilespmem:s8+$0x2060] =	vst v0  }
0x186: {  	v3 =	vld.idx.msk [tilespmem:v5+s9+$0x0], $0xffff;
	_ =	sdelay $0x1  }
0x187: {  	v1 =	vld [tilespmem:s8+$0x1070];
	_ =	sdelay $0x2  }
0x188: {  	v0 =	vmul.f32 v3, v0;
	_ =	sdelay $0x1  }
0x189: {  	v2 =	vld [tilespmem:s8+$0x2070];
	[tilespmem:s8+$0x3060] =	vst v0  }
0x18a: {  	v0 =	vld.idx.msk [tilespmem:v6+s10+$0x0], $0xffff;
	_ =	sdelay $0x1  }
0x18b: {  	v1 =	vld.idx.msk [tilespmem:v1+s10+$0x0], $0xffff;
	_ =	sdelay $0x2  }
0x18c: {  	v0 =	vmul.f32 v2, v0;
	_ =	sdelay $0x1  }
0x18d: {  	v0 =	vmul.f32 v0, v1;
	_ =	sdelay $0x1  }
0x18e: {  	[tilespmem:s8+$0x2070] =	vst v0  }
0x18f: {  	v1 =	vld.idx.msk [tilespmem:v6+s9+$0x0], $0xffff;
	_ =	sdelay $0x4  }
0x190: {  	v0 =	vmul.f32 v1, v0;
	_ =	sdelay $0x1  }
0x191: {  	s29 =	simm.s32 $0x1000;
	s13 =	simm.s32 $0x3000;
	s11 =	simm.s32 $0x80;
	[tilespmem:s8+$0x3070] =	vst v0  }
0x192: {  	[spmem:s3] =	stream.indirect.scatter.add.f32 [tilespmem:s13], [sflag:$0x2], $0x1, s29, s11, $0xb8;
	[tilespmem:$0x5200] =	vst v63  }
0x193: {  	v0 =	vld [tilespmem:s8+$0x80];
	_ =	sdelay $0x1  }
0x194: {  	v1 =	vld [tilespmem:s8+$0x1080];
	_ =	sdelay $0x4  }
0x195: {  	v3 =	vld [tilespmem:s8+$0x2080]  }
0x196: {  	v2 =	vld.idx.msk [tilespmem:v0+s10+$0x0], $0xffff;
	_ =	sdelay $0x1  }
0x197: {  	v1 =	vld.idx.msk [tilespmem:v1+s10+$0x0], $0xffff;
	_ =	sdelay $0x2  }
0x198: {  	v2 =	vmul.f32 v3, v2;
	_ =	sdelay $0x1  }
0x199: {  	v1 =	vmul.f32 v2, v1;
	_ =	sdelay $0x1  }
0x19a: {  	v2 =	vld [tilespmem:s8+$0x90];
	[tilespmem:s8+$0x2080] =	vst v1  }
0x19b: {  	v0 =	vld.idx.msk [tilespmem:v0+s9+$0x0], $0xffff;
	_ =	sdelay $0x1  }
0x19c: {  	v3 =	vld [tilespmem:s8+$0x1090];
	_ =	sdelay $0x1  }
0x19d: {  	s12 =	simm.s32 $0x200  }
0x19e: {  	v0 =	vmul.f32 v0, v1;
	v1 =	vld [tilespmem:s12+$0x0]  }
0x19f: {  	v4 =	vld [tilespmem:s12+$0x1000]  }
0x1a0: {  	v5 =	vld [tilespmem:s8+$0x2090];
	[tilespmem:s8+$0x3080] =	vst v0  }
0x1a1: {  	v0 =	vld.idx.msk [tilespmem:v2+s10+$0x0], $0xffff;
	_ =	sdelay $0x1  }
0x1a2: {  	v3 =	vld.idx.msk [tilespmem:v3+s10+$0x0], $0xffff;
	_ =	sdelay $0x1  }
0x1a3: {  	v6 =	vld [tilespmem:s12+$0x2000]  }
0x1a4: {  	v7 =	vld.idx.msk [tilespmem:v1+s10+$0x0], $0xffff;
	v0 =	vmul.f32 v5, v0;
	_ =	sdelay $0x1  }
0x1a5: {  	v4 =	vld.idx.msk [tilespmem:v4+s10+$0x0], $0xffff;
	v0 =	vmul.f32 v0, v3;
	_ =	sdelay $0x1  }
0x1a6: {  	v3 =	vld [tilespmem:s8+$0xA0];
	[tilespmem:s8+$0x2090] =	vst v0  }
0x1a7: {  	v6 =	vmul.f32 v6, v7;
	v2 =	vld.idx.msk [tilespmem:v2+s9+$0x0], $0xffff;
	_ =	sdelay $0x1  }
0x1a8: {  	v5 =	vld [tilespmem:s8+$0x10A0];
	v4 =	vmul.f32 v6, v4;
	_ =	sdelay $0x1  }
0x1a9: {  	v8 =	vld [tilespmem:s12+$0x10];
	[tilespmem:s12+$0x2000] =	vst v4  }
0x1aa: {  	v0 =	vmul.f32 v2, v0;
	v1 =	vld.idx.msk [tilespmem:v1+s9+$0x0], $0xffff  }
0x1ab: {  	v9 =	vld [tilespmem:s8+$0x20A0]  }
0x1ac: {  	v2 =	vld [tilespmem:s12+$0x1010];
	[tilespmem:s8+$0x3090] =	vst v0  }
0x1ad: {  	v0 =	vld.idx.msk [tilespmem:v3+s10+$0x0], $0xffff;
	_ =	sdelay $0x1  }
0x1ae: {  	v1 =	vmul.f32 v1, v4;
	v4 =	vld.idx.msk [tilespmem:v5+s10+$0x0], $0xffff;
	_ =	sdelay $0x1  }
0x1af: {  	v5 =	vld [tilespmem:s12+$0x2010];
	[tilespmem:s12+$0x3000] =	vst v1  }
0x1b0: {  	v1 =	vld.idx.msk [tilespmem:v8+s10+$0x0], $0xffff;
	v0 =	vmul.f32 v9, v0;
	_ =	sdelay $0x1  }
0x1b1: {  	v2 =	vld.idx.msk [tilespmem:v2+s10+$0x0], $0xffff;
	v0 =	vmul.f32 v0, v4;
	_ =	sdelay $0x1  }
0x1b2: {  	v4 =	vld [tilespmem:s8+$0xB0];
	[tilespmem:s8+$0x20A0] =	vst v0  }
0x1b3: {  	v3 =	vld.idx.msk [tilespmem:v3+s9+$0x0], $0xffff;
	v1 =	vmul.f32 v5, v1;
	_ =	sdelay $0x1  }
0x1b4: {  	v9 =	vld [tilespmem:s8+$0x10B0];
	v1 =	vmul.f32 v1, v2;
	_ =	sdelay $0x1  }
0x1b5: {  	v2 =	vld [tilespmem:s12+$0x20];
	[tilespmem:s12+$0x2010] =	vst v1  }
0x1b6: {  	v0 =	vmul.f32 v3, v0;
	v3 =	vld.idx.msk [tilespmem:v8+s9+$0x0], $0xffff  }
0x1b7: {  	v11 =	vld [tilespmem:s12+$0x1020]  }
0x1b8: {  	v8 =	vld [tilespmem:s8+$0x20B0];
	[tilespmem:s8+$0x30A0] =	vst v0  }
0x1b9: {  	v0 =	vld.idx.msk [tilespmem:v4+s10+$0x0], $0xffff;
	_ =	sdelay $0x1  }
0x1ba: {  	v1 =	vmul.f32 v3, v1;
	v3 =	vld.idx.msk [tilespmem:v9+s10+$0x0], $0xffff;
	_ =	sdelay $0x1  }
0x1bb: {  	v5 =	vld [tilespmem:s12+$0x2020];
	[tilespmem:s12+$0x3010] =	vst v1  }
0x1bc: {  	v0 =	vmul.f32 v8, v0;
	v8 =	vld.idx.msk [tilespmem:v2+s10+$0x0], $0xffff;
	_ =	sdelay $0x1  }
0x1bd: {  	v1 =	vld.idx.msk [tilespmem:v11+s10+$0x0], $0xffff;
	v0 =	vmul.f32 v0, v3;
	_ =	sdelay $0x1  }
0x1be: {  	v3 =	vld [tilespmem:s8+$0xC0];
	[tilespmem:s8+$0x20B0] =	vst v0  }
0x1bf: {  	v4 =	vld.idx.msk [tilespmem:v4+s9+$0x0], $0xffff;
	v5 =	vmul.f32 v5, v8;
	_ =	sdelay $0x1  }
0x1c0: {  	v9 =	vld [tilespmem:s8+$0x10C0];
	v1 =	vmul.f32 v5, v1;
	_ =	sdelay $0x1  }
0x1c1: {  	v5 =	vld [tilespmem:s12+$0x30];
	[tilespmem:s12+$0x2020] =	vst v1  }
0x1c2: {  	v0 =	vmul.f32 v4, v0;
	v2 =	vld.idx.msk [tilespmem:v2+s9+$0x0], $0xffff  }
0x1c3: {  	v10 =	vld [tilespmem:s12+$0x1030]  }
0x1c4: {  	v4 =	vld [tilespmem:s8+$0x20C0];
	[tilespmem:s8+$0x30B0] =	vst v0  }
0x1c5: {  	v0 =	vld.idx.msk [tilespmem:v3+s10+$0x0], $0xffff;
	_ =	sdelay $0x1  }
0x1c6: {  	v1 =	vmul.f32 v2, v1;
	v2 =	vld.idx.msk [tilespmem:v9+s10+$0x0], $0xffff;
	_ =	sdelay $0x1  }
0x1c7: {  	v7 =	vld [tilespmem:s12+$0x2030];
	[tilespmem:s12+$0x3020] =	vst v1  }
0x1c8: {  	v0 =	vmul.f32 v4, v0;
	v4 =	vld.idx.msk [tilespmem:v5+s10+$0x0], $0xffff;
	_ =	sdelay $0x1  }
0x1c9: {  	v1 =	vld.idx.msk [tilespmem:v10+s10+$0x0], $0xffff;
	v0 =	vmul.f32 v0, v2;
	_ =	sdelay $0x1  }
0x1ca: {  	[tilespmem:s8+$0x20C0] =	vst v0  }
0x1cb: {  	v3 =	vld.idx.msk [tilespmem:v3+s9+$0x0], $0xffff;
	v4 =	vmul.f32 v7, v4  }
0x1cc: {  	v2 =	vld [tilespmem:s8+$0xD0]  }
0x1cd: {  	v1 =	vmul.f32 v4, v1  }
0x1ce: {  	v8 =	vld [tilespmem:s8+$0x10D0]  }
0x1cf: {  	[tilespmem:s12+$0x2030] =	vst v1  }
0x1d0: {  	v0 =	vmul.f32 v3, v0;
	v3 =	vld.idx.msk [tilespmem:v5+s9+$0x0], $0xffff  }
0x1d1: {  	v5 =	vld [tilespmem:s12+$0x40]  }
0x1d2: {  	v7 =	vld [tilespmem:s8+$0x20D0]  }
0x1d3: {  	v4 =	vld [tilespmem:s12+$0x1040];
	[tilespmem:s8+$0x30C0] =	vst v0  }
0x1d4: {  	v0 =	vld.idx.msk [tilespmem:v2+s10+$0x0], $0xffff;
	_ =	sdelay $0x1  }
0x1d5: {  	v8 =	vld.idx.msk [tilespmem:v8+s10+$0x0], $0xffff;
	v1 =	vmul.f32 v3, v1;
	_ =	sdelay $0x1  }
0x1d6: {  	v6 =	vld [tilespmem:s12+$0x2040];
	[tilespmem:s12+$0x3030] =	vst v1  }
0x1d7: {  	v0 =	vmul.f32 v7, v0;
	v1 =	vld.idx.msk [tilespmem:v5+s10+$0x0], $0xffff;
	_ =	sdelay $0x1  }
0x1d8: {  	v3 =	vld.idx.msk [tilespmem:v4+s10+$0x0], $0xffff;
	v0 =	vmul.f32 v0, v8;
	_ =	sdelay $0x1  }
0x1d9: {  	v4 =	vld [tilespmem:s8+$0xE0];
	[tilespmem:s8+$0x20D0] =	vst v0  }
0x1da: {  	v2 =	vld.idx.msk [tilespmem:v2+s9+$0x0], $0xffff;
	v1 =	vmul.f32 v6, v1;
	_ =	sdelay $0x1  }
0x1db: {  	v1 =	vmul.f32 v1, v3;
	v3 =	vld [tilespmem:s8+$0x10E0];
	_ =	sdelay $0x1  }
0x1dc: {  	v9 =	vld [tilespmem:s12+$0x1050];
	[tilespmem:s12+$0x2040] =	vst v1  }
0x1dd: {  	v0 =	vmul.f32 v2, v0;
	v2 =	vld.idx.msk [tilespmem:v5+s9+$0x0], $0xffff  }
0x1de: {  	v5 =	vld [tilespmem:s12+$0x50]  }
0x1df: {  	v8 =	vld [tilespmem:s8+$0x20E0];
	[tilespmem:s8+$0x30D0] =	vst v0  }
0x1e0: {  	v0 =	vld.idx.msk [tilespmem:v4+s10+$0x0], $0xffff;
	_ =	sdelay $0x1  }
0x1e1: {  	v3 =	vld.idx.msk [tilespmem:v3+s10+$0x0], $0xffff  }
0x1e2: {  	v1 =	vmul.f32 v2, v1;
	_ =	sdelay $0x1  }
0x1e3: {  	v2 =	vld [tilespmem:s12+$0x2050];
	[tilespmem:s12+$0x3040] =	vst v1;
	v0 =	vmul.f32 v8, v0  }
0x1e4: {  	v1 =	vld.idx.msk [tilespmem:v5+s10+$0x0], $0xffff  }
0x1e5: {  	v0 =	vmul.f32 v0, v3  }
0x1e6: {  	v3 =	vld.idx.msk [tilespmem:v9+s10+$0x0], $0xffff  }
0x1e7: {  	v8 =	vld [tilespmem:s8+$0xF0];
	[tilespmem:s8+$0x20E0] =	vst v0  }
0x1e8: {  	v4 =	vld.idx.msk [tilespmem:v4+s9+$0x0], $0xffff  }
0x1e9: {  	v1 =	vmul.f32 v2, v1  }
0x1ea: {  	v2 =	vld [tilespmem:s8+$0x10F0]  }
0x1eb: {  	v1 =	vmul.f32 v1, v3;
	_ =	sdelay $0x1  }
0x1ec: {  	v3 =	vld [tilespmem:s12+$0x60];
	[tilespmem:s12+$0x2050] =	vst v1;
	v0 =	vmul.f32 v4, v0  }
0x1ed: {  	v4 =	vld.idx.msk [tilespmem:v5+s9+$0x0], $0xffff  }
0x1ee: {  	v5 =	vld [tilespmem:s8+$0x20F0];
	[tilespmem:s8+$0x30E0] =	vst v0  }
0x1ef: {  	v0 =	vld.idx.msk [tilespmem:v8+s10+$0x0], $0xffff  }
0x1f0: {  	v11 =	vld [tilespmem:s12+$0x1060]  }
0x1f1: {  	v2 =	vld.idx.msk [tilespmem:v2+s10+$0x0], $0xffff;
	_ =	sdelay $0x1  }
0x1f2: {  	v1 =	vmul.f32 v4, v1  }
0x1f3: {  	v0 =	vmul.f32 v5, v0  }
0x1f4: {  	v10 =	vld [tilespmem:s12+$0x2060];
	[tilespmem:s12+$0x3050] =	vst v1  }
0x1f5: {  	v1 =	vld.idx.msk [tilespmem:v3+s10+$0x0], $0xffff;
	v0 =	vmul.f32 v0, v2;
	_ =	sdelay $0x1  }
0x1f6: {  	v2 =	vld.idx.msk [tilespmem:v11+s10+$0x0], $0xffff;
	[tilespmem:s8+$0x20F0] =	vst v0  }
0x1f7: {  	v4 =	vld.idx.msk [tilespmem:v8+s9+$0x0], $0xffff;
	_ =	sdelay $0x1  }
0x1f8: {  	v1 =	vmul.f32 v10, v1;
	_ =	sdelay $0x1  }
0x1f9: {  	v1 =	vmul.f32 v1, v2  }
0x1fa: {  	v0 =	vmul.f32 v4, v0  }
0x1fb: {  	v9 =	vld [tilespmem:s12+$0x70];
	[tilespmem:s12+$0x2060] =	vst v1  }
0x1fc: {  	[tilespmem:s8+$0x30F0] =	vst v0;
	v0 =	vld.idx.msk [tilespmem:v3+s9+$0x0], $0xffff  }
0x1fd: {  	s30 =	simm.s32 $0x1080;
	s14 =	simm.s32 $0x3080  }
0x1fe: {  	v7 =	vld [tilespmem:s12+$0x1070];
	[spmem:s3] =	stream.indirect.scatter.add.f32 [tilespmem:s14], [sflag:$0x2], $0x1, s30, s11, $0xb8  }
0x1ff: {  	v2 =	vld [tilespmem:s8+$0x100];
	_ =	sdelay $0x1  }
0x200: {  	v3 =	vld [tilespmem:s8+$0x1100];
	v0 =	vmul.f32 v0, v1;
	_ =	sdelay $0x1  }
0x201: {  	v6 =	vld [tilespmem:s12+$0x2070];
	[tilespmem:s12+$0x3060] =	vst v0  }
0x202: {  	v0 =	vld.idx.msk [tilespmem:v9+s10+$0x0], $0xffff  }
0x203: {  	v4 =	vld [tilespmem:s8+$0x2100]  }
0x204: {  	v5 =	vld.idx.msk [tilespmem:v7+s10+$0x0], $0xffff  }
0x205: {  	v1 =	vld.idx.msk [tilespmem:v2+s10+$0x0], $0xffff;
	_ =	sdelay $0x1  }
0x206: {  	v3 =	vld.idx.msk [tilespmem:v3+s10+$0x0], $0xffff;
	v0 =	vmul.f32 v6, v0;
	_ =	sdelay $0x1  }
0x207: {  	v0 =	vmul.f32 v0, v5  }
0x208: {  	v1 =	vmul.f32 v4, v1  }
0x209: {  	[tilespmem:s12+$0x2070] =	vst v0  }
0x20a: {  	v1 =	vmul.f32 v1, v3;
	v3 =	vld.idx.msk [tilespmem:v9+s9+$0x0], $0xffff;
	_ =	sdelay $0x1  }
0x20b: {  	v4 =	vld [tilespmem:s8+$0x110];
	[tilespmem:s8+$0x2100] =	vst v1  }
0x20c: {  	v2 =	vld.idx.msk [tilespmem:v2+s9+$0x0], $0xffff;
	_ =	sdelay $0x1  }
0x20d: {  	v0 =	vmul.f32 v3, v0;
	v3 =	vld [tilespmem:s8+$0x1110];
	_ =	sdelay $0x1  }
0x20e: {  	s31 =	simm.s32 $0x1200;
	s15 =	simm.s32 $0x3200;
	[tilespmem:s12+$0x3070] =	vst v0  }
0x20f: {  	v5 =	vld [tilespmem:s8+$0x2110];
	v0 =	vmul.f32 v2, v1;
	[spmem:s3] =	stream.indirect.scatter.add.f32 [tilespmem:s15], [sflag:$0x2], $0x1, s31, s11, $0xb8  }
0x210: {  	v2 =	vld [tilespmem:s12+$0x80]  }
0x211: {  	[tilespmem:s8+$0x3100] =	vst v0;
	v6 =	vld [tilespmem:s12+$0x1080]  }
0x212: {  	s13 =	simm.s32 $0x400;
	v0 =	vld.idx.msk [tilespmem:v4+s10+$0x0], $0xffff  }
0x213: {  	v1 =	vld [tilespmem:s13+$0x0]  }
0x214: {  	v3 =	vld.idx.msk [tilespmem:v3+s10+$0x0], $0xffff  }
0x215: {  	v7 =	vld [tilespmem:s13+$0x1000]  }
0x216: {  	v8 =	vld [tilespmem:s13+$0x2000]  }
0x217: {  	v10 =	vld [tilespmem:s12+$0x2080];
	v0 =	vmul.f32 v5, v0  }
0x218: {  	v9 =	vld.idx.msk [tilespmem:v2+s10+$0x0], $0xffff  }
0x219: {  	v11 =	vld [tilespmem:s8+$0x120];
	v3 =	vmul.f32 v0, v3  }
0x21a: {  	v6 =	vld.idx.msk [tilespmem:v6+s10+$0x0], $0xffff  }
0x21b: {  	v5 =	vld.idx.msk [tilespmem:v1+s10+$0x0], $0xffff;
	[tilespmem:s8+$0x2110] =	vst v3  }
0x21c: {  	v4 =	vld.idx.msk [tilespmem:v4+s9+$0x0], $0xffff  }
0x21d: {  	v7 =	vld.idx.msk [tilespmem:v7+s10+$0x0], $0xffff;
	v9 =	vmul.f32 v10, v9  }
0x21e: {  	v10 =	vld [tilespmem:s8+$0x1120]  }
0x21f: {  	v6 =	vmul.f32 v9, v6;
	_ =	sdelay $0x1  }
0x220: {  	v5 =	vmul.f32 v8, v5;
	v8 =	vld [tilespmem:s12+$0x90];
	v3 =	vmul.f32 v4, v3;
	[tilespmem:s12+$0x2080] =	vst v6  }
0x221: {  	v2 =	vld.idx.msk [tilespmem:v2+s9+$0x0], $0xffff  }
0x222: {  	v5 =	vmul.f32 v5, v7;
	v7 =	vld [tilespmem:s8+$0x2120];
	[tilespmem:s8+$0x3110] =	vst v3  }
0x223: {  	v3 =	vld.idx.msk [tilespmem:v11+s10+$0x0], $0xffff  }
0x224: {  	v12 =	vld [tilespmem:s12+$0x1090]  }
0x225: {  	v10 =	vld.idx.msk [tilespmem:v10+s10+$0x0], $0xffff  }
0x226: {  	v2 =	vmul.f32 v2, v6  }
0x227: {  	[tilespmem:s13+$0x2000] =	vst v5;
	v9 =	vld [tilespmem:s13+$0x10]  }
0x228: {  	v1 =	vld.idx.msk [tilespmem:v1+s9+$0x0], $0xffff;
	v3 =	vmul.f32 v7, v3;
	[tilespmem:s12+$0x3080] =	vst v2  }
0x229: {  	v2 =	vld.idx.msk [tilespmem:v8+s10+$0x0], $0xffff  }
0x22a: {  	v3 =	vmul.f32 v3, v10;
	v10 =	vld [tilespmem:s12+$0x2090]  }
0x22b: {  	v7 =	vld [tilespmem:s13+$0x1010]  }
0x22c: {  	v12 =	vld.idx.msk [tilespmem:v12+s10+$0x0], $0xffff;
	[tilespmem:s8+$0x2120] =	vst v3  }
0x22d: {  	v1 =	vmul.f32 v1, v5;
	v5 =	vld.idx.msk [tilespmem:v11+s9+$0x0], $0xffff  }
0x22e: {  	v11 =	vld [tilespmem:s8+$0x130]  }
0x22f: {  	v6 =	vld [tilespmem:s13+$0x2010];
	v2 =	vmul.f32 v10, v2  }
0x230: {  	[tilespmem:s13+$0x3000] =	vst v1;
	v10 =	vld [tilespmem:s8+$0x1130]  }
0x231: {  	v1 =	vld.idx.msk [tilespmem:v9+s10+$0x0], $0xffff;
	v2 =	vmul.f32 v2, v12  }
0x232: {  	v12 =	vld [tilespmem:s12+$0xA0]  }
0x233: {  	v3 =	vmul.f32 v5, v3;
	v5 =	vld.idx.msk [tilespmem:v7+s10+$0x0], $0xffff;
	[tilespmem:s12+$0x2090] =	vst v2  }
0x234: {  	v7 =	vld.idx.msk [tilespmem:v8+s9+$0x0], $0xffff  }
0x235: {  	[tilespmem:s8+$0x3120] =	vst v3;
	v8 =	vld [tilespmem:s8+$0x2130]  }
0x236: {  	v1 =	vmul.f32 v6, v1;
	v3 =	vld.idx.msk [tilespmem:v11+s10+$0x0], $0xffff  }
0x237: {  	v14 =	vld [tilespmem:s12+$0x10A0]  }
0x238: {  	v10 =	vld.idx.msk [tilespmem:v10+s10+$0x0], $0xffff;
	v1 =	vmul.f32 v1, v5  }
0x239: {  	v15 =	vld [tilespmem:s13+$0x2020];
	v2 =	vmul.f32 v7, v2  }
0x23a: {  	v5 =	vld [tilespmem:s13+$0x20];
	[tilespmem:s13+$0x2010] =	vst v1  }
0x23b: {  	v7 =	vld [tilespmem:s12+$0x20A0];
	[tilespmem:s12+$0x3090] =	vst v2;
	v2 =	vmul.f32 v8, v3  }
0x23c: {  	v8 =	vld.idx.msk [tilespmem:v9+s9+$0x0], $0xffff  }
0x23d: {  	v3 =	vld.idx.msk [tilespmem:v12+s10+$0x0], $0xffff;
	v2 =	vmul.f32 v2, v10  }
0x23e: {  	v6 =	vld [tilespmem:s13+$0x1020]  }
0x23f: {  	v9 =	vld.idx.msk [tilespmem:v14+s10+$0x0], $0xffff;
	[tilespmem:s8+$0x2130] =	vst v2  }
0x240: {  	v10 =	vld.idx.msk [tilespmem:v11+s9+$0x0], $0xffff  }
0x241: {  	v11 =	vld [tilespmem:s8+$0x140];
	v1 =	vmul.f32 v8, v1  }
0x242: {  	v8 =	vld [tilespmem:s8+$0x1140];
	v3 =	vmul.f32 v7, v3  }
0x243: {  	v7 =	vld [tilespmem:s12+$0x10B0];
	[tilespmem:s13+$0x3010] =	vst v1  }
0x244: {  	v3 =	vmul.f32 v3, v9;
	v9 =	vld.idx.msk [tilespmem:v5+s10+$0x0], $0xffff  }
0x245: {  	v1 =	vld [tilespmem:s12+$0xB0]  }
0x246: {  	v6 =	vld.idx.msk [tilespmem:v6+s10+$0x0], $0xffff;
	[tilespmem:s12+$0x20A0] =	vst v3;
	v2 =	vmul.f32 v10, v2  }
0x247: {  	v10 =	vld.idx.msk [tilespmem:v12+s9+$0x0], $0xffff  }
0x248: {  	v12 =	vld [tilespmem:s8+$0x2140];
	[tilespmem:s8+$0x3130] =	vst v2  }
0x249: {  	v2 =	vld.idx.msk [tilespmem:v11+s10+$0x0], $0xffff;
	v9 =	vmul.f32 v15, v9;
	_ =	sdelay $0x1  }
0x24a: {  	v8 =	vld.idx.msk [tilespmem:v8+s10+$0x0], $0xffff;
	v6 =	vmul.f32 v9, v6  }
0x24b: {  	v13 =	vld [tilespmem:s13+$0x1030];
	v3 =	vmul.f32 v10, v3  }
0x24c: {  	v9 =	vld [tilespmem:s12+$0x20B0];
	[tilespmem:s13+$0x2020] =	vst v6  }
0x24d: {  	[tilespmem:s12+$0x30A0] =	vst v3;
	v2 =	vmul.f32 v12, v2;
	v5 =	vld.idx.msk [tilespmem:v5+s9+$0x0], $0xffff  }
0x24e: {  	v3 =	vld.idx.msk [tilespmem:v1+s10+$0x0], $0xffff  }
0x24f: {  	v10 =	vld [tilespmem:s13+$0x30];
	v2 =	vmul.f32 v2, v8  }
0x250: {  	v7 =	vld.idx.msk [tilespmem:v7+s10+$0x0], $0xffff  }
0x251: {  	v4 =	vld [tilespmem:s13+$0x2030];
	[tilespmem:s8+$0x2140] =	vst v2  }
0x252: {  	v8 =	vld.idx.msk [tilespmem:v11+s9+$0x0], $0xffff  }
0x253: {  	v5 =	vmul.f32 v5, v6;
	v3 =	vmul.f32 v9, v3;
	v9 =	vld [tilespmem:s8+$0x150]  }
0x254: {  	v12 =	vld [tilespmem:s8+$0x2150]  }
0x255: {  	[tilespmem:s13+$0x3020] =	vst v5;
	v5 =	vld [tilespmem:s8+$0x1150];
	v3 =	vmul.f32 v3, v7  }
0x256: {  	v7 =	vld [tilespmem:s12+$0xC0]  }
0x257: {  	v11 =	vld.idx.msk [tilespmem:v10+s10+$0x0], $0xffff;
	[tilespmem:s12+$0x20B0] =	vst v3  }
0x258: {  	v2 =	vmul.f32 v8, v2;
	v1 =	vld.idx.msk [tilespmem:v1+s9+$0x0], $0xffff  }
0x259: {  	v6 =	vld [tilespmem:s12+$0x10C0]  }
0x25a: {  	v8 =	vld.idx.msk [tilespmem:v13+s10+$0x0], $0xffff;
	[tilespmem:s8+$0x3140] =	vst v2  }
0x25b: {  	v2 =	vld.idx.msk [tilespmem:v9+s10+$0x0], $0xffff;
	_ =	sdelay $0x1  }
0x25c: {  	v4 =	vmul.f32 v4, v11;
	v1 =	vmul.f32 v1, v3;
	v3 =	vld.idx.msk [tilespmem:v5+s10+$0x0], $0xffff;
	_ =	sdelay $0x1  }
0x25d: {  	v4 =	vmul.f32 v4, v8;
	v8 =	vld [tilespmem:s12+$0x20C0];
	[tilespmem:s12+$0x30B0] =	vst v1  }
0x25e: {  	v1 =	vld.idx.msk [tilespmem:v7+s10+$0x0], $0xffff;
	v2 =	vmul.f32 v12, v2  }
0x25f: {  	v11 =	vld [tilespmem:s13+$0x40]  }
0x260: {  	v6 =	vld.idx.msk [tilespmem:v6+s10+$0x0], $0xffff;
	v2 =	vmul.f32 v2, v3  }
0x261: {  	v5 =	vld [tilespmem:s13+$0x1040];
	[tilespmem:s13+$0x2030] =	vst v4  }
0x262: {  	v10 =	vld.idx.msk [tilespmem:v10+s9+$0x0], $0xffff;
	[tilespmem:s8+$0x2150] =	vst v2  }
0x263: {  	v1 =	vmul.f32 v8, v1;
	v8 =	vld.idx.msk [tilespmem:v9+s9+$0x0], $0xffff  }
0x264: {  	v9 =	vld [tilespmem:s8+$0x160]  }
0x265: {  	v0 =	vld [tilespmem:s13+$0x2040];
	v1 =	vmul.f32 v1, v6  }
0x266: {  	v12 =	vld [tilespmem:s8+$0x1160]  }
0x267: {  	v3 =	vld [tilespmem:s12+$0x10D0];
	v4 =	vmul.f32 v10, v4;
	[tilespmem:s12+$0x20C0] =	vst v1  }
0x268: {  	v7 =	vld.idx.msk [tilespmem:v7+s9+$0x0], $0xffff  }
0x269: {  	[tilespmem:s13+$0x3030] =	vst v4;
	v6 =	vld [tilespmem:s12+$0xD0];
	v2 =	vmul.f32 v8, v2  }
0x26a: {  	v4 =	vld.idx.msk [tilespmem:v5+s10+$0x0], $0xffff  }
0x26b: {  	v5 =	vld.idx.msk [tilespmem:v11+s10+$0x0], $0xffff;
	[tilespmem:s8+$0x3150] =	vst v2  }
0x26c: {  	v8 =	vld.idx.msk [tilespmem:v9+s10+$0x0], $0xffff  }
0x26d: {  	v1 =	vmul.f32 v7, v1;
	v7 =	vld [tilespmem:s8+$0x2160];
	_ =	sdelay $0x1  }
0x26e: {  	v10 =	vld.idx.msk [tilespmem:v12+s10+$0x0], $0xffff  }
0x26f: {  	v0 =	vmul.f32 v0, v5;
	v5 =	vld [tilespmem:s12+$0x20D0];
	[tilespmem:s12+$0x30C0] =	vst v1  }
0x270: {  	v1 =	vld.idx.msk [tilespmem:v6+s10+$0x0], $0xffff  }
0x271: {  	v13 =	vld [tilespmem:s8+$0x1170];
	v0 =	vmul.f32 v0, v4;
	v7 =	vmul.f32 v7, v8  }
0x272: {  	v12 =	vld.idx.msk [tilespmem:v3+s10+$0x0], $0xffff  }
0x273: {  	v2 =	vld [tilespmem:s13+$0x2070];
	[tilespmem:s13+$0x2040] =	vst v0;
	v7 =	vmul.f32 v7, v10  }
0x274: {  	v4 =	vld.idx.msk [tilespmem:v11+s9+$0x0], $0xffff  }
0x275: {  	v8 =	vld [tilespmem:s13+$0x1050];
	v1 =	vmul.f32 v5, v1;
	[tilespmem:s8+$0x2160] =	vst v7  }
0x276: {  	v5 =	vld.idx.msk [tilespmem:v9+s9+$0x0], $0xffff  }
0x277: {  	v10 =	vmul.f32 v1, v12;
	v1 =	vld [tilespmem:s8+$0x170]  }
0x278: {  	v11 =	vld [tilespmem:s13+$0x2050]  }
0x279: {  	v3 =	vld [tilespmem:s13+$0x1070]  }
0x27a: {  	v9 =	vld [tilespmem:s13+$0x50];
	[tilespmem:s12+$0x20D0] =	vst v10  }
0x27b: {  	v0 =	vmul.f32 v4, v0;
	v6 =	vld.idx.msk [tilespmem:v6+s9+$0x0], $0xffff  }
0x27c: {  	v4 =	vld [tilespmem:s12+$0xE0];
	v5 =	vmul.f32 v5, v7  }
0x27d: {  	[tilespmem:s13+$0x3040] =	vst v0;
	v0 =	vld [tilespmem:s12+$0x10E0]  }
0x27e: {  	v12 =	vld.idx.msk [tilespmem:v8+s10+$0x0], $0xffff;
	[tilespmem:s8+$0x3160] =	vst v5  }
0x27f: {  	v5 =	vld.idx.msk [tilespmem:v1+s10+$0x0], $0xffff  }
0x280: {  	v6 =	vmul.f32 v6, v10;
	v10 =	vld [tilespmem:s8+$0x2170]  }
0x281: {  	v8 =	vld [tilespmem:s12+$0x20E0]  }
0x282: {  	v14 =	vld.idx.msk [tilespmem:v13+s10+$0x0], $0xffff  }
0x283: {  	v13 =	vld.idx.msk [tilespmem:v9+s10+$0x0], $0xffff;
	[tilespmem:s12+$0x30D0] =	vst v6  }
0x284: {  	v7 =	vld.idx.msk [tilespmem:v4+s10+$0x0], $0xffff  }
0x285: {  	v6 =	vld.idx.msk [tilespmem:v0+s10+$0x0], $0xffff;
	v0 =	vmul.f32 v10, v5  }
0x286: {  	v5 =	vld [tilespmem:s13+$0x70]  }
0x287: {  	s14 =	simm.s32 $0x8;
	s15 =	simm.s32 $0x1800;
	v10 =	vld [tilespmem:s13+$0x2060];
	v0 =	vmul.f32 v0, v14  }
.LBB2_5:
0x288: {  	s16 =	sshra.s32 s15, $0x2;
	v11 =	vmul.f32 v11, v13;
	v13 =	vld [tilespmem:s13+$0x1060]  }
0x289: {  	v14 =	vld [tilespmem:s16+$0x1000];
	v7 =	vmul.f32 v8, v7;
	[tilespmem:s8+$0x2170] =	vst v0  }
0x28a: {  	v8 =	vmul.f32 v11, v12;
	v1 =	vld.idx.msk [tilespmem:v1+s9+$0x0], $0xffff  }
0x28b: {  	v11 =	vld [tilespmem:s13+$0x60];
	v6 =	vmul.f32 v7, v6  }
0x28c: {  	v7 =	vld [tilespmem:s16+$0x0];
	[tilespmem:s13+$0x2050] =	vst v8  }
0x28d: {  	v9 =	vld.idx.msk [tilespmem:v9+s9+$0x0], $0xffff;
	[tilespmem:s12+$0x20E0] =	vst v6  }
0x28e: {  	v4 =	vld.idx.msk [tilespmem:v4+s9+$0x0], $0xffff  }
0x28f: {  	v12 =	vld [tilespmem:s12+$0xF0]  }
0x290: {  	v0 =	vmul.f32 v1, v0;
	v15 =	vld [tilespmem:s16+$0x2000]  }
0x291: {  	s17 =	sadd.s32 $0x1100, s8;
	s18 =	sadd.s32 $0x3100, s8;
	v1 =	vld [tilespmem:s12+$0x10F0]  }
0x292: {  	v14 =	vld.idx.msk [tilespmem:v14+s10+$0x0], $0xffff;
	[tilespmem:s8+$0x3170] =	vst v0;
	[spmem:s3] =	stream.indirect.scatter.add.f32 [tilespmem:s18], [sflag:$0x2], $0x1, s17, s11, $0xb8  }
0x293: {  	v0 =	vmul.f32 v9, v8;
	v8 =	vld [tilespmem:s8+$0x180]  }
0x294: {  	v4 =	vmul.f32 v4, v6;
	v9 =	vld.idx.msk [tilespmem:v7+s10+$0x0], $0xffff  }
0x295: {  	[tilespmem:s13+$0x3050] =	vst v0;
	v0 =	vld [tilespmem:s8+$0x1180]  }
0x296: {  	v6 =	vld.idx.msk [tilespmem:v11+s10+$0x0], $0xffff;
	[tilespmem:s12+$0x30E0] =	vst v4  }
0x297: {  	v4 =	vld.idx.msk [tilespmem:v12+s10+$0x0], $0xffff  }
0x298: {  	v16 =	vld [tilespmem:s12+$0x20F0]  }
0x299: {  	v17 =	vld.idx.msk [tilespmem:v1+s10+$0x0], $0xffff  }
0x29a: {  	v13 =	vld.idx.msk [tilespmem:v13+s10+$0x0], $0xffff  }
0x29b: {  	v18 =	vld.idx.msk [tilespmem:v8+s10+$0x0], $0xffff  }
0x29c: {  	v1 =	vmul.f32 v15, v9;
	v9 =	vld [tilespmem:s8+$0x2180]  }
0x29d: {  	v4 =	vmul.f32 v16, v4;
	v15 =	vld.idx.msk [tilespmem:v0+s10+$0x0], $0xffff  }
0x29e: {  	v14 =	vmul.f32 v1, v14;
	v6 =	vmul.f32 v10, v6;
	v0 =	vld [tilespmem:s16+$0x2040]  }
0x29f: {  	v1 =	vld [tilespmem:s16+$0x2030];
	v10 =	vmul.f32 v4, v17  }
0x2a0: {  	v6 =	vmul.f32 v6, v13;
	[tilespmem:s16+$0x2000] =	vst v14;
	v16 =	vld [tilespmem:s16+$0x10]  }
0x2a1: {  	v7 =	vld.idx.msk [tilespmem:v7+s9+$0x0], $0xffff;
	[tilespmem:s12+$0x20F0] =	vst v10;
	v4 =	vmul.f32 v9, v18  }
0x2a2: {  	[tilespmem:s13+$0x2060] =	vst v6;
	v9 =	vld.idx.msk [tilespmem:v12+s9+$0x0], $0xffff  }
0x2a3: {  	v11 =	vld.idx.msk [tilespmem:v11+s9+$0x0], $0xffff;
	v12 =	vmul.f32 v4, v15  }
0x2a4: {  	v4 =	vld [tilespmem:s16+$0x1030]  }
0x2a5: {  	v13 =	vld [tilespmem:s16+$0x2010];
	[tilespmem:s8+$0x2180] =	vst v12  }
0x2a6: {  	v8 =	vld.idx.msk [tilespmem:v8+s9+$0x0], $0xffff  }
0x2a7: {  	v7 =	vmul.f32 v7, v14;
	v14 =	vld [tilespmem:s8+$0x190]  }
0x2a8: {  	v9 =	vmul.f32 v9, v10;
	v15 =	vld [tilespmem:s16+$0x1010]  }
0x2a9: {  	s17 =	sadd.s32 $0x1080, s12;
	s18 =	sadd.s32 $0x3080, s12;
	v6 =	vmul.f32 v11, v6;
	[tilespmem:s16+$0x3000] =	vst v7;
	v7 =	vld [tilespmem:s8+$0x1190]  }
0x2aa: {  	v10 =	vld.idx.msk [tilespmem:v16+s10+$0x0], $0xffff;
	[tilespmem:s12+$0x30F0] =	vst v9;
	[spmem:s3] =	stream.indirect.scatter.add.f32 [tilespmem:s18], [sflag:$0x2], $0x1, s17, s11, $0xb8  }
0x2ab: {  	[tilespmem:s13+$0x3060] =	vst v6;
	v6 =	vld [tilespmem:s12+$0x100]  }
0x2ac: {  	v8 =	vmul.f32 v8, v12;
	v9 =	vld.idx.msk [tilespmem:v5+s10+$0x0], $0xffff  }
0x2ad: {  	v11 =	vld [tilespmem:s12+$0x1100]  }
0x2ae: {  	v3 =	vld.idx.msk [tilespmem:v3+s10+$0x0], $0xffff;
	[tilespmem:s8+$0x3180] =	vst v8  }
0x2af: {  	v8 =	vld.idx.msk [tilespmem:v14+s10+$0x0], $0xffff  }
0x2b0: {  	v12 =	vld [tilespmem:s8+$0x2190]  }
0x2b1: {  	v7 =	vld.idx.msk [tilespmem:v7+s10+$0x0], $0xffff  }
0x2b2: {  	v2 =	vmul.f32 v2, v9;
	v15 =	vld.idx.msk [tilespmem:v15+s10+$0x0], $0xffff  }
0x2b3: {  	v9 =	vld.idx.msk [tilespmem:v6+s10+$0x0], $0xffff  }
0x2b4: {  	v2 =	vmul.f32 v2, v3;
	v3 =	vld [tilespmem:s12+$0x2100]  }
0x2b5: {  	v11 =	vld.idx.msk [tilespmem:v11+s10+$0x0], $0xffff;
	v8 =	vmul.f32 v12, v8  }
0x2b6: {  	v12 =	vld [tilespmem:s16+$0x2020];
	[tilespmem:s13+$0x2070] =	vst v2  }
0x2b7: {  	v10 =	vmul.f32 v13, v10;
	v5 =	vld.idx.msk [tilespmem:v5+s9+$0x0], $0xffff;
	v7 =	vmul.f32 v8, v7  }
0x2b8: {  	v8 =	vld [tilespmem:s16+$0x1020]  }
0x2b9: {  	v10 =	vmul.f32 v10, v15;
	v13 =	vld [tilespmem:s16+$0x20];
	v3 =	vmul.f32 v3, v9;
	[tilespmem:s8+$0x2190] =	vst v7  }
0x2ba: {  	v9 =	vld.idx.msk [tilespmem:v14+s9+$0x0], $0xffff  }
0x2bb: {  	[tilespmem:s16+$0x2010] =	vst v10;
	v3 =	vmul.f32 v3, v11;
	v11 =	vld [tilespmem:s8+$0x1A0]  }
0x2bc: {  	v14 =	vld.idx.msk [tilespmem:v16+s9+$0x0], $0xffff  }
0x2bd: {  	v2 =	vmul.f32 v5, v2;
	[tilespmem:s12+$0x2100] =	vst v3;
	v5 =	vld [tilespmem:s8+$0x11A0]  }
0x2be: {  	s17 =	sadd.s32 $0x1000, s13;
	s18 =	sadd.s32 $0x3000, s13;
	v6 =	vld.idx.msk [tilespmem:v6+s9+$0x0], $0xffff  }
0x2bf: {  	[tilespmem:s13+$0x3070] =	vst v2;
	[spmem:s3] =	stream.indirect.scatter.add.f32 [tilespmem:s18], [sflag:$0x2], $0x1, s17, s11, $0xb8;
	v2 =	vld [tilespmem:s12+$0x110]  }
0x2c0: {  	v7 =	vmul.f32 v9, v7;
	v15 =	vld [tilespmem:s13+$0x1080]  }
0x2c1: {  	v9 =	vld [tilespmem:s12+$0x1110]  }
0x2c2: {  	v16 =	vld [tilespmem:s13+$0x80];
	[tilespmem:s8+$0x3190] =	vst v7  }
0x2c3: {  	v7 =	vmul.f32 v14, v10;
	v10 =	vld.idx.msk [tilespmem:v11+s10+$0x0], $0xffff  }
0x2c4: {  	v3 =	vmul.f32 v6, v3;
	v6 =	vld [tilespmem:s8+$0x21A0]  }
0x2c5: {  	[tilespmem:s16+$0x3010] =	vst v7;
	v5 =	vld.idx.msk [tilespmem:v5+s10+$0x0], $0xffff  }
0x2c6: {  	v7 =	vld.idx.msk [tilespmem:v8+s10+$0x0], $0xffff;
	[tilespmem:s12+$0x3100] =	vst v3  }
0x2c7: {  	v3 =	vld.idx.msk [tilespmem:v2+s10+$0x0], $0xffff  }
0x2c8: {  	v8 =	vld [tilespmem:s12+$0x2110]  }
0x2c9: {  	v9 =	vld.idx.msk [tilespmem:v9+s10+$0x0], $0xffff;
	v6 =	vmul.f32 v6, v10  }
0x2ca: {  	v10 =	vld.idx.msk [tilespmem:v13+s10+$0x0], $0xffff  }
0x2cb: {  	v14 =	vld.idx.msk [tilespmem:v16+s10+$0x0], $0xffff;
	v5 =	vmul.f32 v6, v5  }
0x2cc: {  	v6 =	vld [tilespmem:s13+$0x2080]  }
0x2cd: {  	v15 =	vld.idx.msk [tilespmem:v15+s10+$0x0], $0xffff;
	v3 =	vmul.f32 v8, v3;
	[tilespmem:s8+$0x21A0] =	vst v5  }
0x2ce: {  	v8 =	vld.idx.msk [tilespmem:v11+s9+$0x0], $0xffff  }
0x2cf: {  	v3 =	vmul.f32 v3, v9;
	v9 =	vld [tilespmem:s8+$0x1B0]  }
0x2d0: {  	v11 =	vld [tilespmem:s13+$0x1090]  }
0x2d1: {  	v6 =	vmul.f32 v6, v14;
	[tilespmem:s12+$0x2110] =	vst v3;
	v14 =	vld [tilespmem:s8+$0x11B0]  }
0x2d2: {  	v2 =	vld.idx.msk [tilespmem:v2+s9+$0x0], $0xffff  }
0x2d3: {  	v6 =	vmul.f32 v6, v15;
	v15 =	vld [tilespmem:s12+$0x120]  }
0x2d4: {  	v5 =	vmul.f32 v8, v5;
	v17 =	vld [tilespmem:s13+$0x90]  }
0x2d5: {  	[tilespmem:s13+$0x2080] =	vst v6;
	v8 =	vld [tilespmem:s12+$0x1120]  }
0x2d6: {  	v16 =	vld.idx.msk [tilespmem:v16+s9+$0x0], $0xffff;
	[tilespmem:s8+$0x31A0] =	vst v5  }
0x2d7: {  	v5 =	vld.idx.msk [tilespmem:v9+s10+$0x0], $0xffff  }
0x2d8: {  	v3 =	vmul.f32 v2, v3;
	v18 =	vld [tilespmem:s8+$0x21B0]  }
0x2d9: {  	v10 =	vmul.f32 v12, v10;
	v12 =	vld.idx.msk [tilespmem:v14+s10+$0x0], $0xffff  }
0x2da: {  	s14 =	sadd.s32 $0x4, s14;
	v2 =	vld [tilespmem:s16+$0x30];
	[tilespmem:s12+$0x3110] =	vst v3  }
0x2db: {  	p0 =	slt.u32 s14, $0x1C;
	v3 =	vmul.f32 v10, v7;
	v7 =	vld.idx.msk [tilespmem:v15+s10+$0x0], $0xffff  }
0x2dc: {  	v6 =	vmul.f32 v16, v6;
	v10 =	vld [tilespmem:s12+$0x2120]  }
0x2dd: {  	[tilespmem:s16+$0x2020] =	vst v3;
	v8 =	vld.idx.msk [tilespmem:v8+s10+$0x0], $0xffff;
	v5 =	vmul.f32 v18, v5  }
0x2de: {  	v13 =	vld.idx.msk [tilespmem:v13+s9+$0x0], $0xffff;
	[tilespmem:s13+$0x3080] =	vst v6  }
0x2df: {  	v6 =	vld.idx.msk [tilespmem:v17+s10+$0x0], $0xffff;
	v5 =	vmul.f32 v5, v12  }
0x2e0: {  	v12 =	vld [tilespmem:s13+$0x2090]  }
0x2e1: {  	v11 =	vld.idx.msk [tilespmem:v11+s10+$0x0], $0xffff;
	v7 =	vmul.f32 v10, v7;
	[tilespmem:s8+$0x21B0] =	vst v5  }
0x2e2: {  	v9 =	vld.idx.msk [tilespmem:v9+s9+$0x0], $0xffff  }
0x2e3: {  	v7 =	vmul.f32 v7, v8;
	v8 =	vld [tilespmem:s8+$0x1C0]  }
0x2e4: {  	v10 =	vld [tilespmem:s13+$0x10A0]  }
0x2e5: {  	v6 =	vmul.f32 v12, v6;
	[tilespmem:s12+$0x2120] =	vst v7;
	v12 =	vld [tilespmem:s8+$0x11C0]  }
0x2e6: {  	v14 =	vld.idx.msk [tilespmem:v15+s9+$0x0], $0xffff  }
0x2e7: {  	v6 =	vmul.f32 v6, v11;
	v11 =	vld [tilespmem:s12+$0x130]  }
0x2e8: {  	v5 =	vmul.f32 v9, v5;
	v15 =	vld [tilespmem:s13+$0xA0]  }
0x2e9: {  	[tilespmem:s13+$0x2090] =	vst v6;
	v9 =	vld [tilespmem:s12+$0x1130]  }
0x2ea: {  	v16 =	vld.idx.msk [tilespmem:v17+s9+$0x0], $0xffff;
	[tilespmem:s8+$0x31B0] =	vst v5  }
0x2eb: {  	v3 =	vmul.f32 v13, v3;
	v5 =	vld.idx.msk [tilespmem:v8+s10+$0x0], $0xffff  }
0x2ec: {  	v7 =	vmul.f32 v14, v7;
	v13 =	vld [tilespmem:s8+$0x21C0]  }
0x2ed: {  	[tilespmem:s16+$0x3020] =	vst v3;
	v3 =	vld.idx.msk [tilespmem:v12+s10+$0x0], $0xffff  }
0x2ee: {  	v4 =	vld.idx.msk [tilespmem:v4+s10+$0x0], $0xffff;
	[tilespmem:s12+$0x3120] =	vst v7  }
0x2ef: {  	v7 =	vld.idx.msk [tilespmem:v11+s10+$0x0], $0xffff  }
0x2f0: {  	v6 =	vmul.f32 v16, v6;
	v12 =	vld [tilespmem:s12+$0x2130]  }
0x2f1: {  	v9 =	vld.idx.msk [tilespmem:v9+s10+$0x0], $0xffff;
	v5 =	vmul.f32 v13, v5  }
0x2f2: {  	v13 =	vld.idx.msk [tilespmem:v2+s10+$0x0], $0xffff;
	[tilespmem:s13+$0x3090] =	vst v6  }
0x2f3: {  	v6 =	vld.idx.msk [tilespmem:v15+s10+$0x0], $0xffff;
	v3 =	vmul.f32 v5, v3  }
0x2f4: {  	v5 =	vld [tilespmem:s13+$0x20A0]  }
0x2f5: {  	v10 =	vld.idx.msk [tilespmem:v10+s10+$0x0], $0xffff;
	v7 =	vmul.f32 v12, v7;
	[tilespmem:s8+$0x21C0] =	vst v3  }
0x2f6: {  	v8 =	vld.idx.msk [tilespmem:v8+s9+$0x0], $0xffff  }
0x2f7: {  	v7 =	vmul.f32 v7, v9;
	v9 =	vld [tilespmem:s8+$0x1D0]  }
0x2f8: {  	v12 =	vld [tilespmem:s13+$0x10B0]  }
0x2f9: {  	v5 =	vmul.f32 v5, v6;
	[tilespmem:s12+$0x2130] =	vst v7;
	v6 =	vld [tilespmem:s8+$0x11D0]  }
0x2fa: {  	v11 =	vld.idx.msk [tilespmem:v11+s9+$0x0], $0xffff  }
0x2fb: {  	v5 =	vmul.f32 v5, v10;
	v10 =	vld [tilespmem:s12+$0x140]  }
0x2fc: {  	v3 =	vmul.f32 v8, v3;
	v14 =	vld [tilespmem:s13+$0xB0]  }
0x2fd: {  	[tilespmem:s13+$0x20A0] =	vst v5;
	v8 =	vld [tilespmem:s12+$0x1140]  }
0x2fe: {  	v15 =	vld.idx.msk [tilespmem:v15+s9+$0x0], $0xffff;
	[tilespmem:s8+$0x31C0] =	vst v3  }
0x2ff: {  	v3 =	vld.idx.msk [tilespmem:v9+s10+$0x0], $0xffff  }
0x300: {  	v7 =	vmul.f32 v11, v7;
	v11 =	vld [tilespmem:s8+$0x21D0]  }
0x301: {  	v1 =	vmul.f32 v1, v13;
	v6 =	vld.idx.msk [tilespmem:v6+s10+$0x0], $0xffff  }
0x302: {  	v13 =	vld [tilespmem:s16+$0x1040];
	[tilespmem:s12+$0x3130] =	vst v7  }
0x303: {  	v1 =	vmul.f32 v1, v4;
	v4 =	vld.idx.msk [tilespmem:v10+s10+$0x0], $0xffff  }
0x304: {  	v5 =	vmul.f32 v15, v5;
	v7 =	vld [tilespmem:s12+$0x2140]  }
0x305: {  	[tilespmem:s16+$0x2030] =	vst v1;
	v8 =	vld.idx.msk [tilespmem:v8+s10+$0x0], $0xffff;
	v3 =	vmul.f32 v11, v3  }
0x306: {  	v2 =	vld.idx.msk [tilespmem:v2+s9+$0x0], $0xffff;
	[tilespmem:s13+$0x30A0] =	vst v5  }
0x307: {  	v5 =	vld.idx.msk [tilespmem:v14+s10+$0x0], $0xffff;
	v3 =	vmul.f32 v3, v6  }
0x308: {  	v6 =	vld [tilespmem:s13+$0x20B0]  }
0x309: {  	v11 =	vld.idx.msk [tilespmem:v12+s10+$0x0], $0xffff;
	v4 =	vmul.f32 v7, v4;
	[tilespmem:s8+$0x21D0] =	vst v3  }
0x30a: {  	v7 =	vld.idx.msk [tilespmem:v9+s9+$0x0], $0xffff  }
0x30b: {  	v4 =	vmul.f32 v4, v8;
	v8 =	vld [tilespmem:s8+$0x1E0]  }
0x30c: {  	v9 =	vld [tilespmem:s13+$0x10C0]  }
0x30d: {  	v5 =	vmul.f32 v6, v5;
	[tilespmem:s12+$0x2140] =	vst v4;
	v6 =	vld [tilespmem:s8+$0x11E0]  }
0x30e: {  	v10 =	vld.idx.msk [tilespmem:v10+s9+$0x0], $0xffff  }
0x30f: {  	v5 =	vmul.f32 v5, v11;
	v11 =	vld [tilespmem:s12+$0x150]  }
0x310: {  	v3 =	vmul.f32 v7, v3;
	v12 =	vld [tilespmem:s13+$0xC0]  }
0x311: {  	[tilespmem:s13+$0x20B0] =	vst v5;
	v7 =	vld [tilespmem:s12+$0x1150]  }
0x312: {  	v14 =	vld.idx.msk [tilespmem:v14+s9+$0x0], $0xffff;
	[tilespmem:s8+$0x31D0] =	vst v3  }
0x313: {  	v3 =	vld.idx.msk [tilespmem:v8+s10+$0x0], $0xffff  }
0x314: {  	v4 =	vmul.f32 v10, v4;
	v10 =	vld [tilespmem:s8+$0x21E0]  }
0x315: {  	v6 =	vld.idx.msk [tilespmem:v6+s10+$0x0], $0xffff  }
0x316: {  	v15 =	vld [tilespmem:s16+$0x40];
	[tilespmem:s12+$0x3140] =	vst v4  }
0x317: {  	v1 =	vmul.f32 v2, v1;
	v2 =	vld.idx.msk [tilespmem:v11+s10+$0x0], $0xffff  }
0x318: {  	v4 =	vmul.f32 v14, v5;
	v5 =	vld [tilespmem:s12+$0x2150]  }
0x319: {  	[tilespmem:s16+$0x3030] =	vst v1;
	v1 =	vld.idx.msk [tilespmem:v7+s10+$0x0], $0xffff;
	v3 =	vmul.f32 v10, v3  }
0x31a: {  	v7 =	vld.idx.msk [tilespmem:v13+s10+$0x0], $0xffff;
	[tilespmem:s13+$0x30B0] =	vst v4  }
0x31b: {  	v4 =	vld.idx.msk [tilespmem:v12+s10+$0x0], $0xffff;
	v3 =	vmul.f32 v3, v6  }
0x31c: {  	v6 =	vld [tilespmem:s13+$0x20C0]  }
0x31d: {  	v9 =	vld.idx.msk [tilespmem:v9+s10+$0x0], $0xffff;
	v2 =	vmul.f32 v5, v2;
	[tilespmem:s8+$0x21E0] =	vst v3  }
0x31e: {  	v5 =	vld.idx.msk [tilespmem:v8+s9+$0x0], $0xffff  }
0x31f: {  	v1 =	vmul.f32 v2, v1;
	v8 =	vld [tilespmem:s8+$0x1F0]  }
0x320: {  	v10 =	vld [tilespmem:s13+$0x10D0]  }
0x321: {  	v2 =	vmul.f32 v6, v4;
	[tilespmem:s12+$0x2150] =	vst v1;
	v4 =	vld [tilespmem:s8+$0x11F0]  }
0x322: {  	v6 =	vld.idx.msk [tilespmem:v11+s9+$0x0], $0xffff  }
0x323: {  	v2 =	vmul.f32 v2, v9;
	v9 =	vld [tilespmem:s12+$0x160]  }
0x324: {  	v3 =	vmul.f32 v5, v3;
	v11 =	vld [tilespmem:s13+$0xD0]  }
0x325: {  	[tilespmem:s13+$0x20C0] =	vst v2;
	v5 =	vld [tilespmem:s12+$0x1160]  }
0x326: {  	v12 =	vld.idx.msk [tilespmem:v12+s9+$0x0], $0xffff;
	[tilespmem:s8+$0x31E0] =	vst v3  }
0x327: {  	v3 =	vld.idx.msk [tilespmem:v8+s10+$0x0], $0xffff  }
0x328: {  	v1 =	vmul.f32 v6, v1;
	v6 =	vld [tilespmem:s8+$0x21F0]  }
0x329: {  	v4 =	vld.idx.msk [tilespmem:v4+s10+$0x0], $0xffff  }
0x32a: {  	v13 =	vld.idx.msk [tilespmem:v15+s10+$0x0], $0xffff;
	[tilespmem:s12+$0x3150] =	vst v1  }
0x32b: {  	v1 =	vld.idx.msk [tilespmem:v9+s10+$0x0], $0xffff  }
0x32c: {  	v12 =	vmul.f32 v12, v2;
	v14 =	vld [tilespmem:s12+$0x2160]  }
0x32d: {  	v5 =	vld.idx.msk [tilespmem:v5+s10+$0x0], $0xffff;
	v3 =	vmul.f32 v6, v3  }
0x32e: {  	v2 =	vld [tilespmem:s16+$0x2070];
	[tilespmem:s13+$0x30C0] =	vst v12  }
0x32f: {  	v6 =	vld.idx.msk [tilespmem:v11+s10+$0x0], $0xffff;
	v4 =	vmul.f32 v3, v4  }
0x330: {  	v0 =	vmul.f32 v0, v13;
	v12 =	vld [tilespmem:s13+$0x20D0]  }
0x331: {  	v10 =	vld.idx.msk [tilespmem:v10+s10+$0x0], $0xffff;
	v1 =	vmul.f32 v14, v1;
	[tilespmem:s8+$0x21F0] =	vst v4  }
0x332: {  	v0 =	vmul.f32 v0, v7;
	v7 =	vld.idx.msk [tilespmem:v8+s9+$0x0], $0xffff  }
0x333: {  	v3 =	vld [tilespmem:s16+$0x1070];
	v5 =	vmul.f32 v1, v5  }
0x334: {  	[tilespmem:s16+$0x2040] =	vst v0;
	v8 =	vld [tilespmem:s16+$0x1050]  }
0x335: {  	v13 =	vld.idx.msk [tilespmem:v15+s9+$0x0], $0xffff;
	v1 =	vmul.f32 v12, v6;
	[tilespmem:s12+$0x2160] =	vst v5  }
0x336: {  	v6 =	vld.idx.msk [tilespmem:v9+s9+$0x0], $0xffff  }
0x337: {  	v10 =	vmul.f32 v1, v10;
	v1 =	vld [tilespmem:s12+$0x170]  }
0x338: {  	v4 =	vmul.f32 v7, v4;
	v9 =	vld [tilespmem:s16+$0x50]  }
0x339: {  	s17 =	sadd.s32 $0x1180, s8;
	s18 =	sadd.s32 $0x3180, s8;
	[tilespmem:s13+$0x20D0] =	vst v10;
	v7 =	vld [tilespmem:s12+$0x1170]  }
0x33a: {  	v14 =	vld.idx.msk [tilespmem:v11+s9+$0x0], $0xffff;
	[tilespmem:s8+$0x31F0] =	vst v4;
	[spmem:s3] =	stream.indirect.scatter.add.f32 [tilespmem:s18], [sflag:$0x2], $0x1, s17, s11, $0xb8  }
0x33b: {  	v0 =	vmul.f32 v13, v0;
	s8 =	smov.u32 s12;
	s12 =	smov.u32 s13;
	v4 =	vld [tilespmem:s13+$0xE0];
	s13 =	smov.u32 s16  }
0x33c: {  	v5 =	vmul.f32 v6, v5;
	v11 =	vld [tilespmem:s13+$0x2050]  }
0x33d: {  	[tilespmem:s13+$0x3040] =	vst v0;
	v0 =	vld [tilespmem:s12+$0x10E0]  }
0x33e: {  	v12 =	vld.idx.msk [tilespmem:v8+s10+$0x0], $0xffff;
	[tilespmem:s8+$0x3160] =	vst v5  }
0x33f: {  	v5 =	vld.idx.msk [tilespmem:v1+s10+$0x0], $0xffff  }
0x340: {  	v6 =	vmul.f32 v14, v10;
	v10 =	vld [tilespmem:s8+$0x2170]  }
0x341: {  	v14 =	vld.idx.msk [tilespmem:v7+s10+$0x0], $0xffff  }
0x342: {  	v13 =	vld.idx.msk [tilespmem:v9+s10+$0x0], $0xffff;
	[tilespmem:s12+$0x30D0] =	vst v6  }
.Ltmp2:
0x343: {  	v7 =	vld.idx.msk [tilespmem:v4+s10+$0x0], $0xffff;
	(pc) =	sbr.rel @p0 .LBB2_5-.Ltmp2, $4  }
0x344: {  	v8 =	vld [tilespmem:s12+$0x20E0]  }
0x345: {  	v6 =	vld.idx.msk [tilespmem:v0+s10+$0x0], $0xffff;
	v0 =	vmul.f32 v10, v5  }
0x346: {  	v5 =	vld [tilespmem:s13+$0x70]  }
0x347: {  	s15 =	sadd.s32 $0x800, s15;
	v10 =	vld [tilespmem:s13+$0x2060];
	v0 =	vmul.f32 v0, v14  }
0x348: {  	v11 =	vmul.f32 v11, v13;
	_ =	sdelay $0x1  }
0x349: {  	v62 =	vld [tilespmem:s13+$0x1060];
	v11 =	vmul.f32 v11, v12  }
0x34a: {  	v63 =	vld [tilespmem:s13+$0x60];
	[tilespmem:s8+$0x2170] =	vst v0  }
0x34b: {  	v1 =	vld.idx.msk [tilespmem:v1+s9+$0x0], $0xffff;
	[tilespmem:s13+$0x2050] =	vst v11  }
0x34c: {  	v9 =	vld.idx.msk [tilespmem:v9+s9+$0x0], $0xffff;
	_ =	sdelay $0x4  }
0x34d: {  	v9 =	vmul.f32 v9, v11;
	_ =	sdelay $0x1  }
0x34e: {  	[tilespmem:s13+$0x3050] =	vst v9  }
0x34f: {  	v9 =	vld.idx.msk [tilespmem:v63+s10+$0x0], $0xffff;
	_ =	sdelay $0x1  }
0x350: {  	v11 =	vld.idx.msk [tilespmem:v62+s10+$0x0], $0xffff;
	_ =	sdelay $0x2  }
0x351: {  	v9 =	vmul.f32 v10, v9;
	_ =	sdelay $0x1  }
0x352: {  	v9 =	vmul.f32 v9, v11;
	_ =	sdelay $0x1  }
0x353: {  	[tilespmem:s13+$0x2060] =	vst v9  }
0x354: {  	v10 =	vld.idx.msk [tilespmem:v63+s9+$0x0], $0xffff;
	_ =	sdelay $0x4  }
0x355: {  	v9 =	vmul.f32 v10, v9;
	_ =	sdelay $0x1  }
0x356: {  	[tilespmem:s13+$0x3060] =	vst v9  }
0x357: {  	v9 =	vld.idx.msk [tilespmem:v5+s10+$0x0], $0xffff;
	_ =	sdelay $0x1  }
0x358: {  	v3 =	vld.idx.msk [tilespmem:v3+s10+$0x0], $0xffff;
	_ =	sdelay $0x2  }
0x359: {  	v2 =	vmul.f32 v2, v9;
	_ =	sdelay $0x1  }
0x35a: {  	v2 =	vmul.f32 v2, v3;
	_ =	sdelay $0x1  }
0x35b: {  	[tilespmem:s13+$0x2070] =	vst v2  }
0x35c: {  	v3 =	vld.idx.msk [tilespmem:v5+s9+$0x0], $0xffff;
	_ =	sdelay $0x4  }
0x35d: {  	v2 =	vmul.f32 v3, v2;
	_ =	sdelay $0x1  }
0x35e: {  	s14 =	sadd.s32 $0x1000, s13;
	s15 =	sadd.s32 $0x3000, s13;
	[tilespmem:s13+$0x3070] =	vst v2  }
0x35f: {  	[spmem:s3] =	stream.indirect.scatter.add.f32 [tilespmem:s15], [sflag:$0x2], $0x1, s14, s11, $0xb8;
	[tilespmem:$0x5200] =	vst v63  }
0x360: {  	v2 =	vld [tilespmem:s13+$0x80];
	_ =	sdelay $0x1  }
0x361: {  	v3 =	vld [tilespmem:s13+$0x1080];
	_ =	sdelay $0x4  }
0x362: {  	v9 =	vld [tilespmem:s13+$0x2080]  }
0x363: {  	v5 =	vld.idx.msk [tilespmem:v2+s10+$0x0], $0xffff;
	_ =	sdelay $0x1  }
0x364: {  	v3 =	vld.idx.msk [tilespmem:v3+s10+$0x0], $0xffff;
	_ =	sdelay $0x2  }
0x365: {  	v5 =	vmul.f32 v9, v5;
	_ =	sdelay $0x1  }
0x366: {  	v3 =	vmul.f32 v5, v3;
	_ =	sdelay $0x1  }
0x367: {  	v5 =	vld [tilespmem:s13+$0x90];
	[tilespmem:s13+$0x2080] =	vst v3  }
0x368: {  	v2 =	vld.idx.msk [tilespmem:v2+s9+$0x0], $0xffff;
	_ =	sdelay $0x1  }
0x369: {  	v9 =	vld [tilespmem:s13+$0x1090];
	_ =	sdelay $0x2  }
0x36a: {  	v2 =	vmul.f32 v2, v3;
	_ =	sdelay $0x1  }
0x36b: {  	v3 =	vld [tilespmem:s13+$0x2090];
	[tilespmem:s13+$0x3080] =	vst v2  }
0x36c: {  	v2 =	vld.idx.msk [tilespmem:v5+s10+$0x0], $0xffff;
	_ =	sdelay $0x1  }
0x36d: {  	v9 =	vld.idx.msk [tilespmem:v9+s10+$0x0], $0xffff;
	_ =	sdelay $0x2  }
0x36e: {  	v2 =	vmul.f32 v3, v2;
	_ =	sdelay $0x1  }
0x36f: {  	v2 =	vmul.f32 v2, v9;
	_ =	sdelay $0x1  }
0x370: {  	v9 =	vld [tilespmem:s13+$0xA0];
	[tilespmem:s13+$0x2090] =	vst v2  }
0x371: {  	v5 =	vld.idx.msk [tilespmem:v5+s9+$0x0], $0xffff;
	_ =	sdelay $0x1  }
0x372: {  	v3 =	vld [tilespmem:s13+$0x10A0];
	_ =	sdelay $0x2  }
0x373: {  	v2 =	vmul.f32 v5, v2;
	_ =	sdelay $0x1  }
0x374: {  	v5 =	vld [tilespmem:s13+$0x20A0];
	[tilespmem:s13+$0x3090] =	vst v2  }
0x375: {  	v2 =	vld.idx.msk [tilespmem:v9+s10+$0x0], $0xffff;
	_ =	sdelay $0x1  }
0x376: {  	v3 =	vld.idx.msk [tilespmem:v3+s10+$0x0], $0xffff;
	_ =	sdelay $0x2  }
0x377: {  	v2 =	vmul.f32 v5, v2;
	_ =	sdelay $0x1  }
0x378: {  	v2 =	vmul.f32 v2, v3;
	_ =	sdelay $0x1  }
0x379: {  	v3 =	vld [tilespmem:s13+$0xB0];
	[tilespmem:s13+$0x20A0] =	vst v2  }
0x37a: {  	v9 =	vld.idx.msk [tilespmem:v9+s9+$0x0], $0xffff;
	_ =	sdelay $0x1  }
0x37b: {  	v5 =	vld [tilespmem:s13+$0x10B0];
	_ =	sdelay $0x2  }
0x37c: {  	v2 =	vmul.f32 v9, v2;
	_ =	sdelay $0x1  }
0x37d: {  	v9 =	vld [tilespmem:s13+$0x20B0];
	[tilespmem:s13+$0x30A0] =	vst v2  }
0x37e: {  	v2 =	vld.idx.msk [tilespmem:v3+s10+$0x0], $0xffff;
	_ =	sdelay $0x1  }
0x37f: {  	v5 =	vld.idx.msk [tilespmem:v5+s10+$0x0], $0xffff;
	_ =	sdelay $0x2  }
0x380: {  	v2 =	vmul.f32 v9, v2;
	_ =	sdelay $0x1  }
0x381: {  	v2 =	vmul.f32 v2, v5;
	_ =	sdelay $0x1  }
0x382: {  	v5 =	vld [tilespmem:s13+$0xC0];
	[tilespmem:s13+$0x20B0] =	vst v2  }
0x383: {  	v3 =	vld.idx.msk [tilespmem:v3+s9+$0x0], $0xffff;
	_ =	sdelay $0x1  }
0x384: {  	v9 =	vld [tilespmem:s13+$0x10C0];
	_ =	sdelay $0x2  }
0x385: {  	v2 =	vmul.f32 v3, v2;
	_ =	sdelay $0x1  }
0x386: {  	v3 =	vld [tilespmem:s13+$0x20C0];
	[tilespmem:s13+$0x30B0] =	vst v2  }
0x387: {  	v2 =	vld.idx.msk [tilespmem:v5+s10+$0x0], $0xffff;
	_ =	sdelay $0x1  }
0x388: {  	v9 =	vld.idx.msk [tilespmem:v9+s10+$0x0], $0xffff;
	_ =	sdelay $0x2  }
0x389: {  	v2 =	vmul.f32 v3, v2;
	_ =	sdelay $0x1  }
0x38a: {  	v2 =	vmul.f32 v2, v9;
	_ =	sdelay $0x1  }
0x38b: {  	v9 =	vld [tilespmem:s13+$0xD0];
	[tilespmem:s13+$0x20C0] =	vst v2  }
0x38c: {  	v5 =	vld.idx.msk [tilespmem:v5+s9+$0x0], $0xffff;
	_ =	sdelay $0x1  }
0x38d: {  	v3 =	vld [tilespmem:s13+$0x10D0];
	_ =	sdelay $0x2  }
0x38e: {  	v2 =	vmul.f32 v5, v2;
	_ =	sdelay $0x1  }
0x38f: {  	v5 =	vld [tilespmem:s13+$0x20D0];
	[tilespmem:s13+$0x30C0] =	vst v2  }
0x390: {  	v2 =	vld.idx.msk [tilespmem:v9+s10+$0x0], $0xffff;
	_ =	sdelay $0x1  }
0x391: {  	v3 =	vld.idx.msk [tilespmem:v3+s10+$0x0], $0xffff;
	_ =	sdelay $0x2  }
0x392: {  	v2 =	vmul.f32 v5, v2;
	_ =	sdelay $0x1  }
0x393: {  	v2 =	vmul.f32 v2, v3;
	_ =	sdelay $0x1  }
0x394: {  	v5 =	vld [tilespmem:s13+$0xE0];
	[tilespmem:s13+$0x20D0] =	vst v2  }
0x395: {  	v3 =	vld.idx.msk [tilespmem:v9+s9+$0x0], $0xffff;
	_ =	sdelay $0x1  }
0x396: {  	v9 =	vld [tilespmem:s13+$0x10E0];
	_ =	sdelay $0x2  }
0x397: {  	v2 =	vmul.f32 v3, v2;
	_ =	sdelay $0x1  }
0x398: {  	v3 =	vld [tilespmem:s13+$0x20E0];
	[tilespmem:s13+$0x30D0] =	vst v2  }
0x399: {  	v7 =	vmul.f32 v8, v7;
	v2 =	vld.idx.msk [tilespmem:v5+s10+$0x0], $0xffff;
	_ =	sdelay $0x1  }
0x39a: {  	v6 =	vmul.f32 v7, v6;
	v8 =	vld.idx.msk [tilespmem:v9+s10+$0x0], $0xffff;
	_ =	sdelay $0x1  }
0x39b: {  	[tilespmem:s12+$0x20E0] =	vst v6  }
0x39c: {  	v2 =	vmul.f32 v3, v2;
	v3 =	vld.idx.msk [tilespmem:v4+s9+$0x0], $0xffff  }
0x39d: {  	v4 =	vld [tilespmem:s12+$0xF0]  }
0x39e: {  	v2 =	vmul.f32 v2, v8;
	_ =	sdelay $0x1  }
0x39f: {  	v7 =	vld [tilespmem:s12+$0x10F0];
	[tilespmem:s13+$0x20E0] =	vst v2  }
0x3a0: {  	v5 =	vld.idx.msk [tilespmem:v5+s9+$0x0], $0xffff  }
0x3a1: {  	v8 =	vld [tilespmem:s13+$0xF0];
	v3 =	vmul.f32 v3, v6;
	_ =	sdelay $0x1  }
0x3a2: {  	v6 =	vld [tilespmem:s13+$0x10F0];
	[tilespmem:s12+$0x30E0] =	vst v3  }
0x3a3: {  	v3 =	vld.idx.msk [tilespmem:v4+s10+$0x0], $0xffff  }
0x3a4: {  	v2 =	vmul.f32 v5, v2;
	v5 =	vld [tilespmem:s12+$0x20F0];
	_ =	sdelay $0x1  }
0x3a5: {  	v7 =	vld.idx.msk [tilespmem:v7+s10+$0x0], $0xffff  }
0x3a6: {  	v9 =	vld [tilespmem:s13+$0x20F0];
	[tilespmem:s13+$0x30E0] =	vst v2  }
0x3a7: {  	v2 =	vld.idx.msk [tilespmem:v8+s10+$0x0], $0xffff  }
0x3a8: {  	v3 =	vmul.f32 v5, v3  }
0x3a9: {  	v5 =	vld.idx.msk [tilespmem:v6+s10+$0x0], $0xffff  }
0x3aa: {  	v3 =	vmul.f32 v3, v7;
	_ =	sdelay $0x1  }
0x3ab: {  	v2 =	vmul.f32 v9, v2;
	[tilespmem:s12+$0x20F0] =	vst v3  }
0x3ac: {  	v4 =	vld.idx.msk [tilespmem:v4+s9+$0x0], $0xffff  }
0x3ad: {  	v2 =	vmul.f32 v2, v5;
	_ =	sdelay $0x1  }
0x3ae: {  	[tilespmem:s13+$0x20F0] =	vst v2  }
0x3af: {  	v5 =	vld.idx.msk [tilespmem:v8+s9+$0x0], $0xffff  }
0x3b0: {  	v3 =	vmul.f32 v4, v3;
	_ =	sdelay $0x1  }
0x3b1: {  	s25 =	sadd.s32 $0x1080, s12;
	s26 =	sadd.s32 $0x3080, s12;
	[tilespmem:s12+$0x30F0] =	vst v3  }
0x3b2: {  	[spmem:s3] =	stream.indirect.scatter.add.f32 [tilespmem:s26], [sflag:$0x2], $0x1, s25, s11, $0xb8;
	[tilespmem:$0x5200] =	vst v63  }
0x3b3: {  	v2 =	vmul.f32 v5, v2;
	v3 =	vld [tilespmem:s12+$0x100];
	_ =	sdelay $0x1  }
0x3b4: {  	s28 =	sadd.s32 $0x1080, s13;
	s29 =	sadd.s32 $0x3080, s13;
	[tilespmem:s13+$0x30F0] =	vst v2;
	v2 =	vld [tilespmem:s12+$0x1100]  }
0x3b5: {  	[spmem:s3] =	stream.indirect.scatter.add.f32 [tilespmem:s29], [sflag:$0x2], $0x1, s28, s11, $0xb8;
	[tilespmem:$0x5200] =	vst v63  }
0x3b6: {  	v4 =	vld [tilespmem:s13+$0x100];
	_ =	sdelay $0x1  }
0x3b7: {  	v5 =	vld [tilespmem:s13+$0x1100]  }
0x3b8: {  	v7 =	vld [tilespmem:s12+$0x2100]  }
0x3b9: {  	v6 =	vld.idx.msk [tilespmem:v3+s10+$0x0], $0xffff;
	_ =	sdelay $0x1  }
0x3ba: {  	v2 =	vld.idx.msk [tilespmem:v2+s10+$0x0], $0xffff  }
0x3bb: {  	v9 =	vld [tilespmem:s13+$0x2100]  }
0x3bc: {  	v8 =	vld.idx.msk [tilespmem:v4+s10+$0x0], $0xffff  }
0x3bd: {  	v6 =	vmul.f32 v7, v6  }
0x3be: {  	v5 =	vld.idx.msk [tilespmem:v5+s10+$0x0], $0xffff  }
0x3bf: {  	v2 =	vmul.f32 v6, v2;
	_ =	sdelay $0x1  }
0x3c0: {  	v6 =	vmul.f32 v9, v8;
	[tilespmem:s12+$0x2100] =	vst v2  }
0x3c1: {  	v3 =	vld.idx.msk [tilespmem:v3+s9+$0x0], $0xffff  }
0x3c2: {  	v5 =	vmul.f32 v6, v5;
	v6 =	vld [tilespmem:s12+$0x110];
	_ =	sdelay $0x2  }
0x3c3: {  	v7 =	vld [tilespmem:s12+$0x1110];
	[tilespmem:s13+$0x2100] =	vst v5  }
0x3c4: {  	v4 =	vld.idx.msk [tilespmem:v4+s9+$0x0], $0xffff  }
0x3c5: {  	v8 =	vld [tilespmem:s13+$0x110];
	v2 =	vmul.f32 v3, v2;
	_ =	sdelay $0x1  }
0x3c6: {  	v3 =	vld [tilespmem:s13+$0x1110];
	[tilespmem:s12+$0x3100] =	vst v2  }
0x3c7: {  	v2 =	vld.idx.msk [tilespmem:v6+s10+$0x0], $0xffff  }
0x3c8: {  	v4 =	vmul.f32 v4, v5;
	v5 =	vld [tilespmem:s12+$0x2110];
	_ =	sdelay $0x1  }
0x3c9: {  	v7 =	vld.idx.msk [tilespmem:v7+s10+$0x0], $0xffff  }
0x3ca: {  	v9 =	vld [tilespmem:s13+$0x2110];
	[tilespmem:s13+$0x3100] =	vst v4  }
0x3cb: {  	v4 =	vld.idx.msk [tilespmem:v8+s10+$0x0], $0xffff  }
0x3cc: {  	v2 =	vmul.f32 v5, v2  }
0x3cd: {  	v3 =	vld.idx.msk [tilespmem:v3+s10+$0x0], $0xffff  }
0x3ce: {  	v2 =	vmul.f32 v2, v7;
	_ =	sdelay $0x1  }
0x3cf: {  	v4 =	vmul.f32 v9, v4;
	[tilespmem:s12+$0x2110] =	vst v2  }
0x3d0: {  	v5 =	vld.idx.msk [tilespmem:v6+s9+$0x0], $0xffff  }
0x3d1: {  	v3 =	vmul.f32 v4, v3;
	v4 =	vld [tilespmem:s12+$0x120];
	_ =	sdelay $0x2  }
0x3d2: {  	v6 =	vld [tilespmem:s12+$0x1120];
	[tilespmem:s13+$0x2110] =	vst v3  }
0x3d3: {  	v7 =	vld.idx.msk [tilespmem:v8+s9+$0x0], $0xffff  }
0x3d4: {  	v8 =	vld [tilespmem:s13+$0x120];
	v2 =	vmul.f32 v5, v2;
	_ =	sdelay $0x1  }
0x3d5: {  	v5 =	vld [tilespmem:s13+$0x1120];
	[tilespmem:s12+$0x3110] =	vst v2  }
0x3d6: {  	v2 =	vld.idx.msk [tilespmem:v4+s10+$0x0], $0xffff  }
0x3d7: {  	v3 =	vmul.f32 v7, v3;
	v7 =	vld [tilespmem:s12+$0x2120];
	_ =	sdelay $0x1  }
0x3d8: {  	v6 =	vld.idx.msk [tilespmem:v6+s10+$0x0], $0xffff  }
0x3d9: {  	v9 =	vld [tilespmem:s13+$0x2120];
	[tilespmem:s13+$0x3110] =	vst v3  }
0x3da: {  	v3 =	vld.idx.msk [tilespmem:v8+s10+$0x0], $0xffff  }
0x3db: {  	v2 =	vmul.f32 v7, v2  }
0x3dc: {  	v5 =	vld.idx.msk [tilespmem:v5+s10+$0x0], $0xffff  }
0x3dd: {  	v2 =	vmul.f32 v2, v6;
	_ =	sdelay $0x1  }
0x3de: {  	v3 =	vmul.f32 v9, v3;
	[tilespmem:s12+$0x2120] =	vst v2  }
0x3df: {  	v4 =	vld.idx.msk [tilespmem:v4+s9+$0x0], $0xffff  }
0x3e0: {  	v3 =	vmul.f32 v3, v5;
	v5 =	vld [tilespmem:s12+$0x130];
	_ =	sdelay $0x2  }
0x3e1: {  	v6 =	vld [tilespmem:s12+$0x1130];
	[tilespmem:s13+$0x2120] =	vst v3  }
0x3e2: {  	v7 =	vld.idx.msk [tilespmem:v8+s9+$0x0], $0xffff  }
0x3e3: {  	v8 =	vld [tilespmem:s13+$0x130];
	v2 =	vmul.f32 v4, v2;
	_ =	sdelay $0x1  }
0x3e4: {  	v4 =	vld [tilespmem:s13+$0x1130];
	[tilespmem:s12+$0x3120] =	vst v2  }
0x3e5: {  	v2 =	vld.idx.msk [tilespmem:v5+s10+$0x0], $0xffff  }
0x3e6: {  	v3 =	vmul.f32 v7, v3;
	v7 =	vld [tilespmem:s12+$0x2130];
	_ =	sdelay $0x1  }
0x3e7: {  	v6 =	vld.idx.msk [tilespmem:v6+s10+$0x0], $0xffff  }
0x3e8: {  	v9 =	vld [tilespmem:s13+$0x2130];
	[tilespmem:s13+$0x3120] =	vst v3  }
0x3e9: {  	v3 =	vld.idx.msk [tilespmem:v8+s10+$0x0], $0xffff  }
0x3ea: {  	v2 =	vmul.f32 v7, v2  }
0x3eb: {  	v4 =	vld.idx.msk [tilespmem:v4+s10+$0x0], $0xffff  }
0x3ec: {  	v2 =	vmul.f32 v2, v6;
	_ =	sdelay $0x1  }
0x3ed: {  	v3 =	vmul.f32 v9, v3;
	[tilespmem:s12+$0x2130] =	vst v2  }
0x3ee: {  	v5 =	vld.idx.msk [tilespmem:v5+s9+$0x0], $0xffff  }
0x3ef: {  	v3 =	vmul.f32 v3, v4;
	v4 =	vld [tilespmem:s12+$0x140];
	_ =	sdelay $0x2  }
0x3f0: {  	v6 =	vld [tilespmem:s12+$0x1140];
	[tilespmem:s13+$0x2130] =	vst v3  }
0x3f1: {  	v7 =	vld.idx.msk [tilespmem:v8+s9+$0x0], $0xffff  }
0x3f2: {  	v8 =	vld [tilespmem:s13+$0x140];
	v2 =	vmul.f32 v5, v2;
	_ =	sdelay $0x1  }
0x3f3: {  	v5 =	vld [tilespmem:s13+$0x1140];
	[tilespmem:s12+$0x3130] =	vst v2  }
0x3f4: {  	v2 =	vld.idx.msk [tilespmem:v4+s10+$0x0], $0xffff  }
0x3f5: {  	v3 =	vmul.f32 v7, v3;
	v7 =	vld [tilespmem:s12+$0x2140];
	_ =	sdelay $0x1  }
0x3f6: {  	v6 =	vld.idx.msk [tilespmem:v6+s10+$0x0], $0xffff  }
0x3f7: {  	v9 =	vld [tilespmem:s13+$0x2140];
	[tilespmem:s13+$0x3130] =	vst v3  }
0x3f8: {  	v3 =	vld.idx.msk [tilespmem:v8+s10+$0x0], $0xffff  }
0x3f9: {  	v2 =	vmul.f32 v7, v2  }
0x3fa: {  	v5 =	vld.idx.msk [tilespmem:v5+s10+$0x0], $0xffff  }
0x3fb: {  	v2 =	vmul.f32 v2, v6;
	_ =	sdelay $0x1  }
0x3fc: {  	v3 =	vmul.f32 v9, v3;
	[tilespmem:s12+$0x2140] =	vst v2  }
0x3fd: {  	v4 =	vld.idx.msk [tilespmem:v4+s9+$0x0], $0xffff  }
0x3fe: {  	v3 =	vmul.f32 v3, v5;
	v5 =	vld [tilespmem:s12+$0x150];
	_ =	sdelay $0x2  }
0x3ff: {  	v6 =	vld [tilespmem:s12+$0x1150];
	[tilespmem:s13+$0x2140] =	vst v3  }
0x400: {  	v7 =	vld.idx.msk [tilespmem:v8+s9+$0x0], $0xffff  }
0x401: {  	v8 =	vld [tilespmem:s13+$0x150];
	v2 =	vmul.f32 v4, v2;
	_ =	sdelay $0x1  }
0x402: {  	v4 =	vld [tilespmem:s13+$0x1150];
	[tilespmem:s12+$0x3140] =	vst v2  }
0x403: {  	v2 =	vld.idx.msk [tilespmem:v5+s10+$0x0], $0xffff  }
0x404: {  	v3 =	vmul.f32 v7, v3;
	v7 =	vld [tilespmem:s12+$0x2150];
	_ =	sdelay $0x1  }
0x405: {  	v6 =	vld.idx.msk [tilespmem:v6+s10+$0x0], $0xffff  }
0x406: {  	v9 =	vld [tilespmem:s13+$0x2150];
	[tilespmem:s13+$0x3140] =	vst v3  }
0x407: {  	v3 =	vld.idx.msk [tilespmem:v8+s10+$0x0], $0xffff  }
0x408: {  	v2 =	vmul.f32 v7, v2  }
0x409: {  	v4 =	vld.idx.msk [tilespmem:v4+s10+$0x0], $0xffff  }
0x40a: {  	v2 =	vmul.f32 v2, v6;
	_ =	sdelay $0x1  }
0x40b: {  	v3 =	vmul.f32 v9, v3;
	[tilespmem:s12+$0x2150] =	vst v2  }
0x40c: {  	v5 =	vld.idx.msk [tilespmem:v5+s9+$0x0], $0xffff  }
0x40d: {  	v3 =	vmul.f32 v3, v4;
	v4 =	vld [tilespmem:s12+$0x160];
	_ =	sdelay $0x1  }
0x40e: {  	v6 =	vld [tilespmem:s12+$0x1160];
	[tilespmem:s13+$0x2150] =	vst v3  }
0x40f: {  	v7 =	vld.idx.msk [tilespmem:v8+s9+$0x0], $0xffff  }
0x410: {  	v8 =	vld [tilespmem:s13+$0x160]  }
0x411: {  	v2 =	vmul.f32 v5, v2  }
0x412: {  	v5 =	vld [tilespmem:s13+$0x1160]  }
0x413: {  	[tilespmem:s12+$0x3150] =	vst v2  }
0x414: {  	v2 =	vld.idx.msk [tilespmem:v4+s10+$0x0], $0xffff  }
0x415: {  	v3 =	vmul.f32 v7, v3;
	v7 =	vld [tilespmem:s12+$0x2160]  }
0x416: {  	v9 =	vld [tilespmem:s13+$0x2160]  }
0x417: {  	v6 =	vld.idx.msk [tilespmem:v6+s10+$0x0], $0xffff;
	[tilespmem:s13+$0x3150] =	vst v3  }
0x418: {  	v3 =	vld.idx.msk [tilespmem:v8+s10+$0x0], $0xffff;
	_ =	sdelay $0x1  }
0x419: {  	v2 =	vmul.f32 v7, v2;
	v5 =	vld.idx.msk [tilespmem:v5+s10+$0x0], $0xffff;
	_ =	sdelay $0x1  }
0x41a: {  	v2 =	vmul.f32 v2, v6  }
0x41b: {  	v3 =	vmul.f32 v9, v3  }
0x41c: {  	[tilespmem:s12+$0x2160] =	vst v2  }
0x41d: {  	v4 =	vld.idx.msk [tilespmem:v4+s9+$0x0], $0xffff;
	v3 =	vmul.f32 v3, v5  }
0x41e: {  	v5 =	vld [tilespmem:s12+$0x170]  }
0x41f: {  	v6 =	vld [tilespmem:s12+$0x1170];
	[tilespmem:s13+$0x2160] =	vst v3  }
0x420: {  	v7 =	vld.idx.msk [tilespmem:v8+s9+$0x0], $0xffff  }
0x421: {  	v8 =	vld [tilespmem:s13+$0x170];
	_ =	sdelay $0x1  }
0x422: {  	v2 =	vmul.f32 v4, v2;
	v4 =	vld [tilespmem:s13+$0x1170];
	_ =	sdelay $0x1  }
0x423: {  	v9 =	vld [tilespmem:s13+$0x2170];
	[tilespmem:s12+$0x3160] =	vst v2  }
0x424: {  	v2 =	vld.idx.msk [tilespmem:v5+s10+$0x0], $0xffff;
	v3 =	vmul.f32 v7, v3  }
0x425: {  	v7 =	vld [tilespmem:s12+$0x2170]  }
0x426: {  	v6 =	vld.idx.msk [tilespmem:v6+s10+$0x0], $0xffff;
	[tilespmem:s13+$0x3160] =	vst v3  }
0x427: {  	v3 =	vld.idx.msk [tilespmem:v8+s10+$0x0], $0xffff;
	_ =	sdelay $0x1  }
0x428: {  	v4 =	vld.idx.msk [tilespmem:v4+s10+$0x0], $0xffff  }
0x429: {  	v2 =	vmul.f32 v7, v2;
	_ =	sdelay $0x1  }
0x42a: {  	v2 =	vmul.f32 v2, v6;
	v3 =	vmul.f32 v9, v3;
	_ =	sdelay $0x1  }
0x42b: {  	[tilespmem:s12+$0x2170] =	vst v2;
	v3 =	vmul.f32 v3, v4  }
0x42c: {  	v0 =	vmul.f32 v1, v0;
	v5 =	vld.idx.msk [tilespmem:v5+s9+$0x0], $0xffff  }
0x42d: {  	[tilespmem:s13+$0x2170] =	vst v3  }
0x42e: {  	[tilespmem:s8+$0x3170] =	vst v0;
	v0 =	vld.idx.msk [tilespmem:v8+s9+$0x0], $0xffff  }
0x42f: {  	s30 =	sadd.s32 $0x1100, s8;
	s31 =	sadd.s32 $0x3100, s8  }
0x430: {  	[spmem:s3] =	stream.indirect.scatter.add.f32 [tilespmem:s31], [sflag:$0x2], $0x1, s30, s11, $0xb8;
	[tilespmem:$0x5200] =	vst v63  }
0x431: {  	v1 =	vld [tilespmem:s8+$0x180];
	v2 =	vmul.f32 v5, v2;
	_ =	sdelay $0x1  }
0x432: {  	s16 =	sadd.s32 $0x1100, s12;
	s17 =	sadd.s32 $0x3100, s12;
	[tilespmem:s12+$0x3170] =	vst v2;
	v2 =	vld [tilespmem:s8+$0x1180];
	v0 =	vmul.f32 v0, v3  }
0x433: {  	[spmem:s3] =	stream.indirect.scatter.add.f32 [tilespmem:s17], [sflag:$0x2], $0x1, s16, s11, $0xb8;
	[tilespmem:$0x5200] =	vst v63  }
0x434: {  	s18 =	sadd.s32 $0x1100, s13;
	s19 =	sadd.s32 $0x3100, s13;
	v3 =	vld [tilespmem:s12+$0x180];
	[tilespmem:s13+$0x3170] =	vst v0  }
0x435: {  	v0 =	vld [tilespmem:s12+$0x1180];
	[spmem:s3] =	stream.indirect.scatter.add.f32 [tilespmem:s19], [sflag:$0x2], $0x1, s18, s11, $0xb8  }
0x436: {  	v4 =	vld [tilespmem:s13+$0x180]  }
0x437: {  	v6 =	vld [tilespmem:s8+$0x2180]  }
0x438: {  	v5 =	vld.idx.msk [tilespmem:v1+s10+$0x0], $0xffff  }
0x439: {  	v7 =	vld [tilespmem:s13+$0x1180]  }
0x43a: {  	v2 =	vld.idx.msk [tilespmem:v2+s10+$0x0], $0xffff  }
0x43b: {  	v9 =	vld [tilespmem:s12+$0x2180]  }
0x43c: {  	v8 =	vld.idx.msk [tilespmem:v3+s10+$0x0], $0xffff  }
0x43d: {  	v5 =	vmul.f32 v6, v5;
	v0 =	vld.idx.msk [tilespmem:v0+s10+$0x0], $0xffff  }
0x43e: {  	v6 =	vld.idx.msk [tilespmem:v4+s10+$0x0], $0xffff  }
0x43f: {  	v2 =	vmul.f32 v5, v2;
	v5 =	vld [tilespmem:s13+$0x2180];
	_ =	sdelay $0x1  }
0x440: {  	v7 =	vld.idx.msk [tilespmem:v7+s10+$0x0], $0xffff;
	v8 =	vmul.f32 v9, v8  }
0x441: {  	[tilespmem:s8+$0x2180] =	vst v2  }
0x442: {  	v1 =	vld.idx.msk [tilespmem:v1+s9+$0x0], $0xffff;
	v0 =	vmul.f32 v8, v0  }
0x443: {  	v9 =	vld [tilespmem:s8+$0x190];
	v5 =	vmul.f32 v5, v6  }
0x444: {  	v6 =	vld [tilespmem:s8+$0x1190];
	[tilespmem:s12+$0x2180] =	vst v0  }
0x445: {  	v3 =	vld.idx.msk [tilespmem:v3+s9+$0x0], $0xffff;
	v5 =	vmul.f32 v5, v7  }
0x446: {  	v7 =	vld [tilespmem:s12+$0x190]  }
0x447: {  	v1 =	vmul.f32 v1, v2;
	v2 =	vld [tilespmem:s12+$0x1190];
	[tilespmem:s13+$0x2180] =	vst v5  }
0x448: {  	v4 =	vld.idx.msk [tilespmem:v4+s9+$0x0], $0xffff  }
0x449: {  	[tilespmem:s8+$0x3180] =	vst v1;
	v1 =	vld [tilespmem:s13+$0x190]  }
0x44a: {  	v10 =	vld [tilespmem:s8+$0x2190]  }
0x44b: {  	v8 =	vld.idx.msk [tilespmem:v9+s10+$0x0], $0xffff;
	v0 =	vmul.f32 v3, v0  }
0x44c: {  	v3 =	vld [tilespmem:s13+$0x1190]  }
0x44d: {  	v6 =	vld.idx.msk [tilespmem:v6+s10+$0x0], $0xffff;
	[tilespmem:s12+$0x3180] =	vst v0  }
0x44e: {  	v0 =	vld.idx.msk [tilespmem:v7+s10+$0x0], $0xffff;
	v4 =	vmul.f32 v4, v5  }
0x44f: {  	v5 =	vld [tilespmem:s12+$0x2190]  }
0x450: {  	v8 =	vmul.f32 v10, v8;
	v2 =	vld.idx.msk [tilespmem:v2+s10+$0x0], $0xffff;
	[tilespmem:s13+$0x3180] =	vst v4  }
0x451: {  	v4 =	vld.idx.msk [tilespmem:v1+s10+$0x0], $0xffff  }
0x452: {  	v6 =	vmul.f32 v8, v6;
	v8 =	vld [tilespmem:s13+$0x2190];
	_ =	sdelay $0x1  }
0x453: {  	v0 =	vmul.f32 v5, v0;
	v3 =	vld.idx.msk [tilespmem:v3+s10+$0x0], $0xffff  }
0x454: {  	[tilespmem:s8+$0x2190] =	vst v6  }
0x455: {  	v5 =	vld.idx.msk [tilespmem:v9+s9+$0x0], $0xffff;
	v0 =	vmul.f32 v0, v2  }
0x456: {  	v9 =	vld [tilespmem:s8+$0x1A0];
	v2 =	vmul.f32 v8, v4  }
0x457: {  	v4 =	vld [tilespmem:s8+$0x11A0];
	[tilespmem:s12+$0x2190] =	vst v0  }
0x458: {  	v7 =	vld.idx.msk [tilespmem:v7+s9+$0x0], $0xffff;
	v2 =	vmul.f32 v2, v3  }
0x459: {  	v3 =	vld [tilespmem:s12+$0x1A0]  }
0x45a: {  	v5 =	vmul.f32 v5, v6;
	v6 =	vld [tilespmem:s12+$0x11A0];
	[tilespmem:s13+$0x2190] =	vst v2  }
0x45b: {  	v1 =	vld.idx.msk [tilespmem:v1+s9+$0x0], $0xffff  }
0x45c: {  	[tilespmem:s8+$0x3190] =	vst v5;
	v5 =	vld [tilespmem:s13+$0x1A0]  }
0x45d: {  	v10 =	vld [tilespmem:s8+$0x21A0]  }
0x45e: {  	v8 =	vld.idx.msk [tilespmem:v9+s10+$0x0], $0xffff;
	v0 =	vmul.f32 v7, v0  }
0x45f: {  	v7 =	vld [tilespmem:s13+$0x11A0]  }
0x460: {  	v4 =	vld.idx.msk [tilespmem:v4+s10+$0x0], $0xffff;
	[tilespmem:s12+$0x3190] =	vst v0  }
0x461: {  	v0 =	vld.idx.msk [tilespmem:v3+s10+$0x0], $0xffff;
	v1 =	vmul.f32 v1, v2  }
0x462: {  	v2 =	vld [tilespmem:s12+$0x21A0]  }
0x463: {  	v8 =	vmul.f32 v10, v8;
	v6 =	vld.idx.msk [tilespmem:v6+s10+$0x0], $0xffff;
	[tilespmem:s13+$0x3190] =	vst v1  }
0x464: {  	v1 =	vld.idx.msk [tilespmem:v5+s10+$0x0], $0xffff  }
0x465: {  	v4 =	vmul.f32 v8, v4;
	v8 =	vld [tilespmem:s13+$0x21A0];
	_ =	sdelay $0x1  }
0x466: {  	v0 =	vmul.f32 v2, v0;
	v2 =	vld.idx.msk [tilespmem:v7+s10+$0x0], $0xffff  }
0x467: {  	[tilespmem:s8+$0x21A0] =	vst v4  }
0x468: {  	v7 =	vld.idx.msk [tilespmem:v9+s9+$0x0], $0xffff;
	v0 =	vmul.f32 v0, v6  }
0x469: {  	v9 =	vld [tilespmem:s8+$0x1B0];
	v1 =	vmul.f32 v8, v1  }
0x46a: {  	v6 =	vld [tilespmem:s8+$0x11B0];
	[tilespmem:s12+$0x21A0] =	vst v0  }
0x46b: {  	v3 =	vld.idx.msk [tilespmem:v3+s9+$0x0], $0xffff;
	v1 =	vmul.f32 v1, v2  }
0x46c: {  	v2 =	vld [tilespmem:s12+$0x1B0]  }
0x46d: {  	v4 =	vmul.f32 v7, v4;
	v7 =	vld [tilespmem:s12+$0x11B0];
	[tilespmem:s13+$0x21A0] =	vst v1  }
0x46e: {  	v5 =	vld.idx.msk [tilespmem:v5+s9+$0x0], $0xffff  }
0x46f: {  	[tilespmem:s8+$0x31A0] =	vst v4;
	v4 =	vld [tilespmem:s13+$0x1B0]  }
0x470: {  	v10 =	vld [tilespmem:s8+$0x21B0]  }
0x471: {  	v8 =	vld.idx.msk [tilespmem:v9+s10+$0x0], $0xffff;
	v0 =	vmul.f32 v3, v0  }
0x472: {  	v3 =	vld [tilespmem:s13+$0x11B0]  }
0x473: {  	v6 =	vld.idx.msk [tilespmem:v6+s10+$0x0], $0xffff;
	[tilespmem:s12+$0x31A0] =	vst v0  }
0x474: {  	v0 =	vld.idx.msk [tilespmem:v2+s10+$0x0], $0xffff;
	v1 =	vmul.f32 v5, v1  }
0x475: {  	v5 =	vld [tilespmem:s12+$0x21B0]  }
0x476: {  	v8 =	vmul.f32 v10, v8;
	v7 =	vld.idx.msk [tilespmem:v7+s10+$0x0], $0xffff;
	[tilespmem:s13+$0x31A0] =	vst v1  }
0x477: {  	v1 =	vld.idx.msk [tilespmem:v4+s10+$0x0], $0xffff  }
0x478: {  	v6 =	vmul.f32 v8, v6;
	v8 =	vld [tilespmem:s13+$0x21B0];
	_ =	sdelay $0x1  }
0x479: {  	v0 =	vmul.f32 v5, v0;
	v3 =	vld.idx.msk [tilespmem:v3+s10+$0x0], $0xffff  }
0x47a: {  	[tilespmem:s8+$0x21B0] =	vst v6  }
0x47b: {  	v5 =	vld.idx.msk [tilespmem:v9+s9+$0x0], $0xffff;
	v0 =	vmul.f32 v0, v7  }
0x47c: {  	v9 =	vld [tilespmem:s8+$0x1C0];
	v1 =	vmul.f32 v8, v1  }
0x47d: {  	v7 =	vld [tilespmem:s8+$0x11C0];
	[tilespmem:s12+$0x21B0] =	vst v0  }
0x47e: {  	v2 =	vld.idx.msk [tilespmem:v2+s9+$0x0], $0xffff;
	v1 =	vmul.f32 v1, v3  }
0x47f: {  	v3 =	vld [tilespmem:s12+$0x1C0]  }
0x480: {  	v5 =	vmul.f32 v5, v6;
	v6 =	vld [tilespmem:s12+$0x11C0];
	[tilespmem:s13+$0x21B0] =	vst v1  }
0x481: {  	v4 =	vld.idx.msk [tilespmem:v4+s9+$0x0], $0xffff  }
0x482: {  	[tilespmem:s8+$0x31B0] =	vst v5;
	v5 =	vld [tilespmem:s13+$0x1C0]  }
0x483: {  	v10 =	vld [tilespmem:s8+$0x21C0]  }
0x484: {  	v8 =	vld.idx.msk [tilespmem:v9+s10+$0x0], $0xffff;
	v0 =	vmul.f32 v2, v0  }
0x485: {  	v2 =	vld [tilespmem:s13+$0x11C0]  }
0x486: {  	v7 =	vld.idx.msk [tilespmem:v7+s10+$0x0], $0xffff;
	[tilespmem:s12+$0x31B0] =	vst v0  }
0x487: {  	v0 =	vld.idx.msk [tilespmem:v3+s10+$0x0], $0xffff;
	v1 =	vmul.f32 v4, v1  }
0x488: {  	v4 =	vld [tilespmem:s12+$0x21C0]  }
0x489: {  	v8 =	vmul.f32 v10, v8;
	v6 =	vld.idx.msk [tilespmem:v6+s10+$0x0], $0xffff;
	[tilespmem:s13+$0x31B0] =	vst v1  }
0x48a: {  	v1 =	vld.idx.msk [tilespmem:v5+s10+$0x0], $0xffff  }
0x48b: {  	v7 =	vmul.f32 v8, v7;
	v8 =	vld [tilespmem:s13+$0x21C0];
	_ =	sdelay $0x1  }
0x48c: {  	v0 =	vmul.f32 v4, v0;
	v2 =	vld.idx.msk [tilespmem:v2+s10+$0x0], $0xffff  }
0x48d: {  	[tilespmem:s8+$0x21C0] =	vst v7  }
0x48e: {  	v4 =	vld.idx.msk [tilespmem:v9+s9+$0x0], $0xffff;
	v0 =	vmul.f32 v0, v6  }
0x48f: {  	v9 =	vld [tilespmem:s8+$0x1D0];
	v1 =	vmul.f32 v8, v1  }
0x490: {  	v6 =	vld [tilespmem:s8+$0x11D0];
	[tilespmem:s12+$0x21C0] =	vst v0  }
0x491: {  	v3 =	vld.idx.msk [tilespmem:v3+s9+$0x0], $0xffff;
	v1 =	vmul.f32 v1, v2  }
0x492: {  	v2 =	vld [tilespmem:s12+$0x1D0]  }
0x493: {  	v4 =	vmul.f32 v4, v7;
	v7 =	vld [tilespmem:s12+$0x11D0];
	[tilespmem:s13+$0x21C0] =	vst v1  }
0x494: {  	v5 =	vld.idx.msk [tilespmem:v5+s9+$0x0], $0xffff  }
0x495: {  	[tilespmem:s8+$0x31C0] =	vst v4;
	v4 =	vld [tilespmem:s13+$0x1D0]  }
0x496: {  	v10 =	vld [tilespmem:s8+$0x21D0]  }
0x497: {  	v8 =	vld.idx.msk [tilespmem:v9+s10+$0x0], $0xffff;
	v0 =	vmul.f32 v3, v0  }
0x498: {  	v3 =	vld [tilespmem:s13+$0x11D0]  }
0x499: {  	v6 =	vld.idx.msk [tilespmem:v6+s10+$0x0], $0xffff;
	[tilespmem:s12+$0x31C0] =	vst v0  }
0x49a: {  	v0 =	vld.idx.msk [tilespmem:v2+s10+$0x0], $0xffff;
	v1 =	vmul.f32 v5, v1  }
0x49b: {  	v5 =	vld [tilespmem:s12+$0x21D0]  }
0x49c: {  	v8 =	vmul.f32 v10, v8;
	v7 =	vld.idx.msk [tilespmem:v7+s10+$0x0], $0xffff;
	[tilespmem:s13+$0x31C0] =	vst v1  }
0x49d: {  	v1 =	vld.idx.msk [tilespmem:v4+s10+$0x0], $0xffff  }
0x49e: {  	v6 =	vmul.f32 v8, v6;
	v8 =	vld [tilespmem:s13+$0x21D0];
	_ =	sdelay $0x1  }
0x49f: {  	v0 =	vmul.f32 v5, v0;
	v3 =	vld.idx.msk [tilespmem:v3+s10+$0x0], $0xffff  }
0x4a0: {  	[tilespmem:s8+$0x21D0] =	vst v6  }
0x4a1: {  	v5 =	vld.idx.msk [tilespmem:v9+s9+$0x0], $0xffff;
	v0 =	vmul.f32 v0, v7  }
0x4a2: {  	v9 =	vld [tilespmem:s8+$0x1E0];
	v1 =	vmul.f32 v8, v1  }
0x4a3: {  	v7 =	vld [tilespmem:s8+$0x11E0];
	[tilespmem:s12+$0x21D0] =	vst v0  }
0x4a4: {  	v2 =	vld.idx.msk [tilespmem:v2+s9+$0x0], $0xffff;
	v1 =	vmul.f32 v1, v3  }
0x4a5: {  	v3 =	vld [tilespmem:s12+$0x1E0]  }
0x4a6: {  	v5 =	vmul.f32 v5, v6;
	v6 =	vld [tilespmem:s12+$0x11E0];
	[tilespmem:s13+$0x21D0] =	vst v1  }
0x4a7: {  	v4 =	vld.idx.msk [tilespmem:v4+s9+$0x0], $0xffff  }
0x4a8: {  	[tilespmem:s8+$0x31D0] =	vst v5;
	v5 =	vld [tilespmem:s13+$0x1E0]  }
0x4a9: {  	v10 =	vld [tilespmem:s8+$0x21E0]  }
0x4aa: {  	v8 =	vld.idx.msk [tilespmem:v9+s10+$0x0], $0xffff;
	v0 =	vmul.f32 v2, v0  }
0x4ab: {  	v2 =	vld [tilespmem:s13+$0x11E0]  }
0x4ac: {  	v7 =	vld.idx.msk [tilespmem:v7+s10+$0x0], $0xffff;
	[tilespmem:s12+$0x31D0] =	vst v0  }
0x4ad: {  	v0 =	vld.idx.msk [tilespmem:v3+s10+$0x0], $0xffff;
	v1 =	vmul.f32 v4, v1  }
0x4ae: {  	v4 =	vld [tilespmem:s12+$0x21E0]  }
0x4af: {  	v8 =	vmul.f32 v10, v8;
	v6 =	vld.idx.msk [tilespmem:v6+s10+$0x0], $0xffff;
	[tilespmem:s13+$0x31D0] =	vst v1  }
0x4b0: {  	v1 =	vld.idx.msk [tilespmem:v5+s10+$0x0], $0xffff  }
0x4b1: {  	v7 =	vmul.f32 v8, v7;
	v8 =	vld [tilespmem:s13+$0x21E0];
	_ =	sdelay $0x1  }
0x4b2: {  	v0 =	vmul.f32 v4, v0;
	v2 =	vld.idx.msk [tilespmem:v2+s10+$0x0], $0xffff  }
0x4b3: {  	v11 =	vld [tilespmem:s13+$0x21F0];
	[tilespmem:s8+$0x21E0] =	vst v7  }
0x4b4: {  	v4 =	vld.idx.msk [tilespmem:v9+s9+$0x0], $0xffff;
	v0 =	vmul.f32 v0, v6  }
0x4b5: {  	v9 =	vld [tilespmem:s8+$0x1F0];
	v1 =	vmul.f32 v8, v1  }
0x4b6: {  	v6 =	vld [tilespmem:s8+$0x11F0];
	[tilespmem:s12+$0x21E0] =	vst v0  }
0x4b7: {  	v3 =	vld.idx.msk [tilespmem:v3+s9+$0x0], $0xffff;
	v1 =	vmul.f32 v1, v2  }
0x4b8: {  	v2 =	vld [tilespmem:s12+$0x1F0]  }
0x4b9: {  	v4 =	vmul.f32 v4, v7;
	v7 =	vld [tilespmem:s12+$0x11F0];
	[tilespmem:s13+$0x21E0] =	vst v1  }
0x4ba: {  	v5 =	vld.idx.msk [tilespmem:v5+s9+$0x0], $0xffff  }
0x4bb: {  	[tilespmem:s8+$0x31E0] =	vst v4;
	v4 =	vld [tilespmem:s13+$0x1F0]  }
0x4bc: {  	v10 =	vld [tilespmem:s8+$0x21F0]  }
0x4bd: {  	v0 =	vmul.f32 v3, v0;
	v3 =	vld [tilespmem:s13+$0x11F0]  }
0x4be: {  	v8 =	vld.idx.msk [tilespmem:v9+s10+$0x0], $0xffff  }
0x4bf: {  	v6 =	vld.idx.msk [tilespmem:v6+s10+$0x0], $0xffff;
	[tilespmem:s12+$0x31E0] =	vst v0  }
0x4c0: {  	v0 =	vld.idx.msk [tilespmem:v2+s10+$0x0], $0xffff;
	v1 =	vmul.f32 v5, v1  }
0x4c1: {  	v5 =	vld [tilespmem:s12+$0x21F0]  }
0x4c2: {  	v7 =	vld.idx.msk [tilespmem:v7+s10+$0x0], $0xffff;
	[tilespmem:s13+$0x31E0] =	vst v1  }
0x4c3: {  	v1 =	vld.idx.msk [tilespmem:v4+s10+$0x0], $0xffff  }
0x4c4: {  	v8 =	vmul.f32 v10, v8  }
0x4c5: {  	v3 =	vld.idx.msk [tilespmem:v3+s10+$0x0], $0xffff  }
0x4c6: {  	v6 =	vmul.f32 v8, v6;
	v0 =	vmul.f32 v5, v0;
	_ =	sdelay $0x1  }
0x4c7: {  	[tilespmem:s8+$0x21F0] =	vst v6;
	v0 =	vmul.f32 v0, v7;
	v1 =	vmul.f32 v11, v1  }
0x4c8: {  	v5 =	vld.idx.msk [tilespmem:v9+s9+$0x0], $0xffff  }
0x4c9: {  	[tilespmem:s12+$0x21F0] =	vst v0;
	v1 =	vmul.f32 v1, v3  }
0x4ca: {  	v2 =	vld.idx.msk [tilespmem:v2+s9+$0x0], $0xffff  }
0x4cb: {  	[tilespmem:s13+$0x21F0] =	vst v1  }
0x4cc: {  	v3 =	vld.idx.msk [tilespmem:v4+s9+$0x0], $0xffff  }
0x4cd: {  	v4 =	vmul.f32 v5, v6;
	_ =	sdelay $0x1  }
0x4ce: {  	s20 =	sadd.s32 $0x1180, s8;
	s21 =	sadd.s32 $0x3180, s8;
	[tilespmem:s8+$0x31F0] =	vst v4;
	v0 =	vmul.f32 v2, v0  }
0x4cf: {  	[spmem:s3] =	stream.indirect.scatter.add.f32 [tilespmem:s21], [sflag:$0x2], $0x1, s20, s11, $0xb8;
	[tilespmem:$0x5200] =	vst v63  }
0x4d0: {  	s22 =	sadd.s32 $0x1180, s12;
	s23 =	sadd.s32 $0x3180, s12;
	[tilespmem:s12+$0x31F0] =	vst v0;
	v0 =	vmul.f32 v3, v1  }
0x4d1: {  	[spmem:s3] =	stream.indirect.scatter.add.f32 [tilespmem:s23], [sflag:$0x2], $0x1, s22, s11, $0xb8;
	[tilespmem:$0x5200] =	vst v63  }
0x4d2: {  	s24 =	sadd.s32 $0x1180, s13;
	s25 =	sadd.s32 $0x3180, s13;
	s26 =	simm.s32 $0x2;
	[tilespmem:s13+$0x31F0] =	vst v0  }
0x4d3: {  	[spmem:s3] =	stream.indirect.scatter.add.f32 [tilespmem:s25], [sflag:$0x2], $0x1, s24, s11, $0xb8;
	[tilespmem:$0x5200] =	vst v63  }
0x4d4: {  	_ =	swait.ge [sflag:s26], $0x80  }
0x4d5: {  	[sflag:s26] =	ssyncset.done $0x0  }
0x4d6: {  	[sflag:s26] =	ssyncadd.s32 $0xFFFFFF80  }
0x4d7: {  	_ =	swait.ge [sflag:s26], $0x80  }
0x4d8: {  	[sflag:s26] =	ssyncset.done $0x0  }
0x4d9: {  	[sflag:s26] =	ssyncadd.s32 $0xFFFFFF80  }
0x4da: {  	_ =	swait.ge [sflag:s26], $0x80  }
0x4db: {  	[sflag:s26] =	ssyncset.done $0x0  }
0x4dc: {  	[sflag:s26] =	ssyncadd.s32 $0xFFFFFF80  }
0x4dd: {  	_ =	swait.ge [sflag:s26], $0x80  }
0x4de: {  	[sflag:s26] =	ssyncset.done $0x0  }
0x4df: {  	[sflag:s26] =	ssyncadd.s32 $0xFFFFFF80  }
0x4e0: {  	_ =	swait.ge [sflag:s26], $0x80  }
0x4e1: {  	[sflag:s26] =	ssyncset.done $0x0  }
0x4e2: {  	[sflag:s26] =	ssyncadd.s32 $0xFFFFFF80  }
0x4e3: {  	_ =	swait.ge [sflag:s26], $0x80  }
0x4e4: {  	[sflag:s26] =	ssyncset.done $0x0  }
0x4e5: {  	[sflag:s26] =	ssyncadd.s32 $0xFFFFFF80  }
0x4e6: {  	_ =	swait.ge [sflag:s26], $0x80  }
0x4e7: {  	[sflag:s26] =	ssyncset.done $0x0  }
0x4e8: {  	[sflag:s26] =	ssyncadd.s32 $0xFFFFFF80  }
0x4e9: {  	_ =	swait.ge [sflag:s26], $0x80  }
0x4ea: {  	[sflag:s26] =	ssyncset.done $0x0  }
0x4eb: {  	[sflag:s26] =	ssyncadd.s32 $0xFFFFFF80  }
0x4ec: {  	_ =	swait.ge [sflag:s26], $0x80  }
0x4ed: {  	[sflag:s26] =	ssyncset.done $0x0  }
0x4ee: {  	[sflag:s26] =	ssyncadd.s32 $0xFFFFFF80  }
0x4ef: {  	_ =	swait.ge [sflag:s26], $0x80  }
0x4f0: {  	[sflag:s26] =	ssyncset.done $0x0  }
0x4f1: {  	[sflag:s26] =	ssyncadd.s32 $0xFFFFFF80  }
0x4f2: {  	_ =	swait.ge [sflag:s26], $0x80  }
0x4f3: {  	[sflag:s26] =	ssyncset.done $0x0  }
0x4f4: {  	[sflag:s26] =	ssyncadd.s32 $0xFFFFFF80  }
0x4f5: {  	_ =	swait.ge [sflag:s26], $0x80  }
0x4f6: {  	[sflag:s26] =	ssyncset.done $0x0  }
0x4f7: {  	[sflag:s26] =	ssyncadd.s32 $0xFFFFFF80  }
0x4f8: {  	_ =	swait.ge [sflag:s26], $0x80  }
0x4f9: {  	[sflag:s26] =	ssyncset.done $0x0  }
0x4fa: {  	[sflag:s26] =	ssyncadd.s32 $0xFFFFFF80  }
0x4fb: {  	_ =	swait.ge [sflag:s26], $0x80  }
0x4fc: {  	[sflag:s26] =	ssyncset.done $0x0  }
0x4fd: {  	[sflag:s26] =	ssyncadd.s32 $0xFFFFFF80  }
0x4fe: {  	_ =	swait.ge [sflag:s26], $0x80  }
0x4ff: {  	[sflag:s26] =	ssyncset.done $0x0  }
0x500: {  	[sflag:s26] =	ssyncadd.s32 $0xFFFFFF80  }
0x501: {  	_ =	swait.ge [sflag:s26], $0x80  }
0x502: {  	[sflag:s26] =	ssyncset.done $0x0  }
0x503: {  	[sflag:s26] =	ssyncadd.s32 $0xFFFFFF80  }
0x504: {  	_ =	swait.ge [sflag:s26], $0x80  }
0x505: {  	[sflag:s26] =	ssyncset.done $0x0  }
0x506: {  	[sflag:s26] =	ssyncadd.s32 $0xFFFFFF80  }
0x507: {  	_ =	swait.ge [sflag:s26], $0x80  }
0x508: {  	[sflag:s26] =	ssyncset.done $0x0  }
0x509: {  	[sflag:s26] =	ssyncadd.s32 $0xFFFFFF80  }
0x50a: {  	_ =	swait.ge [sflag:s26], $0x80  }
0x50b: {  	[sflag:s26] =	ssyncset.done $0x0  }
0x50c: {  	[sflag:s26] =	ssyncadd.s32 $0xFFFFFF80  }
0x50d: {  	_ =	swait.ge [sflag:s26], $0x80  }
0x50e: {  	[sflag:s26] =	ssyncset.done $0x0  }
0x50f: {  	[sflag:s26] =	ssyncadd.s32 $0xFFFFFF80  }
0x510: {  	_ =	swait.ge [sflag:s26], $0x80  }
0x511: {  	[sflag:s26] =	ssyncset.done $0x0  }
0x512: {  	[sflag:s26] =	ssyncadd.s32 $0xFFFFFF80  }
0x513: {  	_ =	swait.ge [sflag:s26], $0x80  }
0x514: {  	[sflag:s26] =	ssyncset.done $0x0  }
0x515: {  	[sflag:s26] =	ssyncadd.s32 $0xFFFFFF80  }
0x516: {  	_ =	swait.ge [sflag:s26], $0x80  }
0x517: {  	[sflag:s26] =	ssyncset.done $0x0  }
0x518: {  	[sflag:s26] =	ssyncadd.s32 $0xFFFFFF80  }
0x519: {  	_ =	swait.ge [sflag:s26], $0x80  }
0x51a: {  	[sflag:s26] =	ssyncset.done $0x0  }
0x51b: {  	[sflag:s26] =	ssyncadd.s32 $0xFFFFFF80  }
0x51c: {  	_ =	swait.ge [sflag:s26], $0x80  }
0x51d: {  	[sflag:s26] =	ssyncset.done $0x0  }
0x51e: {  	[sflag:s26] =	ssyncadd.s32 $0xFFFFFF80  }
0x51f: {  	_ =	swait.ge [sflag:s26], $0x80  }
0x520: {  	[sflag:s26] =	ssyncset.done $0x0  }
0x521: {  	[sflag:s26] =	ssyncadd.s32 $0xFFFFFF80  }
0x522: {  	_ =	swait.ge [sflag:s26], $0x80  }
0x523: {  	[sflag:s26] =	ssyncset.done $0x0  }
0x524: {  	[sflag:s26] =	ssyncadd.s32 $0xFFFFFF80  }
0x525: {  	_ =	swait.ge [sflag:s26], $0x80  }
0x526: {  	[sflag:s26] =	ssyncset.done $0x0  }
0x527: {  	[sflag:s26] =	ssyncadd.s32 $0xFFFFFF80  }
0x528: {  	_ =	swait.ge [sflag:s26], $0x80  }
0x529: {  	[sflag:s26] =	ssyncset.done $0x0  }
0x52a: {  	[sflag:s26] =	ssyncadd.s32 $0xFFFFFF80  }
0x52b: {  	_ =	swait.ge [sflag:s26], $0x80  }
0x52c: {  	[sflag:s26] =	ssyncset.done $0x0  }
0x52d: {  	[sflag:s26] =	ssyncadd.s32 $0xFFFFFF80  }
0x52e: {  	_ =	swait.ge [sflag:s26], $0x80  }
0x52f: {  	[sflag:s26] =	ssyncset.done $0x0  }
0x530: {  	[sflag:s26] =	ssyncadd.s32 $0xFFFFFF80  }
0x531: {  	_ =	swait.ge [sflag:s26], $0x80  }
0x532: {  	[sflag:s26] =	ssyncset.done $0x0  }
0x533: {  	[sflag:s26] =	ssyncadd.s32 $0xFFFFFF80  }
0x534: {  	s28 =	simm.s32 $0x4800;
	s29 =	simm.s32 $0x3;
	[bflag:$0x0] =	sbarrier.arrive $0xFFFF  }
0x535: {  	[tilespmem:s28], [sflag:$0x3] =	stream.linear.gather [spmem:s3], $0x400, $0x38;
	[tilespmem:$0x5200] =	vst v63  }
0x536: {  	_ =	swait.ge [sflag:s29], $0x400  }
0x537: {  	[sflag:s29] =	ssyncset.done $0x0  }
0x538: {  	s30 =	simm.s32 $0x5080;
	[sflag:s29] =	ssyncadd.s32 $0xFFFFFC00  }
0x539: {  	[spmem:s7] =	stream.linear.scatter [tilespmem:s30], [sflag:$0x3], $0x40, $0x38;
	[tilespmem:$0x5200] =	vst v63  }
0x53a: {  	_ =	swait.ge [sflag:s29], $0x40  }
0x53b: {  	[sflag:s29] =	ssyncset.done $0x0  }
0x53c: {  	s31 =	simm.s32 $0x4420;
	[sflag:s29] =	ssyncadd.s32 $0xFFFFFFC0  }
0x53d: {  	v0 =	vld [tilespmem:s31+$0x10]  }
0x53e: {  	s7 =	simm.s32 $0x4020;
	v3 =	vld [tilespmem:s31+$0xFFFFFFF0]  }
0x53f: {  	v1 =	vld [tilespmem:s7+$0x10]  }
0x540: {  	s8 =	simm.s32 $0x4820;
	v5 =	vld [tilespmem:s31+$0x0]  }
0x541: {  	v6 =	vld [tilespmem:s8+$0x10]  }
0x542: {  	v8 =	vld [tilespmem:s31+$0xFFFFFFE0];
	v4 =	vmul.f32 v0, v0  }
0x543: {  	v2 =	vld [tilespmem:s7+$0xFFFFFFF0]  }
0x544: {  	v0 =	vld [tilespmem:s7+$0xFFFFFFE0];
	v7 =	vmul.f32 v1, v4  }
0x545: {  	v4 =	vld [tilespmem:s7+$0x0]  }
0x546: {  	v1 =	vld [tilespmem:s8+$0xFFFFFFE0];
	v9 =	vadd.f32 v7, v6  }
0x547: {  	v3 =	vmul.f32 v3, v3;
	v8 =	vmul.f32 v8, v8;
	v6 =	vld [tilespmem:s8+$0xFFFFFFF0]  }
0x548: {  	s10 =	simm.s32 $0x0;
	s9 =	simm.s32 $0x4020;
	s11 =	simm.s32 $0x4460;
	v7 =	vmul.f32 v5, v5;
	v5 =	vld [tilespmem:s8+$0x0];
	[tilespmem:s7+$0x10] =	vst v9  }
.LBB2_7:
0x549: {  	v9 =	vld [tilespmem:s11+$0x10];
	s10 =	sadd.s32 $0x4, s10;
	v0 =	vmul.f32 v0, v8;
	v2 =	vmul.f32 v2, v3  }
0x54a: {  	s7 =	sadd.s32 $0x40, s7;
	v3 =	vld [tilespmem:s11+$0xFFFFFFF0];
	p0 =	slt.u32 s10, $0x3C;
	v4 =	vmul.f32 v4, v7  }
0x54b: {  	v7 =	vld [tilespmem:s7+$0x10];
	v0 =	vadd.f32 v0, v1  }
0x54c: {  	s8 =	sadd.s32 $0x40, s8;
	v1 =	vld [tilespmem:s11+$0x0];
	v2 =	vadd.f32 v2, v6  }
0x54d: {  	v6 =	vld [tilespmem:s8+$0x10];
	[tilespmem:s9+$0xFFFFFFE0] =	vst v0;
	v4 =	vadd.f32 v4, v5  }
0x54e: {  	v5 =	vld [tilespmem:s11+$0xFFFFFFE0];
	v8 =	vmul.f32 v9, v9;
	[tilespmem:s9+$0xFFFFFFF0] =	vst v2  }
0x54f: {  	v0 =	vld [tilespmem:s7+$0xFFFFFFE0];
	v3 =	vmul.f32 v3, v3;
	[tilespmem:s9+$0x0] =	vst v4;
	s9 =	smov.u32 s7  }
.Ltmp3:
0x550: {  	v2 =	vld [tilespmem:s7+$0xFFFFFFF0];
	v8 =	vmul.f32 v7, v8;
	(pc) =	sbr.rel @p0 .LBB2_7-.Ltmp3, $4  }
0x551: {  	v7 =	vmul.f32 v1, v1;
	v4 =	vld [tilespmem:s7+$0x0]  }
0x552: {  	v1 =	vld [tilespmem:s8+$0xFFFFFFE0];
	v9 =	vadd.f32 v8, v6  }
0x553: {  	v8 =	vmul.f32 v5, v5;
	v6 =	vld [tilespmem:s8+$0xFFFFFFF0]  }
0x554: {  	s11 =	sadd.s32 $0x40, s11;
	v5 =	vld [tilespmem:s8+$0x0];
	[tilespmem:s7+$0x10] =	vst v9  }
0x555: {  	v0 =	vmul.f32 v0, v8  }
0x556: {  	v2 =	vmul.f32 v2, v3  }
0x557: {  	v3 =	vmul.f32 v4, v7;
	v0 =	vadd.f32 v0, v1  }
0x558: {  	v1 =	vadd.f32 v2, v6  }
0x559: {  	[tilespmem:s9+$0xFFFFFFE0] =	vst v0;
	v0 =	vadd.f32 v3, v5  }
0x55a: {  	[tilespmem:s9+$0xFFFFFFF0] =	vst v1  }
0x55b: {  	[tilespmem:s9+$0x0] =	vst v0  }
0x55c: {  	s7 =	simm.s32 $0x0;
	[bflag:$0x0] =	sbarrier.arrive $0xFFFF  }
0x55d: {  	v0 =	vld [tilespmem:s7+$0x0];
	_ =	sdelay $0x5  }
0x55e: {  	v1 =	vld [tilespmem:s7+$0x2000]  }
0x55f: {  	s8 =	simm.s32 $0x4000;
	v2 =	vld [tilespmem:s7+$0x10]  }
0x560: {  	v0 =	vld.idx.msk [tilespmem:v0+s8+$0x0], $0xffff;
	_ =	sdelay $0x4  }
0x561: {  	v0 =	vmul.f32 v0, v1  }
0x562: {  	v1 =	vld [tilespmem:s7+$0x2010]  }
0x563: {  	[tilespmem:s7+$0x3000] =	vst v0;
	v0 =	vld [tilespmem:s7+$0x20]  }
0x564: {  	v2 =	vld.idx.msk [tilespmem:v2+s8+$0x0], $0xffff;
	_ =	sdelay $0x4  }
0x565: {  	v1 =	vmul.f32 v2, v1  }
0x566: {  	v3 =	vld [tilespmem:s7+$0x2020]  }
0x567: {  	[tilespmem:s7+$0x3010] =	vst v1;
	v1 =	vld [tilespmem:s7+$0x30]  }
0x568: {  	v0 =	vld.idx.msk [tilespmem:v0+s8+$0x0], $0xffff;
	_ =	sdelay $0x4  }
0x569: {  	v0 =	vmul.f32 v0, v3  }
0x56a: {  	v2 =	vld [tilespmem:s7+$0x40]  }
0x56b: {  	[tilespmem:s7+$0x3020] =	vst v0;
	v0 =	vld [tilespmem:s7+$0x2030]  }
0x56c: {  	v1 =	vld.idx.msk [tilespmem:v1+s8+$0x0], $0xffff;
	_ =	sdelay $0x4  }
0x56d: {  	v0 =	vmul.f32 v1, v0  }
0x56e: {  	v3 =	vld [tilespmem:s7+$0x50]  }
0x56f: {  	[tilespmem:s7+$0x3030] =	vst v0;
	v0 =	vld [tilespmem:s7+$0x2040]  }
0x570: {  	v2 =	vld.idx.msk [tilespmem:v2+s8+$0x0], $0xffff;
	_ =	sdelay $0x4  }
0x571: {  	v0 =	vmul.f32 v2, v0  }
0x572: {  	v5 =	vld [tilespmem:s7+$0x60]  }
0x573: {  	[tilespmem:s7+$0x3040] =	vst v0;
	v0 =	vld [tilespmem:s7+$0x2050]  }
0x574: {  	v3 =	vld.idx.msk [tilespmem:v3+s8+$0x0], $0xffff;
	_ =	sdelay $0x4  }
0x575: {  	v0 =	vmul.f32 v3, v0  }
0x576: {  	v4 =	vld [tilespmem:s7+$0x2060]  }
0x577: {  	v2 =	vld [tilespmem:s7+$0x70];
	[tilespmem:s7+$0x3050] =	vst v0  }
0x578: {  	v0 =	vld.idx.msk [tilespmem:v5+s8+$0x0], $0xffff;
	_ =	sdelay $0x4  }
0x579: {  	v0 =	vmul.f32 v0, v4;
	_ =	sdelay $0x1  }
0x57a: {  	v1 =	vld [tilespmem:s7+$0x2070];
	[tilespmem:s7+$0x3060] =	vst v0  }
0x57b: {  	v0 =	vld.idx.msk [tilespmem:v2+s8+$0x0], $0xffff;
	_ =	sdelay $0x4  }
0x57c: {  	v0 =	vmul.f32 v0, v1;
	_ =	sdelay $0x1  }
0x57d: {  	s10 =	simm.s32 $0x3000;
	s11 =	simm.s32 $0x1000;
	s9 =	simm.s32 $0x80;
	[tilespmem:s7+$0x3070] =	vst v0  }
0x57e: {  	[spmem:s5] =	stream.indirect.scatter.add.f32 [tilespmem:s10], [sflag:$0x2], $0x1, s11, s9, $0xb8;
	[tilespmem:$0x5200] =	vst v63  }
0x57f: {  	v0 =	vld [tilespmem:s7+$0x80];
	_ =	sdelay $0x5  }
0x580: {  	v1 =	vld [tilespmem:s7+$0x2080]  }
0x581: {  	v2 =	vld [tilespmem:s7+$0x90]  }
0x582: {  	v0 =	vld.idx.msk [tilespmem:v0+s8+$0x0], $0xffff;
	_ =	sdelay $0x2  }
0x583: {  	s10 =	simm.s32 $0x200  }
0x584: {  	v3 =	vld [tilespmem:s10+$0x0]  }
0x585: {  	v0 =	vmul.f32 v0, v1  }
0x586: {  	v1 =	vld [tilespmem:s7+$0x2090]  }
0x587: {  	[tilespmem:s7+$0x3080] =	vst v0;
	v0 =	vld [tilespmem:s7+$0xA0]  }
0x588: {  	v2 =	vld.idx.msk [tilespmem:v2+s8+$0x0], $0xffff;
	_ =	sdelay $0x1  }
0x589: {  	v4 =	vld [tilespmem:s10+$0x2000]  }
0x58a: {  	v5 =	vld [tilespmem:s10+$0x10]  }
0x58b: {  	v3 =	vld.idx.msk [tilespmem:v3+s8+$0x0], $0xffff  }
0x58c: {  	v1 =	vmul.f32 v2, v1  }
0x58d: {  	v2 =	vld [tilespmem:s7+$0x20A0]  }
0x58e: {  	[tilespmem:s7+$0x3090] =	vst v1;
	v1 =	vld [tilespmem:s7+$0xB0]  }
0x58f: {  	v0 =	vld.idx.msk [tilespmem:v0+s8+$0x0], $0xffff  }
0x590: {  	v3 =	vmul.f32 v3, v4;
	_ =	sdelay $0x1  }
0x591: {  	v4 =	vld [tilespmem:s10+$0x2010];
	[tilespmem:s10+$0x3000] =	vst v3  }
0x592: {  	v3 =	vld.idx.msk [tilespmem:v5+s8+$0x0], $0xffff  }
0x593: {  	v0 =	vmul.f32 v0, v2;
	v2 =	vld [tilespmem:s10+$0x20];
	_ =	sdelay $0x1  }
0x594: {  	[tilespmem:s7+$0x30A0] =	vst v0;
	v0 =	vld [tilespmem:s7+$0x20B0]  }
0x595: {  	v1 =	vld.idx.msk [tilespmem:v1+s8+$0x0], $0xffff;
	_ =	sdelay $0x1  }
0x596: {  	v5 =	vld [tilespmem:s7+$0xC0];
	v3 =	vmul.f32 v3, v4;
	_ =	sdelay $0x1  }
0x597: {  	v6 =	vld [tilespmem:s10+$0x2020];
	[tilespmem:s10+$0x3010] =	vst v3  }
0x598: {  	v0 =	vmul.f32 v1, v0;
	v1 =	vld.idx.msk [tilespmem:v2+s8+$0x0], $0xffff  }
0x599: {  	v2 =	vld [tilespmem:s10+$0x30];
	_ =	sdelay $0x2  }
0x59a: {  	[tilespmem:s7+$0x30B0] =	vst v0;
	v0 =	vld [tilespmem:s7+$0x20C0]  }
0x59b: {  	v3 =	vld.idx.msk [tilespmem:v5+s8+$0x0], $0xffff  }
0x59c: {  	v4 =	vld [tilespmem:s7+$0xD0];
	v1 =	vmul.f32 v1, v6;
	_ =	sdelay $0x1  }
0x59d: {  	[tilespmem:s10+$0x3020] =	vst v1;
	v1 =	vld [tilespmem:s10+$0x2030]  }
0x59e: {  	v2 =	vld.idx.msk [tilespmem:v2+s8+$0x0], $0xffff  }
0x59f: {  	v0 =	vmul.f32 v3, v0;
	v3 =	vld [tilespmem:s10+$0x40];
	_ =	sdelay $0x2  }
0x5a0: {  	[tilespmem:s7+$0x30C0] =	vst v0;
	v0 =	vld [tilespmem:s7+$0x20D0]  }
0x5a1: {  	v4 =	vld.idx.msk [tilespmem:v4+s8+$0x0], $0xffff  }
0x5a2: {  	v5 =	vld [tilespmem:s7+$0xE0];
	v1 =	vmul.f32 v2, v1;
	_ =	sdelay $0x1  }
0x5a3: {  	[tilespmem:s10+$0x3030] =	vst v1;
	v1 =	vld [tilespmem:s10+$0x2040]  }
0x5a4: {  	v3 =	vld.idx.msk [tilespmem:v3+s8+$0x0], $0xffff  }
0x5a5: {  	v0 =	vmul.f32 v4, v0;
	v4 =	vld [tilespmem:s10+$0x50];
	_ =	sdelay $0x1  }
0x5a6: {  	v6 =	vld [tilespmem:s7+$0xF0]  }
0x5a7: {  	[tilespmem:s7+$0x30D0] =	vst v0;
	v0 =	vld [tilespmem:s7+$0x20E0]  }
0x5a8: {  	v5 =	vld.idx.msk [tilespmem:v5+s8+$0x0], $0xffff  }
0x5a9: {  	v1 =	vmul.f32 v3, v1;
	_ =	sdelay $0x1  }
0x5aa: {  	[tilespmem:s10+$0x3040] =	vst v1;
	v1 =	vld [tilespmem:s10+$0x2050]  }
0x5ab: {  	v4 =	vld.idx.msk [tilespmem:v4+s8+$0x0], $0xffff  }
0x5ac: {  	v0 =	vmul.f32 v5, v0;
	v5 =	vld [tilespmem:s10+$0x60];
	_ =	sdelay $0x1  }
0x5ad: {  	[tilespmem:s7+$0x30E0] =	vst v0;
	v0 =	vld [tilespmem:s7+$0x20F0]  }
0x5ae: {  	v6 =	vld.idx.msk [tilespmem:v6+s8+$0x0], $0xffff;
	_ =	sdelay $0x1  }
0x5af: {  	v1 =	vmul.f32 v4, v1  }
0x5b0: {  	v7 =	vld [tilespmem:s10+$0x2060]  }
0x5b1: {  	v3 =	vld [tilespmem:s10+$0x70];
	[tilespmem:s10+$0x3050] =	vst v1  }
0x5b2: {  	v1 =	vld.idx.msk [tilespmem:v5+s8+$0x0], $0xffff;
	v0 =	vmul.f32 v6, v0;
	_ =	sdelay $0x1  }
0x5b3: {  	s28 =	simm.s32 $0x3080;
	s12 =	simm.s32 $0x1080;
	[tilespmem:s7+$0x30F0] =	vst v0  }
0x5b4: {  	[spmem:s5] =	stream.indirect.scatter.add.f32 [tilespmem:s28], [sflag:$0x2], $0x1, s12, s9, $0xb8;
	[tilespmem:$0x5200] =	vst v63  }
0x5b5: {  	v0 =	vld [tilespmem:s7+$0x100]  }
0x5b6: {  	v1 =	vmul.f32 v1, v7;
	_ =	sdelay $0x1  }
0x5b7: {  	v2 =	vld [tilespmem:s10+$0x2070];
	[tilespmem:s10+$0x3060] =	vst v1  }
0x5b8: {  	v1 =	vld.idx.msk [tilespmem:v3+s8+$0x0], $0xffff;
	_ =	sdelay $0x1  }
0x5b9: {  	v4 =	vld [tilespmem:s7+$0x110]  }
0x5ba: {  	v3 =	vld [tilespmem:s7+$0x2100]  }
0x5bb: {  	v0 =	vld.idx.msk [tilespmem:v0+s8+$0x0], $0xffff  }
0x5bc: {  	v1 =	vmul.f32 v1, v2;
	_ =	sdelay $0x1  }
0x5bd: {  	s29 =	simm.s32 $0x3200;
	s30 =	simm.s32 $0x1200;
	[tilespmem:s10+$0x3070] =	vst v1  }
0x5be: {  	[spmem:s5] =	stream.indirect.scatter.add.f32 [tilespmem:s29], [sflag:$0x2], $0x1, s30, s9, $0xb8;
	[tilespmem:$0x5200] =	vst v63  }
0x5bf: {  	v1 =	vld [tilespmem:s10+$0x80];
	v0 =	vmul.f32 v0, v3  }
0x5c0: {  	v2 =	vld [tilespmem:s7+$0x2110]  }
0x5c1: {  	[tilespmem:s7+$0x3100] =	vst v0;
	v0 =	vld [tilespmem:s7+$0x120]  }
0x5c2: {  	s11 =	simm.s32 $0x400;
	v3 =	vld.idx.msk [tilespmem:v4+s8+$0x0], $0xffff  }
0x5c3: {  	v8 =	vld [tilespmem:s11+$0x2000]  }
0x5c4: {  	v7 =	vld [tilespmem:s11+$0x0]  }
0x5c5: {  	v5 =	vld [tilespmem:s10+$0x90]  }
0x5c6: {  	v4 =	vld [tilespmem:s10+$0x2080]  }
0x5c7: {  	v1 =	vld.idx.msk [tilespmem:v1+s8+$0x0], $0xffff;
	v2 =	vmul.f32 v3, v2  }
0x5c8: {  	v3 =	vld [tilespmem:s7+$0x2120]  }
0x5c9: {  	[tilespmem:s7+$0x3110] =	vst v2;
	v2 =	vld [tilespmem:s7+$0x130]  }
0x5ca: {  	v0 =	vld.idx.msk [tilespmem:v0+s8+$0x0], $0xffff  }
0x5cb: {  	v9 =	vld [tilespmem:s11+$0x10]  }
0x5cc: {  	v7 =	vld.idx.msk [tilespmem:v7+s8+$0x0], $0xffff;
	v1 =	vmul.f32 v1, v4  }
0x5cd: {  	v4 =	vld [tilespmem:s10+$0x2090]  }
0x5ce: {  	[tilespmem:s10+$0x3080] =	vst v1;
	v1 =	vld [tilespmem:s10+$0xA0]  }
0x5cf: {  	v5 =	vld.idx.msk [tilespmem:v5+s8+$0x0], $0xffff;
	v0 =	vmul.f32 v0, v3  }
0x5d0: {  	v3 =	vld [tilespmem:s7+$0x2130]  }
0x5d1: {  	[tilespmem:s7+$0x3120] =	vst v0;
	v0 =	vld [tilespmem:s7+$0x140]  }
0x5d2: {  	v2 =	vld.idx.msk [tilespmem:v2+s8+$0x0], $0xffff;
	_ =	sdelay $0x1  }
0x5d3: {  	v7 =	vmul.f32 v7, v8;
	v8 =	vld [tilespmem:s7+$0x150];
	v4 =	vmul.f32 v5, v4  }
0x5d4: {  	v5 =	vld [tilespmem:s10+$0x20A0]  }
0x5d5: {  	[tilespmem:s10+$0x3090] =	vst v4;
	v4 =	vld [tilespmem:s10+$0xB0]  }
0x5d6: {  	[tilespmem:s11+$0x3000] =	vst v7;
	v1 =	vld.idx.msk [tilespmem:v1+s8+$0x0], $0xffff;
	v2 =	vmul.f32 v2, v3  }
0x5d7: {  	v7 =	vld.idx.msk [tilespmem:v9+s8+$0x0], $0xffff  }
0x5d8: {  	v3 =	vld [tilespmem:s7+$0x2140];
	[tilespmem:s7+$0x3130] =	vst v2  }
0x5d9: {  	v0 =	vld.idx.msk [tilespmem:v0+s8+$0x0], $0xffff  }
0x5da: {  	v2 =	vld [tilespmem:s11+$0x2010]  }
0x5db: {  	v1 =	vmul.f32 v1, v5;
	v5 =	vld [tilespmem:s11+$0x20]  }
0x5dc: {  	v6 =	vld [tilespmem:s11+$0x2020]  }
0x5dd: {  	[tilespmem:s10+$0x30A0] =	vst v1;
	v1 =	vld [tilespmem:s10+$0x20B0]  }
0x5de: {  	v0 =	vmul.f32 v0, v3;
	v3 =	vld.idx.msk [tilespmem:v4+s8+$0x0], $0xffff  }
0x5df: {  	v4 =	vld [tilespmem:s10+$0xC0]  }
0x5e0: {  	v2 =	vmul.f32 v7, v2;
	[tilespmem:s7+$0x3140] =	vst v0;
	v0 =	vld [tilespmem:s7+$0x2150]  }
0x5e1: {  	v7 =	vld.idx.msk [tilespmem:v8+s8+$0x0], $0xffff  }
0x5e2: {  	[tilespmem:s11+$0x3010] =	vst v2;
	v8 =	vld [tilespmem:s7+$0x160]  }
0x5e3: {  	v2 =	vld.idx.msk [tilespmem:v5+s8+$0x0], $0xffff  }
0x5e4: {  	v1 =	vmul.f32 v3, v1;
	v3 =	vld [tilespmem:s11+$0x30]  }
0x5e5: {  	v5 =	vld [tilespmem:s10+$0xD0]  }
0x5e6: {  	[tilespmem:s10+$0x30B0] =	vst v1;
	v1 =	vld [tilespmem:s10+$0x20C0]  }
0x5e7: {  	v0 =	vmul.f32 v7, v0;
	v4 =	vld.idx.msk [tilespmem:v4+s8+$0x0], $0xffff  }
0x5e8: {  	v7 =	vld [tilespmem:s7+$0x170]  }
0x5e9: {  	[tilespmem:s7+$0x3150] =	vst v0;
	v0 =	vld [tilespmem:s7+$0x2160];
	v2 =	vmul.f32 v2, v6  }
0x5ea: {  	v6 =	vld.idx.msk [tilespmem:v8+s8+$0x0], $0xffff  }
0x5eb: {  	[tilespmem:s11+$0x3020] =	vst v2;
	v2 =	vld [tilespmem:s11+$0x2030]  }
0x5ec: {  	v1 =	vmul.f32 v4, v1;
	v4 =	vld.idx.msk [tilespmem:v3+s8+$0x0], $0xffff  }
0x5ed: {  	v8 =	vld [tilespmem:s11+$0x40]  }
0x5ee: {  	[tilespmem:s10+$0x30C0] =	vst v1;
	v1 =	vld [tilespmem:s10+$0x20D0]  }
0x5ef: {  	v5 =	vld.idx.msk [tilespmem:v5+s8+$0x0], $0xffff;
	v0 =	vmul.f32 v6, v0  }
0x5f0: {  	v6 =	vld [tilespmem:s10+$0xE0]  }
0x5f1: {  	[tilespmem:s7+$0x3160] =	vst v0;
	v0 =	vmul.f32 v4, v2;
	v4 =	vld [tilespmem:s7+$0x2170]  }
0x5f2: {  	v2 =	vld.idx.msk [tilespmem:v7+s8+$0x0], $0xffff  }
0x5f3: {  	v10 =	vld [tilespmem:s10+$0xF0]  }
0x5f4: {  	[tilespmem:s11+$0x3030] =	vst v0;
	v0 =	vld [tilespmem:s11+$0x2040]  }
0x5f5: {  	v7 =	vld.idx.msk [tilespmem:v8+s8+$0x0], $0xffff  }
0x5f6: {  	v1 =	vmul.f32 v5, v1;
	v8 =	vld [tilespmem:s11+$0x50]  }
0x5f7: {  	v3 =	vld [tilespmem:s11+$0x2070];
	v2 =	vmul.f32 v2, v4  }
0x5f8: {  	v5 =	vld [tilespmem:s11+$0x2060];
	[tilespmem:s10+$0x30D0] =	vst v1  }
0x5f9: {  	s31 =	simm.s32 $0x3100;
	s13 =	simm.s32 $0x1100;
	v1 =	vld [tilespmem:s10+$0x20E0];
	[tilespmem:s7+$0x3170] =	vst v2  }
0x5fa: {  	v4 =	vld.idx.msk [tilespmem:v6+s8+$0x0], $0xffff;
	[spmem:s5] =	stream.indirect.scatter.add.f32 [tilespmem:s31], [sflag:$0x2], $0x1, s13, s9, $0xb8  }
0x5fb: {  	v0 =	vmul.f32 v7, v0;
	v2 =	vld [tilespmem:s7+$0x180]  }
0x5fc: {  	v6 =	vld [tilespmem:s11+$0x70]  }
0x5fd: {  	[tilespmem:s11+$0x3040] =	vst v0;
	v0 =	vld [tilespmem:s11+$0x2050]  }
0x5fe: {  	v9 =	vld.idx.msk [tilespmem:v8+s8+$0x0], $0xffff  }
0x5ff: {  	v1 =	vmul.f32 v4, v1;
	v8 =	vld [tilespmem:s11+$0x60]  }
0x600: {  	v4 =	vld [tilespmem:s10+$0x20F0]  }
0x601: {  	[tilespmem:s10+$0x30E0] =	vst v1;
	v1 =	vld [tilespmem:s7+$0x2180]  }
0x602: {  	v7 =	vld.idx.msk [tilespmem:v10+s8+$0x0], $0xffff  }
0x603: {  	s12 =	simm.s32 $0x8;
	s13 =	simm.s32 $0x1800;
	v2 =	vld.idx.msk [tilespmem:v2+s8+$0x0], $0xffff  }
.LBB2_9:
0x604: {  	s14 =	sshra.s32 s13, $0x2;
	v9 =	vmul.f32 v9, v0;
	v10 =	vld [tilespmem:s7+$0x190]  }
0x605: {  	v0 =	vld [tilespmem:s14+$0x2020]  }
0x606: {  	v11 =	vld [tilespmem:s14+$0x0];
	[tilespmem:s11+$0x3050] =	vst v9  }
0x607: {  	v7 =	vmul.f32 v7, v4;
	v8 =	vld.idx.msk [tilespmem:v8+s8+$0x0], $0xffff  }
0x608: {  	s15 =	sadd.s32 $0x3080, s10;
	s16 =	sadd.s32 $0x1080, s10;
	v4 =	vld [tilespmem:s14+$0x2010]  }
0x609: {  	v1 =	vmul.f32 v2, v1;
	v9 =	vld [tilespmem:s14+$0x2000];
	[tilespmem:s10+$0x30F0] =	vst v7;
	[spmem:s5] =	stream.indirect.scatter.add.f32 [tilespmem:s15], [sflag:$0x2], $0x1, s16, s9, $0xb8  }
0x60a: {  	v2 =	vld [tilespmem:s10+$0x100]  }
0x60b: {  	[tilespmem:s7+$0x3180] =	vst v1;
	v1 =	vld [tilespmem:s7+$0x2190]  }
0x60c: {  	v7 =	vld.idx.msk [tilespmem:v10+s8+$0x0], $0xffff  }
0x60d: {  	v5 =	vmul.f32 v8, v5;
	v8 =	vld [tilespmem:s7+$0x1A0]  }
0x60e: {  	v10 =	vld [tilespmem:s14+$0x10]  }
0x60f: {  	v11 =	vld.idx.msk [tilespmem:v11+s8+$0x0], $0xffff;
	[tilespmem:s11+$0x3060] =	vst v5  }
0x610: {  	v5 =	vld.idx.msk [tilespmem:v6+s8+$0x0], $0xffff  }
0x611: {  	v6 =	vld [tilespmem:s10+$0x2100]  }
0x612: {  	v1 =	vmul.f32 v7, v1;
	v12 =	vld [tilespmem:s10+$0x110]  }
0x613: {  	v2 =	vld.idx.msk [tilespmem:v2+s8+$0x0], $0xffff  }
0x614: {  	[tilespmem:s7+$0x3190] =	vst v1;
	v1 =	vld [tilespmem:s7+$0x21A0]  }
0x615: {  	v7 =	vmul.f32 v11, v9;
	v8 =	vld.idx.msk [tilespmem:v8+s8+$0x0], $0xffff  }
0x616: {  	v3 =	vmul.f32 v5, v3;
	v5 =	vld [tilespmem:s7+$0x1B0]  }
0x617: {  	s15 =	sadd.s32 $0x3000, s11;
	s16 =	sadd.s32 $0x1000, s11;
	[tilespmem:s14+$0x3000] =	vst v7;
	v7 =	vld [tilespmem:s14+$0x20]  }
0x618: {  	v9 =	vld.idx.msk [tilespmem:v10+s8+$0x0], $0xffff;
	[tilespmem:s11+$0x3070] =	vst v3;
	[spmem:s5] =	stream.indirect.scatter.add.f32 [tilespmem:s15], [sflag:$0x2], $0x1, s16, s9, $0xb8  }
0x619: {  	v2 =	vmul.f32 v2, v6;
	v3 =	vld [tilespmem:s11+$0x80]  }
0x61a: {  	v6 =	vld [tilespmem:s10+$0x2110]  }
0x61b: {  	v1 =	vmul.f32 v8, v1;
	[tilespmem:s10+$0x3100] =	vst v2;
	v2 =	vld [tilespmem:s10+$0x120]  }
0x61c: {  	v8 =	vld.idx.msk [tilespmem:v12+s8+$0x0], $0xffff  }
0x61d: {  	[tilespmem:s7+$0x31A0] =	vst v1;
	v1 =	vld [tilespmem:s7+$0x21B0]  }
0x61e: {  	v5 =	vld.idx.msk [tilespmem:v5+s8+$0x0], $0xffff  }
0x61f: {  	v10 =	vld [tilespmem:s7+$0x1C0]  }
0x620: {  	v11 =	vld [tilespmem:s11+$0x2080]  }
0x621: {  	v12 =	vld [tilespmem:s11+$0x90]  }
0x622: {  	v6 =	vmul.f32 v8, v6;
	v3 =	vld.idx.msk [tilespmem:v3+s8+$0x0], $0xffff  }
0x623: {  	v8 =	vld [tilespmem:s10+$0x2120]  }
0x624: {  	v1 =	vmul.f32 v5, v1;
	[tilespmem:s10+$0x3110] =	vst v6;
	v6 =	vld [tilespmem:s10+$0x130]  }
0x625: {  	v2 =	vld.idx.msk [tilespmem:v2+s8+$0x0], $0xffff  }
0x626: {  	[tilespmem:s7+$0x31B0] =	vst v1;
	v1 =	vld [tilespmem:s7+$0x21C0]  }
0x627: {  	v5 =	vld.idx.msk [tilespmem:v10+s8+$0x0], $0xffff  }
0x628: {  	v3 =	vmul.f32 v3, v11;
	v10 =	vld [tilespmem:s7+$0x1D0]  }
0x629: {  	v11 =	vld [tilespmem:s11+$0x2090]  }
0x62a: {  	s12 =	sadd.s32 $0x4, s12;
	[tilespmem:s11+$0x3080] =	vst v3;
	v3 =	vld [tilespmem:s11+$0xA0]  }
0x62b: {  	p0 =	slt.u32 s12, $0x1C;
	v2 =	vmul.f32 v2, v8;
	v12 =	vld.idx.msk [tilespmem:v12+s8+$0x0], $0xffff  }
0x62c: {  	v8 =	vld [tilespmem:s10+$0x2130]  }
0x62d: {  	v1 =	vmul.f32 v5, v1;
	[tilespmem:s10+$0x3120] =	vst v2;
	v2 =	vld [tilespmem:s10+$0x140]  }
0x62e: {  	v5 =	vld.idx.msk [tilespmem:v6+s8+$0x0], $0xffff  }
0x62f: {  	[tilespmem:s7+$0x31C0] =	vst v1;
	v1 =	vld [tilespmem:s7+$0x21D0]  }
0x630: {  	v6 =	vld.idx.msk [tilespmem:v10+s8+$0x0], $0xffff  }
0x631: {  	v10 =	vmul.f32 v12, v11;
	v11 =	vld [tilespmem:s7+$0x1E0]  }
0x632: {  	v12 =	vld [tilespmem:s11+$0x20A0]  }
0x633: {  	[tilespmem:s11+$0x3090] =	vst v10;
	v10 =	vld [tilespmem:s11+$0xB0]  }
0x634: {  	v5 =	vmul.f32 v5, v8;
	v3 =	vld.idx.msk [tilespmem:v3+s8+$0x0], $0xffff  }
0x635: {  	v8 =	vld [tilespmem:s10+$0x2140]  }
0x636: {  	v1 =	vmul.f32 v6, v1;
	[tilespmem:s10+$0x3130] =	vst v5;
	v5 =	vld [tilespmem:s10+$0x150]  }
0x637: {  	v2 =	vld.idx.msk [tilespmem:v2+s8+$0x0], $0xffff  }
0x638: {  	v4 =	vmul.f32 v9, v4;
	[tilespmem:s7+$0x31D0] =	vst v1;
	v1 =	vld [tilespmem:s7+$0x21E0]  }
0x639: {  	v6 =	vld.idx.msk [tilespmem:v11+s8+$0x0], $0xffff  }
0x63a: {  	v3 =	vmul.f32 v3, v12;
	[tilespmem:s14+$0x3010] =	vst v4;
	v4 =	vld [tilespmem:s7+$0x1F0]  }
0x63b: {  	v7 =	vld.idx.msk [tilespmem:v7+s8+$0x0], $0xffff  }
0x63c: {  	[tilespmem:s11+$0x30A0] =	vst v3;
	v3 =	vld [tilespmem:s11+$0x20B0]  }
0x63d: {  	v2 =	vmul.f32 v2, v8;
	v9 =	vld.idx.msk [tilespmem:v10+s8+$0x0], $0xffff  }
0x63e: {  	v8 =	vld [tilespmem:s11+$0xC0]  }
0x63f: {  	v1 =	vmul.f32 v6, v1;
	[tilespmem:s10+$0x3140] =	vst v2;
	v2 =	vld [tilespmem:s10+$0x2150]  }
0x640: {  	v5 =	vld.idx.msk [tilespmem:v5+s8+$0x0], $0xffff  }
0x641: {  	v6 =	vld [tilespmem:s10+$0x160];
	[tilespmem:s7+$0x31E0] =	vst v1  }
0x642: {  	v1 =	vld.idx.msk [tilespmem:v4+s8+$0x0], $0xffff  }
0x643: {  	v3 =	vmul.f32 v9, v3;
	v4 =	vld [tilespmem:s7+$0x21F0]  }
0x644: {  	v9 =	vld [tilespmem:s14+$0x30]  }
0x645: {  	[tilespmem:s11+$0x30B0] =	vst v3;
	v3 =	vld [tilespmem:s11+$0x20C0]  }
0x646: {  	v2 =	vmul.f32 v5, v2;
	v8 =	vld.idx.msk [tilespmem:v8+s8+$0x0], $0xffff  }
0x647: {  	v5 =	vld [tilespmem:s11+$0xD0]  }
0x648: {  	[tilespmem:s10+$0x3150] =	vst v2;
	v2 =	vld [tilespmem:s10+$0x2160];
	v1 =	vmul.f32 v1, v4  }
0x649: {  	s15 =	sadd.s32 $0x3180, s7;
	s16 =	sadd.s32 $0x1180, s7;
	v0 =	vmul.f32 v7, v0;
	v4 =	vld.idx.msk [tilespmem:v6+s8+$0x0], $0xffff  }
0x64a: {  	v6 =	vld [tilespmem:s10+$0x170];
	[tilespmem:s7+$0x31F0] =	vst v1;
	[spmem:s5] =	stream.indirect.scatter.add.f32 [tilespmem:s15], [sflag:$0x2], $0x1, s16, s9, $0xb8  }
0x64b: {  	s7 =	smov.u32 s10;
	s10 =	smov.u32 s11;
	s11 =	smov.u32 s14;
	[tilespmem:s14+$0x3020] =	vst v0;
	v0 =	vld [tilespmem:s14+$0x2030]  }
0x64c: {  	v3 =	vmul.f32 v8, v3;
	v1 =	vld.idx.msk [tilespmem:v9+s8+$0x0], $0xffff  }
0x64d: {  	v7 =	vld [tilespmem:s11+$0x40]  }
0x64e: {  	[tilespmem:s10+$0x30C0] =	vst v3;
	v8 =	vld [tilespmem:s10+$0x20D0]  }
0x64f: {  	v2 =	vmul.f32 v4, v2;
	v5 =	vld.idx.msk [tilespmem:v5+s8+$0x0], $0xffff  }
0x650: {  	v4 =	vld [tilespmem:s10+$0xE0]  }
0x651: {  	v3 =	vld [tilespmem:s11+$0x2070];
	[tilespmem:s7+$0x3160] =	vst v2  }
0x652: {  	v0 =	vmul.f32 v1, v0;
	v1 =	vld.idx.msk [tilespmem:v6+s8+$0x0], $0xffff  }
0x653: {  	v2 =	vld [tilespmem:s7+$0x2170]  }
0x654: {  	[tilespmem:s11+$0x3030] =	vst v0;
	v0 =	vld [tilespmem:s11+$0x2040]  }
0x655: {  	v5 =	vmul.f32 v5, v8;
	v6 =	vld.idx.msk [tilespmem:v7+s8+$0x0], $0xffff  }
0x656: {  	v7 =	vld [tilespmem:s11+$0x50]  }
0x657: {  	[tilespmem:s10+$0x30D0] =	vst v5;
	v8 =	vld [tilespmem:s10+$0x20E0]  }
0x658: {  	v4 =	vld.idx.msk [tilespmem:v4+s8+$0x0], $0xffff;
	v1 =	vmul.f32 v1, v2  }
0x659: {  	s14 =	sadd.s32 $0x3100, s7;
	s15 =	sadd.s32 $0x1100, s7;
	v2 =	vld [tilespmem:s10+$0xF0]  }
0x65a: {  	v5 =	vld [tilespmem:s11+$0x2060];
	[tilespmem:s7+$0x3170] =	vst v1;
	[spmem:s5] =	stream.indirect.scatter.add.f32 [tilespmem:s14], [sflag:$0x2], $0x1, s15, s9, $0xb8  }
0x65b: {  	v0 =	vmul.f32 v6, v0;
	v10 =	vld [tilespmem:s7+$0x180]  }
0x65c: {  	v6 =	vld [tilespmem:s11+$0x70]  }
0x65d: {  	[tilespmem:s11+$0x3040] =	vst v0;
	v0 =	vld [tilespmem:s11+$0x2050]  }
0x65e: {  	v1 =	vmul.f32 v4, v8;
	v9 =	vld.idx.msk [tilespmem:v7+s8+$0x0], $0xffff  }
.Ltmp4:
0x65f: {  	v8 =	vld [tilespmem:s11+$0x60];
	(pc) =	sbr.rel @p0 .LBB2_9-.Ltmp4, $4  }
0x660: {  	[tilespmem:s10+$0x30E0] =	vst v1;
	v4 =	vld [tilespmem:s10+$0x20F0]  }
0x661: {  	v7 =	vld.idx.msk [tilespmem:v2+s8+$0x0], $0xffff  }
0x662: {  	v1 =	vld [tilespmem:s7+$0x2180]  }
0x663: {  	s13 =	sadd.s32 $0x800, s13;
	v2 =	vld.idx.msk [tilespmem:v10+s8+$0x0], $0xffff  }
0x664: {  	_ = 	snop  }
0x665: {  	v0 =	vmul.f32 v9, v0;
	_ =	sdelay $0x1  }
0x666: {  	[tilespmem:s11+$0x3050] =	vst v0  }
0x667: {  	v0 =	vld.idx.msk [tilespmem:v8+s8+$0x0], $0xffff;
	_ =	sdelay $0x4  }
0x668: {  	v0 =	vmul.f32 v0, v5;
	_ =	sdelay $0x1  }
0x669: {  	[tilespmem:s11+$0x3060] =	vst v0  }
0x66a: {  	v0 =	vld.idx.msk [tilespmem:v6+s8+$0x0], $0xffff;
	_ =	sdelay $0x4  }
0x66b: {  	v0 =	vmul.f32 v0, v3;
	_ =	sdelay $0x1  }
0x66c: {  	s12 =	sadd.s32 $0x3000, s11;
	s13 =	sadd.s32 $0x1000, s11;
	[tilespmem:s11+$0x3070] =	vst v0  }
0x66d: {  	[spmem:s5] =	stream.indirect.scatter.add.f32 [tilespmem:s12], [sflag:$0x2], $0x1, s13, s9, $0xb8;
	[tilespmem:$0x5200] =	vst v63  }
0x66e: {  	v0 =	vld [tilespmem:s11+$0x80];
	_ =	sdelay $0x5  }
0x66f: {  	v3 =	vld [tilespmem:s11+$0x2080]  }
0x670: {  	v5 =	vld [tilespmem:s11+$0x90]  }
0x671: {  	v0 =	vld.idx.msk [tilespmem:v0+s8+$0x0], $0xffff;
	_ =	sdelay $0x4  }
0x672: {  	v0 =	vmul.f32 v0, v3  }
0x673: {  	v3 =	vld [tilespmem:s11+$0x2090]  }
0x674: {  	[tilespmem:s11+$0x3080] =	vst v0;
	v0 =	vld [tilespmem:s11+$0xA0]  }
0x675: {  	v5 =	vld.idx.msk [tilespmem:v5+s8+$0x0], $0xffff;
	_ =	sdelay $0x4  }
0x676: {  	v3 =	vmul.f32 v5, v3  }
0x677: {  	v5 =	vld [tilespmem:s11+$0x20A0]  }
0x678: {  	[tilespmem:s11+$0x3090] =	vst v3;
	v3 =	vld [tilespmem:s11+$0xB0]  }
0x679: {  	v0 =	vld.idx.msk [tilespmem:v0+s8+$0x0], $0xffff;
	_ =	sdelay $0x4  }
0x67a: {  	v0 =	vmul.f32 v0, v5  }
0x67b: {  	v5 =	vld [tilespmem:s11+$0xC0]  }
0x67c: {  	[tilespmem:s11+$0x30A0] =	vst v0;
	v0 =	vld [tilespmem:s11+$0x20B0]  }
0x67d: {  	v3 =	vld.idx.msk [tilespmem:v3+s8+$0x0], $0xffff;
	_ =	sdelay $0x4  }
0x67e: {  	v0 =	vmul.f32 v3, v0;
	_ =	sdelay $0x1  }
0x67f: {  	[tilespmem:s11+$0x30B0] =	vst v0;
	v0 =	vld [tilespmem:s11+$0x20C0]  }
0x680: {  	v3 =	vld.idx.msk [tilespmem:v5+s8+$0x0], $0xffff  }
0x681: {  	v5 =	vld [tilespmem:s11+$0xD0];
	_ =	sdelay $0x4  }
0x682: {  	v0 =	vmul.f32 v3, v0;
	_ =	sdelay $0x1  }
0x683: {  	[tilespmem:s11+$0x30C0] =	vst v0;
	v0 =	vld [tilespmem:s11+$0x20D0]  }
0x684: {  	v3 =	vld.idx.msk [tilespmem:v5+s8+$0x0], $0xffff  }
0x685: {  	v5 =	vld [tilespmem:s11+$0xE0];
	_ =	sdelay $0x4  }
0x686: {  	v0 =	vmul.f32 v3, v0;
	_ =	sdelay $0x1  }
0x687: {  	[tilespmem:s11+$0x30D0] =	vst v0;
	v0 =	vld [tilespmem:s11+$0x20E0]  }
0x688: {  	v3 =	vld.idx.msk [tilespmem:v5+s8+$0x0], $0xffff  }
0x689: {  	v5 =	vld [tilespmem:s11+$0xF0];
	_ =	sdelay $0x4  }
0x68a: {  	v0 =	vmul.f32 v3, v0  }
0x68b: {  	v4 =	vmul.f32 v7, v4  }
0x68c: {  	[tilespmem:s11+$0x30E0] =	vst v0;
	v0 =	vld [tilespmem:s11+$0x20F0]  }
0x68d: {  	s30 =	sadd.s32 $0x3080, s10;
	s31 =	sadd.s32 $0x1080, s10;
	[tilespmem:s10+$0x30F0] =	vst v4;
	v3 =	vld.idx.msk [tilespmem:v5+s8+$0x0], $0xffff  }
0x68e: {  	[spmem:s5] =	stream.indirect.scatter.add.f32 [tilespmem:s30], [sflag:$0x2], $0x1, s31, s9, $0xb8;
	[tilespmem:$0x5200] =	vst v63  }
0x68f: {  	v4 =	vld [tilespmem:s10+$0x100];
	_ =	sdelay $0x2  }
0x690: {  	v0 =	vmul.f32 v3, v0;
	_ =	sdelay $0x1  }
0x691: {  	s14 =	sadd.s32 $0x3080, s11;
	s15 =	sadd.s32 $0x1080, s11;
	[tilespmem:s11+$0x30F0] =	vst v0  }
0x692: {  	[spmem:s5] =	stream.indirect.scatter.add.f32 [tilespmem:s14], [sflag:$0x2], $0x1, s15, s9, $0xb8;
	[tilespmem:$0x5200] =	vst v63  }
0x693: {  	v0 =	vld [tilespmem:s11+$0x100]  }
0x694: {  	v4 =	vld.idx.msk [tilespmem:v4+s8+$0x0], $0xffff  }
0x695: {  	v3 =	vld [tilespmem:s10+$0x2100];
	_ =	sdelay $0x2  }
0x696: {  	v5 =	vld [tilespmem:s10+$0x110]  }
0x697: {  	v6 =	vld [tilespmem:s11+$0x2100]  }
0x698: {  	v3 =	vmul.f32 v4, v3;
	v4 =	vld [tilespmem:s11+$0x110]  }
0x699: {  	v0 =	vld.idx.msk [tilespmem:v0+s8+$0x0], $0xffff;
	_ =	sdelay $0x2  }
0x69a: {  	v7 =	vld [tilespmem:s10+$0x2110]  }
0x69b: {  	[tilespmem:s10+$0x3100] =	vst v3;
	v3 =	vld [tilespmem:s10+$0x120]  }
0x69c: {  	v5 =	vld.idx.msk [tilespmem:v5+s8+$0x0], $0xffff;
	v0 =	vmul.f32 v0, v6  }
0x69d: {  	v6 =	vld [tilespmem:s11+$0x2110]  }
0x69e: {  	[tilespmem:s11+$0x3100] =	vst v0;
	v0 =	vld [tilespmem:s11+$0x120]  }
0x69f: {  	v4 =	vld.idx.msk [tilespmem:v4+s8+$0x0], $0xffff;
	_ =	sdelay $0x1  }
0x6a0: {  	v5 =	vmul.f32 v5, v7  }
0x6a1: {  	v7 =	vld [tilespmem:s10+$0x2120]  }
0x6a2: {  	[tilespmem:s10+$0x3110] =	vst v5;
	v5 =	vld [tilespmem:s10+$0x130]  }
0x6a3: {  	v3 =	vld.idx.msk [tilespmem:v3+s8+$0x0], $0xffff;
	v4 =	vmul.f32 v4, v6  }
0x6a4: {  	v6 =	vld [tilespmem:s11+$0x2120]  }
0x6a5: {  	[tilespmem:s11+$0x3110] =	vst v4;
	v4 =	vld [tilespmem:s11+$0x130]  }
0x6a6: {  	v0 =	vld.idx.msk [tilespmem:v0+s8+$0x0], $0xffff;
	_ =	sdelay $0x1  }
0x6a7: {  	v3 =	vmul.f32 v3, v7  }
0x6a8: {  	v7 =	vld [tilespmem:s10+$0x2130]  }
0x6a9: {  	[tilespmem:s10+$0x3120] =	vst v3;
	v3 =	vld [tilespmem:s10+$0x140]  }
0x6aa: {  	v5 =	vld.idx.msk [tilespmem:v5+s8+$0x0], $0xffff;
	v0 =	vmul.f32 v0, v6  }
0x6ab: {  	v6 =	vld [tilespmem:s11+$0x2130]  }
0x6ac: {  	[tilespmem:s11+$0x3120] =	vst v0;
	v0 =	vld [tilespmem:s11+$0x140]  }
0x6ad: {  	v4 =	vld.idx.msk [tilespmem:v4+s8+$0x0], $0xffff;
	_ =	sdelay $0x1  }
0x6ae: {  	v5 =	vmul.f32 v5, v7  }
0x6af: {  	v7 =	vld [tilespmem:s10+$0x2140]  }
0x6b0: {  	[tilespmem:s10+$0x3130] =	vst v5;
	v5 =	vld [tilespmem:s10+$0x150]  }
0x6b1: {  	v3 =	vld.idx.msk [tilespmem:v3+s8+$0x0], $0xffff;
	v4 =	vmul.f32 v4, v6  }
0x6b2: {  	v6 =	vld [tilespmem:s11+$0x2140]  }
0x6b3: {  	[tilespmem:s11+$0x3130] =	vst v4;
	v4 =	vld [tilespmem:s11+$0x150]  }
0x6b4: {  	v0 =	vld.idx.msk [tilespmem:v0+s8+$0x0], $0xffff;
	_ =	sdelay $0x1  }
0x6b5: {  	v3 =	vmul.f32 v3, v7  }
0x6b6: {  	v7 =	vld [tilespmem:s11+$0x160]  }
0x6b7: {  	[tilespmem:s10+$0x3140] =	vst v3;
	v3 =	vld [tilespmem:s10+$0x2150]  }
0x6b8: {  	v5 =	vld.idx.msk [tilespmem:v5+s8+$0x0], $0xffff;
	v0 =	vmul.f32 v0, v6  }
0x6b9: {  	v6 =	vld [tilespmem:s10+$0x160]  }
0x6ba: {  	[tilespmem:s11+$0x3140] =	vst v0;
	v0 =	vld [tilespmem:s11+$0x2150]  }
0x6bb: {  	v4 =	vld.idx.msk [tilespmem:v4+s8+$0x0], $0xffff;
	_ =	sdelay $0x2  }
0x6bc: {  	v3 =	vmul.f32 v5, v3  }
0x6bd: {  	v5 =	vld [tilespmem:s10+$0x170]  }
0x6be: {  	[tilespmem:s10+$0x3150] =	vst v3;
	v3 =	vld [tilespmem:s10+$0x2160];
	v0 =	vmul.f32 v4, v0  }
0x6bf: {  	v4 =	vld.idx.msk [tilespmem:v6+s8+$0x0], $0xffff  }
0x6c0: {  	[tilespmem:s11+$0x3150] =	vst v0;
	v0 =	vld [tilespmem:s11+$0x2160]  }
0x6c1: {  	v6 =	vld.idx.msk [tilespmem:v7+s8+$0x0], $0xffff  }
0x6c2: {  	v7 =	vld [tilespmem:s11+$0x170];
	_ =	sdelay $0x1  }
0x6c3: {  	v3 =	vmul.f32 v4, v3;
	_ =	sdelay $0x1  }
0x6c4: {  	v4 =	vld [tilespmem:s10+$0x2170];
	[tilespmem:s10+$0x3160] =	vst v3  }
0x6c5: {  	v3 =	vld.idx.msk [tilespmem:v5+s8+$0x0], $0xffff;
	v0 =	vmul.f32 v6, v0;
	_ =	sdelay $0x1  }
0x6c6: {  	v5 =	vld [tilespmem:s11+$0x2170];
	[tilespmem:s11+$0x3160] =	vst v0  }
0x6c7: {  	v0 =	vld.idx.msk [tilespmem:v7+s8+$0x0], $0xffff;
	_ =	sdelay $0x1  }
0x6c8: {  	v3 =	vmul.f32 v3, v4;
	_ =	sdelay $0x1  }
0x6c9: {  	s16 =	sadd.s32 $0x3100, s10;
	s17 =	sadd.s32 $0x1100, s10;
	[tilespmem:s10+$0x3170] =	vst v3  }
0x6ca: {  	[spmem:s5] =	stream.indirect.scatter.add.f32 [tilespmem:s16], [sflag:$0x2], $0x1, s17, s9, $0xb8;
	v0 =	vmul.f32 v0, v5;
	[tilespmem:$0x5200] =	vst v63  }
0x6cb: {  	v3 =	vld [tilespmem:s10+$0x180]  }
0x6cc: {  	s18 =	sadd.s32 $0x3100, s11;
	s19 =	sadd.s32 $0x1100, s11;
	[tilespmem:s11+$0x3170] =	vst v0  }
0x6cd: {  	[spmem:s5] =	stream.indirect.scatter.add.f32 [tilespmem:s18], [sflag:$0x2], $0x1, s19, s9, $0xb8;
	[tilespmem:$0x5200] =	vst v63  }
0x6ce: {  	v0 =	vld [tilespmem:s11+$0x180]  }
0x6cf: {  	v7 =	vld [tilespmem:s7+$0x2190]  }
0x6d0: {  	v4 =	vld [tilespmem:s7+$0x190]  }
0x6d1: {  	v5 =	vld [tilespmem:s10+$0x2180]  }
0x6d2: {  	v6 =	vld [tilespmem:s10+$0x190]  }
0x6d3: {  	v1 =	vmul.f32 v2, v1;
	v3 =	vld.idx.msk [tilespmem:v3+s8+$0x0], $0xffff  }
0x6d4: {  	v2 =	vld [tilespmem:s11+$0x2180]  }
0x6d5: {  	[tilespmem:s7+$0x3180] =	vst v1;
	v1 =	vld [tilespmem:s11+$0x190]  }
0x6d6: {  	v0 =	vld.idx.msk [tilespmem:v0+s8+$0x0], $0xffff  }
0x6d7: {  	v8 =	vld [tilespmem:s11+$0x1F0]  }
0x6d8: {  	v4 =	vld.idx.msk [tilespmem:v4+s8+$0x0], $0xffff;
	v3 =	vmul.f32 v3, v5  }
0x6d9: {  	v5 =	vld [tilespmem:s7+$0x1A0]  }
0x6da: {  	[tilespmem:s10+$0x3180] =	vst v3;
	v3 =	vld [tilespmem:s10+$0x2190]  }
0x6db: {  	v0 =	vmul.f32 v0, v2;
	v2 =	vld.idx.msk [tilespmem:v6+s8+$0x0], $0xffff  }
0x6dc: {  	v6 =	vld [tilespmem:s10+$0x1A0]  }
0x6dd: {  	[tilespmem:s11+$0x3180] =	vst v0;
	v0 =	vmul.f32 v4, v7;
	v4 =	vld [tilespmem:s11+$0x2190]  }
0x6de: {  	v1 =	vld.idx.msk [tilespmem:v1+s8+$0x0], $0xffff  }
0x6df: {  	[tilespmem:s7+$0x3190] =	vst v0;
	v0 =	vld [tilespmem:s11+$0x1A0]  }
0x6e0: {  	v7 =	vld [tilespmem:s7+$0x21A0]  }
0x6e1: {  	v2 =	vmul.f32 v2, v3;
	v3 =	vld.idx.msk [tilespmem:v5+s8+$0x0], $0xffff  }
0x6e2: {  	v5 =	vld [tilespmem:s7+$0x1B0]  }
0x6e3: {  	[tilespmem:s10+$0x3190] =	vst v2;
	v2 =	vld [tilespmem:s10+$0x21A0]  }
0x6e4: {  	v1 =	vmul.f32 v1, v4;
	v4 =	vld.idx.msk [tilespmem:v6+s8+$0x0], $0xffff  }
0x6e5: {  	v6 =	vld [tilespmem:s10+$0x1B0]  }
0x6e6: {  	[tilespmem:s11+$0x3190] =	vst v1;
	v1 =	vmul.f32 v3, v7;
	v3 =	vld [tilespmem:s11+$0x21A0]  }
0x6e7: {  	v0 =	vld.idx.msk [tilespmem:v0+s8+$0x0], $0xffff  }
0x6e8: {  	[tilespmem:s7+$0x31A0] =	vst v1;
	v1 =	vld [tilespmem:s11+$0x1B0]  }
0x6e9: {  	v7 =	vld [tilespmem:s7+$0x21B0]  }
0x6ea: {  	v2 =	vmul.f32 v4, v2;
	v4 =	vld.idx.msk [tilespmem:v5+s8+$0x0], $0xffff  }
0x6eb: {  	v5 =	vld [tilespmem:s7+$0x1C0]  }
0x6ec: {  	[tilespmem:s10+$0x31A0] =	vst v2;
	v2 =	vld [tilespmem:s10+$0x21B0]  }
0x6ed: {  	v0 =	vmul.f32 v0, v3;
	v3 =	vld.idx.msk [tilespmem:v6+s8+$0x0], $0xffff  }
0x6ee: {  	v6 =	vld [tilespmem:s10+$0x1C0]  }
0x6ef: {  	[tilespmem:s11+$0x31A0] =	vst v0;
	v0 =	vmul.f32 v4, v7;
	v4 =	vld [tilespmem:s11+$0x21B0]  }
0x6f0: {  	v1 =	vld.idx.msk [tilespmem:v1+s8+$0x0], $0xffff  }
0x6f1: {  	[tilespmem:s7+$0x31B0] =	vst v0;
	v0 =	vld [tilespmem:s11+$0x1C0]  }
0x6f2: {  	v7 =	vld [tilespmem:s7+$0x21C0]  }
0x6f3: {  	v2 =	vmul.f32 v3, v2;
	v3 =	vld.idx.msk [tilespmem:v5+s8+$0x0], $0xffff  }
0x6f4: {  	v5 =	vld [tilespmem:s7+$0x1D0]  }
0x6f5: {  	[tilespmem:s10+$0x31B0] =	vst v2;
	v2 =	vld [tilespmem:s10+$0x21C0]  }
0x6f6: {  	v1 =	vmul.f32 v1, v4;
	v4 =	vld.idx.msk [tilespmem:v6+s8+$0x0], $0xffff  }
0x6f7: {  	v6 =	vld [tilespmem:s10+$0x1D0]  }
0x6f8: {  	[tilespmem:s11+$0x31B0] =	vst v1;
	v1 =	vmul.f32 v3, v7;
	v3 =	vld [tilespmem:s11+$0x21C0]  }
0x6f9: {  	v0 =	vld.idx.msk [tilespmem:v0+s8+$0x0], $0xffff  }
0x6fa: {  	[tilespmem:s7+$0x31C0] =	vst v1;
	v1 =	vld [tilespmem:s11+$0x1D0]  }
0x6fb: {  	v7 =	vld [tilespmem:s7+$0x21D0]  }
0x6fc: {  	v2 =	vmul.f32 v4, v2;
	v4 =	vld.idx.msk [tilespmem:v5+s8+$0x0], $0xffff  }
0x6fd: {  	v5 =	vld [tilespmem:s7+$0x1E0]  }
0x6fe: {  	[tilespmem:s10+$0x31C0] =	vst v2;
	v2 =	vld [tilespmem:s10+$0x21D0]  }
0x6ff: {  	v0 =	vmul.f32 v0, v3;
	v3 =	vld.idx.msk [tilespmem:v6+s8+$0x0], $0xffff  }
0x700: {  	v6 =	vld [tilespmem:s10+$0x1E0]  }
0x701: {  	[tilespmem:s11+$0x31C0] =	vst v0;
	v0 =	vmul.f32 v4, v7;
	v4 =	vld [tilespmem:s11+$0x21D0]  }
0x702: {  	v1 =	vld.idx.msk [tilespmem:v1+s8+$0x0], $0xffff  }
0x703: {  	[tilespmem:s7+$0x31D0] =	vst v0;
	v0 =	vld [tilespmem:s11+$0x1E0]  }
0x704: {  	v7 =	vld [tilespmem:s7+$0x21E0]  }
0x705: {  	v2 =	vmul.f32 v3, v2;
	v3 =	vld.idx.msk [tilespmem:v5+s8+$0x0], $0xffff  }
0x706: {  	v5 =	vld [tilespmem:s7+$0x1F0]  }
0x707: {  	[tilespmem:s10+$0x31D0] =	vst v2;
	v2 =	vld [tilespmem:s10+$0x21E0]  }
0x708: {  	v1 =	vmul.f32 v1, v4;
	v4 =	vld.idx.msk [tilespmem:v6+s8+$0x0], $0xffff  }
0x709: {  	v6 =	vld [tilespmem:s10+$0x1F0]  }
0x70a: {  	[tilespmem:s11+$0x31D0] =	vst v1;
	v1 =	vld [tilespmem:s11+$0x21E0]  }
0x70b: {  	v3 =	vmul.f32 v3, v7;
	v0 =	vld.idx.msk [tilespmem:v0+s8+$0x0], $0xffff;
	_ =	sdelay $0x1  }
0x70c: {  	[tilespmem:s7+$0x31E0] =	vst v3  }
0x70d: {  	v2 =	vmul.f32 v4, v2;
	v3 =	vld.idx.msk [tilespmem:v5+s8+$0x0], $0xffff  }
0x70e: {  	v4 =	vld [tilespmem:s7+$0x21F0]  }
0x70f: {  	[tilespmem:s10+$0x31E0] =	vst v2;
	v2 =	vld [tilespmem:s10+$0x21F0];
	v0 =	vmul.f32 v0, v1  }
0x710: {  	v1 =	vld.idx.msk [tilespmem:v6+s8+$0x0], $0xffff  }
0x711: {  	v5 =	vld [tilespmem:s11+$0x21F0];
	[tilespmem:s11+$0x31E0] =	vst v0  }
0x712: {  	v0 =	vld.idx.msk [tilespmem:v8+s8+$0x0], $0xffff  }
0x713: {  	v3 =	vmul.f32 v3, v4;
	_ =	sdelay $0x1  }
0x714: {  	s20 =	sadd.s32 $0x3180, s7;
	s21 =	sadd.s32 $0x1180, s7;
	[tilespmem:s7+$0x31F0] =	vst v3;
	v1 =	vmul.f32 v1, v2  }
0x715: {  	[spmem:s5] =	stream.indirect.scatter.add.f32 [tilespmem:s20], [sflag:$0x2], $0x1, s21, s9, $0xb8;
	[tilespmem:$0x5200] =	vst v63  }
0x716: {  	s22 =	sadd.s32 $0x3180, s10;
	s23 =	sadd.s32 $0x1180, s10;
	[tilespmem:s10+$0x31F0] =	vst v1;
	v0 =	vmul.f32 v0, v5  }
0x717: {  	[spmem:s5] =	stream.indirect.scatter.add.f32 [tilespmem:s22], [sflag:$0x2], $0x1, s23, s9, $0xb8;
	[tilespmem:$0x5200] =	vst v63  }
0x718: {  	s24 =	sadd.s32 $0x3180, s11;
	s25 =	sadd.s32 $0x1180, s11;
	s26 =	simm.s32 $0x2;
	[tilespmem:s11+$0x31F0] =	vst v0  }
0x719: {  	[spmem:s5] =	stream.indirect.scatter.add.f32 [tilespmem:s24], [sflag:$0x2], $0x1, s25, s9, $0xb8;
	[tilespmem:$0x5200] =	vst v63  }
0x71a: {  	_ =	swait.ge [sflag:s26], $0x80  }
0x71b: {  	[sflag:s26] =	ssyncset.done $0x0  }
0x71c: {  	[sflag:s26] =	ssyncadd.s32 $0xFFFFFF80  }
0x71d: {  	_ =	swait.ge [sflag:s26], $0x80  }
0x71e: {  	[sflag:s26] =	ssyncset.done $0x0  }
0x71f: {  	[sflag:s26] =	ssyncadd.s32 $0xFFFFFF80  }
0x720: {  	_ =	swait.ge [sflag:s26], $0x80  }
0x721: {  	[sflag:s26] =	ssyncset.done $0x0  }
0x722: {  	[sflag:s26] =	ssyncadd.s32 $0xFFFFFF80  }
0x723: {  	_ =	swait.ge [sflag:s26], $0x80  }
0x724: {  	[sflag:s26] =	ssyncset.done $0x0  }
0x725: {  	[sflag:s26] =	ssyncadd.s32 $0xFFFFFF80  }
0x726: {  	_ =	swait.ge [sflag:s26], $0x80  }
0x727: {  	[sflag:s26] =	ssyncset.done $0x0  }
0x728: {  	[sflag:s26] =	ssyncadd.s32 $0xFFFFFF80  }
0x729: {  	_ =	swait.ge [sflag:s26], $0x80  }
0x72a: {  	[sflag:s26] =	ssyncset.done $0x0  }
0x72b: {  	[sflag:s26] =	ssyncadd.s32 $0xFFFFFF80  }
0x72c: {  	_ =	swait.ge [sflag:s26], $0x80  }
0x72d: {  	[sflag:s26] =	ssyncset.done $0x0  }
0x72e: {  	[sflag:s26] =	ssyncadd.s32 $0xFFFFFF80  }
0x72f: {  	_ =	swait.ge [sflag:s26], $0x80  }
0x730: {  	[sflag:s26] =	ssyncset.done $0x0  }
0x731: {  	[sflag:s26] =	ssyncadd.s32 $0xFFFFFF80  }
0x732: {  	_ =	swait.ge [sflag:s26], $0x80  }
0x733: {  	[sflag:s26] =	ssyncset.done $0x0  }
0x734: {  	[sflag:s26] =	ssyncadd.s32 $0xFFFFFF80  }
0x735: {  	_ =	swait.ge [sflag:s26], $0x80  }
0x736: {  	[sflag:s26] =	ssyncset.done $0x0  }
0x737: {  	[sflag:s26] =	ssyncadd.s32 $0xFFFFFF80  }
0x738: {  	_ =	swait.ge [sflag:s26], $0x80  }
0x739: {  	[sflag:s26] =	ssyncset.done $0x0  }
0x73a: {  	[sflag:s26] =	ssyncadd.s32 $0xFFFFFF80  }
0x73b: {  	_ =	swait.ge [sflag:s26], $0x80  }
0x73c: {  	[sflag:s26] =	ssyncset.done $0x0  }
0x73d: {  	[sflag:s26] =	ssyncadd.s32 $0xFFFFFF80  }
0x73e: {  	_ =	swait.ge [sflag:s26], $0x80  }
0x73f: {  	[sflag:s26] =	ssyncset.done $0x0  }
0x740: {  	[sflag:s26] =	ssyncadd.s32 $0xFFFFFF80  }
0x741: {  	_ =	swait.ge [sflag:s26], $0x80  }
0x742: {  	[sflag:s26] =	ssyncset.done $0x0  }
0x743: {  	[sflag:s26] =	ssyncadd.s32 $0xFFFFFF80  }
0x744: {  	_ =	swait.ge [sflag:s26], $0x80  }
0x745: {  	[sflag:s26] =	ssyncset.done $0x0  }
0x746: {  	[sflag:s26] =	ssyncadd.s32 $0xFFFFFF80  }
0x747: {  	_ =	swait.ge [sflag:s26], $0x80  }
0x748: {  	[sflag:s26] =	ssyncset.done $0x0  }
0x749: {  	[sflag:s26] =	ssyncadd.s32 $0xFFFFFF80  }
0x74a: {  	_ =	swait.ge [sflag:s26], $0x80  }
0x74b: {  	[sflag:s26] =	ssyncset.done $0x0  }
0x74c: {  	[sflag:s26] =	ssyncadd.s32 $0xFFFFFF80  }
0x74d: {  	_ =	swait.ge [sflag:s26], $0x80  }
0x74e: {  	[sflag:s26] =	ssyncset.done $0x0  }
0x74f: {  	[sflag:s26] =	ssyncadd.s32 $0xFFFFFF80  }
0x750: {  	_ =	swait.ge [sflag:s26], $0x80  }
0x751: {  	[sflag:s26] =	ssyncset.done $0x0  }
0x752: {  	[sflag:s26] =	ssyncadd.s32 $0xFFFFFF80  }
0x753: {  	_ =	swait.ge [sflag:s26], $0x80  }
0x754: {  	[sflag:s26] =	ssyncset.done $0x0  }
0x755: {  	[sflag:s26] =	ssyncadd.s32 $0xFFFFFF80  }
0x756: {  	_ =	swait.ge [sflag:s26], $0x80  }
0x757: {  	[sflag:s26] =	ssyncset.done $0x0  }
0x758: {  	[sflag:s26] =	ssyncadd.s32 $0xFFFFFF80  }
0x759: {  	_ =	swait.ge [sflag:s26], $0x80  }
0x75a: {  	[sflag:s26] =	ssyncset.done $0x0  }
0x75b: {  	[sflag:s26] =	ssyncadd.s32 $0xFFFFFF80  }
0x75c: {  	_ =	swait.ge [sflag:s26], $0x80  }
0x75d: {  	[sflag:s26] =	ssyncset.done $0x0  }
0x75e: {  	[sflag:s26] =	ssyncadd.s32 $0xFFFFFF80  }
0x75f: {  	_ =	swait.ge [sflag:s26], $0x80  }
0x760: {  	[sflag:s26] =	ssyncset.done $0x0  }
0x761: {  	[sflag:s26] =	ssyncadd.s32 $0xFFFFFF80  }
0x762: {  	_ =	swait.ge [sflag:s26], $0x80  }
0x763: {  	[sflag:s26] =	ssyncset.done $0x0  }
0x764: {  	[sflag:s26] =	ssyncadd.s32 $0xFFFFFF80  }
0x765: {  	_ =	swait.ge [sflag:s26], $0x80  }
0x766: {  	[sflag:s26] =	ssyncset.done $0x0  }
0x767: {  	[sflag:s26] =	ssyncadd.s32 $0xFFFFFF80  }
0x768: {  	_ =	swait.ge [sflag:s26], $0x80  }
0x769: {  	[sflag:s26] =	ssyncset.done $0x0  }
0x76a: {  	[sflag:s26] =	ssyncadd.s32 $0xFFFFFF80  }
0x76b: {  	_ =	swait.ge [sflag:s26], $0x80  }
0x76c: {  	[sflag:s26] =	ssyncset.done $0x0  }
0x76d: {  	[sflag:s26] =	ssyncadd.s32 $0xFFFFFF80  }
0x76e: {  	_ =	swait.ge [sflag:s26], $0x80  }
0x76f: {  	[sflag:s26] =	ssyncset.done $0x0  }
0x770: {  	[sflag:s26] =	ssyncadd.s32 $0xFFFFFF80  }
0x771: {  	_ =	swait.ge [sflag:s26], $0x80  }
0x772: {  	[sflag:s26] =	ssyncset.done $0x0  }
0x773: {  	[sflag:s26] =	ssyncadd.s32 $0xFFFFFF80  }
0x774: {  	_ =	swait.ge [sflag:s26], $0x80  }
0x775: {  	[sflag:s26] =	ssyncset.done $0x0  }
0x776: {  	[sflag:s26] =	ssyncadd.s32 $0xFFFFFF80  }
0x777: {  	_ =	swait.ge [sflag:s26], $0x80  }
0x778: {  	[sflag:s26] =	ssyncset.done $0x0  }
0x779: {  	[sflag:s26] =	ssyncadd.s32 $0xFFFFFF80  }
0x77a: {  	s28 =	simm.s32 $0x4800;
	s29 =	simm.s32 $0x3;
	[bflag:$0x0] =	sbarrier.arrive $0xFFFF  }
0x77b: {  	[tilespmem:s28], [sflag:$0x3] =	stream.linear.gather [spmem:s5], $0x400, $0x38;
	[tilespmem:$0x5200] =	vst v63  }
0x77c: {  	_ =	swait.ge [sflag:s29], $0x400  }
0x77d: {  	[sflag:s29] =	ssyncset.done $0x0  }
0x77e: {  	s30 =	simm.s32 $0x5080;
	[sflag:s29] =	ssyncadd.s32 $0xFFFFFC00  }
0x77f: {  	[spmem:s6] =	stream.linear.scatter [tilespmem:s30], [sflag:$0x3], $0x40, $0x38;
	[tilespmem:$0x5200] =	vst v63  }
0x780: {  	_ =	swait.ge [sflag:s29], $0x40  }
0x781: {  	[sflag:s29] =	ssyncset.done $0x0  }
0x782: {  	s31 =	simm.s32 $0x4420;
	[sflag:s29] =	ssyncadd.s32 $0xFFFFFFC0  }
0x783: {  	v0 =	vld [tilespmem:s31+$0x10]  }
0x784: {  	s5 =	simm.s32 $0x4020;
	v3 =	vld [tilespmem:s31+$0xFFFFFFF0]  }
0x785: {  	v1 =	vld [tilespmem:s5+$0x10]  }
0x786: {  	s6 =	simm.s32 $0x4820;
	v5 =	vld [tilespmem:s31+$0x0]  }
0x787: {  	v6 =	vld [tilespmem:s6+$0x10]  }
0x788: {  	v8 =	vld [tilespmem:s31+$0xFFFFFFE0];
	v4 =	vmul.f32 v0, v0  }
0x789: {  	v2 =	vld [tilespmem:s5+$0xFFFFFFF0]  }
0x78a: {  	v0 =	vld [tilespmem:s5+$0xFFFFFFE0];
	v7 =	vmul.f32 v1, v4  }
0x78b: {  	v4 =	vld [tilespmem:s5+$0x0]  }
0x78c: {  	v1 =	vld [tilespmem:s6+$0xFFFFFFE0];
	v9 =	vadd.f32 v7, v6  }
0x78d: {  	v3 =	vmul.f32 v3, v3;
	v8 =	vmul.f32 v8, v8;
	v6 =	vld [tilespmem:s6+$0xFFFFFFF0]  }
0x78e: {  	s8 =	simm.s32 $0x0;
	s7 =	simm.s32 $0x4020;
	s9 =	simm.s32 $0x4460;
	v7 =	vmul.f32 v5, v5;
	v5 =	vld [tilespmem:s6+$0x0];
	[tilespmem:s5+$0x10] =	vst v9  }
.LBB2_11:
0x78f: {  	v9 =	vld [tilespmem:s9+$0x10];
	s8 =	sadd.s32 $0x4, s8;
	v0 =	vmul.f32 v0, v8;
	v2 =	vmul.f32 v2, v3  }
0x790: {  	s5 =	sadd.s32 $0x40, s5;
	v3 =	vld [tilespmem:s9+$0xFFFFFFF0];
	p0 =	slt.u32 s8, $0x3C;
	v4 =	vmul.f32 v4, v7  }
0x791: {  	v7 =	vld [tilespmem:s5+$0x10];
	v0 =	vadd.f32 v0, v1  }
0x792: {  	s6 =	sadd.s32 $0x40, s6;
	v1 =	vld [tilespmem:s9+$0x0];
	v2 =	vadd.f32 v2, v6  }
0x793: {  	v6 =	vld [tilespmem:s6+$0x10];
	[tilespmem:s7+$0xFFFFFFE0] =	vst v0;
	v4 =	vadd.f32 v4, v5  }
0x794: {  	v5 =	vld [tilespmem:s9+$0xFFFFFFE0];
	v8 =	vmul.f32 v9, v9;
	[tilespmem:s7+$0xFFFFFFF0] =	vst v2  }
0x795: {  	v0 =	vld [tilespmem:s5+$0xFFFFFFE0];
	v3 =	vmul.f32 v3, v3;
	[tilespmem:s7+$0x0] =	vst v4;
	s7 =	smov.u32 s5  }
.Ltmp5:
0x796: {  	v2 =	vld [tilespmem:s5+$0xFFFFFFF0];
	v8 =	vmul.f32 v7, v8;
	(pc) =	sbr.rel @p0 .LBB2_11-.Ltmp5, $4  }
0x797: {  	v7 =	vmul.f32 v1, v1;
	v4 =	vld [tilespmem:s5+$0x0]  }
0x798: {  	v1 =	vld [tilespmem:s6+$0xFFFFFFE0];
	v9 =	vadd.f32 v8, v6  }
0x799: {  	v8 =	vmul.f32 v5, v5;
	v6 =	vld [tilespmem:s6+$0xFFFFFFF0]  }
0x79a: {  	s9 =	sadd.s32 $0x40, s9;
	v5 =	vld [tilespmem:s6+$0x0];
	[tilespmem:s5+$0x10] =	vst v9  }
0x79b: {  	v0 =	vmul.f32 v0, v8  }
0x79c: {  	v2 =	vmul.f32 v2, v3  }
0x79d: {  	v3 =	vmul.f32 v4, v7;
	v0 =	vadd.f32 v0, v1  }
0x79e: {  	v1 =	vadd.f32 v2, v6  }
0x79f: {  	[tilespmem:s7+$0xFFFFFFE0] =	vst v0;
	v0 =	vadd.f32 v3, v5  }
0x7a0: {  	[tilespmem:s7+$0xFFFFFFF0] =	vst v1  }
0x7a1: {  	[tilespmem:s7+$0x0] =	vst v0  }
0x7a2: {  	s5 =	simm.s32 $0x0;
	[bflag:$0x0] =	sbarrier.arrive $0xFFFF  }
0x7a3: {  	v0 =	vld [tilespmem:s5+$0x0];
	_ =	sdelay $0x5  }
0x7a4: {  	v1 =	vld [tilespmem:s5+$0x2000]  }
0x7a5: {  	s6 =	simm.s32 $0x4000;
	v2 =	vld [tilespmem:s5+$0x10]  }
0x7a6: {  	v0 =	vld.idx.msk [tilespmem:v0+s6+$0x0], $0xffff;
	_ =	sdelay $0x4  }
0x7a7: {  	v0 =	vmul.f32 v0, v1  }
0x7a8: {  	v1 =	vld [tilespmem:s5+$0x2010]  }
0x7a9: {  	[tilespmem:s5+$0x3000] =	vst v0;
	v0 =	vld [tilespmem:s5+$0x20]  }
0x7aa: {  	v2 =	vld.idx.msk [tilespmem:v2+s6+$0x0], $0xffff;
	_ =	sdelay $0x4  }
0x7ab: {  	v1 =	vmul.f32 v2, v1  }
0x7ac: {  	v3 =	vld [tilespmem:s5+$0x2020]  }
0x7ad: {  	[tilespmem:s5+$0x3010] =	vst v1;
	v1 =	vld [tilespmem:s5+$0x30]  }
0x7ae: {  	v0 =	vld.idx.msk [tilespmem:v0+s6+$0x0], $0xffff;
	_ =	sdelay $0x4  }
0x7af: {  	v0 =	vmul.f32 v0, v3  }
0x7b0: {  	v2 =	vld [tilespmem:s5+$0x40]  }
0x7b1: {  	[tilespmem:s5+$0x3020] =	vst v0;
	v0 =	vld [tilespmem:s5+$0x2030]  }
0x7b2: {  	v1 =	vld.idx.msk [tilespmem:v1+s6+$0x0], $0xffff;
	_ =	sdelay $0x4  }
0x7b3: {  	v0 =	vmul.f32 v1, v0  }
0x7b4: {  	v3 =	vld [tilespmem:s5+$0x50]  }
0x7b5: {  	[tilespmem:s5+$0x3030] =	vst v0;
	v0 =	vld [tilespmem:s5+$0x2040]  }
0x7b6: {  	v2 =	vld.idx.msk [tilespmem:v2+s6+$0x0], $0xffff;
	_ =	sdelay $0x4  }
0x7b7: {  	v0 =	vmul.f32 v2, v0  }
0x7b8: {  	v5 =	vld [tilespmem:s5+$0x60]  }
0x7b9: {  	[tilespmem:s5+$0x3040] =	vst v0;
	v0 =	vld [tilespmem:s5+$0x2050]  }
0x7ba: {  	v3 =	vld.idx.msk [tilespmem:v3+s6+$0x0], $0xffff;
	_ =	sdelay $0x4  }
0x7bb: {  	v0 =	vmul.f32 v3, v0  }
0x7bc: {  	v4 =	vld [tilespmem:s5+$0x2060]  }
0x7bd: {  	v2 =	vld [tilespmem:s5+$0x70];
	[tilespmem:s5+$0x3050] =	vst v0  }
0x7be: {  	v0 =	vld.idx.msk [tilespmem:v5+s6+$0x0], $0xffff;
	_ =	sdelay $0x4  }
0x7bf: {  	v0 =	vmul.f32 v0, v4;
	_ =	sdelay $0x1  }
0x7c0: {  	v1 =	vld [tilespmem:s5+$0x2070];
	[tilespmem:s5+$0x3060] =	vst v0  }
0x7c1: {  	v0 =	vld.idx.msk [tilespmem:v2+s6+$0x0], $0xffff;
	_ =	sdelay $0x4  }
0x7c2: {  	v0 =	vmul.f32 v0, v1;
	_ =	sdelay $0x1  }
0x7c3: {  	s8 =	simm.s32 $0x3000;
	s9 =	simm.s32 $0x1000;
	s7 =	simm.s32 $0x80;
	[tilespmem:s5+$0x3070] =	vst v0  }
0x7c4: {  	[spmem:s3] =	stream.indirect.scatter.add.f32 [tilespmem:s8], [sflag:$0x2], $0x1, s9, s7, $0xb8;
	[tilespmem:$0x5200] =	vst v63  }
0x7c5: {  	v0 =	vld [tilespmem:s5+$0x80];
	_ =	sdelay $0x5  }
0x7c6: {  	v1 =	vld [tilespmem:s5+$0x2080]  }
0x7c7: {  	v2 =	vld [tilespmem:s5+$0x90]  }
0x7c8: {  	v0 =	vld.idx.msk [tilespmem:v0+s6+$0x0], $0xffff;
	_ =	sdelay $0x2  }
0x7c9: {  	s8 =	simm.s32 $0x200  }
0x7ca: {  	v3 =	vld [tilespmem:s8+$0x0]  }
0x7cb: {  	v0 =	vmul.f32 v0, v1  }
0x7cc: {  	v1 =	vld [tilespmem:s5+$0x2090]  }
0x7cd: {  	[tilespmem:s5+$0x3080] =	vst v0;
	v0 =	vld [tilespmem:s5+$0xA0]  }
0x7ce: {  	v2 =	vld.idx.msk [tilespmem:v2+s6+$0x0], $0xffff;
	_ =	sdelay $0x1  }
0x7cf: {  	v4 =	vld [tilespmem:s8+$0x2000]  }
0x7d0: {  	v5 =	vld [tilespmem:s8+$0x10]  }
0x7d1: {  	v3 =	vld.idx.msk [tilespmem:v3+s6+$0x0], $0xffff  }
0x7d2: {  	v1 =	vmul.f32 v2, v1  }
0x7d3: {  	v2 =	vld [tilespmem:s5+$0x20A0]  }
0x7d4: {  	[tilespmem:s5+$0x3090] =	vst v1;
	v1 =	vld [tilespmem:s5+$0xB0]  }
0x7d5: {  	v0 =	vld.idx.msk [tilespmem:v0+s6+$0x0], $0xffff  }
0x7d6: {  	v3 =	vmul.f32 v3, v4;
	_ =	sdelay $0x1  }
0x7d7: {  	v4 =	vld [tilespmem:s8+$0x2010];
	[tilespmem:s8+$0x3000] =	vst v3  }
0x7d8: {  	v3 =	vld.idx.msk [tilespmem:v5+s6+$0x0], $0xffff  }
0x7d9: {  	v0 =	vmul.f32 v0, v2;
	v2 =	vld [tilespmem:s8+$0x20];
	_ =	sdelay $0x1  }
0x7da: {  	[tilespmem:s5+$0x30A0] =	vst v0;
	v0 =	vld [tilespmem:s5+$0x20B0]  }
0x7db: {  	v1 =	vld.idx.msk [tilespmem:v1+s6+$0x0], $0xffff;
	_ =	sdelay $0x1  }
0x7dc: {  	v5 =	vld [tilespmem:s5+$0xC0];
	v3 =	vmul.f32 v3, v4;
	_ =	sdelay $0x1  }
0x7dd: {  	v6 =	vld [tilespmem:s8+$0x2020];
	[tilespmem:s8+$0x3010] =	vst v3  }
0x7de: {  	v0 =	vmul.f32 v1, v0;
	v1 =	vld.idx.msk [tilespmem:v2+s6+$0x0], $0xffff  }
0x7df: {  	v2 =	vld [tilespmem:s8+$0x30];
	_ =	sdelay $0x2  }
0x7e0: {  	[tilespmem:s5+$0x30B0] =	vst v0;
	v0 =	vld [tilespmem:s5+$0x20C0]  }
0x7e1: {  	v3 =	vld.idx.msk [tilespmem:v5+s6+$0x0], $0xffff  }
0x7e2: {  	v4 =	vld [tilespmem:s5+$0xD0];
	v1 =	vmul.f32 v1, v6;
	_ =	sdelay $0x1  }
0x7e3: {  	[tilespmem:s8+$0x3020] =	vst v1;
	v1 =	vld [tilespmem:s8+$0x2030]  }
0x7e4: {  	v2 =	vld.idx.msk [tilespmem:v2+s6+$0x0], $0xffff  }
0x7e5: {  	v0 =	vmul.f32 v3, v0;
	v3 =	vld [tilespmem:s8+$0x40];
	_ =	sdelay $0x2  }
0x7e6: {  	[tilespmem:s5+$0x30C0] =	vst v0;
	v0 =	vld [tilespmem:s5+$0x20D0]  }
0x7e7: {  	v4 =	vld.idx.msk [tilespmem:v4+s6+$0x0], $0xffff  }
0x7e8: {  	v5 =	vld [tilespmem:s5+$0xE0];
	v1 =	vmul.f32 v2, v1;
	_ =	sdelay $0x1  }
0x7e9: {  	[tilespmem:s8+$0x3030] =	vst v1;
	v1 =	vld [tilespmem:s8+$0x2040]  }
0x7ea: {  	v3 =	vld.idx.msk [tilespmem:v3+s6+$0x0], $0xffff  }
0x7eb: {  	v0 =	vmul.f32 v4, v0;
	v4 =	vld [tilespmem:s8+$0x50];
	_ =	sdelay $0x1  }
0x7ec: {  	v6 =	vld [tilespmem:s5+$0xF0]  }
0x7ed: {  	[tilespmem:s5+$0x30D0] =	vst v0;
	v0 =	vld [tilespmem:s5+$0x20E0]  }
0x7ee: {  	v5 =	vld.idx.msk [tilespmem:v5+s6+$0x0], $0xffff  }
0x7ef: {  	v1 =	vmul.f32 v3, v1;
	_ =	sdelay $0x1  }
0x7f0: {  	[tilespmem:s8+$0x3040] =	vst v1;
	v1 =	vld [tilespmem:s8+$0x2050]  }
0x7f1: {  	v4 =	vld.idx.msk [tilespmem:v4+s6+$0x0], $0xffff  }
0x7f2: {  	v0 =	vmul.f32 v5, v0;
	v5 =	vld [tilespmem:s8+$0x60];
	_ =	sdelay $0x1  }
0x7f3: {  	[tilespmem:s5+$0x30E0] =	vst v0;
	v0 =	vld [tilespmem:s5+$0x20F0]  }
0x7f4: {  	v6 =	vld.idx.msk [tilespmem:v6+s6+$0x0], $0xffff;
	_ =	sdelay $0x1  }
0x7f5: {  	v1 =	vmul.f32 v4, v1  }
0x7f6: {  	v7 =	vld [tilespmem:s8+$0x2060]  }
0x7f7: {  	v3 =	vld [tilespmem:s8+$0x70];
	[tilespmem:s8+$0x3050] =	vst v1  }
0x7f8: {  	v1 =	vld.idx.msk [tilespmem:v5+s6+$0x0], $0xffff;
	v0 =	vmul.f32 v6, v0;
	_ =	sdelay $0x1  }
0x7f9: {  	s28 =	simm.s32 $0x3080;
	s10 =	simm.s32 $0x1080;
	[tilespmem:s5+$0x30F0] =	vst v0  }
0x7fa: {  	[spmem:s3] =	stream.indirect.scatter.add.f32 [tilespmem:s28], [sflag:$0x2], $0x1, s10, s7, $0xb8;
	[tilespmem:$0x5200] =	vst v63  }
0x7fb: {  	v0 =	vld [tilespmem:s5+$0x100]  }
0x7fc: {  	v1 =	vmul.f32 v1, v7;
	_ =	sdelay $0x1  }
0x7fd: {  	v2 =	vld [tilespmem:s8+$0x2070];
	[tilespmem:s8+$0x3060] =	vst v1  }
0x7fe: {  	v1 =	vld.idx.msk [tilespmem:v3+s6+$0x0], $0xffff;
	_ =	sdelay $0x1  }
0x7ff: {  	v4 =	vld [tilespmem:s5+$0x110]  }
0x800: {  	v3 =	vld [tilespmem:s5+$0x2100]  }
0x801: {  	v0 =	vld.idx.msk [tilespmem:v0+s6+$0x0], $0xffff  }
0x802: {  	v1 =	vmul.f32 v1, v2;
	_ =	sdelay $0x1  }
0x803: {  	s29 =	simm.s32 $0x3200;
	s30 =	simm.s32 $0x1200;
	[tilespmem:s8+$0x3070] =	vst v1  }
0x804: {  	[spmem:s3] =	stream.indirect.scatter.add.f32 [tilespmem:s29], [sflag:$0x2], $0x1, s30, s7, $0xb8;
	[tilespmem:$0x5200] =	vst v63  }
0x805: {  	v1 =	vld [tilespmem:s8+$0x80];
	v0 =	vmul.f32 v0, v3  }
0x806: {  	v2 =	vld [tilespmem:s5+$0x2110]  }
0x807: {  	[tilespmem:s5+$0x3100] =	vst v0;
	v0 =	vld [tilespmem:s5+$0x120]  }
0x808: {  	s9 =	simm.s32 $0x400;
	v3 =	vld.idx.msk [tilespmem:v4+s6+$0x0], $0xffff  }
0x809: {  	v8 =	vld [tilespmem:s9+$0x2000]  }
0x80a: {  	v7 =	vld [tilespmem:s9+$0x0]  }
0x80b: {  	v5 =	vld [tilespmem:s8+$0x90]  }
0x80c: {  	v4 =	vld [tilespmem:s8+$0x2080]  }
0x80d: {  	v1 =	vld.idx.msk [tilespmem:v1+s6+$0x0], $0xffff;
	v2 =	vmul.f32 v3, v2  }
0x80e: {  	v3 =	vld [tilespmem:s5+$0x2120]  }
0x80f: {  	[tilespmem:s5+$0x3110] =	vst v2;
	v2 =	vld [tilespmem:s5+$0x130]  }
0x810: {  	v0 =	vld.idx.msk [tilespmem:v0+s6+$0x0], $0xffff  }
0x811: {  	v9 =	vld [tilespmem:s9+$0x10]  }
0x812: {  	v7 =	vld.idx.msk [tilespmem:v7+s6+$0x0], $0xffff;
	v1 =	vmul.f32 v1, v4  }
0x813: {  	v4 =	vld [tilespmem:s8+$0x2090]  }
0x814: {  	[tilespmem:s8+$0x3080] =	vst v1;
	v1 =	vld [tilespmem:s8+$0xA0]  }
0x815: {  	v5 =	vld.idx.msk [tilespmem:v5+s6+$0x0], $0xffff;
	v0 =	vmul.f32 v0, v3  }
0x816: {  	v3 =	vld [tilespmem:s5+$0x2130]  }
0x817: {  	[tilespmem:s5+$0x3120] =	vst v0;
	v0 =	vld [tilespmem:s5+$0x140]  }
0x818: {  	v2 =	vld.idx.msk [tilespmem:v2+s6+$0x0], $0xffff;
	_ =	sdelay $0x1  }
0x819: {  	v7 =	vmul.f32 v7, v8;
	v8 =	vld [tilespmem:s5+$0x150];
	v4 =	vmul.f32 v5, v4  }
0x81a: {  	v5 =	vld [tilespmem:s8+$0x20A0]  }
0x81b: {  	[tilespmem:s8+$0x3090] =	vst v4;
	v4 =	vld [tilespmem:s8+$0xB0]  }
0x81c: {  	[tilespmem:s9+$0x3000] =	vst v7;
	v1 =	vld.idx.msk [tilespmem:v1+s6+$0x0], $0xffff;
	v2 =	vmul.f32 v2, v3  }
0x81d: {  	v7 =	vld.idx.msk [tilespmem:v9+s6+$0x0], $0xffff  }
0x81e: {  	v3 =	vld [tilespmem:s5+$0x2140];
	[tilespmem:s5+$0x3130] =	vst v2  }
0x81f: {  	v0 =	vld.idx.msk [tilespmem:v0+s6+$0x0], $0xffff  }
0x820: {  	v2 =	vld [tilespmem:s9+$0x2010]  }
0x821: {  	v1 =	vmul.f32 v1, v5;
	v5 =	vld [tilespmem:s9+$0x20]  }
0x822: {  	v6 =	vld [tilespmem:s9+$0x2020]  }
0x823: {  	[tilespmem:s8+$0x30A0] =	vst v1;
	v1 =	vld [tilespmem:s8+$0x20B0]  }
0x824: {  	v0 =	vmul.f32 v0, v3;
	v3 =	vld.idx.msk [tilespmem:v4+s6+$0x0], $0xffff  }
0x825: {  	v4 =	vld [tilespmem:s8+$0xC0]  }
0x826: {  	v2 =	vmul.f32 v7, v2;
	[tilespmem:s5+$0x3140] =	vst v0;
	v0 =	vld [tilespmem:s5+$0x2150]  }
0x827: {  	v7 =	vld.idx.msk [tilespmem:v8+s6+$0x0], $0xffff  }
0x828: {  	[tilespmem:s9+$0x3010] =	vst v2;
	v8 =	vld [tilespmem:s5+$0x160]  }
0x829: {  	v2 =	vld.idx.msk [tilespmem:v5+s6+$0x0], $0xffff  }
0x82a: {  	v1 =	vmul.f32 v3, v1;
	v3 =	vld [tilespmem:s9+$0x30]  }
0x82b: {  	v5 =	vld [tilespmem:s8+$0xD0]  }
0x82c: {  	[tilespmem:s8+$0x30B0] =	vst v1;
	v1 =	vld [tilespmem:s8+$0x20C0]  }
0x82d: {  	v0 =	vmul.f32 v7, v0;
	v4 =	vld.idx.msk [tilespmem:v4+s6+$0x0], $0xffff  }
0x82e: {  	v7 =	vld [tilespmem:s5+$0x170]  }
0x82f: {  	[tilespmem:s5+$0x3150] =	vst v0;
	v0 =	vld [tilespmem:s5+$0x2160];
	v2 =	vmul.f32 v2, v6  }
0x830: {  	v6 =	vld.idx.msk [tilespmem:v8+s6+$0x0], $0xffff  }
0x831: {  	[tilespmem:s9+$0x3020] =	vst v2;
	v2 =	vld [tilespmem:s9+$0x2030]  }
0x832: {  	v1 =	vmul.f32 v4, v1;
	v4 =	vld.idx.msk [tilespmem:v3+s6+$0x0], $0xffff  }
0x833: {  	v8 =	vld [tilespmem:s9+$0x40]  }
0x834: {  	[tilespmem:s8+$0x30C0] =	vst v1;
	v1 =	vld [tilespmem:s8+$0x20D0]  }
0x835: {  	v5 =	vld.idx.msk [tilespmem:v5+s6+$0x0], $0xffff;
	v0 =	vmul.f32 v6, v0  }
0x836: {  	v6 =	vld [tilespmem:s8+$0xE0]  }
0x837: {  	[tilespmem:s5+$0x3160] =	vst v0;
	v0 =	vmul.f32 v4, v2;
	v4 =	vld [tilespmem:s5+$0x2170]  }
0x838: {  	v2 =	vld.idx.msk [tilespmem:v7+s6+$0x0], $0xffff  }
0x839: {  	v10 =	vld [tilespmem:s8+$0xF0]  }
0x83a: {  	[tilespmem:s9+$0x3030] =	vst v0;
	v0 =	vld [tilespmem:s9+$0x2040]  }
0x83b: {  	v7 =	vld.idx.msk [tilespmem:v8+s6+$0x0], $0xffff  }
0x83c: {  	v1 =	vmul.f32 v5, v1;
	v8 =	vld [tilespmem:s9+$0x50]  }
0x83d: {  	v3 =	vld [tilespmem:s9+$0x2070];
	v2 =	vmul.f32 v2, v4  }
0x83e: {  	v5 =	vld [tilespmem:s9+$0x2060];
	[tilespmem:s8+$0x30D0] =	vst v1  }
0x83f: {  	s31 =	simm.s32 $0x3100;
	s11 =	simm.s32 $0x1100;
	v1 =	vld [tilespmem:s8+$0x20E0];
	[tilespmem:s5+$0x3170] =	vst v2  }
0x840: {  	v4 =	vld.idx.msk [tilespmem:v6+s6+$0x0], $0xffff;
	[spmem:s3] =	stream.indirect.scatter.add.f32 [tilespmem:s31], [sflag:$0x2], $0x1, s11, s7, $0xb8  }
0x841: {  	v0 =	vmul.f32 v7, v0;
	v2 =	vld [tilespmem:s5+$0x180]  }
0x842: {  	v6 =	vld [tilespmem:s9+$0x70]  }
0x843: {  	[tilespmem:s9+$0x3040] =	vst v0;
	v0 =	vld [tilespmem:s9+$0x2050]  }
0x844: {  	v9 =	vld.idx.msk [tilespmem:v8+s6+$0x0], $0xffff  }
0x845: {  	v1 =	vmul.f32 v4, v1;
	v8 =	vld [tilespmem:s9+$0x60]  }
0x846: {  	v4 =	vld [tilespmem:s8+$0x20F0]  }
0x847: {  	[tilespmem:s8+$0x30E0] =	vst v1;
	v1 =	vld [tilespmem:s5+$0x2180]  }
0x848: {  	v7 =	vld.idx.msk [tilespmem:v10+s6+$0x0], $0xffff  }
0x849: {  	s10 =	simm.s32 $0x8;
	s11 =	simm.s32 $0x1800;
	v2 =	vld.idx.msk [tilespmem:v2+s6+$0x0], $0xffff  }
.LBB2_13:
0x84a: {  	s12 =	sshra.s32 s11, $0x2;
	v9 =	vmul.f32 v9, v0;
	v10 =	vld [tilespmem:s5+$0x190]  }
0x84b: {  	v0 =	vld [tilespmem:s12+$0x2020]  }
0x84c: {  	v11 =	vld [tilespmem:s12+$0x0];
	[tilespmem:s9+$0x3050] =	vst v9  }
0x84d: {  	v7 =	vmul.f32 v7, v4;
	v8 =	vld.idx.msk [tilespmem:v8+s6+$0x0], $0xffff  }
0x84e: {  	s13 =	sadd.s32 $0x3080, s8;
	s14 =	sadd.s32 $0x1080, s8;
	v4 =	vld [tilespmem:s12+$0x2010]  }
0x84f: {  	v1 =	vmul.f32 v2, v1;
	v9 =	vld [tilespmem:s12+$0x2000];
	[tilespmem:s8+$0x30F0] =	vst v7;
	[spmem:s3] =	stream.indirect.scatter.add.f32 [tilespmem:s13], [sflag:$0x2], $0x1, s14, s7, $0xb8  }
0x850: {  	v2 =	vld [tilespmem:s8+$0x100]  }
0x851: {  	[tilespmem:s5+$0x3180] =	vst v1;
	v1 =	vld [tilespmem:s5+$0x2190]  }
0x852: {  	v7 =	vld.idx.msk [tilespmem:v10+s6+$0x0], $0xffff  }
0x853: {  	v5 =	vmul.f32 v8, v5;
	v8 =	vld [tilespmem:s5+$0x1A0]  }
0x854: {  	v10 =	vld [tilespmem:s12+$0x10]  }
0x855: {  	v11 =	vld.idx.msk [tilespmem:v11+s6+$0x0], $0xffff;
	[tilespmem:s9+$0x3060] =	vst v5  }
0x856: {  	v5 =	vld.idx.msk [tilespmem:v6+s6+$0x0], $0xffff  }
0x857: {  	v6 =	vld [tilespmem:s8+$0x2100]  }
0x858: {  	v1 =	vmul.f32 v7, v1;
	v12 =	vld [tilespmem:s8+$0x110]  }
0x859: {  	v2 =	vld.idx.msk [tilespmem:v2+s6+$0x0], $0xffff  }
0x85a: {  	[tilespmem:s5+$0x3190] =	vst v1;
	v1 =	vld [tilespmem:s5+$0x21A0]  }
0x85b: {  	v7 =	vmul.f32 v11, v9;
	v8 =	vld.idx.msk [tilespmem:v8+s6+$0x0], $0xffff  }
0x85c: {  	v3 =	vmul.f32 v5, v3;
	v5 =	vld [tilespmem:s5+$0x1B0]  }
0x85d: {  	s13 =	sadd.s32 $0x3000, s9;
	s14 =	sadd.s32 $0x1000, s9;
	[tilespmem:s12+$0x3000] =	vst v7;
	v7 =	vld [tilespmem:s12+$0x20]  }
0x85e: {  	v9 =	vld.idx.msk [tilespmem:v10+s6+$0x0], $0xffff;
	[tilespmem:s9+$0x3070] =	vst v3;
	[spmem:s3] =	stream.indirect.scatter.add.f32 [tilespmem:s13], [sflag:$0x2], $0x1, s14, s7, $0xb8  }
0x85f: {  	v2 =	vmul.f32 v2, v6;
	v3 =	vld [tilespmem:s9+$0x80]  }
0x860: {  	v6 =	vld [tilespmem:s8+$0x2110]  }
0x861: {  	v1 =	vmul.f32 v8, v1;
	[tilespmem:s8+$0x3100] =	vst v2;
	v2 =	vld [tilespmem:s8+$0x120]  }
0x862: {  	v8 =	vld.idx.msk [tilespmem:v12+s6+$0x0], $0xffff  }
0x863: {  	[tilespmem:s5+$0x31A0] =	vst v1;
	v1 =	vld [tilespmem:s5+$0x21B0]  }
0x864: {  	v5 =	vld.idx.msk [tilespmem:v5+s6+$0x0], $0xffff  }
0x865: {  	v10 =	vld [tilespmem:s5+$0x1C0]  }
0x866: {  	v11 =	vld [tilespmem:s9+$0x2080]  }
0x867: {  	v12 =	vld [tilespmem:s9+$0x90]  }
0x868: {  	v6 =	vmul.f32 v8, v6;
	v3 =	vld.idx.msk [tilespmem:v3+s6+$0x0], $0xffff  }
0x869: {  	v8 =	vld [tilespmem:s8+$0x2120]  }
0x86a: {  	v1 =	vmul.f32 v5, v1;
	[tilespmem:s8+$0x3110] =	vst v6;
	v6 =	vld [tilespmem:s8+$0x130]  }
0x86b: {  	v2 =	vld.idx.msk [tilespmem:v2+s6+$0x0], $0xffff  }
0x86c: {  	[tilespmem:s5+$0x31B0] =	vst v1;
	v1 =	vld [tilespmem:s5+$0x21C0]  }
0x86d: {  	v5 =	vld.idx.msk [tilespmem:v10+s6+$0x0], $0xffff  }
0x86e: {  	v3 =	vmul.f32 v3, v11;
	v10 =	vld [tilespmem:s5+$0x1D0]  }
0x86f: {  	v11 =	vld [tilespmem:s9+$0x2090]  }
0x870: {  	s10 =	sadd.s32 $0x4, s10;
	[tilespmem:s9+$0x3080] =	vst v3;
	v3 =	vld [tilespmem:s9+$0xA0]  }
0x871: {  	p0 =	slt.u32 s10, $0x1C;
	v2 =	vmul.f32 v2, v8;
	v12 =	vld.idx.msk [tilespmem:v12+s6+$0x0], $0xffff  }
0x872: {  	v8 =	vld [tilespmem:s8+$0x2130]  }
0x873: {  	v1 =	vmul.f32 v5, v1;
	[tilespmem:s8+$0x3120] =	vst v2;
	v2 =	vld [tilespmem:s8+$0x140]  }
0x874: {  	v5 =	vld.idx.msk [tilespmem:v6+s6+$0x0], $0xffff  }
0x875: {  	[tilespmem:s5+$0x31C0] =	vst v1;
	v1 =	vld [tilespmem:s5+$0x21D0]  }
0x876: {  	v6 =	vld.idx.msk [tilespmem:v10+s6+$0x0], $0xffff  }
0x877: {  	v10 =	vmul.f32 v12, v11;
	v11 =	vld [tilespmem:s5+$0x1E0]  }
0x878: {  	v12 =	vld [tilespmem:s9+$0x20A0]  }
0x879: {  	[tilespmem:s9+$0x3090] =	vst v10;
	v10 =	vld [tilespmem:s9+$0xB0]  }
0x87a: {  	v5 =	vmul.f32 v5, v8;
	v3 =	vld.idx.msk [tilespmem:v3+s6+$0x0], $0xffff  }
0x87b: {  	v8 =	vld [tilespmem:s8+$0x2140]  }
0x87c: {  	v1 =	vmul.f32 v6, v1;
	[tilespmem:s8+$0x3130] =	vst v5;
	v5 =	vld [tilespmem:s8+$0x150]  }
0x87d: {  	v2 =	vld.idx.msk [tilespmem:v2+s6+$0x0], $0xffff  }
0x87e: {  	v4 =	vmul.f32 v9, v4;
	[tilespmem:s5+$0x31D0] =	vst v1;
	v1 =	vld [tilespmem:s5+$0x21E0]  }
0x87f: {  	v6 =	vld.idx.msk [tilespmem:v11+s6+$0x0], $0xffff  }
0x880: {  	v3 =	vmul.f32 v3, v12;
	[tilespmem:s12+$0x3010] =	vst v4;
	v4 =	vld [tilespmem:s5+$0x1F0]  }
0x881: {  	v7 =	vld.idx.msk [tilespmem:v7+s6+$0x0], $0xffff  }
0x882: {  	[tilespmem:s9+$0x30A0] =	vst v3;
	v3 =	vld [tilespmem:s9+$0x20B0]  }
0x883: {  	v2 =	vmul.f32 v2, v8;
	v9 =	vld.idx.msk [tilespmem:v10+s6+$0x0], $0xffff  }
0x884: {  	v8 =	vld [tilespmem:s9+$0xC0]  }
0x885: {  	v1 =	vmul.f32 v6, v1;
	[tilespmem:s8+$0x3140] =	vst v2;
	v2 =	vld [tilespmem:s8+$0x2150]  }
0x886: {  	v5 =	vld.idx.msk [tilespmem:v5+s6+$0x0], $0xffff  }
0x887: {  	v6 =	vld [tilespmem:s8+$0x160];
	[tilespmem:s5+$0x31E0] =	vst v1  }
0x888: {  	v1 =	vld.idx.msk [tilespmem:v4+s6+$0x0], $0xffff  }
0x889: {  	v3 =	vmul.f32 v9, v3;
	v4 =	vld [tilespmem:s5+$0x21F0]  }
0x88a: {  	v9 =	vld [tilespmem:s12+$0x30]  }
0x88b: {  	[tilespmem:s9+$0x30B0] =	vst v3;
	v3 =	vld [tilespmem:s9+$0x20C0]  }
0x88c: {  	v2 =	vmul.f32 v5, v2;
	v8 =	vld.idx.msk [tilespmem:v8+s6+$0x0], $0xffff  }
0x88d: {  	v5 =	vld [tilespmem:s9+$0xD0]  }
0x88e: {  	[tilespmem:s8+$0x3150] =	vst v2;
	v2 =	vld [tilespmem:s8+$0x2160];
	v1 =	vmul.f32 v1, v4  }
0x88f: {  	s13 =	sadd.s32 $0x3180, s5;
	s14 =	sadd.s32 $0x1180, s5;
	v0 =	vmul.f32 v7, v0;
	v4 =	vld.idx.msk [tilespmem:v6+s6+$0x0], $0xffff  }
0x890: {  	v6 =	vld [tilespmem:s8+$0x170];
	[tilespmem:s5+$0x31F0] =	vst v1;
	[spmem:s3] =	stream.indirect.scatter.add.f32 [tilespmem:s13], [sflag:$0x2], $0x1, s14, s7, $0xb8  }
0x891: {  	s5 =	smov.u32 s8;
	s8 =	smov.u32 s9;
	s9 =	smov.u32 s12;
	[tilespmem:s12+$0x3020] =	vst v0;
	v0 =	vld [tilespmem:s12+$0x2030]  }
0x892: {  	v3 =	vmul.f32 v8, v3;
	v1 =	vld.idx.msk [tilespmem:v9+s6+$0x0], $0xffff  }
0x893: {  	v7 =	vld [tilespmem:s9+$0x40]  }
0x894: {  	[tilespmem:s8+$0x30C0] =	vst v3;
	v8 =	vld [tilespmem:s8+$0x20D0]  }
0x895: {  	v2 =	vmul.f32 v4, v2;
	v5 =	vld.idx.msk [tilespmem:v5+s6+$0x0], $0xffff  }
0x896: {  	v4 =	vld [tilespmem:s8+$0xE0]  }
0x897: {  	v3 =	vld [tilespmem:s9+$0x2070];
	[tilespmem:s5+$0x3160] =	vst v2  }
0x898: {  	v0 =	vmul.f32 v1, v0;
	v1 =	vld.idx.msk [tilespmem:v6+s6+$0x0], $0xffff  }
0x899: {  	v2 =	vld [tilespmem:s5+$0x2170]  }
0x89a: {  	[tilespmem:s9+$0x3030] =	vst v0;
	v0 =	vld [tilespmem:s9+$0x2040]  }
0x89b: {  	v5 =	vmul.f32 v5, v8;
	v6 =	vld.idx.msk [tilespmem:v7+s6+$0x0], $0xffff  }
0x89c: {  	v7 =	vld [tilespmem:s9+$0x50]  }
0x89d: {  	[tilespmem:s8+$0x30D0] =	vst v5;
	v8 =	vld [tilespmem:s8+$0x20E0]  }
0x89e: {  	v4 =	vld.idx.msk [tilespmem:v4+s6+$0x0], $0xffff;
	v1 =	vmul.f32 v1, v2  }
0x89f: {  	s12 =	sadd.s32 $0x3100, s5;
	s13 =	sadd.s32 $0x1100, s5;
	v2 =	vld [tilespmem:s8+$0xF0]  }
0x8a0: {  	v5 =	vld [tilespmem:s9+$0x2060];
	[tilespmem:s5+$0x3170] =	vst v1;
	[spmem:s3] =	stream.indirect.scatter.add.f32 [tilespmem:s12], [sflag:$0x2], $0x1, s13, s7, $0xb8  }
0x8a1: {  	v0 =	vmul.f32 v6, v0;
	v10 =	vld [tilespmem:s5+$0x180]  }
0x8a2: {  	v6 =	vld [tilespmem:s9+$0x70]  }
0x8a3: {  	[tilespmem:s9+$0x3040] =	vst v0;
	v0 =	vld [tilespmem:s9+$0x2050]  }
0x8a4: {  	v1 =	vmul.f32 v4, v8;
	v9 =	vld.idx.msk [tilespmem:v7+s6+$0x0], $0xffff  }
.Ltmp6:
0x8a5: {  	v8 =	vld [tilespmem:s9+$0x60];
	(pc) =	sbr.rel @p0 .LBB2_13-.Ltmp6, $4  }
0x8a6: {  	[tilespmem:s8+$0x30E0] =	vst v1;
	v4 =	vld [tilespmem:s8+$0x20F0]  }
0x8a7: {  	v7 =	vld.idx.msk [tilespmem:v2+s6+$0x0], $0xffff  }
0x8a8: {  	v1 =	vld [tilespmem:s5+$0x2180]  }
0x8a9: {  	s11 =	sadd.s32 $0x800, s11;
	v2 =	vld.idx.msk [tilespmem:v10+s6+$0x0], $0xffff  }
0x8aa: {  	_ = 	snop  }
0x8ab: {  	v0 =	vmul.f32 v9, v0;
	_ =	sdelay $0x1  }
0x8ac: {  	[tilespmem:s9+$0x3050] =	vst v0  }
0x8ad: {  	v0 =	vld.idx.msk [tilespmem:v8+s6+$0x0], $0xffff;
	_ =	sdelay $0x4  }
0x8ae: {  	v0 =	vmul.f32 v0, v5;
	_ =	sdelay $0x1  }
0x8af: {  	[tilespmem:s9+$0x3060] =	vst v0  }
0x8b0: {  	v0 =	vld.idx.msk [tilespmem:v6+s6+$0x0], $0xffff;
	_ =	sdelay $0x4  }
0x8b1: {  	v0 =	vmul.f32 v0, v3;
	_ =	sdelay $0x1  }
0x8b2: {  	s10 =	sadd.s32 $0x3000, s9;
	s11 =	sadd.s32 $0x1000, s9;
	[tilespmem:s9+$0x3070] =	vst v0  }
0x8b3: {  	[spmem:s3] =	stream.indirect.scatter.add.f32 [tilespmem:s10], [sflag:$0x2], $0x1, s11, s7, $0xb8;
	[tilespmem:$0x5200] =	vst v63  }
0x8b4: {  	v58 =	vld [tilespmem:s9+$0x80];
	_ =	sdelay $0x5  }
0x8b5: {  	v59 =	vld [tilespmem:s9+$0x2080]  }
0x8b6: {  	v60 =	vld [tilespmem:s9+$0x90]  }
0x8b7: {  	v0 =	vld.idx.msk [tilespmem:v58+s6+$0x0], $0xffff;
	_ =	sdelay $0x4  }
0x8b8: {  	v0 =	vmul.f32 v0, v59  }
0x8b9: {  	v61 =	vld [tilespmem:s9+$0x2090]  }
0x8ba: {  	v62 =	vld [tilespmem:s9+$0xA0];
	[tilespmem:s9+$0x3080] =	vst v0  }
0x8bb: {  	v5 =	vld.idx.msk [tilespmem:v60+s6+$0x0], $0xffff;
	_ =	sdelay $0x4  }
0x8bc: {  	v3 =	vmul.f32 v5, v61  }
0x8bd: {  	v63 =	vld [tilespmem:s9+$0x20A0]  }
0x8be: {  	v8 =	vld [tilespmem:s9+$0xB0];
	[tilespmem:s9+$0x3090] =	vst v3  }
0x8bf: {  	v0 =	vld.idx.msk [tilespmem:v62+s6+$0x0], $0xffff;
	_ =	sdelay $0x4  }
0x8c0: {  	v0 =	vmul.f32 v0, v63  }
0x8c1: {  	v9 =	vld [tilespmem:s9+$0x20B0]  }
0x8c2: {  	v10 =	vld [tilespmem:s9+$0xC0];
	[tilespmem:s9+$0x30A0] =	vst v0  }
0x8c3: {  	v3 =	vld.idx.msk [tilespmem:v8+s6+$0x0], $0xffff;
	_ =	sdelay $0x4  }
0x8c4: {  	v0 =	vmul.f32 v3, v9  }
0x8c5: {  	v11 =	vld [tilespmem:s9+$0x20C0]  }
0x8c6: {  	v13 =	vld [tilespmem:s9+$0xD0];
	[tilespmem:s9+$0x30B0] =	vst v0  }
0x8c7: {  	v12 =	vld.idx.msk [tilespmem:v10+s6+$0x0], $0xffff;
	_ =	sdelay $0x4  }
0x8c8: {  	v0 =	vmul.f32 v12, v11  }
0x8c9: {  	v14 =	vld [tilespmem:s9+$0x20D0]  }
0x8ca: {  	v16 =	vld [tilespmem:s9+$0xE0];
	[tilespmem:s9+$0x30C0] =	vst v0  }
0x8cb: {  	v15 =	vld.idx.msk [tilespmem:v13+s6+$0x0], $0xffff;
	_ =	sdelay $0x4  }
0x8cc: {  	v0 =	vmul.f32 v15, v14  }
0x8cd: {  	v17 =	vld [tilespmem:s9+$0x20E0]  }
0x8ce: {  	v19 =	vld [tilespmem:s9+$0xF0];
	[tilespmem:s9+$0x30D0] =	vst v0  }
0x8cf: {  	v18 =	vld.idx.msk [tilespmem:v16+s6+$0x0], $0xffff;
	_ =	sdelay $0x4  }
0x8d0: {  	v0 =	vmul.f32 v18, v17;
	_ =	sdelay $0x1  }
0x8d1: {  	v20 =	vld [tilespmem:s9+$0x20F0];
	[tilespmem:s9+$0x30E0] =	vst v0  }
0x8d2: {  	v4 =	vmul.f32 v7, v4;
	v21 =	vld.idx.msk [tilespmem:v19+s6+$0x0], $0xffff;
	_ =	sdelay $0x1  }
0x8d3: {  	s16 =	sadd.s32 $0x3080, s8;
	s17 =	sadd.s32 $0x1080, s8;
	[tilespmem:s8+$0x30F0] =	vst v4  }
0x8d4: {  	[spmem:s3] =	stream.indirect.scatter.add.f32 [tilespmem:s16], [sflag:$0x2], $0x1, s17, s7, $0xb8;
	[tilespmem:$0x5200] =	vst v63  }
0x8d5: {  	v22 =	vld [tilespmem:s8+$0x100]  }
0x8d6: {  	v0 =	vmul.f32 v21, v20;
	_ =	sdelay $0x1  }
0x8d7: {  	s18 =	sadd.s32 $0x3080, s9;
	s19 =	sadd.s32 $0x1080, s9;
	[tilespmem:s9+$0x30F0] =	vst v0  }
0x8d8: {  	[spmem:s3] =	stream.indirect.scatter.add.f32 [tilespmem:s18], [sflag:$0x2], $0x1, s19, s7, $0xb8;
	[tilespmem:$0x5200] =	vst v63  }
0x8d9: {  	v23 =	vld [tilespmem:s9+$0x100]  }
0x8da: {  	v24 =	vld [tilespmem:s8+$0x2100]  }
0x8db: {  	v25 =	vld [tilespmem:s8+$0x110]  }
0x8dc: {  	v4 =	vld.idx.msk [tilespmem:v22+s6+$0x0], $0xffff;
	_ =	sdelay $0x2  }
0x8dd: {  	v26 =	vld [tilespmem:s9+$0x2100]  }
0x8de: {  	v27 =	vld [tilespmem:s9+$0x110]  }
0x8df: {  	v3 =	vmul.f32 v4, v24;
	v0 =	vld.idx.msk [tilespmem:v23+s6+$0x0], $0xffff  }
0x8e0: {  	v28 =	vld [tilespmem:s8+$0x2110]  }
0x8e1: {  	v29 =	vld [tilespmem:s8+$0x120];
	[tilespmem:s8+$0x3100] =	vst v3  }
0x8e2: {  	v5 =	vld.idx.msk [tilespmem:v25+s6+$0x0], $0xffff;
	_ =	sdelay $0x1  }
0x8e3: {  	v0 =	vmul.f32 v0, v26  }
0x8e4: {  	v30 =	vld [tilespmem:s9+$0x2110]  }
0x8e5: {  	v31 =	vld [tilespmem:s9+$0x120];
	[tilespmem:s9+$0x3100] =	vst v0  }
0x8e6: {  	v5 =	vmul.f32 v5, v28;
	v4 =	vld.idx.msk [tilespmem:v27+s6+$0x0], $0xffff  }
0x8e7: {  	v32 =	vld [tilespmem:s8+$0x2120]  }
0x8e8: {  	v33 =	vld [tilespmem:s8+$0x130];
	[tilespmem:s8+$0x3110] =	vst v5  }
0x8e9: {  	v3 =	vld.idx.msk [tilespmem:v29+s6+$0x0], $0xffff;
	_ =	sdelay $0x1  }
0x8ea: {  	v4 =	vmul.f32 v4, v30  }
0x8eb: {  	v34 =	vld [tilespmem:s9+$0x2120]  }
0x8ec: {  	v35 =	vld [tilespmem:s9+$0x130];
	[tilespmem:s9+$0x3110] =	vst v4  }
0x8ed: {  	v3 =	vmul.f32 v3, v32;
	v0 =	vld.idx.msk [tilespmem:v31+s6+$0x0], $0xffff  }
0x8ee: {  	v36 =	vld [tilespmem:s8+$0x2130]  }
0x8ef: {  	v37 =	vld [tilespmem:s8+$0x140];
	[tilespmem:s8+$0x3120] =	vst v3  }
0x8f0: {  	v5 =	vld.idx.msk [tilespmem:v33+s6+$0x0], $0xffff;
	_ =	sdelay $0x1  }
0x8f1: {  	v0 =	vmul.f32 v0, v34  }
0x8f2: {  	v38 =	vld [tilespmem:s9+$0x2130]  }
0x8f3: {  	v39 =	vld [tilespmem:s9+$0x140];
	[tilespmem:s9+$0x3120] =	vst v0  }
0x8f4: {  	v5 =	vmul.f32 v5, v36;
	v4 =	vld.idx.msk [tilespmem:v35+s6+$0x0], $0xffff  }
0x8f5: {  	v40 =	vld [tilespmem:s8+$0x2140]  }
0x8f6: {  	v41 =	vld [tilespmem:s8+$0x150];
	[tilespmem:s8+$0x3130] =	vst v5  }
0x8f7: {  	v3 =	vld.idx.msk [tilespmem:v37+s6+$0x0], $0xffff;
	_ =	sdelay $0x1  }
0x8f8: {  	v4 =	vmul.f32 v4, v38  }
0x8f9: {  	v42 =	vld [tilespmem:s9+$0x2140]  }
0x8fa: {  	v43 =	vld [tilespmem:s9+$0x150];
	[tilespmem:s9+$0x3130] =	vst v4  }
0x8fb: {  	v3 =	vmul.f32 v3, v40;
	v0 =	vld.idx.msk [tilespmem:v39+s6+$0x0], $0xffff  }
0x8fc: {  	v44 =	vld [tilespmem:s8+$0x2150]  }
0x8fd: {  	v45 =	vld [tilespmem:s8+$0x160];
	[tilespmem:s8+$0x3140] =	vst v3  }
0x8fe: {  	v5 =	vld.idx.msk [tilespmem:v41+s6+$0x0], $0xffff;
	_ =	sdelay $0x1  }
0x8ff: {  	v0 =	vmul.f32 v0, v42  }
0x900: {  	v46 =	vld [tilespmem:s9+$0x2150]  }
0x901: {  	v47 =	vld [tilespmem:s9+$0x160];
	[tilespmem:s9+$0x3140] =	vst v0  }
0x902: {  	v3 =	vmul.f32 v5, v44;
	v4 =	vld.idx.msk [tilespmem:v43+s6+$0x0], $0xffff  }
0x903: {  	v48 =	vld [tilespmem:s8+$0x2160]  }
0x904: {  	v50 =	vld [tilespmem:s8+$0x170];
	[tilespmem:s8+$0x3150] =	vst v3  }
0x905: {  	v49 =	vld.idx.msk [tilespmem:v45+s6+$0x0], $0xffff;
	_ =	sdelay $0x1  }
0x906: {  	v0 =	vmul.f32 v4, v46  }
0x907: {  	v51 =	vld [tilespmem:s9+$0x2160]  }
0x908: {  	v53 =	vld [tilespmem:s9+$0x170];
	[tilespmem:s9+$0x3150] =	vst v0  }
0x909: {  	v3 =	vmul.f32 v49, v48;
	v52 =	vld.idx.msk [tilespmem:v47+s6+$0x0], $0xffff;
	_ =	sdelay $0x1  }
0x90a: {  	v54 =	vld [tilespmem:s8+$0x2170];
	[tilespmem:s8+$0x3160] =	vst v3  }
0x90b: {  	v3 =	vld.idx.msk [tilespmem:v50+s6+$0x0], $0xffff;
	_ =	sdelay $0x1  }
0x90c: {  	v0 =	vmul.f32 v52, v51;
	_ =	sdelay $0x1  }
0x90d: {  	v55 =	vld [tilespmem:s9+$0x2170];
	[tilespmem:s9+$0x3160] =	vst v0  }
0x90e: {  	v3 =	vmul.f32 v3, v54;
	v0 =	vld.idx.msk [tilespmem:v53+s6+$0x0], $0xffff;
	_ =	sdelay $0x1  }
0x90f: {  	s20 =	sadd.s32 $0x3100, s8;
	s21 =	sadd.s32 $0x1100, s8;
	[tilespmem:s8+$0x3170] =	vst v3  }
0x910: {  	v58 =	vld [tilespmem:s5+$0x190];
	[spmem:s3] =	stream.indirect.scatter.add.f32 [tilespmem:s20], [sflag:$0x2], $0x1, s21, s7, $0xb8  }
0x911: {  	v56 =	vld [tilespmem:s8+$0x180]  }
0x912: {  	v63 =	vld [tilespmem:s5+$0x2190];
	v0 =	vmul.f32 v0, v55  }
0x913: {  	v9 =	vld [tilespmem:s5+$0x1A0]  }
0x914: {  	s22 =	sadd.s32 $0x3100, s9;
	s23 =	sadd.s32 $0x1100, s9;
	v25 =	vld [tilespmem:s5+$0x21B0];
	[tilespmem:s9+$0x3170] =	vst v0  }
0x915: {  	v16 =	vld [tilespmem:s5+$0x21A0];
	[spmem:s3] =	stream.indirect.scatter.add.f32 [tilespmem:s22], [sflag:$0x2], $0x1, s23, s7, $0xb8  }
0x916: {  	v57 =	vld [tilespmem:s9+$0x180]  }
0x917: {  	v59 =	vld [tilespmem:s8+$0x2180]  }
0x918: {  	v60 =	vld [tilespmem:s8+$0x190]  }
0x919: {  	v3 =	vld.idx.msk [tilespmem:v56+s6+$0x0], $0xffff  }
0x91a: {  	v18 =	vld [tilespmem:s5+$0x1B0]  }
0x91b: {  	v36 =	vld [tilespmem:s5+$0x1D0]  }
0x91c: {  	v61 =	vld [tilespmem:s9+$0x2180]  }
0x91d: {  	v62 =	vld [tilespmem:s9+$0x190]  }
0x91e: {  	v3 =	vmul.f32 v3, v59;
	v0 =	vld.idx.msk [tilespmem:v57+s6+$0x0], $0xffff  }
0x91f: {  	v1 =	vmul.f32 v2, v1;
	v10 =	vld [tilespmem:s8+$0x2190]  }
0x920: {  	v12 =	vld [tilespmem:s8+$0x1A0];
	[tilespmem:s8+$0x3180] =	vst v3  }
0x921: {  	[tilespmem:s5+$0x3180] =	vst v1;
	v11 =	vld.idx.msk [tilespmem:v60+s6+$0x0], $0xffff  }
0x922: {  	v4 =	vld.idx.msk [tilespmem:v58+s6+$0x0], $0xffff  }
0x923: {  	v45 =	vld [tilespmem:s5+$0x1E0];
	v0 =	vmul.f32 v0, v61  }
0x924: {  	v14 =	vld [tilespmem:s9+$0x2190]  }
0x925: {  	v15 =	vld [tilespmem:s9+$0x1A0];
	[tilespmem:s9+$0x3180] =	vst v0  }
0x926: {  	v2 =	vmul.f32 v11, v10;
	v1 =	vld.idx.msk [tilespmem:v62+s6+$0x0], $0xffff  }
0x927: {  	v19 =	vld [tilespmem:s8+$0x21A0];
	v13 =	vmul.f32 v4, v63  }
0x928: {  	v21 =	vld [tilespmem:s8+$0x1B0];
	[tilespmem:s8+$0x3190] =	vst v2  }
0x929: {  	v20 =	vld.idx.msk [tilespmem:v12+s6+$0x0], $0xffff;
	[tilespmem:s5+$0x3190] =	vst v13  }
0x92a: {  	v17 =	vld.idx.msk [tilespmem:v9+s6+$0x0], $0xffff  }
0x92b: {  	v27 =	vld [tilespmem:s5+$0x1C0];
	v1 =	vmul.f32 v1, v14  }
0x92c: {  	v23 =	vld [tilespmem:s9+$0x21A0]  }
0x92d: {  	v24 =	vld [tilespmem:s9+$0x1B0];
	[tilespmem:s9+$0x3190] =	vst v1  }
0x92e: {  	v2 =	vmul.f32 v20, v19;
	v0 =	vld.idx.msk [tilespmem:v15+s6+$0x0], $0xffff  }
0x92f: {  	v28 =	vld [tilespmem:s8+$0x21B0];
	v22 =	vmul.f32 v17, v16  }
0x930: {  	v30 =	vld [tilespmem:s8+$0x1C0];
	[tilespmem:s8+$0x31A0] =	vst v2  }
0x931: {  	v29 =	vld.idx.msk [tilespmem:v21+s6+$0x0], $0xffff;
	[tilespmem:s5+$0x31A0] =	vst v22  }
0x932: {  	v26 =	vld.idx.msk [tilespmem:v18+s6+$0x0], $0xffff  }
0x933: {  	v37 =	vld [tilespmem:s8+$0x21C0];
	v0 =	vmul.f32 v0, v23  }
0x934: {  	v32 =	vld [tilespmem:s9+$0x21B0]  }
0x935: {  	v33 =	vld [tilespmem:s9+$0x1C0];
	[tilespmem:s9+$0x31A0] =	vst v0  }
0x936: {  	v2 =	vmul.f32 v29, v28;
	v1 =	vld.idx.msk [tilespmem:v24+s6+$0x0], $0xffff  }
0x937: {  	v34 =	vld [tilespmem:s5+$0x21C0];
	v31 =	vmul.f32 v26, v25  }
0x938: {  	v39 =	vld [tilespmem:s8+$0x1D0];
	[tilespmem:s8+$0x31B0] =	vst v2  }
0x939: {  	v38 =	vld.idx.msk [tilespmem:v30+s6+$0x0], $0xffff;
	[tilespmem:s5+$0x31B0] =	vst v31  }
0x93a: {  	v35 =	vld.idx.msk [tilespmem:v27+s6+$0x0], $0xffff  }
0x93b: {  	v48 =	vld [tilespmem:s8+$0x1E0];
	v1 =	vmul.f32 v1, v32  }
0x93c: {  	v41 =	vld [tilespmem:s9+$0x21C0]  }
0x93d: {  	v42 =	vld [tilespmem:s9+$0x1D0];
	[tilespmem:s9+$0x31B0] =	vst v1  }
0x93e: {  	v2 =	vmul.f32 v38, v37;
	v0 =	vld.idx.msk [tilespmem:v33+s6+$0x0], $0xffff  }
0x93f: {  	v43 =	vld [tilespmem:s5+$0x21D0];
	v40 =	vmul.f32 v35, v34  }
0x940: {  	v46 =	vld [tilespmem:s8+$0x21D0];
	[tilespmem:s8+$0x31C0] =	vst v2  }
0x941: {  	v47 =	vld.idx.msk [tilespmem:v39+s6+$0x0], $0xffff;
	[tilespmem:s5+$0x31C0] =	vst v40  }
0x942: {  	v44 =	vld.idx.msk [tilespmem:v36+s6+$0x0], $0xffff  }
0x943: {  	v54 =	vld [tilespmem:s5+$0x1F0];
	v0 =	vmul.f32 v0, v41  }
0x944: {  	v50 =	vld [tilespmem:s9+$0x21D0]  }
0x945: {  	v51 =	vld [tilespmem:s9+$0x1E0];
	[tilespmem:s9+$0x31C0] =	vst v0  }
0x946: {  	v2 =	vmul.f32 v47, v46;
	v1 =	vld.idx.msk [tilespmem:v42+s6+$0x0], $0xffff  }
0x947: {  	v52 =	vld [tilespmem:s5+$0x21E0];
	v49 =	vmul.f32 v44, v43  }
0x948: {  	v55 =	vld [tilespmem:s8+$0x21E0];
	[tilespmem:s8+$0x31D0] =	vst v2  }
0x949: {  	v56 =	vld.idx.msk [tilespmem:v48+s6+$0x0], $0xffff;
	[tilespmem:s5+$0x31D0] =	vst v49  }
0x94a: {  	v53 =	vld.idx.msk [tilespmem:v45+s6+$0x0], $0xffff  }
0x94b: {  	v57 =	vld [tilespmem:s8+$0x1F0];
	v1 =	vmul.f32 v1, v50  }
0x94c: {  	v58 =	vld [tilespmem:s9+$0x21E0]  }
0x94d: {  	v59 =	vld [tilespmem:s9+$0x1F0];
	[tilespmem:s9+$0x31D0] =	vst v1  }
0x94e: {  	v0 =	vld.idx.msk [tilespmem:v51+s6+$0x0], $0xffff  }
0x94f: {  	v3 =	vmul.f32 v53, v52  }
0x950: {  	v2 =	vmul.f32 v56, v55  }
0x951: {  	v60 =	vld [tilespmem:s5+$0x21F0];
	[tilespmem:s5+$0x31E0] =	vst v3  }
0x952: {  	[tilespmem:s8+$0x31E0] =	vst v2;
	v3 =	vld.idx.msk [tilespmem:v54+s6+$0x0], $0xffff  }
0x953: {  	v61 =	vld.idx.msk [tilespmem:v57+s6+$0x0], $0xffff;
	v0 =	vmul.f32 v0, v58  }
0x954: {  	v62 =	vld [tilespmem:s8+$0x21F0]  }
0x955: {  	v63 =	vld [tilespmem:s9+$0x21F0];
	[tilespmem:s9+$0x31E0] =	vst v0  }
0x956: {  	v0 =	vld.idx.msk [tilespmem:v59+s6+$0x0], $0xffff  }
0x957: {  	v3 =	vmul.f32 v3, v60;
	_ =	sdelay $0x1  }
0x958: {  	s24 =	sadd.s32 $0x3180, s5;
	s25 =	sadd.s32 $0x1180, s5;
	[tilespmem:s5+$0x31F0] =	vst v3;
	v1 =	vmul.f32 v61, v62  }
0x959: {  	[spmem:s3] =	stream.indirect.scatter.add.f32 [tilespmem:s24], [sflag:$0x2], $0x1, s25, s7, $0xb8;
	[tilespmem:$0x5200] =	vst v63  }
0x95a: {  	s26 =	sadd.s32 $0x3180, s8;
	s28 =	sadd.s32 $0x1180, s8;
	[tilespmem:s8+$0x31F0] =	vst v1;
	v0 =	vmul.f32 v0, v63  }
0x95b: {  	[spmem:s3] =	stream.indirect.scatter.add.f32 [tilespmem:s26], [sflag:$0x2], $0x1, s28, s7, $0xb8;
	[tilespmem:$0x5200] =	vst v63  }
0x95c: {  	s29 =	sadd.s32 $0x3180, s9;
	s30 =	sadd.s32 $0x1180, s9;
	s31 =	simm.s32 $0x2;
	[tilespmem:s9+$0x31F0] =	vst v0  }
0x95d: {  	[spmem:s3] =	stream.indirect.scatter.add.f32 [tilespmem:s29], [sflag:$0x2], $0x1, s30, s7, $0xb8;
	[tilespmem:$0x5200] =	vst v63  }
0x95e: {  	_ =	swait.ge [sflag:s31], $0x80  }
0x95f: {  	[sflag:s31] =	ssyncset.done $0x0  }
0x960: {  	[sflag:s31] =	ssyncadd.s32 $0xFFFFFF80  }
0x961: {  	_ =	swait.ge [sflag:s31], $0x80  }
0x962: {  	[sflag:s31] =	ssyncset.done $0x0  }
0x963: {  	[sflag:s31] =	ssyncadd.s32 $0xFFFFFF80  }
0x964: {  	_ =	swait.ge [sflag:s31], $0x80  }
0x965: {  	[sflag:s31] =	ssyncset.done $0x0  }
0x966: {  	[sflag:s31] =	ssyncadd.s32 $0xFFFFFF80  }
0x967: {  	_ =	swait.ge [sflag:s31], $0x80  }
0x968: {  	[sflag:s31] =	ssyncset.done $0x0  }
0x969: {  	[sflag:s31] =	ssyncadd.s32 $0xFFFFFF80  }
0x96a: {  	_ =	swait.ge [sflag:s31], $0x80  }
0x96b: {  	[sflag:s31] =	ssyncset.done $0x0  }
0x96c: {  	[sflag:s31] =	ssyncadd.s32 $0xFFFFFF80  }
0x96d: {  	_ =	swait.ge [sflag:s31], $0x80  }
0x96e: {  	[sflag:s31] =	ssyncset.done $0x0  }
0x96f: {  	[sflag:s31] =	ssyncadd.s32 $0xFFFFFF80  }
0x970: {  	_ =	swait.ge [sflag:s31], $0x80  }
0x971: {  	[sflag:s31] =	ssyncset.done $0x0  }
0x972: {  	[sflag:s31] =	ssyncadd.s32 $0xFFFFFF80  }
0x973: {  	_ =	swait.ge [sflag:s31], $0x80  }
0x974: {  	[sflag:s31] =	ssyncset.done $0x0  }
0x975: {  	[sflag:s31] =	ssyncadd.s32 $0xFFFFFF80  }
0x976: {  	_ =	swait.ge [sflag:s31], $0x80  }
0x977: {  	[sflag:s31] =	ssyncset.done $0x0  }
0x978: {  	[sflag:s31] =	ssyncadd.s32 $0xFFFFFF80  }
0x979: {  	_ =	swait.ge [sflag:s31], $0x80  }
0x97a: {  	[sflag:s31] =	ssyncset.done $0x0  }
0x97b: {  	[sflag:s31] =	ssyncadd.s32 $0xFFFFFF80  }
0x97c: {  	_ =	swait.ge [sflag:s31], $0x80  }
0x97d: {  	[sflag:s31] =	ssyncset.done $0x0  }
0x97e: {  	[sflag:s31] =	ssyncadd.s32 $0xFFFFFF80  }
0x97f: {  	_ =	swait.ge [sflag:s31], $0x80  }
0x980: {  	[sflag:s31] =	ssyncset.done $0x0  }
0x981: {  	[sflag:s31] =	ssyncadd.s32 $0xFFFFFF80  }
0x982: {  	_ =	swait.ge [sflag:s31], $0x80  }
0x983: {  	[sflag:s31] =	ssyncset.done $0x0  }
0x984: {  	[sflag:s31] =	ssyncadd.s32 $0xFFFFFF80  }
0x985: {  	_ =	swait.ge [sflag:s31], $0x80  }
0x986: {  	[sflag:s31] =	ssyncset.done $0x0  }
0x987: {  	[sflag:s31] =	ssyncadd.s32 $0xFFFFFF80  }
0x988: {  	_ =	swait.ge [sflag:s31], $0x80  }
0x989: {  	[sflag:s31] =	ssyncset.done $0x0  }
0x98a: {  	[sflag:s31] =	ssyncadd.s32 $0xFFFFFF80  }
0x98b: {  	_ =	swait.ge [sflag:s31], $0x80  }
0x98c: {  	[sflag:s31] =	ssyncset.done $0x0  }
0x98d: {  	[sflag:s31] =	ssyncadd.s32 $0xFFFFFF80  }
0x98e: {  	_ =	swait.ge [sflag:s31], $0x80  }
0x98f: {  	[sflag:s31] =	ssyncset.done $0x0  }
0x990: {  	[sflag:s31] =	ssyncadd.s32 $0xFFFFFF80  }
0x991: {  	_ =	swait.ge [sflag:s31], $0x80  }
0x992: {  	[sflag:s31] =	ssyncset.done $0x0  }
0x993: {  	[sflag:s31] =	ssyncadd.s32 $0xFFFFFF80  }
0x994: {  	_ =	swait.ge [sflag:s31], $0x80  }
0x995: {  	[sflag:s31] =	ssyncset.done $0x0  }
0x996: {  	[sflag:s31] =	ssyncadd.s32 $0xFFFFFF80  }
0x997: {  	_ =	swait.ge [sflag:s31], $0x80  }
0x998: {  	[sflag:s31] =	ssyncset.done $0x0  }
0x999: {  	[sflag:s31] =	ssyncadd.s32 $0xFFFFFF80  }
0x99a: {  	_ =	swait.ge [sflag:s31], $0x80  }
0x99b: {  	[sflag:s31] =	ssyncset.done $0x0  }
0x99c: {  	[sflag:s31] =	ssyncadd.s32 $0xFFFFFF80  }
0x99d: {  	_ =	swait.ge [sflag:s31], $0x80  }
0x99e: {  	[sflag:s31] =	ssyncset.done $0x0  }
0x99f: {  	[sflag:s31] =	ssyncadd.s32 $0xFFFFFF80  }
0x9a0: {  	_ =	swait.ge [sflag:s31], $0x80  }
0x9a1: {  	[sflag:s31] =	ssyncset.done $0x0  }
0x9a2: {  	[sflag:s31] =	ssyncadd.s32 $0xFFFFFF80  }
0x9a3: {  	_ =	swait.ge [sflag:s31], $0x80  }
0x9a4: {  	[sflag:s31] =	ssyncset.done $0x0  }
0x9a5: {  	[sflag:s31] =	ssyncadd.s32 $0xFFFFFF80  }
0x9a6: {  	_ =	swait.ge [sflag:s31], $0x80  }
0x9a7: {  	[sflag:s31] =	ssyncset.done $0x0  }
0x9a8: {  	[sflag:s31] =	ssyncadd.s32 $0xFFFFFF80  }
0x9a9: {  	_ =	swait.ge [sflag:s31], $0x80  }
0x9aa: {  	[sflag:s31] =	ssyncset.done $0x0  }
0x9ab: {  	[sflag:s31] =	ssyncadd.s32 $0xFFFFFF80  }
0x9ac: {  	_ =	swait.ge [sflag:s31], $0x80  }
0x9ad: {  	[sflag:s31] =	ssyncset.done $0x0  }
0x9ae: {  	[sflag:s31] =	ssyncadd.s32 $0xFFFFFF80  }
0x9af: {  	_ =	swait.ge [sflag:s31], $0x80  }
0x9b0: {  	[sflag:s31] =	ssyncset.done $0x0  }
0x9b1: {  	[sflag:s31] =	ssyncadd.s32 $0xFFFFFF80  }
0x9b2: {  	_ =	swait.ge [sflag:s31], $0x80  }
0x9b3: {  	[sflag:s31] =	ssyncset.done $0x0  }
0x9b4: {  	[sflag:s31] =	ssyncadd.s32 $0xFFFFFF80  }
0x9b5: {  	_ =	swait.ge [sflag:s31], $0x80  }
0x9b6: {  	[sflag:s31] =	ssyncset.done $0x0  }
0x9b7: {  	[sflag:s31] =	ssyncadd.s32 $0xFFFFFF80  }
0x9b8: {  	_ =	swait.ge [sflag:s31], $0x80  }
0x9b9: {  	[sflag:s31] =	ssyncset.done $0x0  }
0x9ba: {  	[sflag:s31] =	ssyncadd.s32 $0xFFFFFF80  }
0x9bb: {  	_ =	swait.ge [sflag:s31], $0x80  }
0x9bc: {  	[sflag:s31] =	ssyncset.done $0x0  }
0x9bd: {  	[sflag:s31] =	ssyncadd.s32 $0xFFFFFF80  }
0x9be: {  	p0 =	sne.s32 s4, $0x0;
	[bflag:$0x0] =	sbarrier.arrive $0xFFFF  }
0x9bf: {  	_ =	sfence.sel @p0 $0x180000  }
0x9c0: {  	[bflag:$0x0] =	sbarrier.arrive @p0 $0xFFFF  }
0x9c1: {  	_ =	strace @p0 $0x90000047  }
0x9c2: {  	[bflag:$0x2] =	sbarrier.arrive @p0 $0xFFFF  }
0x9c3: {  	_ =	shalt @p0  }
.LBB2_15:
0x9c4: {  	s4 =	simm.s32 $0x4800;
	s31 =	simm.s32 $0x3  }
0x9c5: {  	[tilespmem:s4], [sflag:$0x3] =	stream.linear.gather [spmem:s3], $0x400, $0x38;
	[tilespmem:$0x5200] =	vst v63  }
0x9c6: {  	_ =	swait.ge [sflag:s31], $0x400  }
0x9c7: {  	[sflag:s31] =	ssyncset.done $0x0  }
0x9c8: {  	s5 =	simm.s32 $0x4420;
	[sflag:s31] =	ssyncadd.s32 $0xFFFFFC00  }
0x9c9: {  	v0 =	vld [tilespmem:s5+$0x10]  }
0x9ca: {  	s3 =	simm.s32 $0x4020;
	v3 =	vld [tilespmem:s5+$0xFFFFFFF0]  }
0x9cb: {  	v1 =	vld [tilespmem:s3+$0x10]  }
0x9cc: {  	s4 =	simm.s32 $0x4820;
	v5 =	vld [tilespmem:s5+$0x0]  }
0x9cd: {  	v6 =	vld [tilespmem:s4+$0x10]  }
0x9ce: {  	v8 =	vld [tilespmem:s5+$0xFFFFFFE0];
	v4 =	vmul.f32 v0, v0  }
0x9cf: {  	v2 =	vld [tilespmem:s3+$0xFFFFFFF0]  }
0x9d0: {  	v0 =	vld [tilespmem:s3+$0xFFFFFFE0];
	v7 =	vmul.f32 v1, v4  }
0x9d1: {  	v4 =	vld [tilespmem:s3+$0x0]  }
0x9d2: {  	v1 =	vld [tilespmem:s4+$0xFFFFFFE0];
	v9 =	vadd.f32 v7, v6  }
0x9d3: {  	v3 =	vmul.f32 v3, v3;
	v8 =	vmul.f32 v8, v8;
	v6 =	vld [tilespmem:s4+$0xFFFFFFF0]  }
0x9d4: {  	s6 =	simm.s32 $0x0;
	s7 =	simm.s32 $0x4460;
	s5 =	simm.s32 $0x4020;
	v7 =	vmul.f32 v5, v5;
	v5 =	vld [tilespmem:s4+$0x0];
	[tilespmem:s3+$0x10] =	vst v9  }
.LBB2_16:
0x9d5: {  	v9 =	vld [tilespmem:s7+$0x10];
	s6 =	sadd.s32 $0x4, s6;
	v0 =	vmul.f32 v0, v8;
	v2 =	vmul.f32 v2, v3  }
0x9d6: {  	s3 =	sadd.s32 $0x40, s3;
	v3 =	vld [tilespmem:s7+$0xFFFFFFF0];
	p0 =	slt.u32 s6, $0x3C;
	v4 =	vmul.f32 v4, v7  }
0x9d7: {  	v7 =	vld [tilespmem:s3+$0x10];
	v0 =	vadd.f32 v0, v1  }
0x9d8: {  	s4 =	sadd.s32 $0x40, s4;
	v1 =	vld [tilespmem:s7+$0x0];
	v2 =	vadd.f32 v2, v6  }
0x9d9: {  	v6 =	vld [tilespmem:s4+$0x10];
	[tilespmem:s5+$0xFFFFFFE0] =	vst v0;
	v4 =	vadd.f32 v4, v5  }
0x9da: {  	v5 =	vld [tilespmem:s7+$0xFFFFFFE0];
	v8 =	vmul.f32 v9, v9;
	[tilespmem:s5+$0xFFFFFFF0] =	vst v2  }
0x9db: {  	v0 =	vld [tilespmem:s3+$0xFFFFFFE0];
	v3 =	vmul.f32 v3, v3;
	[tilespmem:s5+$0x0] =	vst v4;
	s5 =	smov.u32 s3  }
.Ltmp7:
0x9dc: {  	v2 =	vld [tilespmem:s3+$0xFFFFFFF0];
	v8 =	vmul.f32 v7, v8;
	(pc) =	sbr.rel @p0 .LBB2_16-.Ltmp7, $4  }
0x9dd: {  	v7 =	vmul.f32 v1, v1;
	v4 =	vld [tilespmem:s3+$0x0]  }
0x9de: {  	v1 =	vld [tilespmem:s4+$0xFFFFFFE0];
	v9 =	vadd.f32 v8, v6  }
0x9df: {  	v8 =	vmul.f32 v5, v5;
	v6 =	vld [tilespmem:s4+$0xFFFFFFF0]  }
0x9e0: {  	s7 =	sadd.s32 $0x40, s7;
	v5 =	vld [tilespmem:s4+$0x0];
	[tilespmem:s3+$0x10] =	vst v9  }
0x9e1: {  	v0 =	vmul.f32 v0, v8  }
0x9e2: {  	v2 =	vmul.f32 v2, v3  }
0x9e3: {  	v3 =	vmul.f32 v4, v7;
	v0 =	vadd.f32 v0, v1  }
0x9e4: {  	v1 =	vadd.f32 v2, v6  }
0x9e5: {  	[tilespmem:s5+$0xFFFFFFE0] =	vst v0;
	v0 =	vadd.f32 v3, v5  }
0x9e6: {  	[tilespmem:s5+$0xFFFFFFF0] =	vst v1  }
0x9e7: {  	s3 =	simm.s32 $0x0;
	s4 =	simm.s32 $0x4C00;
	s30 =	simm.s32 $0x3;
	[tilespmem:s5+$0x0] =	vst v0  }
0x9e8: {  	[tilespmem:s4], [sflag:$0x3] =	stream.linear.gather [hbm4b:s2+s3], $0x400, $0x38;
	[tilespmem:$0x5200] =	vst v63  }
0x9e9: {  	_ =	swait.ge [sflag:s30], $0x400  }
0x9ea: {  	[sflag:s30] =	ssyncset.done $0x0  }
0x9eb: {  	s31 =	simm.s32 $0x4020;
	[sflag:s30] =	ssyncadd.s32 $0xFFFFFC00  }
0x9ec: {  	v2 =	vld [tilespmem:s31+$0xFFFFFFE0]  }
0x9ed: {  	v3 =	vld [tilespmem:s31+$0xFFFFFFF0]  }
0x9ee: {  	v4 =	vld [tilespmem:s31+$0x0];
	_ =	sdelay $0x1  }
0x9ef: {  	v5 =	vimm.f32 $-1.000000020e+30;
	s2 =	simm.s32 $0x4060;
	v1 =	vld [tilespmem:s31+$0x10]  }
0x9f0: {  	v0 =	vld [tilespmem:s2+$0x0];
	v5 =	vmax.f32 v5, v2  }
0x9f1: {  	v2 =	vld [tilespmem:s2+$0xFFFFFFE0];
	v5 =	vmax.f32 v5, v3  }
0x9f2: {  	s3 =	simm.s32 $0x4;
	s4 =	simm.s32 $0x40A0;
	v3 =	vld [tilespmem:s2+$0xFFFFFFF0];
	v4 =	vmax.f32 v5, v4  }
.LBB2_18:
0x9f3: {  	s3 =	sadd.s32 $0x4, s3  }
0x9f4: {  	v5 =	vld [tilespmem:s4+$0x0];
	v4 =	vmax.f32 v4, v1;
	p0 =	slt.u32 s3, $0x3C  }
.Ltmp8:
0x9f5: {  	v1 =	vld [tilespmem:s2+$0x10];
	s2 =	smov.u32 s4;
	(pc) =	sbr.rel @p0 .LBB2_18-.Ltmp8, $4  }
0x9f6: {  	_ = 	snop  }
0x9f7: {  	v4 =	vmax.f32 v4, v2  }
0x9f8: {  	v2 =	vld [tilespmem:s4+$0xFFFFFFE0];
	v4 =	vmax.f32 v4, v3  }
0x9f9: {  	s4 =	sadd.s32 $0x40, s4;
	v3 =	vld [tilespmem:s2+$0xFFFFFFF0];
	v4 =	vmax.f32 v4, v0;
	v0 =	vmov v5  }
0x9fa: {  	_ = 	snop  }
0x9fb: {  	v5 =	vld [tilespmem:s2+$0x10]  }
0x9fc: {  	v1 =	vmax.f32 v4, v1  }
0x9fd: {  	v1 =	vmax.f32 v1, v2  }
0x9fe: {  	v1 =	vmax.f32 v1, v3  }
0x9ff: {  	v0 =	vmax.f32 v1, v0  }
0xa00: {  	v0 =	vmax.f32 v0, v5  }
0xa01: {  	(xrf0) =	vmax.scan.msk.f32 $0xffff, v0;
	_ =	sdelay $0x2  }
0xa02: {  	s5 =	simm.s32 $0x0  }
0xa03: {  	v0 =	vld [tilespmem:s5+$0x4000];
	_ =	sdelay $0x1  }
0xa04: {  	s2 =	simm.s32 $0x10;
	v1, _, _ =	vpop (xrf0)  }
0xa05: {  	v2 =	vld [tilespmem:s2+$0x4000];
	v1 =	vbroadcast v1, $0xF;
	_ =	sdelay $0x1  }
0xa06: {  	v0 =	vsub.f32 v0, v1;
	_ =	sdelay $0x1  }
0xa07: {  	v0 =	vmul.f32 $1.442695020e+00, v0  }
0xa08: {  	v2 =	vsub.f32 v2, v1  }
0xa09: {  	(erf) = vpow2.f32 v0  }
0xa0a: {  	v2 =	vmul.f32 $1.442695020e+00, v2  }
0xa0b: {  	s3 =	simm.s32 $0x20  }
0xa0c: {  	v4 =	vld [tilespmem:s3+$0x4000];
	(erf) = vpow2.f32 v2;
	_ =	sdelay $0x1  }
0xa0d: {  	v3 =	vld [tilespmem:s5+$0x4C00]  }
0xa0e: {  	s4 =	simm.s32 $0xC0;
	v0 =	vimm.f32 $0.0e+00;
	v2 =	vimm.f32 $0.0e+00  }
.LBB2_20:
0xa0f: {  	p0 =	sne.s32 s4, $0xFC0  }
.Ltmp9:
0xa10: {  	s5 =	sshra.s32 s4, $0x2;
	s4 =	sadd.s32 $0x40, s4;
	v5 =	vsub.f32 v4, v1;
	(pc) =	sbr.rel @p0 .LBB2_20-.Ltmp9, $4  }
0xa11: {  	v4 =	vld [tilespmem:s5+$0x4000];
	v6 =	vpop (erf)  }
0xa12: {  	v5 =	vmul.f32 $1.442695020e+00, v5;
	v0 =	vadd.f32 v6, v0;
	v6 =	vmul.f32 v6, v3  }
0xa13: {  	v3 =	vld [tilespmem:s2+$0x4C00];
	s2 =	smov.u32 s3;
	s3 =	smov.u32 s5  }
0xa14: {  	(erf) = vpow2.f32 v5;
	v2 =	vadd.f32 v6, v2  }
0xa15: {  	_ = 	snop  }
0xa16: {  	v1 =	vsub.f32 v4, v1;
	_ =	sdelay $0x1  }
0xa17: {  	v1 =	vmul.f32 $1.442695020e+00, v1;
	_ =	sdelay $0x1  }
0xa18: {  	(erf) = vpow2.f32 v1;
	_ =	sdelay $0x2  }
0xa19: {  	v58 =	vld [tilespmem:s2+$0x4C00];
	_ =	sdelay $0x1  }
0xa1a: {  	v59 =	vpop (erf);
	v5 =	vld [tilespmem:s3+$0x4C00]  }
0xa1b: {  	v3 =	vmul.f32 v59, v3  }
0xa1c: {  	v6 =	vpop (erf)  }
0xa1d: {  	v2 =	vadd.f32 v3, v2;
	v1 =	vmul.f32 v6, v58  }
0xa1e: {  	v0 =	vadd.f32 v59, v0;
	v60 =	vpop (erf)  }
0xa1f: {  	v1 =	vadd.f32 v1, v2;
	v61 =	vmul.f32 v60, v5  }
0xa20: {  	v0 =	vadd.f32 v6, v0  }
0xa21: {  	v1 =	vadd.f32 v61, v1  }
0xa22: {  	v0 =	vadd.f32 v60, v0  }
0xa23: {  	(xrf2) =	vadd.scan.msk.f32 $0xffff, v1  }
0xa24: {  	(xrf2) =	vadd.scan.msk.f32 $0xffff, v0;
	_ =	sdelay $0x8  }
0xa25: {  	v62, _, _ =	vpop (xrf2)  }
0xa26: {  	v63, _, _ =	vpop (xrf2)  }
0xa27: {  	v1 =	vadd.f32 $0.0e+00, v63;
	_ =	sdelay $0x1  }
0xa28: {  	v1 =	vbroadcast v1, $0xF;
	_ =	sdelay $0x1  }
0xa29: {  	(erf) = vrcp.f32 v1;
	_ =	sdelay $0x5  }
0xa2a: {  	v0 =	vadd.f32 $0.0e+00, v62;
	_ =	sdelay $0x1  }
0xa2b: {  	v0 =	vbroadcast v0, $0xF  }
0xa2c: {  	v1 =	vpop (erf)  }
0xa2d: {  	v0 =	vmul.f32 v1, v0;
	_ =	sdelay $0x1  }
0xa2e: {  	s29 =	simm.s32 $0x0;
	s30 =	simm.s32 $0x5100;
	s31 =	simm.s32 $0x3;
	[tilespmem:$0x5100] =	vst v0  }
0xa2f: {  	[hbm4b:s1+s29] =	stream.linear.scatter [tilespmem:s30], [sflag:$0x3], $0x80, $0x38;
	[tilespmem:$0x5200] =	vst v63  }
0xa30: {  	_ =	swait.ge [sflag:s31], $0x80  }
0xa31: {  	[sflag:s31] =	ssyncset.done $0x0  }
0xa32: {  	[sflag:s31] =	ssyncadd.s32 $0xFFFFFF80  }
0xa33: {  	_ =	sfence.sel $0x180000  }
0xa34: {  	[bflag:$0x0] =	sbarrier.arrive $0xFFFF  }
0xa35: {  	_ =	strace $0x90000047  }
0xa36: {  	s0 =	sadd.s32 $0x100000, s0;
	[bflag:$0x2] =	sbarrier.arrive $0xFFFF  }
0xa37: {  	[sflag:s0] =	ssyncadd.tile.s32 $0x1;
	_ =	shalt  }
.Lfunc_end2:
_tile_overlayer_lowered:
.L_overlay_start_2:
0xa38: {  	(tag) =	ssettag $0x2  }
0xa39: {  	s0 =	rddreg [dreg:$0x0];
	s2 =	stileid.u32  }
0xa3a: {  	s1 =	rddreg [dreg:$0x1];
	p0 =	sne.s32 s2, $0x0  }
0xa3b: {  	s3 =	rddreg [dreg:$0x2];
	[bflag:$0x3] =	sbarrier.arrive $0xFFFF;
	s2 =	simm.s32 @!p0 $0x1C03  }
0xa3c: {  	[timem:s3], [sflag:s2] =	dma.local @!p0 [hbm:s0], s1  }
0xa3d: {  	s0 =	simm.s32 @!p0 $0x3  }
0xa3e: {  	_ =	swait.ge @!p0 [sflag:s0], s1  }
0xa3f: {  	s1 =	ssub.s32 @!p0 $0x0, s1;
	[sflag:s0] =	ssyncset.done @!p0 $0x0  }
0xa40: {  	[sflag:s0] =	ssyncadd.s32 @!p0 s1  }
0xa41: {  	[bflag:$0x3] =	sbarrier.arrive $0xFFFF  }
0xa42: {  	_ =	shalt  }

</sc_bundles>
